<compile_context>
chip_gen: v7x
topology: tpu7x:2x2x1
jax: 0.10.2.dev20260603
libtpu: 0.0.44.dev20260713+nightly
codegen_flags: <defaults>
</compile_context>

<pallas_src>
import jax
import jax.numpy as jnp
from jax import lax
from jax.experimental import pallas as pl
from jax.experimental.pallas import tpu as pltpu
from jax.experimental.pallas import tpu_sc as plsc

N = 16384
C = 100000
DA = 64
DB = 64
DJ = DA + DB
EPS = 1e-05

NC = 2
NS = 16
LANES = 16
NW = NC * NS
SPW = N // NW
CH = 64
NCHUNK = SPW // CH
UNROLL = 2


def _rsqrt(x):
    i = plsc.bitcast(x, jnp.int32)
    i = jnp.int32(0x5F3759DF) - (i >> 1)
    y = plsc.bitcast(i, jnp.float32)
    for _ in range(3):
        y = y * (1.5 - 0.5 * x * y * y)
    return y


def _recip(x):
    i = plsc.bitcast(x, jnp.int32)
    i = jnp.int32(0x7EF127EA) - i
    r = plsc.bitcast(i, jnp.float32)
    for _ in range(3):
        r = r * (2.0 - x * r)
    return r


def _body(hj_hbm, y_hbm, pa_hbm, pb_hbm, va_hbm, vb_hbm, pj_hbm,
          da_hbm, db_hbm, loss_hbm,
          idx_v, idx2_v, bufs, da_v, db_v, loss_v, sems):
    wid = lax.axis_index("s") * NC + lax.axis_index("c")
    base = wid * SPW

    pltpu.sync_copy(y_hbm.at[pl.ds(base, SPW)], idx_v)

    def shift_body(i, _):
        yv = idx_v[pl.ds(i * LANES, LANES)]
        idx2_v[pl.ds(i * LANES, LANES)] = yv >> 1
        return 0

    lax.fori_loop(0, SPW // LANES, shift_body, 0)

    def fire(c):
        b = c % 2
        off = base + c * CH
        hj_v, pa_v, pb_v, va_v, vb_v, pj_v = bufs[b]
        idx = idx_v.at[pl.ds(c * CH, CH)]
        idx2 = idx2_v.at[pl.ds(c * CH, CH)]
        sem = sems[b]
        return [
            pltpu.async_copy(hj_hbm.at[pl.ds(off, CH)], hj_v, sem),
            pltpu.async_copy(pa_hbm.at[idx2], pa_v, sem),
            pltpu.async_copy(pb_hbm.at[idx2], pb_v, sem),
            pltpu.async_copy(va_hbm.at[idx2], va_v, sem),
            pltpu.async_copy(vb_hbm.at[idx2], vb_v, sem),
            pltpu.async_copy(pj_hbm.at[idx], pj_v, sem),
        ]

    pending = {0: fire(0)}
    for c in range(NCHUNK):
        if c + 1 < NCHUNK:
            pending[(c + 1) % 2] = fire(c + 1)
        for cop in pending[c % 2]:
            cop.wait()
        hj_v, pa_v, pb_v, va_v, vb_v, pj_v = bufs[c % 2]

        def group(g, _):
            rows = lax.iota(jnp.int32, LANES) + g * LANES
            ysel = idx_v[pl.ds(c * CH + g * LANES, LANES)]
            bcol = (ysel & jnp.int32(1)) * jnp.int32(DA)

            def step(j, carry):
                acc_da, acc_db, acc_dot, acc_nj, acc_npj = carry
                for k in range(UNROLL):
                    jj = UNROLL * j + k
                    col = jnp.full((LANES,), jj, dtype=jnp.int32)
                    colb = bcol + jj
                    ha = plsc.load_gather(hj_v, [rows, col])
                    hb = plsc.load_gather(hj_v, [rows, col + jnp.int32(DA)])
                    pa = plsc.load_gather(pa_v, [rows, colb])
                    va = plsc.load_gather(va_v, [rows, colb])
                    pb = plsc.load_gather(pb_v, [rows, colb])
                    vb = plsc.load_gather(vb_v, [rows, colb])
                    pja = plsc.load_gather(pj_v, [rows, col])
                    pjb = plsc.load_gather(pj_v, [rows, col + jnp.int32(DA)])
                    ta = ha - pa
                    tb = hb - pb
                    acc_da = acc_da + ta * ta / (va + EPS)
                    acc_db = acc_db + tb * tb / (vb + EPS)
                    acc_dot = acc_dot + ha * pja + hb * pjb
                    acc_nj = acc_nj + ha * ha + hb * hb
                    acc_npj = acc_npj + pja * pja + pjb * pjb
                return acc_da, acc_db, acc_dot, acc_nj, acc_npj

            z = jnp.zeros((LANES,), jnp.float32)
            acc_da, acc_db, acc_dot, acc_nj, acc_npj = lax.fori_loop(
                0, DA // UNROLL, step, (z, z, z, z, z))

            inv = _rsqrt(jnp.maximum(acc_nj * acc_npj, 1e-24))
            loss = 1.0 - acc_dot * inv
            s0 = c * CH + g * LANES
            da_v[pl.ds(s0, LANES)] = acc_da
            db_v[pl.ds(s0, LANES)] = acc_db
            loss_v[pl.ds(s0, LANES)] = loss
            return 0

        lax.fori_loop(0, CH // LANES, group, 0)

    pltpu.sync_copy(da_v, da_hbm.at[pl.ds(base, SPW)])
    pltpu.sync_copy(db_v, db_hbm.at[pl.ds(base, SPW)])
    pltpu.sync_copy(loss_v, loss_hbm.at[pl.ds(base, SPW)])


@jax.jit
def _sc_call(h_joint, y, pa2, pb2, va2, vb2, p_joint):
    f32 = jnp.float32
    out_type = (
        jax.ShapeDtypeStruct((N,), f32),
        jax.ShapeDtypeStruct((N,), f32),
        jax.ShapeDtypeStruct((N,), f32),
    )
    buf = [
        pltpu.VMEM((CH, DJ), f32),
        pltpu.VMEM((CH, DJ), f32),
        pltpu.VMEM((CH, DJ), f32),
        pltpu.VMEM((CH, DJ), f32),
        pltpu.VMEM((CH, DJ), f32),
        pltpu.VMEM((CH, DJ), f32),
    ]
    scratch = [
        pltpu.VMEM((SPW,), jnp.int32),
        pltpu.VMEM((SPW,), jnp.int32),
        [list(buf), list(buf)],
        pltpu.VMEM((SPW,), f32),
        pltpu.VMEM((SPW,), f32),
        pltpu.VMEM((SPW,), f32),
        [pltpu.SemaphoreType.DMA, pltpu.SemaphoreType.DMA],
    ]
    mesh = plsc.VectorSubcoreMesh(core_axis_name="c", subcore_axis_name="s")
    return pl.kernel(
        _body,
        out_type=out_type,
        mesh=mesh,
        scratch_types=scratch,
        compiler_params=pltpu.CompilerParams(needs_layout_passes=False),
    )(h_joint, y, pa2, pb2, va2, vb2, p_joint)


def kernel(h_a, h_b, y, p_a, p_b, var_a, var_b, p_joint):
    h_joint = jnp.concatenate([h_a, h_b], axis=1)
    pa2 = p_a.reshape(C // 2, 2 * DA)
    pb2 = p_b.reshape(C // 2, 2 * DB)
    va2 = var_a.reshape(C // 2, 2 * DA)
    vb2 = var_b.reshape(C // 2, 2 * DB)
    d_a, d_b, loss = _sc_call(h_joint, y.astype(jnp.int32),
                              pa2, pb2, va2, vb2, p_joint)
    return jnp.stack([d_a, d_b, loss], axis=1)

# --- scband reference (transcript-rebuilt; emitter-appended) ---
"""Pipeline reference for scband-reference-trust-model-29523605193281 (READ-ONLY COPY).

The authoritative reference and input builder live on the scoring server;
editing this copy changes nothing except your own understanding.
"""

import jax, jax.numpy as jnp
import numpy as np

N = 16384
C = 100000
DA = 64
DB = 64
EPS = 1e-05


def setup_inputs(seed: int = 0) -> dict:
    key = jax.random.key(seed)
    ks = jax.random.split(key, 8)
    h_a = jax.random.normal(ks[0], (N, DA), dtype=jnp.float32)
    h_b = jax.random.normal(ks[1], (N, DB), dtype=jnp.float32)
    y = jax.random.randint(ks[2], (N,), 0, C, dtype=jnp.int64)
    # learned/fitted buffers (prototypes and diagonal variances per class)
    p_a = jax.random.normal(ks[3], (C, DA), dtype=jnp.float32)
    p_b = jax.random.normal(ks[4], (C, DB), dtype=jnp.float32)
    var_a = jax.random.uniform(ks[5], (C, DA), dtype=jnp.float32, minval=0.1, maxval=1.0)
    var_b = jax.random.uniform(ks[6], (C, DB), dtype=jnp.float32, minval=0.1, maxval=1.0)
    p_joint = jax.random.normal(ks[7], (C, DA + DB), dtype=jnp.float32)
    return {"h_a": h_a, "h_b": h_b, "y": y, "p_a": p_a, "p_b": p_b,
            "var_a": var_a, "var_b": var_b, "p_joint": p_joint}


def _normalize(x, axis=1):
    n = jnp.linalg.norm(x, axis=axis, keepdims=True)
    return x / jnp.maximum(n, 1e-12)


def reference(h_a, h_b, y, p_a, p_b, var_a, var_b, p_joint):
    # mahalanobis_diag for party 'a'
    pa = jnp.take(p_a, y, axis=0)
    va = jnp.take(var_a, y, axis=0)
    d_a = (((h_a - pa) ** 2) / (va + EPS)).sum(axis=1)
    # mahalanobis_diag for party 'b'
    pb = jnp.take(p_b, y, axis=0)
    vb = jnp.take(var_b, y, axis=0)
    d_b = (((h_b - pb) ** 2) / (vb + EPS)).sum(axis=1)
    # joint_cosine_loss
    joint = jnp.concatenate([h_a, h_b], axis=1)
    joint = _normalize(joint, axis=1)
    pj = _normalize(jnp.take(p_joint, y, axis=0), axis=1)
    loss = 1.0 - (joint * pj).sum(axis=1)
    return jnp.stack([d_a, d_b, loss], axis=1)

if __name__ == "__main__":
    import jax
    _d = setup_inputs()
    print(jax.jit(kernel)(*tuple(_d.values())))

</pallas_src>

<mosaic_0001>
#map = affine_map<(d0, d1) -> (0, 0)>
#map1 = affine_map<(d0, d1) -> (0)>
module attributes {stable_mosaic.version = 14 : i64} {
  func.func @_body(%arg0: i32, %arg1: i32, %arg2: memref<16384x128xf32, #tpu.memory_space<hbm>>, %arg3: memref<16384xi32, #tpu.memory_space<hbm>>, %arg4: memref<50000x128xf32, #tpu.memory_space<hbm>>, %arg5: memref<50000x128xf32, #tpu.memory_space<hbm>>, %arg6: memref<50000x128xf32, #tpu.memory_space<hbm>>, %arg7: memref<50000x128xf32, #tpu.memory_space<hbm>>, %arg8: memref<100000x128xf32, #tpu.memory_space<hbm>>, %arg9: memref<16384xf32, #tpu.memory_space<hbm>>, %arg10: memref<16384xf32, #tpu.memory_space<hbm>>, %arg11: memref<16384xf32, #tpu.memory_space<hbm>>, %arg12: memref<512xi32, #tpu.memory_space<vmem>>, %arg13: memref<512xi32, #tpu.memory_space<vmem>>, %arg14: memref<64x128xf32, #tpu.memory_space<vmem>>, %arg15: memref<64x128xf32, #tpu.memory_space<vmem>>, %arg16: memref<64x128xf32, #tpu.memory_space<vmem>>, %arg17: memref<64x128xf32, #tpu.memory_space<vmem>>, %arg18: memref<64x128xf32, #tpu.memory_space<vmem>>, %arg19: memref<64x128xf32, #tpu.memory_space<vmem>>, %arg20: memref<64x128xf32, #tpu.memory_space<vmem>>, %arg21: memref<64x128xf32, #tpu.memory_space<vmem>>, %arg22: memref<64x128xf32, #tpu.memory_space<vmem>>, %arg23: memref<64x128xf32, #tpu.memory_space<vmem>>, %arg24: memref<64x128xf32, #tpu.memory_space<vmem>>, %arg25: memref<64x128xf32, #tpu.memory_space<vmem>>, %arg26: memref<512xf32, #tpu.memory_space<vmem>>, %arg27: memref<512xf32, #tpu.memory_space<vmem>>, %arg28: memref<512xf32, #tpu.memory_space<vmem>>, %arg29: memref<!tpu.dma_semaphore, #tpu.memory_space<semaphore_mem>>, %arg30: memref<!tpu.dma_semaphore, #tpu.memory_space<semaphore_mem>>) attributes {dimension_semantics = [#tpu.dimension_semantics<core_parallel>, #tpu.dimension_semantics<subcore_parallel>], iteration_bounds = array<i64: 2, 16>, scalar_prefetch = 0 : i64, scratch_operands = 19 : i64, tpu.core_type = #tpu.core_type<sc_vector_subcore>, window_params = [{transform_indices = #map}, {transform_indices = #map1}, {transform_indices = #map}, {transform_indices = #map}, {transform_indices = #map}, {transform_indices = #map}, {transform_indices = #map}, {transform_indices = #map1}, {transform_indices = #map1}, {transform_indices = #map1}]} {
    %mul3A = arith.constant 2 : i32
    %mul3A_0 = arith.muli %arg1, %mul3A : i32
    %add3A = arith.addi %mul3A_0, %arg0 : i32
    %mul3A_1 = arith.constant 512 : i32
    %mul3A_2 = arith.muli %add3A, %mul3A_1 : i32
    "tpu.region"() ({
      %run_scoped3A = tpu.sem_alloc : memref<!tpu.dma_semaphore, #tpu.memory_space<semaphore_mem>>
      %dma_start3A_543 = tpu.memref_slice %arg3[%mul3A_2] : memref<16384xi32, #tpu.memory_space<hbm>> -> memref<512xi32, #tpu.memory_space<hbm>>
      %dma_start3A_544 = tpu.memref_slice %arg3[%mul3A_2] : memref<16384xi32, #tpu.memory_space<hbm>> -> memref<512xi32, #tpu.memory_space<hbm>>
      tpu.enqueue_dma source(%dma_start3A_544 : memref<512xi32, #tpu.memory_space<hbm>>) target(%arg12 : memref<512xi32, #tpu.memory_space<vmem>>) target_semaphore(%run_scoped3A : memref<!tpu.dma_semaphore, #tpu.memory_space<semaphore_mem>>)
      %dma_wait3A_545 = tpu.memref_slice %arg3[%mul3A_2] : memref<16384xi32, #tpu.memory_space<hbm>> -> memref<512xi32, #tpu.memory_space<hbm>>
      %dma_wait3A_546 = tpu.memref_slice %arg3[%mul3A_2] : memref<16384xi32, #tpu.memory_space<hbm>> -> memref<512xi32, #tpu.memory_space<hbm>>
      tpu.wait_dma2 semaphore(%run_scoped3A : memref<!tpu.dma_semaphore, #tpu.memory_space<semaphore_mem>>) src(%dma_wait3A_546 : memref<512xi32, #tpu.memory_space<hbm>>) dst(%arg12 : memref<512xi32, #tpu.memory_space<vmem>>)
      tpu.yield
    }) : () -> ()
    %scan3A = arith.constant 0 : i32
    %scan3A_3 = arith.constant 0 : i32
    %scan3A_4 = arith.constant 32 : i32
    %scan3A_5 = arith.addi %scan3A_3, %scan3A_4 : i32
    %scan3A_6 = arith.constant 1 : i32
    %scan3A_7 = scf.for %scan3A_543 = %scan3A_3 to %scan3A_5 step %scan3A_6 iter_args(%scan3A_544 = %scan3A) -> (i32)  : i32 {
      %mul3A_545 = arith.constant 16 : i32
      %mul3A_546 = arith.muli %scan3A_543, %mul3A_545 : i32
      %get3A = arith.index_cast %mul3A_546 : i32 to index
      %get3A_547 = tpu.vector_load %arg12[%get3A] {strides = array<i32>} : memref<512xi32, #tpu.memory_space<vmem>>, vector<16xi32>,
      %shift_right_arithmetic3A = arith.constant 1 : i32
      %shift_right_arithmetic3A_548 = vector.broadcast %shift_right_arithmetic3A : i32 to vector<16xi32>
      %shift_right_arithmetic3A_549 = arith.shrsi %get3A_547, %shift_right_arithmetic3A_548 : vector<16xi32>
      %mul3A_550 = arith.constant 16 : i32
      %mul3A_551 = arith.muli %scan3A_543, %mul3A_550 : i32
      %swap3A = arith.index_cast %mul3A_551 : i32 to index
      %swap3A_552 = tpu.vector_load %arg13[%swap3A] {strides = array<i32>} : memref<512xi32, #tpu.memory_space<vmem>>, vector<16xi32>,
      tpu.vector_store %arg13[%swap3A], %shift_right_arithmetic3A_549 {strides = array<i32>} : memref<512xi32, #tpu.memory_space<vmem>>, vector<16xi32>,
      %scan3A_553 = arith.constant 0 : i32
      scf.yield %scan3A_553 : i32
    }
    %scan3A_8 = arith.constant 32 : i32
    %add3A_9 = arith.constant 0 : i32
    %add3A_10 = arith.addi %mul3A_2, %add3A_9 : i32
    %dma_start3A = arith.constant 0 : i32
    %dma_start3A_11 = tpu.memref_slice %arg2[%add3A_10, %dma_start3A] : memref<16384x128xf32, #tpu.memory_space<hbm>> -> memref<64x128xf32, #tpu.memory_space<hbm>>
    %dma_start3A_12 = arith.constant 0 : i32
    %dma_start3A_13 = tpu.memref_slice %arg2[%add3A_10, %dma_start3A_12] : memref<16384x128xf32, #tpu.memory_space<hbm>> -> memref<64x128xf32, #tpu.memory_space<hbm>>
    tpu.enqueue_dma source(%dma_start3A_13 : memref<64x128xf32, #tpu.memory_space<hbm>>) target(%arg14 : memref<64x128xf32, #tpu.memory_space<vmem>>) target_semaphore(%arg29 : memref<!tpu.dma_semaphore, #tpu.memory_space<semaphore_mem>>)
    %dma_start3A_14 = arith.constant 0 : i32
    %dma_start3A_15 = tpu.memref_slice %arg13[%dma_start3A_14] : memref<512xi32, #tpu.memory_space<vmem>> -> memref<64xi32, #tpu.memory_space<vmem>>
    %dma_start3A_16 = arith.constant 0 : i32
    %dma_start3A_17 = arith.constant 0 : i32
    %dma_start3A_18 = tpu.memref_slice %arg4[%dma_start3A_16, %dma_start3A_17] : memref<50000x128xf32, #tpu.memory_space<hbm>> -> memref<50000x128xf32, #tpu.memory_space<hbm>>
    tpu.enqueue_indirect_dma source(%dma_start3A_18 : memref<50000x128xf32, #tpu.memory_space<hbm>>) target(%arg15 : memref<64x128xf32, #tpu.memory_space<vmem>>) offsets(%dma_start3A_15 : memref<64xi32, #tpu.memory_space<vmem>>) semaphore(%arg29 : memref<!tpu.dma_semaphore, #tpu.memory_space<semaphore_mem>>)
    %dma_start3A_19 = arith.constant 0 : i32
    %dma_start3A_20 = tpu.memref_slice %arg13[%dma_start3A_19] : memref<512xi32, #tpu.memory_space<vmem>> -> memref<64xi32, #tpu.memory_space<vmem>>
    %dma_start3A_21 = arith.constant 0 : i32
    %dma_start3A_22 = arith.constant 0 : i32
    %dma_start3A_23 = tpu.memref_slice %arg5[%dma_start3A_21, %dma_start3A_22] : memref<50000x128xf32, #tpu.memory_space<hbm>> -> memref<50000x128xf32, #tpu.memory_space<hbm>>
    tpu.enqueue_indirect_dma source(%dma_start3A_23 : memref<50000x128xf32, #tpu.memory_space<hbm>>) target(%arg16 : memref<64x128xf32, #tpu.memory_space<vmem>>) offsets(%dma_start3A_20 : memref<64xi32, #tpu.memory_space<vmem>>) semaphore(%arg29 : memref<!tpu.dma_semaphore, #tpu.memory_space<semaphore_mem>>)
    %dma_start3A_24 = arith.constant 0 : i32
    %dma_start3A_25 = tpu.memref_slice %arg13[%dma_start3A_24] : memref<512xi32, #tpu.memory_space<vmem>> -> memref<64xi32, #tpu.memory_space<vmem>>
    %dma_start3A_26 = arith.constant 0 : i32
    %dma_start3A_27 = arith.constant 0 : i32
    %dma_start3A_28 = tpu.memref_slice %arg6[%dma_start3A_26, %dma_start3A_27] : memref<50000x128xf32, #tpu.memory_space<hbm>> -> memref<50000x128xf32, #tpu.memory_space<hbm>>
    tpu.enqueue_indirect_dma source(%dma_start3A_28 : memref<50000x128xf32, #tpu.memory_space<hbm>>) target(%arg17 : memref<64x128xf32, #tpu.memory_space<vmem>>) offsets(%dma_start3A_25 : memref<64xi32, #tpu.memory_space<vmem>>) semaphore(%arg29 : memref<!tpu.dma_semaphore, #tpu.memory_space<semaphore_mem>>)
    %dma_start3A_29 = arith.constant 0 : i32
    %dma_start3A_30 = tpu.memref_slice %arg13[%dma_start3A_29] : memref<512xi32, #tpu.memory_space<vmem>> -> memref<64xi32, #tpu.memory_space<vmem>>
    %dma_start3A_31 = arith.constant 0 : i32
    %dma_start3A_32 = arith.constant 0 : i32
    %dma_start3A_33 = tpu.memref_slice %arg7[%dma_start3A_31, %dma_start3A_32] : memref<50000x128xf32, #tpu.memory_space<hbm>> -> memref<50000x128xf32, #tpu.memory_space<hbm>>
    tpu.enqueue_indirect_dma source(%dma_start3A_33 : memref<50000x128xf32, #tpu.memory_space<hbm>>) target(%arg18 : memref<64x128xf32, #tpu.memory_space<vmem>>) offsets(%dma_start3A_30 : memref<64xi32, #tpu.memory_space<vmem>>) semaphore(%arg29 : memref<!tpu.dma_semaphore, #tpu.memory_space<semaphore_mem>>)
    %dma_start3A_34 = arith.constant 0 : i32
    %dma_start3A_35 = tpu.memref_slice %arg12[%dma_start3A_34] : memref<512xi32, #tpu.memory_space<vmem>> -> memref<64xi32, #tpu.memory_space<vmem>>
    %dma_start3A_36 = arith.constant 0 : i32
    %dma_start3A_37 = arith.constant 0 : i32
    %dma_start3A_38 = tpu.memref_slice %arg8[%dma_start3A_36, %dma_start3A_37] : memref<100000x128xf32, #tpu.memory_space<hbm>> -> memref<100000x128xf32, #tpu.memory_space<hbm>>
    tpu.enqueue_indirect_dma source(%dma_start3A_38 : memref<100000x128xf32, #tpu.memory_space<hbm>>) target(%arg19 : memref<64x128xf32, #tpu.memory_space<vmem>>) offsets(%dma_start3A_35 : memref<64xi32, #tpu.memory_space<vmem>>) semaphore(%arg29 : memref<!tpu.dma_semaphore, #tpu.memory_space<semaphore_mem>>)
    %add3A_39 = arith.constant 64 : i32
    %add3A_40 = arith.addi %mul3A_2, %add3A_39 : i32
    %dma_start3A_41 = arith.constant 0 : i32
    %dma_start3A_42 = tpu.memref_slice %arg2[%add3A_40, %dma_start3A_41] : memref<16384x128xf32, #tpu.memory_space<hbm>> -> memref<64x128xf32, #tpu.memory_space<hbm>>
    %dma_start3A_43 = arith.constant 0 : i32
    %dma_start3A_44 = tpu.memref_slice %arg2[%add3A_40, %dma_start3A_43] : memref<16384x128xf32, #tpu.memory_space<hbm>> -> memref<64x128xf32, #tpu.memory_space<hbm>>
    tpu.enqueue_dma source(%dma_start3A_44 : memref<64x128xf32, #tpu.memory_space<hbm>>) target(%arg20 : memref<64x128xf32, #tpu.memory_space<vmem>>) target_semaphore(%arg30 : memref<!tpu.dma_semaphore, #tpu.memory_space<semaphore_mem>>)
    %dma_start3A_45 = arith.constant 64 : i32
    %dma_start3A_46 = tpu.memref_slice %arg13[%dma_start3A_45] : memref<512xi32, #tpu.memory_space<vmem>> -> memref<64xi32, #tpu.memory_space<vmem>>
    %dma_start3A_47 = arith.constant 0 : i32
    %dma_start3A_48 = arith.constant 0 : i32
    %dma_start3A_49 = tpu.memref_slice %arg4[%dma_start3A_47, %dma_start3A_48] : memref<50000x128xf32, #tpu.memory_space<hbm>> -> memref<50000x128xf32, #tpu.memory_space<hbm>>
    tpu.enqueue_indirect_dma source(%dma_start3A_49 : memref<50000x128xf32, #tpu.memory_space<hbm>>) target(%arg21 : memref<64x128xf32, #tpu.memory_space<vmem>>) offsets(%dma_start3A_46 : memref<64xi32, #tpu.memory_space<vmem>>) semaphore(%arg30 : memref<!tpu.dma_semaphore, #tpu.memory_space<semaphore_mem>>)
    %dma_start3A_50 = arith.constant 64 : i32
    %dma_start3A_51 = tpu.memref_slice %arg13[%dma_start3A_50] : memref<512xi32, #tpu.memory_space<vmem>> -> memref<64xi32, #tpu.memory_space<vmem>>
    %dma_start3A_52 = arith.constant 0 : i32
    %dma_start3A_53 = arith.constant 0 : i32
    %dma_start3A_54 = tpu.memref_slice %arg5[%dma_start3A_52, %dma_start3A_53] : memref<50000x128xf32, #tpu.memory_space<hbm>> -> memref<50000x128xf32, #tpu.memory_space<hbm>>
    tpu.enqueue_indirect_dma source(%dma_start3A_54 : memref<50000x128xf32, #tpu.memory_space<hbm>>) target(%arg22 : memref<64x128xf32, #tpu.memory_space<vmem>>) offsets(%dma_start3A_51 : memref<64xi32, #tpu.memory_space<vmem>>) semaphore(%arg30 : memref<!tpu.dma_semaphore, #tpu.memory_space<semaphore_mem>>)
    %dma_start3A_55 = arith.constant 64 : i32
    %dma_start3A_56 = tpu.memref_slice %arg13[%dma_start3A_55] : memref<512xi32, #tpu.memory_space<vmem>> -> memref<64xi32, #tpu.memory_space<vmem>>
    %dma_start3A_57 = arith.constant 0 : i32
    %dma_start3A_58 = arith.constant 0 : i32
    %dma_start3A_59 = tpu.memref_slice %arg6[%dma_start3A_57, %dma_start3A_58] : memref<50000x128xf32, #tpu.memory_space<hbm>> -> memref<50000x128xf32, #tpu.memory_space<hbm>>
    tpu.enqueue_indirect_dma source(%dma_start3A_59 : memref<50000x128xf32, #tpu.memory_space<hbm>>) target(%arg23 : memref<64x128xf32, #tpu.memory_space<vmem>>) offsets(%dma_start3A_56 : memref<64xi32, #tpu.memory_space<vmem>>) semaphore(%arg30 : memref<!tpu.dma_semaphore, #tpu.memory_space<semaphore_mem>>)
    %dma_start3A_60 = arith.constant 64 : i32
    %dma_start3A_61 = tpu.memref_slice %arg13[%dma_start3A_60] : memref<512xi32, #tpu.memory_space<vmem>> -> memref<64xi32, #tpu.memory_space<vmem>>
    %dma_start3A_62 = arith.constant 0 : i32
    %dma_start3A_63 = arith.constant 0 : i32
    %dma_start3A_64 = tpu.memref_slice %arg7[%dma_start3A_62, %dma_start3A_63] : memref<50000x128xf32, #tpu.memory_space<hbm>> -> memref<50000x128xf32, #tpu.memory_space<hbm>>
    tpu.enqueue_indirect_dma source(%dma_start3A_64 : memref<50000x128xf32, #tpu.memory_space<hbm>>) target(%arg24 : memref<64x128xf32, #tpu.memory_space<vmem>>) offsets(%dma_start3A_61 : memref<64xi32, #tpu.memory_space<vmem>>) semaphore(%arg30 : memref<!tpu.dma_semaphore, #tpu.memory_space<semaphore_mem>>)
    %dma_start3A_65 = arith.constant 64 : i32
    %dma_start3A_66 = tpu.memref_slice %arg12[%dma_start3A_65] : memref<512xi32, #tpu.memory_space<vmem>> -> memref<64xi32, #tpu.memory_space<vmem>>
    %dma_start3A_67 = arith.constant 0 : i32
    %dma_start3A_68 = arith.constant 0 : i32
    %dma_start3A_69 = tpu.memref_slice %arg8[%dma_start3A_67, %dma_start3A_68] : memref<100000x128xf32, #tpu.memory_space<hbm>> -> memref<100000x128xf32, #tpu.memory_space<hbm>>
    tpu.enqueue_indirect_dma source(%dma_start3A_69 : memref<100000x128xf32, #tpu.memory_space<hbm>>) target(%arg25 : memref<64x128xf32, #tpu.memory_space<vmem>>) offsets(%dma_start3A_66 : memref<64xi32, #tpu.memory_space<vmem>>) semaphore(%arg30 : memref<!tpu.dma_semaphore, #tpu.memory_space<semaphore_mem>>)
    %dma_wait3A = arith.constant 0 : i32
    %dma_wait3A_70 = tpu.memref_slice %arg2[%add3A_10, %dma_wait3A] : memref<16384x128xf32, #tpu.memory_space<hbm>> -> memref<64x128xf32, #tpu.memory_space<hbm>>
    %dma_wait3A_71 = arith.constant 0 : i32
    %dma_wait3A_72 = tpu.memref_slice %arg2[%add3A_10, %dma_wait3A_71] : memref<16384x128xf32, #tpu.memory_space<hbm>> -> memref<64x128xf32, #tpu.memory_space<hbm>>
    tpu.wait_dma2 semaphore(%arg29 : memref<!tpu.dma_semaphore, #tpu.memory_space<semaphore_mem>>) src(%dma_wait3A_72 : memref<64x128xf32, #tpu.memory_space<hbm>>) dst(%arg14 : memref<64x128xf32, #tpu.memory_space<vmem>>)
    %dma_wait3A_73 = arith.constant 0 : i32
    %dma_wait3A_74 = tpu.memref_slice %arg13[%dma_wait3A_73] : memref<512xi32, #tpu.memory_space<vmem>> -> memref<64xi32, #tpu.memory_space<vmem>>
    %dma_wait3A_75 = arith.constant 0 : i32
    %dma_wait3A_76 = arith.constant 0 : i32
    %dma_wait3A_77 = tpu.memref_slice %arg4[%dma_wait3A_75, %dma_wait3A_76] : memref<50000x128xf32, #tpu.memory_space<hbm>> -> memref<50000x128xf32, #tpu.memory_space<hbm>>
    tpu.wait_indirect_dma semaphore(%arg29 : memref<!tpu.dma_semaphore, #tpu.memory_space<semaphore_mem>>) src(%dma_wait3A_77 : memref<50000x128xf32, #tpu.memory_space<hbm>>) dst(%arg15 : memref<64x128xf32, #tpu.memory_space<vmem>>)
    %dma_wait3A_78 = arith.constant 0 : i32
    %dma_wait3A_79 = tpu.memref_slice %arg13[%dma_wait3A_78] : memref<512xi32, #tpu.memory_space<vmem>> -> memref<64xi32, #tpu.memory_space<vmem>>
    %dma_wait3A_80 = arith.constant 0 : i32
    %dma_wait3A_81 = arith.constant 0 : i32
    %dma_wait3A_82 = tpu.memref_slice %arg5[%dma_wait3A_80, %dma_wait3A_81] : memref<50000x128xf32, #tpu.memory_space<hbm>> -> memref<50000x128xf32, #tpu.memory_space<hbm>>
    tpu.wait_indirect_dma semaphore(%arg29 : memref<!tpu.dma_semaphore, #tpu.memory_space<semaphore_mem>>) src(%dma_wait3A_82 : memref<50000x128xf32, #tpu.memory_space<hbm>>) dst(%arg16 : memref<64x128xf32, #tpu.memory_space<vmem>>)
    %dma_wait3A_83 = arith.constant 0 : i32
    %dma_wait3A_84 = tpu.memref_slice %arg13[%dma_wait3A_83] : memref<512xi32, #tpu.memory_space<vmem>> -> memref<64xi32, #tpu.memory_space<vmem>>
    %dma_wait3A_85 = arith.constant 0 : i32
    %dma_wait3A_86 = arith.constant 0 : i32
    %dma_wait3A_87 = tpu.memref_slice %arg6[%dma_wait3A_85, %dma_wait3A_86] : memref<50000x128xf32, #tpu.memory_space<hbm>> -> memref<50000x128xf32, #tpu.memory_space<hbm>>
    tpu.wait_indirect_dma semaphore(%arg29 : memref<!tpu.dma_semaphore, #tpu.memory_space<semaphore_mem>>) src(%dma_wait3A_87 : memref<50000x128xf32, #tpu.memory_space<hbm>>) dst(%arg17 : memref<64x128xf32, #tpu.memory_space<vmem>>)
    %dma_wait3A_88 = arith.constant 0 : i32
    %dma_wait3A_89 = tpu.memref_slice %arg13[%dma_wait3A_88] : memref<512xi32, #tpu.memory_space<vmem>> -> memref<64xi32, #tpu.memory_space<vmem>>
    %dma_wait3A_90 = arith.constant 0 : i32
    %dma_wait3A_91 = arith.constant 0 : i32
    %dma_wait3A_92 = tpu.memref_slice %arg7[%dma_wait3A_90, %dma_wait3A_91] : memref<50000x128xf32, #tpu.memory_space<hbm>> -> memref<50000x128xf32, #tpu.memory_space<hbm>>
    tpu.wait_indirect_dma semaphore(%arg29 : memref<!tpu.dma_semaphore, #tpu.memory_space<semaphore_mem>>) src(%dma_wait3A_92 : memref<50000x128xf32, #tpu.memory_space<hbm>>) dst(%arg18 : memref<64x128xf32, #tpu.memory_space<vmem>>)
    %dma_wait3A_93 = arith.constant 0 : i32
    %dma_wait3A_94 = tpu.memref_slice %arg12[%dma_wait3A_93] : memref<512xi32, #tpu.memory_space<vmem>> -> memref<64xi32, #tpu.memory_space<vmem>>
    %dma_wait3A_95 = arith.constant 0 : i32
    %dma_wait3A_96 = arith.constant 0 : i32
    %dma_wait3A_97 = tpu.memref_slice %arg8[%dma_wait3A_95, %dma_wait3A_96] : memref<100000x128xf32, #tpu.memory_space<hbm>> -> memref<100000x128xf32, #tpu.memory_space<hbm>>
    tpu.wait_indirect_dma semaphore(%arg29 : memref<!tpu.dma_semaphore, #tpu.memory_space<semaphore_mem>>) src(%dma_wait3A_97 : memref<100000x128xf32, #tpu.memory_space<hbm>>) dst(%arg19 : memref<64x128xf32, #tpu.memory_space<vmem>>)
    %scan3A_98 = arith.constant 0 : i32
    %scan3A_99 = arith.constant 0 : i32
    %scan3A_100 = arith.constant 4 : i32
    %scan3A_101 = arith.addi %scan3A_99, %scan3A_100 : i32
    %scan3A_102 = arith.constant 1 : i32
    %scan3A_103 = scf.for %scan3A_543 = %scan3A_99 to %scan3A_101 step %scan3A_102 iter_args(%scan3A_544 = %scan3A_98) -> (i32)  : i32 {
      %iota3A = tpu.iota {dimensions = array<i32: 0>} : vector<16xi32>
      %mul3A_545 = arith.constant 16 : i32
      %mul3A_546 = arith.muli %scan3A_543, %mul3A_545 : i32
      %add3A_547 = vector.broadcast %mul3A_546 : i32 to vector<16xi32>
      %add3A_548 = arith.addi %iota3A, %add3A_547 : vector<16xi32>
      %mul3A_549 = arith.constant 16 : i32
      %mul3A_550 = arith.muli %scan3A_543, %mul3A_549 : i32
      %add3A_551 = arith.constant 0 : i32
      %add3A_552 = arith.addi %add3A_551, %mul3A_550 : i32
      %get3A = arith.index_cast %add3A_552 : i32 to index
      %get3A_553 = tpu.vector_load %arg12[%get3A] {strides = array<i32>} : memref<512xi32, #tpu.memory_space<vmem>>, vector<16xi32>,
      %and3A = arith.constant 1 : i32
      %and3A_554 = vector.broadcast %and3A : i32 to vector<16xi32>
      %and3A_555 = arith.andi %get3A_553, %and3A_554 : vector<16xi32>
      %mul3A_556 = arith.constant 64 : i32
      %mul3A_557 = vector.broadcast %mul3A_556 : i32 to vector<16xi32>
      %mul3A_558 = arith.muli %and3A_555, %mul3A_557 : vector<16xi32>
      %broadcast_in_dim3A = arith.constant 0.000000e+00 : f32
      %broadcast_in_dim3A_559 = vector.broadcast %broadcast_in_dim3A : f32 to vector<16xf32>
      %scan3A_560 = arith.constant 0 : i32
      %scan3A_561 = arith.constant 32 : i32
      %scan3A_562 = arith.addi %scan3A_560, %scan3A_561 : i32
      %scan3A_563 = arith.constant 1 : i32
      %scan3A_564:5 = scf.for %scan3A_615 = %scan3A_560 to %scan3A_562 step %scan3A_563 iter_args(%scan3A_616 = %broadcast_in_dim3A_559, %scan3A_617 = %broadcast_in_dim3A_559, %scan3A_618 = %broadcast_in_dim3A_559, %scan3A_619 = %broadcast_in_dim3A_559, %scan3A_620 = %broadcast_in_dim3A_559) -> (vector<16xf32>, vector<16xf32>, vector<16xf32>, vector<16xf32>, vector<16xf32>)  : i32 {
        %mul3A_621 = arith.constant 2 : i32
        %mul3A_622 = arith.muli %mul3A_621, %scan3A_615 : i32
        %add3A_623 = arith.constant 0 : i32
        %add3A_624 = arith.addi %mul3A_622, %add3A_623 : i32
        %broadcast_in_dim3A_625 = vector.broadcast %add3A_624 : i32 to vector<16xi32>
        %add3A_626 = vector.broadcast %add3A_624 : i32 to vector<16xi32>
        %add3A_627 = arith.addi %mul3A_558, %add3A_626 : vector<16xi32>
        %gather3A = tpu.vector_load_idx %arg14[%add3A_548, %broadcast_in_dim3A_625] : memref<64x128xf32, #tpu.memory_space<vmem>>[vector<16xi32>, vector<16xi32>], vector<16xf32>,
        %add3A_628 = arith.constant 64 : i32
        %add3A_629 = vector.broadcast %add3A_628 : i32 to vector<16xi32>
        %add3A_630 = arith.addi %broadcast_in_dim3A_625, %add3A_629 : vector<16xi32>
        %gather3A_631 = tpu.vector_load_idx %arg14[%add3A_548, %add3A_630] : memref<64x128xf32, #tpu.memory_space<vmem>>[vector<16xi32>, vector<16xi32>], vector<16xf32>,
        %gather3A_632 = tpu.vector_load_idx %arg15[%add3A_548, %add3A_627] : memref<64x128xf32, #tpu.memory_space<vmem>>[vector<16xi32>, vector<16xi32>], vector<16xf32>,
        %gather3A_633 = tpu.vector_load_idx %arg17[%add3A_548, %add3A_627] : memref<64x128xf32, #tpu.memory_space<vmem>>[vector<16xi32>, vector<16xi32>], vector<16xf32>,
        %gather3A_634 = tpu.vector_load_idx %arg16[%add3A_548, %add3A_627] : memref<64x128xf32, #tpu.memory_space<vmem>>[vector<16xi32>, vector<16xi32>], vector<16xf32>,
        %gather3A_635 = tpu.vector_load_idx %arg18[%add3A_548, %add3A_627] : memref<64x128xf32, #tpu.memory_space<vmem>>[vector<16xi32>, vector<16xi32>], vector<16xf32>,
        %gather3A_636 = tpu.vector_load_idx %arg19[%add3A_548, %broadcast_in_dim3A_625] : memref<64x128xf32, #tpu.memory_space<vmem>>[vector<16xi32>, vector<16xi32>], vector<16xf32>,
        %add3A_637 = arith.constant 64 : i32
        %add3A_638 = vector.broadcast %add3A_637 : i32 to vector<16xi32>
        %add3A_639 = arith.addi %broadcast_in_dim3A_625, %add3A_638 : vector<16xi32>
        %gather3A_640 = tpu.vector_load_idx %arg19[%add3A_548, %add3A_639] : memref<64x128xf32, #tpu.memory_space<vmem>>[vector<16xi32>, vector<16xi32>], vector<16xf32>,
        %sub3A_641 = arith.subf %gather3A, %gather3A_632 : vector<16xf32>
        %sub3A_642 = arith.subf %gather3A_631, %gather3A_634 : vector<16xf32>
        %mul3A_643 = arith.mulf %sub3A_641, %sub3A_641 : vector<16xf32>
        %add3A_644 = arith.constant 9.99999974E-6 : f32
        %add3A_645 = vector.broadcast %add3A_644 : f32 to vector<16xf32>
        %add3A_646 = arith.addf %gather3A_633, %add3A_645 : vector<16xf32>
        %div3A = arith.divf %mul3A_643, %add3A_646 : vector<16xf32>
        %add3A_647 = arith.addf %scan3A_616, %div3A : vector<16xf32>
        %mul3A_648 = arith.mulf %sub3A_642, %sub3A_642 : vector<16xf32>
        %add3A_649 = arith.constant 9.99999974E-6 : f32
        %add3A_650 = vector.broadcast %add3A_649 : f32 to vector<16xf32>
        %add3A_651 = arith.addf %gather3A_635, %add3A_650 : vector<16xf32>
        %div3A_652 = arith.divf %mul3A_648, %add3A_651 : vector<16xf32>
        %add3A_653 = arith.addf %scan3A_617, %div3A_652 : vector<16xf32>
        %mul3A_654 = arith.mulf %gather3A, %gather3A_636 : vector<16xf32>
        %add3A_655 = arith.addf %scan3A_618, %mul3A_654 : vector<16xf32>
        %mul3A_656 = arith.mulf %gather3A_631, %gather3A_640 : vector<16xf32>
        %add3A_657 = arith.addf %add3A_655, %mul3A_656 : vector<16xf32>
        %mul3A_658 = arith.mulf %gather3A, %gather3A : vector<16xf32>
        %add3A_659 = arith.addf %scan3A_619, %mul3A_658 : vector<16xf32>
        %mul3A_660 = arith.mulf %gather3A_631, %gather3A_631 : vector<16xf32>
        %add3A_661 = arith.addf %add3A_659, %mul3A_660 : vector<16xf32>
        %mul3A_662 = arith.mulf %gather3A_636, %gather3A_636 : vector<16xf32>
        %add3A_663 = arith.addf %scan3A_620, %mul3A_662 : vector<16xf32>
        %mul3A_664 = arith.mulf %gather3A_640, %gather3A_640 : vector<16xf32>
        %add3A_665 = arith.addf %add3A_663, %mul3A_664 : vector<16xf32>
        %mul3A_666 = arith.constant 2 : i32
        %mul3A_667 = arith.muli %mul3A_666, %scan3A_615 : i32
        %add3A_668 = arith.constant 1 : i32
        %add3A_669 = arith.addi %mul3A_667, %add3A_668 : i32
        %broadcast_in_dim3A_670 = vector.broadcast %add3A_669 : i32 to vector<16xi32>
        %add3A_671 = vector.broadcast %add3A_669 : i32 to vector<16xi32>
        %add3A_672 = arith.addi %mul3A_558, %add3A_671 : vector<16xi32>
        %gather3A_673 = tpu.vector_load_idx %arg14[%add3A_548, %broadcast_in_dim3A_670] : memref<64x128xf32, #tpu.memory_space<vmem>>[vector<16xi32>, vector<16xi32>], vector<16xf32>,
        %add3A_674 = arith.constant 64 : i32
        %add3A_675 = vector.broadcast %add3A_674 : i32 to vector<16xi32>
        %add3A_676 = arith.addi %broadcast_in_dim3A_670, %add3A_675 : vector<16xi32>
        %gather3A_677 = tpu.vector_load_idx %arg14[%add3A_548, %add3A_676] : memref<64x128xf32, #tpu.memory_space<vmem>>[vector<16xi32>, vector<16xi32>], vector<16xf32>,
        %gather3A_678 = tpu.vector_load_idx %arg15[%add3A_548, %add3A_672] : memref<64x128xf32, #tpu.memory_space<vmem>>[vector<16xi32>, vector<16xi32>], vector<16xf32>,
        %gather3A_679 = tpu.vector_load_idx %arg17[%add3A_548, %add3A_672] : memref<64x128xf32, #tpu.memory_space<vmem>>[vector<16xi32>, vector<16xi32>], vector<16xf32>,
        %gather3A_680 = tpu.vector_load_idx %arg16[%add3A_548, %add3A_672] : memref<64x128xf32, #tpu.memory_space<vmem>>[vector<16xi32>, vector<16xi32>], vector<16xf32>,
        %gather3A_681 = tpu.vector_load_idx %arg18[%add3A_548, %add3A_672] : memref<64x128xf32, #tpu.memory_space<vmem>>[vector<16xi32>, vector<16xi32>], vector<16xf32>,
        %gather3A_682 = tpu.vector_load_idx %arg19[%add3A_548, %broadcast_in_dim3A_670] : memref<64x128xf32, #tpu.memory_space<vmem>>[vector<16xi32>, vector<16xi32>], vector<16xf32>,
        %add3A_683 = arith.constant 64 : i32
        %add3A_684 = vector.broadcast %add3A_683 : i32 to vector<16xi32>
        %add3A_685 = arith.addi %broadcast_in_dim3A_670, %add3A_684 : vector<16xi32>
        %gather3A_686 = tpu.vector_load_idx %arg19[%add3A_548, %add3A_685] : memref<64x128xf32, #tpu.memory_space<vmem>>[vector<16xi32>, vector<16xi32>], vector<16xf32>,
        %sub3A_687 = arith.subf %gather3A_673, %gather3A_678 : vector<16xf32>
        %sub3A_688 = arith.subf %gather3A_677, %gather3A_680 : vector<16xf32>
        %mul3A_689 = arith.mulf %sub3A_687, %sub3A_687 : vector<16xf32>
        %add3A_690 = arith.constant 9.99999974E-6 : f32
        %add3A_691 = vector.broadcast %add3A_690 : f32 to vector<16xf32>
        %add3A_692 = arith.addf %gather3A_679, %add3A_691 : vector<16xf32>
        %div3A_693 = arith.divf %mul3A_689, %add3A_692 : vector<16xf32>
        %add3A_694 = arith.addf %add3A_647, %div3A_693 : vector<16xf32>
        %mul3A_695 = arith.mulf %sub3A_688, %sub3A_688 : vector<16xf32>
        %add3A_696 = arith.constant 9.99999974E-6 : f32
        %add3A_697 = vector.broadcast %add3A_696 : f32 to vector<16xf32>
        %add3A_698 = arith.addf %gather3A_681, %add3A_697 : vector<16xf32>
        %div3A_699 = arith.divf %mul3A_695, %add3A_698 : vector<16xf32>
        %add3A_700 = arith.addf %add3A_653, %div3A_699 : vector<16xf32>
        %mul3A_701 = arith.mulf %gather3A_673, %gather3A_682 : vector<16xf32>
        %add3A_702 = arith.addf %add3A_657, %mul3A_701 : vector<16xf32>
        %mul3A_703 = arith.mulf %gather3A_677, %gather3A_686 : vector<16xf32>
        %add3A_704 = arith.addf %add3A_702, %mul3A_703 : vector<16xf32>
        %mul3A_705 = arith.mulf %gather3A_673, %gather3A_673 : vector<16xf32>
        %add3A_706 = arith.addf %add3A_661, %mul3A_705 : vector<16xf32>
        %mul3A_707 = arith.mulf %gather3A_677, %gather3A_677 : vector<16xf32>
        %add3A_708 = arith.addf %add3A_706, %mul3A_707 : vector<16xf32>
        %mul3A_709 = arith.mulf %gather3A_682, %gather3A_682 : vector<16xf32>
        %add3A_710 = arith.addf %add3A_665, %mul3A_709 : vector<16xf32>
        %mul3A_711 = arith.mulf %gather3A_686, %gather3A_686 : vector<16xf32>
        %add3A_712 = arith.addf %add3A_710, %mul3A_711 : vector<16xf32>
        scf.yield %add3A_694, %add3A_700, %add3A_704, %add3A_708, %add3A_712 : vector<16xf32>, vector<16xf32>, vector<16xf32>, vector<16xf32>, vector<16xf32>
      }
      %scan3A_565 = arith.constant 32 : i32
      %mul3A_566 = arith.mulf %scan3A_564#3, %scan3A_564#4 : vector<16xf32>
      %max3A = arith.constant 1.000000e-24 : f32
      %max3A_567 = vector.broadcast %max3A : f32 to vector<16xf32>
      %max3A_568 = arith.maximumf %mul3A_566, %max3A_567 : vector<16xf32>
      %bitcast3A = vector.bitcast %max3A_568 : vector<16xf32> to vector<16xi32>
      %shift_right_arithmetic3A = arith.constant 1 : i32
      %shift_right_arithmetic3A_569 = vector.broadcast %shift_right_arithmetic3A : i32 to vector<16xi32>
      %shift_right_arithmetic3A_570 = arith.shrsi %bitcast3A, %shift_right_arithmetic3A_569 : vector<16xi32>
      %sub3A = arith.constant 1597463007 : i32
      %sub3A_571 = vector.broadcast %sub3A : i32 to vector<16xi32>
      %sub3A_572 = arith.subi %sub3A_571, %shift_right_arithmetic3A_570 : vector<16xi32>
      %bitcast3A_573 = vector.bitcast %sub3A_572 : vector<16xi32> to vector<16xf32>
      %mul3A_574 = arith.constant 5.000000e-01 : f32
      %mul3A_575 = vector.broadcast %mul3A_574 : f32 to vector<16xf32>
      %mul3A_576 = arith.mulf %mul3A_575, %max3A_568 : vector<16xf32>
      %mul3A_577 = arith.mulf %mul3A_576, %bitcast3A_573 : vector<16xf32>
      %mul3A_578 = arith.mulf %mul3A_577, %bitcast3A_573 : vector<16xf32>
      %sub3A_579 = arith.constant 1.500000e+00 : f32
      %sub3A_580 = vector.broadcast %sub3A_579 : f32 to vector<16xf32>
      %sub3A_581 = arith.subf %sub3A_580, %mul3A_578 : vector<16xf32>
      %mul3A_582 = arith.mulf %bitcast3A_573, %sub3A_581 : vector<16xf32>
      %mul3A_583 = arith.constant 5.000000e-01 : f32
      %mul3A_584 = vector.broadcast %mul3A_583 : f32 to vector<16xf32>
      %mul3A_585 = arith.mulf %mul3A_584, %max3A_568 : vector<16xf32>
      %mul3A_586 = arith.mulf %mul3A_585, %mul3A_582 : vector<16xf32>
      %mul3A_587 = arith.mulf %mul3A_586, %mul3A_582 : vector<16xf32>
      %sub3A_588 = arith.constant 1.500000e+00 : f32
      %sub3A_589 = vector.broadcast %sub3A_588 : f32 to vector<16xf32>
      %sub3A_590 = arith.subf %sub3A_589, %mul3A_587 : vector<16xf32>
      %mul3A_591 = arith.mulf %mul3A_582, %sub3A_590 : vector<16xf32>
      %mul3A_592 = arith.constant 5.000000e-01 : f32
      %mul3A_593 = vector.broadcast %mul3A_592 : f32 to vector<16xf32>
      %mul3A_594 = arith.mulf %mul3A_593, %max3A_568 : vector<16xf32>
      %mul3A_595 = arith.mulf %mul3A_594, %mul3A_591 : vector<16xf32>
      %mul3A_596 = arith.mulf %mul3A_595, %mul3A_591 : vector<16xf32>
      %sub3A_597 = arith.constant 1.500000e+00 : f32
      %sub3A_598 = vector.broadcast %sub3A_597 : f32 to vector<16xf32>
      %sub3A_599 = arith.subf %sub3A_598, %mul3A_596 : vector<16xf32>
      %mul3A_600 = arith.mulf %mul3A_591, %sub3A_599 : vector<16xf32>
      %mul3A_601 = arith.mulf %scan3A_564#2, %mul3A_600 : vector<16xf32>
      %sub3A_602 = arith.constant 1.000000e+00 : f32
      %sub3A_603 = vector.broadcast %sub3A_602 : f32 to vector<16xf32>
      %sub3A_604 = arith.subf %sub3A_603, %mul3A_601 : vector<16xf32>
      %mul3A_605 = arith.constant 16 : i32
      %mul3A_606 = arith.muli %scan3A_543, %mul3A_605 : i32
      %add3A_607 = arith.constant 0 : i32
      %add3A_608 = arith.addi %add3A_607, %mul3A_606 : i32
      %swap3A = arith.index_cast %add3A_608 : i32 to index
      %swap3A_609 = tpu.vector_load %arg26[%swap3A] {strides = array<i32>} : memref<512xf32, #tpu.memory_space<vmem>>, vector<16xf32>,
      tpu.vector_store %arg26[%swap3A], %scan3A_564#0 {strides = array<i32>} : memref<512xf32, #tpu.memory_space<vmem>>, vector<16xf32>,
      %swap3A_610 = arith.index_cast %add3A_608 : i32 to index
      %swap3A_611 = tpu.vector_load %arg27[%swap3A_610] {strides = array<i32>} : memref<512xf32, #tpu.memory_space<vmem>>, vector<16xf32>,
      tpu.vector_store %arg27[%swap3A_610], %scan3A_564#1 {strides = array<i32>} : memref<512xf32, #tpu.memory_space<vmem>>, vector<16xf32>,
      %swap3A_612 = arith.index_cast %add3A_608 : i32 to index
      %swap3A_613 = tpu.vector_load %arg28[%swap3A_612] {strides = array<i32>} : memref<512xf32, #tpu.memory_space<vmem>>, vector<16xf32>,
      tpu.vector_store %arg28[%swap3A_612], %sub3A_604 {strides = array<i32>} : memref<512xf32, #tpu.memory_space<vmem>>, vector<16xf32>,
      %scan3A_614 = arith.constant 0 : i32
      scf.yield %scan3A_614 : i32
    }
    %scan3A_104 = arith.constant 4 : i32
    %add3A_105 = arith.constant 128 : i32
    %add3A_106 = arith.addi %mul3A_2, %add3A_105 : i32
    %dma_start3A_107 = arith.constant 0 : i32
    %dma_start3A_108 = tpu.memref_slice %arg2[%add3A_106, %dma_start3A_107] : memref<16384x128xf32, #tpu.memory_space<hbm>> -> memref<64x128xf32, #tpu.memory_space<hbm>>
    %dma_start3A_109 = arith.constant 0 : i32
    %dma_start3A_110 = tpu.memref_slice %arg2[%add3A_106, %dma_start3A_109] : memref<16384x128xf32, #tpu.memory_space<hbm>> -> memref<64x128xf32, #tpu.memory_space<hbm>>
    tpu.enqueue_dma source(%dma_start3A_110 : memref<64x128xf32, #tpu.memory_space<hbm>>) target(%arg14 : memref<64x128xf32, #tpu.memory_space<vmem>>) target_semaphore(%arg29 : memref<!tpu.dma_semaphore, #tpu.memory_space<semaphore_mem>>)
    %dma_start3A_111 = arith.constant 128 : i32
    %dma_start3A_112 = tpu.memref_slice %arg13[%dma_start3A_111] : memref<512xi32, #tpu.memory_space<vmem>> -> memref<64xi32, #tpu.memory_space<vmem>>
    %dma_start3A_113 = arith.constant 0 : i32
    %dma_start3A_114 = arith.constant 0 : i32
    %dma_start3A_115 = tpu.memref_slice %arg4[%dma_start3A_113, %dma_start3A_114] : memref<50000x128xf32, #tpu.memory_space<hbm>> -> memref<50000x128xf32, #tpu.memory_space<hbm>>
    tpu.enqueue_indirect_dma source(%dma_start3A_115 : memref<50000x128xf32, #tpu.memory_space<hbm>>) target(%arg15 : memref<64x128xf32, #tpu.memory_space<vmem>>) offsets(%dma_start3A_112 : memref<64xi32, #tpu.memory_space<vmem>>) semaphore(%arg29 : memref<!tpu.dma_semaphore, #tpu.memory_space<semaphore_mem>>)
    %dma_start3A_116 = arith.constant 128 : i32
    %dma_start3A_117 = tpu.memref_slice %arg13[%dma_start3A_116] : memref<512xi32, #tpu.memory_space<vmem>> -> memref<64xi32, #tpu.memory_space<vmem>>
    %dma_start3A_118 = arith.constant 0 : i32
    %dma_start3A_119 = arith.constant 0 : i32
    %dma_start3A_120 = tpu.memref_slice %arg5[%dma_start3A_118, %dma_start3A_119] : memref<50000x128xf32, #tpu.memory_space<hbm>> -> memref<50000x128xf32, #tpu.memory_space<hbm>>
    tpu.enqueue_indirect_dma source(%dma_start3A_120 : memref<50000x128xf32, #tpu.memory_space<hbm>>) target(%arg16 : memref<64x128xf32, #tpu.memory_space<vmem>>) offsets(%dma_start3A_117 : memref<64xi32, #tpu.memory_space<vmem>>) semaphore(%arg29 : memref<!tpu.dma_semaphore, #tpu.memory_space<semaphore_mem>>)
    %dma_start3A_121 = arith.constant 128 : i32
    %dma_start3A_122 = tpu.memref_slice %arg13[%dma_start3A_121] : memref<512xi32, #tpu.memory_space<vmem>> -> memref<64xi32, #tpu.memory_space<vmem>>
    %dma_start3A_123 = arith.constant 0 : i32
    %dma_start3A_124 = arith.constant 0 : i32
    %dma_start3A_125 = tpu.memref_slice %arg6[%dma_start3A_123, %dma_start3A_124] : memref<50000x128xf32, #tpu.memory_space<hbm>> -> memref<50000x128xf32, #tpu.memory_space<hbm>>
    tpu.enqueue_indirect_dma source(%dma_start3A_125 : memref<50000x128xf32, #tpu.memory_space<hbm>>) target(%arg17 : memref<64x128xf32, #tpu.memory_space<vmem>>) offsets(%dma_start3A_122 : memref<64xi32, #tpu.memory_space<vmem>>) semaphore(%arg29 : memref<!tpu.dma_semaphore, #tpu.memory_space<semaphore_mem>>)
    %dma_start3A_126 = arith.constant 128 : i32
    %dma_start3A_127 = tpu.memref_slice %arg13[%dma_start3A_126] : memref<512xi32, #tpu.memory_space<vmem>> -> memref<64xi32, #tpu.memory_space<vmem>>
    %dma_start3A_128 = arith.constant 0 : i32
    %dma_start3A_129 = arith.constant 0 : i32
    %dma_start3A_130 = tpu.memref_slice %arg7[%dma_start3A_128, %dma_start3A_129] : memref<50000x128xf32, #tpu.memory_space<hbm>> -> memref<50000x128xf32, #tpu.memory_space<hbm>>
    tpu.enqueue_indirect_dma source(%dma_start3A_130 : memref<50000x128xf32, #tpu.memory_space<hbm>>) target(%arg18 : memref<64x128xf32, #tpu.memory_space<vmem>>) offsets(%dma_start3A_127 : memref<64xi32, #tpu.memory_space<vmem>>) semaphore(%arg29 : memref<!tpu.dma_semaphore, #tpu.memory_space<semaphore_mem>>)
    %dma_start3A_131 = arith.constant 128 : i32
    %dma_start3A_132 = tpu.memref_slice %arg12[%dma_start3A_131] : memref<512xi32, #tpu.memory_space<vmem>> -> memref<64xi32, #tpu.memory_space<vmem>>
    %dma_start3A_133 = arith.constant 0 : i32
    %dma_start3A_134 = arith.constant 0 : i32
    %dma_start3A_135 = tpu.memref_slice %arg8[%dma_start3A_133, %dma_start3A_134] : memref<100000x128xf32, #tpu.memory_space<hbm>> -> memref<100000x128xf32, #tpu.memory_space<hbm>>
    tpu.enqueue_indirect_dma source(%dma_start3A_135 : memref<100000x128xf32, #tpu.memory_space<hbm>>) target(%arg19 : memref<64x128xf32, #tpu.memory_space<vmem>>) offsets(%dma_start3A_132 : memref<64xi32, #tpu.memory_space<vmem>>) semaphore(%arg29 : memref<!tpu.dma_semaphore, #tpu.memory_space<semaphore_mem>>)
    %dma_wait3A_136 = arith.constant 0 : i32
    %dma_wait3A_137 = tpu.memref_slice %arg2[%add3A_40, %dma_wait3A_136] : memref<16384x128xf32, #tpu.memory_space<hbm>> -> memref<64x128xf32, #tpu.memory_space<hbm>>
    %dma_wait3A_138 = arith.constant 0 : i32
    %dma_wait3A_139 = tpu.memref_slice %arg2[%add3A_40, %dma_wait3A_138] : memref<16384x128xf32, #tpu.memory_space<hbm>> -> memref<64x128xf32, #tpu.memory_space<hbm>>
    tpu.wait_dma2 semaphore(%arg30 : memref<!tpu.dma_semaphore, #tpu.memory_space<semaphore_mem>>) src(%dma_wait3A_139 : memref<64x128xf32, #tpu.memory_space<hbm>>) dst(%arg20 : memref<64x128xf32, #tpu.memory_space<vmem>>)
    %dma_wait3A_140 = arith.constant 64 : i32
    %dma_wait3A_141 = tpu.memref_slice %arg13[%dma_wait3A_140] : memref<512xi32, #tpu.memory_space<vmem>> -> memref<64xi32, #tpu.memory_space<vmem>>
    %dma_wait3A_142 = arith.constant 0 : i32
    %dma_wait3A_143 = arith.constant 0 : i32
    %dma_wait3A_144 = tpu.memref_slice %arg4[%dma_wait3A_142, %dma_wait3A_143] : memref<50000x128xf32, #tpu.memory_space<hbm>> -> memref<50000x128xf32, #tpu.memory_space<hbm>>
    tpu.wait_indirect_dma semaphore(%arg30 : memref<!tpu.dma_semaphore, #tpu.memory_space<semaphore_mem>>) src(%dma_wait3A_144 : memref<50000x128xf32, #tpu.memory_space<hbm>>) dst(%arg21 : memref<64x128xf32, #tpu.memory_space<vmem>>)
    %dma_wait3A_145 = arith.constant 64 : i32
    %dma_wait3A_146 = tpu.memref_slice %arg13[%dma_wait3A_145] : memref<512xi32, #tpu.memory_space<vmem>> -> memref<64xi32, #tpu.memory_space<vmem>>
    %dma_wait3A_147 = arith.constant 0 : i32
    %dma_wait3A_148 = arith.constant 0 : i32
    %dma_wait3A_149 = tpu.memref_slice %arg5[%dma_wait3A_147, %dma_wait3A_148] : memref<50000x128xf32, #tpu.memory_space<hbm>> -> memref<50000x128xf32, #tpu.memory_space<hbm>>
    tpu.wait_indirect_dma semaphore(%arg30 : memref<!tpu.dma_semaphore, #tpu.memory_space<semaphore_mem>>) src(%dma_wait3A_149 : memref<50000x128xf32, #tpu.memory_space<hbm>>) dst(%arg22 : memref<64x128xf32, #tpu.memory_space<vmem>>)
    %dma_wait3A_150 = arith.constant 64 : i32
    %dma_wait3A_151 = tpu.memref_slice %arg13[%dma_wait3A_150] : memref<512xi32, #tpu.memory_space<vmem>> -> memref<64xi32, #tpu.memory_space<vmem>>
    %dma_wait3A_152 = arith.constant 0 : i32
    %dma_wait3A_153 = arith.constant 0 : i32
    %dma_wait3A_154 = tpu.memref_slice %arg6[%dma_wait3A_152, %dma_wait3A_153] : memref<50000x128xf32, #tpu.memory_space<hbm>> -> memref<50000x128xf32, #tpu.memory_space<hbm>>
    tpu.wait_indirect_dma semaphore(%arg30 : memref<!tpu.dma_semaphore, #tpu.memory_space<semaphore_mem>>) src(%dma_wait3A_154 : memref<50000x128xf32, #tpu.memory_space<hbm>>) dst(%arg23 : memref<64x128xf32, #tpu.memory_space<vmem>>)
    %dma_wait3A_155 = arith.constant 64 : i32
    %dma_wait3A_156 = tpu.memref_slice %arg13[%dma_wait3A_155] : memref<512xi32, #tpu.memory_space<vmem>> -> memref<64xi32, #tpu.memory_space<vmem>>
    %dma_wait3A_157 = arith.constant 0 : i32
    %dma_wait3A_158 = arith.constant 0 : i32
    %dma_wait3A_159 = tpu.memref_slice %arg7[%dma_wait3A_157, %dma_wait3A_158] : memref<50000x128xf32, #tpu.memory_space<hbm>> -> memref<50000x128xf32, #tpu.memory_space<hbm>>
    tpu.wait_indirect_dma semaphore(%arg30 : memref<!tpu.dma_semaphore, #tpu.memory_space<semaphore_mem>>) src(%dma_wait3A_159 : memref<50000x128xf32, #tpu.memory_space<hbm>>) dst(%arg24 : memref<64x128xf32, #tpu.memory_space<vmem>>)
    %dma_wait3A_160 = arith.constant 64 : i32
    %dma_wait3A_161 = tpu.memref_slice %arg12[%dma_wait3A_160] : memref<512xi32, #tpu.memory_space<vmem>> -> memref<64xi32, #tpu.memory_space<vmem>>
    %dma_wait3A_162 = arith.constant 0 : i32
    %dma_wait3A_163 = arith.constant 0 : i32
    %dma_wait3A_164 = tpu.memref_slice %arg8[%dma_wait3A_162, %dma_wait3A_163] : memref<100000x128xf32, #tpu.memory_space<hbm>> -> memref<100000x128xf32, #tpu.memory_space<hbm>>
    tpu.wait_indirect_dma semaphore(%arg30 : memref<!tpu.dma_semaphore, #tpu.memory_space<semaphore_mem>>) src(%dma_wait3A_164 : memref<100000x128xf32, #tpu.memory_space<hbm>>) dst(%arg25 : memref<64x128xf32, #tpu.memory_space<vmem>>)
    %scan3A_165 = arith.constant 0 : i32
    %scan3A_166 = arith.constant 0 : i32
    %scan3A_167 = arith.constant 4 : i32
    %scan3A_168 = arith.addi %scan3A_166, %scan3A_167 : i32
    %scan3A_169 = arith.constant 1 : i32
    %scan3A_170 = scf.for %scan3A_543 = %scan3A_166 to %scan3A_168 step %scan3A_169 iter_args(%scan3A_544 = %scan3A_165) -> (i32)  : i32 {
      %iota3A = tpu.iota {dimensions = array<i32: 0>} : vector<16xi32>
      %mul3A_545 = arith.constant 16 : i32
      %mul3A_546 = arith.muli %scan3A_543, %mul3A_545 : i32
      %add3A_547 = vector.broadcast %mul3A_546 : i32 to vector<16xi32>
      %add3A_548 = arith.addi %iota3A, %add3A_547 : vector<16xi32>
      %mul3A_549 = arith.constant 16 : i32
      %mul3A_550 = arith.muli %scan3A_543, %mul3A_549 : i32
      %add3A_551 = arith.constant 64 : i32
      %add3A_552 = arith.addi %add3A_551, %mul3A_550 : i32
      %get3A = arith.index_cast %add3A_552 : i32 to index
      %get3A_553 = tpu.vector_load %arg12[%get3A] {strides = array<i32>} : memref<512xi32, #tpu.memory_space<vmem>>, vector<16xi32>,
      %and3A = arith.constant 1 : i32
      %and3A_554 = vector.broadcast %and3A : i32 to vector<16xi32>
      %and3A_555 = arith.andi %get3A_553, %and3A_554 : vector<16xi32>
      %mul3A_556 = arith.constant 64 : i32
      %mul3A_557 = vector.broadcast %mul3A_556 : i32 to vector<16xi32>
      %mul3A_558 = arith.muli %and3A_555, %mul3A_557 : vector<16xi32>
      %broadcast_in_dim3A = arith.constant 0.000000e+00 : f32
      %broadcast_in_dim3A_559 = vector.broadcast %broadcast_in_dim3A : f32 to vector<16xf32>
      %scan3A_560 = arith.constant 0 : i32
      %scan3A_561 = arith.constant 32 : i32
      %scan3A_562 = arith.addi %scan3A_560, %scan3A_561 : i32
      %scan3A_563 = arith.constant 1 : i32
      %scan3A_564:5 = scf.for %scan3A_615 = %scan3A_560 to %scan3A_562 step %scan3A_563 iter_args(%scan3A_616 = %broadcast_in_dim3A_559, %scan3A_617 = %broadcast_in_dim3A_559, %scan3A_618 = %broadcast_in_dim3A_559, %scan3A_619 = %broadcast_in_dim3A_559, %scan3A_620 = %broadcast_in_dim3A_559) -> (vector<16xf32>, vector<16xf32>, vector<16xf32>, vector<16xf32>, vector<16xf32>)  : i32 {
        %mul3A_621 = arith.constant 2 : i32
        %mul3A_622 = arith.muli %mul3A_621, %scan3A_615 : i32
        %add3A_623 = arith.constant 0 : i32
        %add3A_624 = arith.addi %mul3A_622, %add3A_623 : i32
        %broadcast_in_dim3A_625 = vector.broadcast %add3A_624 : i32 to vector<16xi32>
        %add3A_626 = vector.broadcast %add3A_624 : i32 to vector<16xi32>
        %add3A_627 = arith.addi %mul3A_558, %add3A_626 : vector<16xi32>
        %gather3A = tpu.vector_load_idx %arg20[%add3A_548, %broadcast_in_dim3A_625] : memref<64x128xf32, #tpu.memory_space<vmem>>[vector<16xi32>, vector<16xi32>], vector<16xf32>,
        %add3A_628 = arith.constant 64 : i32
        %add3A_629 = vector.broadcast %add3A_628 : i32 to vector<16xi32>
        %add3A_630 = arith.addi %broadcast_in_dim3A_625, %add3A_629 : vector<16xi32>
        %gather3A_631 = tpu.vector_load_idx %arg20[%add3A_548, %add3A_630] : memref<64x128xf32, #tpu.memory_space<vmem>>[vector<16xi32>, vector<16xi32>], vector<16xf32>,
        %gather3A_632 = tpu.vector_load_idx %arg21[%add3A_548, %add3A_627] : memref<64x128xf32, #tpu.memory_space<vmem>>[vector<16xi32>, vector<16xi32>], vector<16xf32>,
        %gather3A_633 = tpu.vector_load_idx %arg23[%add3A_548, %add3A_627] : memref<64x128xf32, #tpu.memory_space<vmem>>[vector<16xi32>, vector<16xi32>], vector<16xf32>,
        %gather3A_634 = tpu.vector_load_idx %arg22[%add3A_548, %add3A_627] : memref<64x128xf32, #tpu.memory_space<vmem>>[vector<16xi32>, vector<16xi32>], vector<16xf32>,
        %gather3A_635 = tpu.vector_load_idx %arg24[%add3A_548, %add3A_627] : memref<64x128xf32, #tpu.memory_space<vmem>>[vector<16xi32>, vector<16xi32>], vector<16xf32>,
        %gather3A_636 = tpu.vector_load_idx %arg25[%add3A_548, %broadcast_in_dim3A_625] : memref<64x128xf32, #tpu.memory_space<vmem>>[vector<16xi32>, vector<16xi32>], vector<16xf32>,
        %add3A_637 = arith.constant 64 : i32
        %add3A_638 = vector.broadcast %add3A_637 : i32 to vector<16xi32>
        %add3A_639 = arith.addi %broadcast_in_dim3A_625, %add3A_638 : vector<16xi32>
        %gather3A_640 = tpu.vector_load_idx %arg25[%add3A_548, %add3A_639] : memref<64x128xf32, #tpu.memory_space<vmem>>[vector<16xi32>, vector<16xi32>], vector<16xf32>,
        %sub3A_641 = arith.subf %gather3A, %gather3A_632 : vector<16xf32>
        %sub3A_642 = arith.subf %gather3A_631, %gather3A_634 : vector<16xf32>
        %mul3A_643 = arith.mulf %sub3A_641, %sub3A_641 : vector<16xf32>
        %add3A_644 = arith.constant 9.99999974E-6 : f32
        %add3A_645 = vector.broadcast %add3A_644 : f32 to vector<16xf32>
        %add3A_646 = arith.addf %gather3A_633, %add3A_645 : vector<16xf32>
        %div3A = arith.divf %mul3A_643, %add3A_646 : vector<16xf32>
        %add3A_647 = arith.addf %scan3A_616, %div3A : vector<16xf32>
        %mul3A_648 = arith.mulf %sub3A_642, %sub3A_642 : vector<16xf32>
        %add3A_649 = arith.constant 9.99999974E-6 : f32
        %add3A_650 = vector.broadcast %add3A_649 : f32 to vector<16xf32>
        %add3A_651 = arith.addf %gather3A_635, %add3A_650 : vector<16xf32>
        %div3A_652 = arith.divf %mul3A_648, %add3A_651 : vector<16xf32>
        %add3A_653 = arith.addf %scan3A_617, %div3A_652 : vector<16xf32>
        %mul3A_654 = arith.mulf %gather3A, %gather3A_636 : vector<16xf32>
        %add3A_655 = arith.addf %scan3A_618, %mul3A_654 : vector<16xf32>
        %mul3A_656 = arith.mulf %gather3A_631, %gather3A_640 : vector<16xf32>
        %add3A_657 = arith.addf %add3A_655, %mul3A_656 : vector<16xf32>
        %mul3A_658 = arith.mulf %gather3A, %gather3A : vector<16xf32>
        %add3A_659 = arith.addf %scan3A_619, %mul3A_658 : vector<16xf32>
        %mul3A_660 = arith.mulf %gather3A_631, %gather3A_631 : vector<16xf32>
        %add3A_661 = arith.addf %add3A_659, %mul3A_660 : vector<16xf32>
        %mul3A_662 = arith.mulf %gather3A_636, %gather3A_636 : vector<16xf32>
        %add3A_663 = arith.addf %scan3A_620, %mul3A_662 : vector<16xf32>
        %mul3A_664 = arith.mulf %gather3A_640, %gather3A_640 : vector<16xf32>
        %add3A_665 = arith.addf %add3A_663, %mul3A_664 : vector<16xf32>
        %mul3A_666 = arith.constant 2 : i32
        %mul3A_667 = arith.muli %mul3A_666, %scan3A_615 : i32
        %add3A_668 = arith.constant 1 : i32
        %add3A_669 = arith.addi %mul3A_667, %add3A_668 : i32
        %broadcast_in_dim3A_670 = vector.broadcast %add3A_669 : i32 to vector<16xi32>
        %add3A_671 = vector.broadcast %add3A_669 : i32 to vector<16xi32>
        %add3A_672 = arith.addi %mul3A_558, %add3A_671 : vector<16xi32>
        %gather3A_673 = tpu.vector_load_idx %arg20[%add3A_548, %broadcast_in_dim3A_670] : memref<64x128xf32, #tpu.memory_space<vmem>>[vector<16xi32>, vector<16xi32>], vector<16xf32>,
        %add3A_674 = arith.constant 64 : i32
        %add3A_675 = vector.broadcast %add3A_674 : i32 to vector<16xi32>
        %add3A_676 = arith.addi %broadcast_in_dim3A_670, %add3A_675 : vector<16xi32>
        %gather3A_677 = tpu.vector_load_idx %arg20[%add3A_548, %add3A_676] : memref<64x128xf32, #tpu.memory_space<vmem>>[vector<16xi32>, vector<16xi32>], vector<16xf32>,
        %gather3A_678 = tpu.vector_load_idx %arg21[%add3A_548, %add3A_672] : memref<64x128xf32, #tpu.memory_space<vmem>>[vector<16xi32>, vector<16xi32>], vector<16xf32>,
        %gather3A_679 = tpu.vector_load_idx %arg23[%add3A_548, %add3A_672] : memref<64x128xf32, #tpu.memory_space<vmem>>[vector<16xi32>, vector<16xi32>], vector<16xf32>,
        %gather3A_680 = tpu.vector_load_idx %arg22[%add3A_548, %add3A_672] : memref<64x128xf32, #tpu.memory_space<vmem>>[vector<16xi32>, vector<16xi32>], vector<16xf32>,
        %gather3A_681 = tpu.vector_load_idx %arg24[%add3A_548, %add3A_672] : memref<64x128xf32, #tpu.memory_space<vmem>>[vector<16xi32>, vector<16xi32>], vector<16xf32>,
        %gather3A_682 = tpu.vector_load_idx %arg25[%add3A_548, %broadcast_in_dim3A_670] : memref<64x128xf32, #tpu.memory_space<vmem>>[vector<16xi32>, vector<16xi32>], vector<16xf32>,
        %add3A_683 = arith.constant 64 : i32
        %add3A_684 = vector.broadcast %add3A_683 : i32 to vector<16xi32>
        %add3A_685 = arith.addi %broadcast_in_dim3A_670, %add3A_684 : vector<16xi32>
        %gather3A_686 = tpu.vector_load_idx %arg25[%add3A_548, %add3A_685] : memref<64x128xf32, #tpu.memory_space<vmem>>[vector<16xi32>, vector<16xi32>], vector<16xf32>,
        %sub3A_687 = arith.subf %gather3A_673, %gather3A_678 : vector<16xf32>
        %sub3A_688 = arith.subf %gather3A_677, %gather3A_680 : vector<16xf32>
        %mul3A_689 = arith.mulf %sub3A_687, %sub3A_687 : vector<16xf32>
        %add3A_690 = arith.constant 9.99999974E-6 : f32
        %add3A_691 = vector.broadcast %add3A_690 : f32 to vector<16xf32>
        %add3A_692 = arith.addf %gather3A_679, %add3A_691 : vector<16xf32>
        %div3A_693 = arith.divf %mul3A_689, %add3A_692 : vector<16xf32>
        %add3A_694 = arith.addf %add3A_647, %div3A_693 : vector<16xf32>
        %mul3A_695 = arith.mulf %sub3A_688, %sub3A_688 : vector<16xf32>
        %add3A_696 = arith.constant 9.99999974E-6 : f32
        %add3A_697 = vector.broadcast %add3A_696 : f32 to vector<16xf32>
        %add3A_698 = arith.addf %gather3A_681, %add3A_697 : vector<16xf32>
        %div3A_699 = arith.divf %mul3A_695, %add3A_698 : vector<16xf32>
        %add3A_700 = arith.addf %add3A_653, %div3A_699 : vector<16xf32>
        %mul3A_701 = arith.mulf %gather3A_673, %gather3A_682 : vector<16xf32>
        %add3A_702 = arith.addf %add3A_657, %mul3A_701 : vector<16xf32>
        %mul3A_703 = arith.mulf %gather3A_677, %gather3A_686 : vector<16xf32>
        %add3A_704 = arith.addf %add3A_702, %mul3A_703 : vector<16xf32>
        %mul3A_705 = arith.mulf %gather3A_673, %gather3A_673 : vector<16xf32>
        %add3A_706 = arith.addf %add3A_661, %mul3A_705 : vector<16xf32>
        %mul3A_707 = arith.mulf %gather3A_677, %gather3A_677 : vector<16xf32>
        %add3A_708 = arith.addf %add3A_706, %mul3A_707 : vector<16xf32>
        %mul3A_709 = arith.mulf %gather3A_682, %gather3A_682 : vector<16xf32>
        %add3A_710 = arith.addf %add3A_665, %mul3A_709 : vector<16xf32>
        %mul3A_711 = arith.mulf %gather3A_686, %gather3A_686 : vector<16xf32>
        %add3A_712 = arith.addf %add3A_710, %mul3A_711 : vector<16xf32>
        scf.yield %add3A_694, %add3A_700, %add3A_704, %add3A_708, %add3A_712 : vector<16xf32>, vector<16xf32>, vector<16xf32>, vector<16xf32>, vector<16xf32>
      }
      %scan3A_565 = arith.constant 32 : i32
      %mul3A_566 = arith.mulf %scan3A_564#3, %scan3A_564#4 : vector<16xf32>
      %max3A = arith.constant 1.000000e-24 : f32
      %max3A_567 = vector.broadcast %max3A : f32 to vector<16xf32>
      %max3A_568 = arith.maximumf %mul3A_566, %max3A_567 : vector<16xf32>
      %bitcast3A = vector.bitcast %max3A_568 : vector<16xf32> to vector<16xi32>
      %shift_right_arithmetic3A = arith.constant 1 : i32
      %shift_right_arithmetic3A_569 = vector.broadcast %shift_right_arithmetic3A : i32 to vector<16xi32>
      %shift_right_arithmetic3A_570 = arith.shrsi %bitcast3A, %shift_right_arithmetic3A_569 : vector<16xi32>
      %sub3A = arith.constant 1597463007 : i32
      %sub3A_571 = vector.broadcast %sub3A : i32 to vector<16xi32>
      %sub3A_572 = arith.subi %sub3A_571, %shift_right_arithmetic3A_570 : vector<16xi32>
      %bitcast3A_573 = vector.bitcast %sub3A_572 : vector<16xi32> to vector<16xf32>
      %mul3A_574 = arith.constant 5.000000e-01 : f32
      %mul3A_575 = vector.broadcast %mul3A_574 : f32 to vector<16xf32>
      %mul3A_576 = arith.mulf %mul3A_575, %max3A_568 : vector<16xf32>
      %mul3A_577 = arith.mulf %mul3A_576, %bitcast3A_573 : vector<16xf32>
      %mul3A_578 = arith.mulf %mul3A_577, %bitcast3A_573 : vector<16xf32>
      %sub3A_579 = arith.constant 1.500000e+00 : f32
      %sub3A_580 = vector.broadcast %sub3A_579 : f32 to vector<16xf32>
      %sub3A_581 = arith.subf %sub3A_580, %mul3A_578 : vector<16xf32>
      %mul3A_582 = arith.mulf %bitcast3A_573, %sub3A_581 : vector<16xf32>
      %mul3A_583 = arith.constant 5.000000e-01 : f32
      %mul3A_584 = vector.broadcast %mul3A_583 : f32 to vector<16xf32>
      %mul3A_585 = arith.mulf %mul3A_584, %max3A_568 : vector<16xf32>
      %mul3A_586 = arith.mulf %mul3A_585, %mul3A_582 : vector<16xf32>
      %mul3A_587 = arith.mulf %mul3A_586, %mul3A_582 : vector<16xf32>
      %sub3A_588 = arith.constant 1.500000e+00 : f32
      %sub3A_589 = vector.broadcast %sub3A_588 : f32 to vector<16xf32>
      %sub3A_590 = arith.subf %sub3A_589, %mul3A_587 : vector<16xf32>
      %mul3A_591 = arith.mulf %mul3A_582, %sub3A_590 : vector<16xf32>
      %mul3A_592 = arith.constant 5.000000e-01 : f32
      %mul3A_593 = vector.broadcast %mul3A_592 : f32 to vector<16xf32>
      %mul3A_594 = arith.mulf %mul3A_593, %max3A_568 : vector<16xf32>
      %mul3A_595 = arith.mulf %mul3A_594, %mul3A_591 : vector<16xf32>
      %mul3A_596 = arith.mulf %mul3A_595, %mul3A_591 : vector<16xf32>
      %sub3A_597 = arith.constant 1.500000e+00 : f32
      %sub3A_598 = vector.broadcast %sub3A_597 : f32 to vector<16xf32>
      %sub3A_599 = arith.subf %sub3A_598, %mul3A_596 : vector<16xf32>
      %mul3A_600 = arith.mulf %mul3A_591, %sub3A_599 : vector<16xf32>
      %mul3A_601 = arith.mulf %scan3A_564#2, %mul3A_600 : vector<16xf32>
      %sub3A_602 = arith.constant 1.000000e+00 : f32
      %sub3A_603 = vector.broadcast %sub3A_602 : f32 to vector<16xf32>
      %sub3A_604 = arith.subf %sub3A_603, %mul3A_601 : vector<16xf32>
      %mul3A_605 = arith.constant 16 : i32
      %mul3A_606 = arith.muli %scan3A_543, %mul3A_605 : i32
      %add3A_607 = arith.constant 64 : i32
      %add3A_608 = arith.addi %add3A_607, %mul3A_606 : i32
      %swap3A = arith.index_cast %add3A_608 : i32 to index
      %swap3A_609 = tpu.vector_load %arg26[%swap3A] {strides = array<i32>} : memref<512xf32, #tpu.memory_space<vmem>>, vector<16xf32>,
      tpu.vector_store %arg26[%swap3A], %scan3A_564#0 {strides = array<i32>} : memref<512xf32, #tpu.memory_space<vmem>>, vector<16xf32>,
      %swap3A_610 = arith.index_cast %add3A_608 : i32 to index
      %swap3A_611 = tpu.vector_load %arg27[%swap3A_610] {strides = array<i32>} : memref<512xf32, #tpu.memory_space<vmem>>, vector<16xf32>,
      tpu.vector_store %arg27[%swap3A_610], %scan3A_564#1 {strides = array<i32>} : memref<512xf32, #tpu.memory_space<vmem>>, vector<16xf32>,
      %swap3A_612 = arith.index_cast %add3A_608 : i32 to index
      %swap3A_613 = tpu.vector_load %arg28[%swap3A_612] {strides = array<i32>} : memref<512xf32, #tpu.memory_space<vmem>>, vector<16xf32>,
      tpu.vector_store %arg28[%swap3A_612], %sub3A_604 {strides = array<i32>} : memref<512xf32, #tpu.memory_space<vmem>>, vector<16xf32>,
      %scan3A_614 = arith.constant 0 : i32
      scf.yield %scan3A_614 : i32
    }
    %scan3A_171 = arith.constant 4 : i32
    %add3A_172 = arith.constant 192 : i32
    %add3A_173 = arith.addi %mul3A_2, %add3A_172 : i32
    %dma_start3A_174 = arith.constant 0 : i32
    %dma_start3A_175 = tpu.memref_slice %arg2[%add3A_173, %dma_start3A_174] : memref<16384x128xf32, #tpu.memory_space<hbm>> -> memref<64x128xf32, #tpu.memory_space<hbm>>
    %dma_start3A_176 = arith.constant 0 : i32
    %dma_start3A_177 = tpu.memref_slice %arg2[%add3A_173, %dma_start3A_176] : memref<16384x128xf32, #tpu.memory_space<hbm>> -> memref<64x128xf32, #tpu.memory_space<hbm>>
    tpu.enqueue_dma source(%dma_start3A_177 : memref<64x128xf32, #tpu.memory_space<hbm>>) target(%arg20 : memref<64x128xf32, #tpu.memory_space<vmem>>) target_semaphore(%arg30 : memref<!tpu.dma_semaphore, #tpu.memory_space<semaphore_mem>>)
    %dma_start3A_178 = arith.constant 192 : i32
    %dma_start3A_179 = tpu.memref_slice %arg13[%dma_start3A_178] : memref<512xi32, #tpu.memory_space<vmem>> -> memref<64xi32, #tpu.memory_space<vmem>>
    %dma_start3A_180 = arith.constant 0 : i32
    %dma_start3A_181 = arith.constant 0 : i32
    %dma_start3A_182 = tpu.memref_slice %arg4[%dma_start3A_180, %dma_start3A_181] : memref<50000x128xf32, #tpu.memory_space<hbm>> -> memref<50000x128xf32, #tpu.memory_space<hbm>>
    tpu.enqueue_indirect_dma source(%dma_start3A_182 : memref<50000x128xf32, #tpu.memory_space<hbm>>) target(%arg21 : memref<64x128xf32, #tpu.memory_space<vmem>>) offsets(%dma_start3A_179 : memref<64xi32, #tpu.memory_space<vmem>>) semaphore(%arg30 : memref<!tpu.dma_semaphore, #tpu.memory_space<semaphore_mem>>)
    %dma_start3A_183 = arith.constant 192 : i32
    %dma_start3A_184 = tpu.memref_slice %arg13[%dma_start3A_183] : memref<512xi32, #tpu.memory_space<vmem>> -> memref<64xi32, #tpu.memory_space<vmem>>
    %dma_start3A_185 = arith.constant 0 : i32
    %dma_start3A_186 = arith.constant 0 : i32
    %dma_start3A_187 = tpu.memref_slice %arg5[%dma_start3A_185, %dma_start3A_186] : memref<50000x128xf32, #tpu.memory_space<hbm>> -> memref<50000x128xf32, #tpu.memory_space<hbm>>
    tpu.enqueue_indirect_dma source(%dma_start3A_187 : memref<50000x128xf32, #tpu.memory_space<hbm>>) target(%arg22 : memref<64x128xf32, #tpu.memory_space<vmem>>) offsets(%dma_start3A_184 : memref<64xi32, #tpu.memory_space<vmem>>) semaphore(%arg30 : memref<!tpu.dma_semaphore, #tpu.memory_space<semaphore_mem>>)
    %dma_start3A_188 = arith.constant 192 : i32
    %dma_start3A_189 = tpu.memref_slice %arg13[%dma_start3A_188] : memref<512xi32, #tpu.memory_space<vmem>> -> memref<64xi32, #tpu.memory_space<vmem>>
    %dma_start3A_190 = arith.constant 0 : i32
    %dma_start3A_191 = arith.constant 0 : i32
    %dma_start3A_192 = tpu.memref_slice %arg6[%dma_start3A_190, %dma_start3A_191] : memref<50000x128xf32, #tpu.memory_space<hbm>> -> memref<50000x128xf32, #tpu.memory_space<hbm>>
    tpu.enqueue_indirect_dma source(%dma_start3A_192 : memref<50000x128xf32, #tpu.memory_space<hbm>>) target(%arg23 : memref<64x128xf32, #tpu.memory_space<vmem>>) offsets(%dma_start3A_189 : memref<64xi32, #tpu.memory_space<vmem>>) semaphore(%arg30 : memref<!tpu.dma_semaphore, #tpu.memory_space<semaphore_mem>>)
    %dma_start3A_193 = arith.constant 192 : i32
    %dma_start3A_194 = tpu.memref_slice %arg13[%dma_start3A_193] : memref<512xi32, #tpu.memory_space<vmem>> -> memref<64xi32, #tpu.memory_space<vmem>>
    %dma_start3A_195 = arith.constant 0 : i32
    %dma_start3A_196 = arith.constant 0 : i32
    %dma_start3A_197 = tpu.memref_slice %arg7[%dma_start3A_195, %dma_start3A_196] : memref<50000x128xf32, #tpu.memory_space<hbm>> -> memref<50000x128xf32, #tpu.memory_space<hbm>>
    tpu.enqueue_indirect_dma source(%dma_start3A_197 : memref<50000x128xf32, #tpu.memory_space<hbm>>) target(%arg24 : memref<64x128xf32, #tpu.memory_space<vmem>>) offsets(%dma_start3A_194 : memref<64xi32, #tpu.memory_space<vmem>>) semaphore(%arg30 : memref<!tpu.dma_semaphore, #tpu.memory_space<semaphore_mem>>)
    %dma_start3A_198 = arith.constant 192 : i32
    %dma_start3A_199 = tpu.memref_slice %arg12[%dma_start3A_198] : memref<512xi32, #tpu.memory_space<vmem>> -> memref<64xi32, #tpu.memory_space<vmem>>
    %dma_start3A_200 = arith.constant 0 : i32
    %dma_start3A_201 = arith.constant 0 : i32
    %dma_start3A_202 = tpu.memref_slice %arg8[%dma_start3A_200, %dma_start3A_201] : memref<100000x128xf32, #tpu.memory_space<hbm>> -> memref<100000x128xf32, #tpu.memory_space<hbm>>
    tpu.enqueue_indirect_dma source(%dma_start3A_202 : memref<100000x128xf32, #tpu.memory_space<hbm>>) target(%arg25 : memref<64x128xf32, #tpu.memory_space<vmem>>) offsets(%dma_start3A_199 : memref<64xi32, #tpu.memory_space<vmem>>) semaphore(%arg30 : memref<!tpu.dma_semaphore, #tpu.memory_space<semaphore_mem>>)
    %dma_wait3A_203 = arith.constant 0 : i32
    %dma_wait3A_204 = tpu.memref_slice %arg2[%add3A_106, %dma_wait3A_203] : memref<16384x128xf32, #tpu.memory_space<hbm>> -> memref<64x128xf32, #tpu.memory_space<hbm>>
    %dma_wait3A_205 = arith.constant 0 : i32
    %dma_wait3A_206 = tpu.memref_slice %arg2[%add3A_106, %dma_wait3A_205] : memref<16384x128xf32, #tpu.memory_space<hbm>> -> memref<64x128xf32, #tpu.memory_space<hbm>>
    tpu.wait_dma2 semaphore(%arg29 : memref<!tpu.dma_semaphore, #tpu.memory_space<semaphore_mem>>) src(%dma_wait3A_206 : memref<64x128xf32, #tpu.memory_space<hbm>>) dst(%arg14 : memref<64x128xf32, #tpu.memory_space<vmem>>)
    %dma_wait3A_207 = arith.constant 128 : i32
    %dma_wait3A_208 = tpu.memref_slice %arg13[%dma_wait3A_207] : memref<512xi32, #tpu.memory_space<vmem>> -> memref<64xi32, #tpu.memory_space<vmem>>
    %dma_wait3A_209 = arith.constant 0 : i32
    %dma_wait3A_210 = arith.constant 0 : i32
    %dma_wait3A_211 = tpu.memref_slice %arg4[%dma_wait3A_209, %dma_wait3A_210] : memref<50000x128xf32, #tpu.memory_space<hbm>> -> memref<50000x128xf32, #tpu.memory_space<hbm>>
    tpu.wait_indirect_dma semaphore(%arg29 : memref<!tpu.dma_semaphore, #tpu.memory_space<semaphore_mem>>) src(%dma_wait3A_211 : memref<50000x128xf32, #tpu.memory_space<hbm>>) dst(%arg15 : memref<64x128xf32, #tpu.memory_space<vmem>>)
    %dma_wait3A_212 = arith.constant 128 : i32
    %dma_wait3A_213 = tpu.memref_slice %arg13[%dma_wait3A_212] : memref<512xi32, #tpu.memory_space<vmem>> -> memref<64xi32, #tpu.memory_space<vmem>>
    %dma_wait3A_214 = arith.constant 0 : i32
    %dma_wait3A_215 = arith.constant 0 : i32
    %dma_wait3A_216 = tpu.memref_slice %arg5[%dma_wait3A_214, %dma_wait3A_215] : memref<50000x128xf32, #tpu.memory_space<hbm>> -> memref<50000x128xf32, #tpu.memory_space<hbm>>
    tpu.wait_indirect_dma semaphore(%arg29 : memref<!tpu.dma_semaphore, #tpu.memory_space<semaphore_mem>>) src(%dma_wait3A_216 : memref<50000x128xf32, #tpu.memory_space<hbm>>) dst(%arg16 : memref<64x128xf32, #tpu.memory_space<vmem>>)
    %dma_wait3A_217 = arith.constant 128 : i32
    %dma_wait3A_218 = tpu.memref_slice %arg13[%dma_wait3A_217] : memref<512xi32, #tpu.memory_space<vmem>> -> memref<64xi32, #tpu.memory_space<vmem>>
    %dma_wait3A_219 = arith.constant 0 : i32
    %dma_wait3A_220 = arith.constant 0 : i32
    %dma_wait3A_221 = tpu.memref_slice %arg6[%dma_wait3A_219, %dma_wait3A_220] : memref<50000x128xf32, #tpu.memory_space<hbm>> -> memref<50000x128xf32, #tpu.memory_space<hbm>>
    tpu.wait_indirect_dma semaphore(%arg29 : memref<!tpu.dma_semaphore, #tpu.memory_space<semaphore_mem>>) src(%dma_wait3A_221 : memref<50000x128xf32, #tpu.memory_space<hbm>>) dst(%arg17 : memref<64x128xf32, #tpu.memory_space<vmem>>)
    %dma_wait3A_222 = arith.constant 128 : i32
    %dma_wait3A_223 = tpu.memref_slice %arg13[%dma_wait3A_222] : memref<512xi32, #tpu.memory_space<vmem>> -> memref<64xi32, #tpu.memory_space<vmem>>
    %dma_wait3A_224 = arith.constant 0 : i32
    %dma_wait3A_225 = arith.constant 0 : i32
    %dma_wait3A_226 = tpu.memref_slice %arg7[%dma_wait3A_224, %dma_wait3A_225] : memref<50000x128xf32, #tpu.memory_space<hbm>> -> memref<50000x128xf32, #tpu.memory_space<hbm>>
    tpu.wait_indirect_dma semaphore(%arg29 : memref<!tpu.dma_semaphore, #tpu.memory_space<semaphore_mem>>) src(%dma_wait3A_226 : memref<50000x128xf32, #tpu.memory_space<hbm>>) dst(%arg18 : memref<64x128xf32, #tpu.memory_space<vmem>>)
    %dma_wait3A_227 = arith.constant 128 : i32
    %dma_wait3A_228 = tpu.memref_slice %arg12[%dma_wait3A_227] : memref<512xi32, #tpu.memory_space<vmem>> -> memref<64xi32, #tpu.memory_space<vmem>>
    %dma_wait3A_229 = arith.constant 0 : i32
    %dma_wait3A_230 = arith.constant 0 : i32
    %dma_wait3A_231 = tpu.memref_slice %arg8[%dma_wait3A_229, %dma_wait3A_230] : memref<100000x128xf32, #tpu.memory_space<hbm>> -> memref<100000x128xf32, #tpu.memory_space<hbm>>
    tpu.wait_indirect_dma semaphore(%arg29 : memref<!tpu.dma_semaphore, #tpu.memory_space<semaphore_mem>>) src(%dma_wait3A_231 : memref<100000x128xf32, #tpu.memory_space<hbm>>) dst(%arg19 : memref<64x128xf32, #tpu.memory_space<vmem>>)
    %scan3A_232 = arith.constant 0 : i32
    %scan3A_233 = arith.constant 0 : i32
    %scan3A_234 = arith.constant 4 : i32
    %scan3A_235 = arith.addi %scan3A_233, %scan3A_234 : i32
    %scan3A_236 = arith.constant 1 : i32
    %scan3A_237 = scf.for %scan3A_543 = %scan3A_233 to %scan3A_235 step %scan3A_236 iter_args(%scan3A_544 = %scan3A_232) -> (i32)  : i32 {
      %iota3A = tpu.iota {dimensions = array<i32: 0>} : vector<16xi32>
      %mul3A_545 = arith.constant 16 : i32
      %mul3A_546 = arith.muli %scan3A_543, %mul3A_545 : i32
      %add3A_547 = vector.broadcast %mul3A_546 : i32 to vector<16xi32>
      %add3A_548 = arith.addi %iota3A, %add3A_547 : vector<16xi32>
      %mul3A_549 = arith.constant 16 : i32
      %mul3A_550 = arith.muli %scan3A_543, %mul3A_549 : i32
      %add3A_551 = arith.constant 128 : i32
      %add3A_552 = arith.addi %add3A_551, %mul3A_550 : i32
      %get3A = arith.index_cast %add3A_552 : i32 to index
      %get3A_553 = tpu.vector_load %arg12[%get3A] {strides = array<i32>} : memref<512xi32, #tpu.memory_space<vmem>>, vector<16xi32>,
      %and3A = arith.constant 1 : i32
      %and3A_554 = vector.broadcast %and3A : i32 to vector<16xi32>
      %and3A_555 = arith.andi %get3A_553, %and3A_554 : vector<16xi32>
      %mul3A_556 = arith.constant 64 : i32
      %mul3A_557 = vector.broadcast %mul3A_556 : i32 to vector<16xi32>
      %mul3A_558 = arith.muli %and3A_555, %mul3A_557 : vector<16xi32>
      %broadcast_in_dim3A = arith.constant 0.000000e+00 : f32
      %broadcast_in_dim3A_559 = vector.broadcast %broadcast_in_dim3A : f32 to vector<16xf32>
      %scan3A_560 = arith.constant 0 : i32
      %scan3A_561 = arith.constant 32 : i32
      %scan3A_562 = arith.addi %scan3A_560, %scan3A_561 : i32
      %scan3A_563 = arith.constant 1 : i32
      %scan3A_564:5 = scf.for %scan3A_615 = %scan3A_560 to %scan3A_562 step %scan3A_563 iter_args(%scan3A_616 = %broadcast_in_dim3A_559, %scan3A_617 = %broadcast_in_dim3A_559, %scan3A_618 = %broadcast_in_dim3A_559, %scan3A_619 = %broadcast_in_dim3A_559, %scan3A_620 = %broadcast_in_dim3A_559) -> (vector<16xf32>, vector<16xf32>, vector<16xf32>, vector<16xf32>, vector<16xf32>)  : i32 {
        %mul3A_621 = arith.constant 2 : i32
        %mul3A_622 = arith.muli %mul3A_621, %scan3A_615 : i32
        %add3A_623 = arith.constant 0 : i32
        %add3A_624 = arith.addi %mul3A_622, %add3A_623 : i32
        %broadcast_in_dim3A_625 = vector.broadcast %add3A_624 : i32 to vector<16xi32>
        %add3A_626 = vector.broadcast %add3A_624 : i32 to vector<16xi32>
        %add3A_627 = arith.addi %mul3A_558, %add3A_626 : vector<16xi32>
        %gather3A = tpu.vector_load_idx %arg14[%add3A_548, %broadcast_in_dim3A_625] : memref<64x128xf32, #tpu.memory_space<vmem>>[vector<16xi32>, vector<16xi32>], vector<16xf32>,
        %add3A_628 = arith.constant 64 : i32
        %add3A_629 = vector.broadcast %add3A_628 : i32 to vector<16xi32>
        %add3A_630 = arith.addi %broadcast_in_dim3A_625, %add3A_629 : vector<16xi32>
        %gather3A_631 = tpu.vector_load_idx %arg14[%add3A_548, %add3A_630] : memref<64x128xf32, #tpu.memory_space<vmem>>[vector<16xi32>, vector<16xi32>], vector<16xf32>,
        %gather3A_632 = tpu.vector_load_idx %arg15[%add3A_548, %add3A_627] : memref<64x128xf32, #tpu.memory_space<vmem>>[vector<16xi32>, vector<16xi32>], vector<16xf32>,
        %gather3A_633 = tpu.vector_load_idx %arg17[%add3A_548, %add3A_627] : memref<64x128xf32, #tpu.memory_space<vmem>>[vector<16xi32>, vector<16xi32>], vector<16xf32>,
        %gather3A_634 = tpu.vector_load_idx %arg16[%add3A_548, %add3A_627] : memref<64x128xf32, #tpu.memory_space<vmem>>[vector<16xi32>, vector<16xi32>], vector<16xf32>,
        %gather3A_635 = tpu.vector_load_idx %arg18[%add3A_548, %add3A_627] : memref<64x128xf32, #tpu.memory_space<vmem>>[vector<16xi32>, vector<16xi32>], vector<16xf32>,
        %gather3A_636 = tpu.vector_load_idx %arg19[%add3A_548, %broadcast_in_dim3A_625] : memref<64x128xf32, #tpu.memory_space<vmem>>[vector<16xi32>, vector<16xi32>], vector<16xf32>,
        %add3A_637 = arith.constant 64 : i32
        %add3A_638 = vector.broadcast %add3A_637 : i32 to vector<16xi32>
        %add3A_639 = arith.addi %broadcast_in_dim3A_625, %add3A_638 : vector<16xi32>
        %gather3A_640 = tpu.vector_load_idx %arg19[%add3A_548, %add3A_639] : memref<64x128xf32, #tpu.memory_space<vmem>>[vector<16xi32>, vector<16xi32>], vector<16xf32>,
        %sub3A_641 = arith.subf %gather3A, %gather3A_632 : vector<16xf32>
        %sub3A_642 = arith.subf %gather3A_631, %gather3A_634 : vector<16xf32>
        %mul3A_643 = arith.mulf %sub3A_641, %sub3A_641 : vector<16xf32>
        %add3A_644 = arith.constant 9.99999974E-6 : f32
        %add3A_645 = vector.broadcast %add3A_644 : f32 to vector<16xf32>
        %add3A_646 = arith.addf %gather3A_633, %add3A_645 : vector<16xf32>
        %div3A = arith.divf %mul3A_643, %add3A_646 : vector<16xf32>
        %add3A_647 = arith.addf %scan3A_616, %div3A : vector<16xf32>
        %mul3A_648 = arith.mulf %sub3A_642, %sub3A_642 : vector<16xf32>
        %add3A_649 = arith.constant 9.99999974E-6 : f32
        %add3A_650 = vector.broadcast %add3A_649 : f32 to vector<16xf32>
        %add3A_651 = arith.addf %gather3A_635, %add3A_650 : vector<16xf32>
        %div3A_652 = arith.divf %mul3A_648, %add3A_651 : vector<16xf32>
        %add3A_653 = arith.addf %scan3A_617, %div3A_652 : vector<16xf32>
        %mul3A_654 = arith.mulf %gather3A, %gather3A_636 : vector<16xf32>
        %add3A_655 = arith.addf %scan3A_618, %mul3A_654 : vector<16xf32>
        %mul3A_656 = arith.mulf %gather3A_631, %gather3A_640 : vector<16xf32>
        %add3A_657 = arith.addf %add3A_655, %mul3A_656 : vector<16xf32>
        %mul3A_658 = arith.mulf %gather3A, %gather3A : vector<16xf32>
        %add3A_659 = arith.addf %scan3A_619, %mul3A_658 : vector<16xf32>
        %mul3A_660 = arith.mulf %gather3A_631, %gather3A_631 : vector<16xf32>
        %add3A_661 = arith.addf %add3A_659, %mul3A_660 : vector<16xf32>
        %mul3A_662 = arith.mulf %gather3A_636, %gather3A_636 : vector<16xf32>
        %add3A_663 = arith.addf %scan3A_620, %mul3A_662 : vector<16xf32>
        %mul3A_664 = arith.mulf %gather3A_640, %gather3A_640 : vector<16xf32>
        %add3A_665 = arith.addf %add3A_663, %mul3A_664 : vector<16xf32>
        %mul3A_666 = arith.constant 2 : i32
        %mul3A_667 = arith.muli %mul3A_666, %scan3A_615 : i32
        %add3A_668 = arith.constant 1 : i32
        %add3A_669 = arith.addi %mul3A_667, %add3A_668 : i32
        %broadcast_in_dim3A_670 = vector.broadcast %add3A_669 : i32 to vector<16xi32>
        %add3A_671 = vector.broadcast %add3A_669 : i32 to vector<16xi32>
        %add3A_672 = arith.addi %mul3A_558, %add3A_671 : vector<16xi32>
        %gather3A_673 = tpu.vector_load_idx %arg14[%add3A_548, %broadcast_in_dim3A_670] : memref<64x128xf32, #tpu.memory_space<vmem>>[vector<16xi32>, vector<16xi32>], vector<16xf32>,
        %add3A_674 = arith.constant 64 : i32
        %add3A_675 = vector.broadcast %add3A_674 : i32 to vector<16xi32>
        %add3A_676 = arith.addi %broadcast_in_dim3A_670, %add3A_675 : vector<16xi32>
        %gather3A_677 = tpu.vector_load_idx %arg14[%add3A_548, %add3A_676] : memref<64x128xf32, #tpu.memory_space<vmem>>[vector<16xi32>, vector<16xi32>], vector<16xf32>,
        %gather3A_678 = tpu.vector_load_idx %arg15[%add3A_548, %add3A_672] : memref<64x128xf32, #tpu.memory_space<vmem>>[vector<16xi32>, vector<16xi32>], vector<16xf32>,
        %gather3A_679 = tpu.vector_load_idx %arg17[%add3A_548, %add3A_672] : memref<64x128xf32, #tpu.memory_space<vmem>>[vector<16xi32>, vector<16xi32>], vector<16xf32>,
        %gather3A_680 = tpu.vector_load_idx %arg16[%add3A_548, %add3A_672] : memref<64x128xf32, #tpu.memory_space<vmem>>[vector<16xi32>, vector<16xi32>], vector<16xf32>,
        %gather3A_681 = tpu.vector_load_idx %arg18[%add3A_548, %add3A_672] : memref<64x128xf32, #tpu.memory_space<vmem>>[vector<16xi32>, vector<16xi32>], vector<16xf32>,
        %gather3A_682 = tpu.vector_load_idx %arg19[%add3A_548, %broadcast_in_dim3A_670] : memref<64x128xf32, #tpu.memory_space<vmem>>[vector<16xi32>, vector<16xi32>], vector<16xf32>,
        %add3A_683 = arith.constant 64 : i32
        %add3A_684 = vector.broadcast %add3A_683 : i32 to vector<16xi32>
        %add3A_685 = arith.addi %broadcast_in_dim3A_670, %add3A_684 : vector<16xi32>
        %gather3A_686 = tpu.vector_load_idx %arg19[%add3A_548, %add3A_685] : memref<64x128xf32, #tpu.memory_space<vmem>>[vector<16xi32>, vector<16xi32>], vector<16xf32>,
        %sub3A_687 = arith.subf %gather3A_673, %gather3A_678 : vector<16xf32>
        %sub3A_688 = arith.subf %gather3A_677, %gather3A_680 : vector<16xf32>
        %mul3A_689 = arith.mulf %sub3A_687, %sub3A_687 : vector<16xf32>
        %add3A_690 = arith.constant 9.99999974E-6 : f32
        %add3A_691 = vector.broadcast %add3A_690 : f32 to vector<16xf32>
        %add3A_692 = arith.addf %gather3A_679, %add3A_691 : vector<16xf32>
        %div3A_693 = arith.divf %mul3A_689, %add3A_692 : vector<16xf32>
        %add3A_694 = arith.addf %add3A_647, %div3A_693 : vector<16xf32>
        %mul3A_695 = arith.mulf %sub3A_688, %sub3A_688 : vector<16xf32>
        %add3A_696 = arith.constant 9.99999974E-6 : f32
        %add3A_697 = vector.broadcast %add3A_696 : f32 to vector<16xf32>
        %add3A_698 = arith.addf %gather3A_681, %add3A_697 : vector<16xf32>
        %div3A_699 = arith.divf %mul3A_695, %add3A_698 : vector<16xf32>
        %add3A_700 = arith.addf %add3A_653, %div3A_699 : vector<16xf32>
        %mul3A_701 = arith.mulf %gather3A_673, %gather3A_682 : vector<16xf32>
        %add3A_702 = arith.addf %add3A_657, %mul3A_701 : vector<16xf32>
        %mul3A_703 = arith.mulf %gather3A_677, %gather3A_686 : vector<16xf32>
        %add3A_704 = arith.addf %add3A_702, %mul3A_703 : vector<16xf32>
        %mul3A_705 = arith.mulf %gather3A_673, %gather3A_673 : vector<16xf32>
        %add3A_706 = arith.addf %add3A_661, %mul3A_705 : vector<16xf32>
        %mul3A_707 = arith.mulf %gather3A_677, %gather3A_677 : vector<16xf32>
        %add3A_708 = arith.addf %add3A_706, %mul3A_707 : vector<16xf32>
        %mul3A_709 = arith.mulf %gather3A_682, %gather3A_682 : vector<16xf32>
        %add3A_710 = arith.addf %add3A_665, %mul3A_709 : vector<16xf32>
        %mul3A_711 = arith.mulf %gather3A_686, %gather3A_686 : vector<16xf32>
        %add3A_712 = arith.addf %add3A_710, %mul3A_711 : vector<16xf32>
        scf.yield %add3A_694, %add3A_700, %add3A_704, %add3A_708, %add3A_712 : vector<16xf32>, vector<16xf32>, vector<16xf32>, vector<16xf32>, vector<16xf32>
      }
      %scan3A_565 = arith.constant 32 : i32
      %mul3A_566 = arith.mulf %scan3A_564#3, %scan3A_564#4 : vector<16xf32>
      %max3A = arith.constant 1.000000e-24 : f32
      %max3A_567 = vector.broadcast %max3A : f32 to vector<16xf32>
      %max3A_568 = arith.maximumf %mul3A_566, %max3A_567 : vector<16xf32>
      %bitcast3A = vector.bitcast %max3A_568 : vector<16xf32> to vector<16xi32>
      %shift_right_arithmetic3A = arith.constant 1 : i32
      %shift_right_arithmetic3A_569 = vector.broadcast %shift_right_arithmetic3A : i32 to vector<16xi32>
      %shift_right_arithmetic3A_570 = arith.shrsi %bitcast3A, %shift_right_arithmetic3A_569 : vector<16xi32>
      %sub3A = arith.constant 1597463007 : i32
      %sub3A_571 = vector.broadcast %sub3A : i32 to vector<16xi32>
      %sub3A_572 = arith.subi %sub3A_571, %shift_right_arithmetic3A_570 : vector<16xi32>
      %bitcast3A_573 = vector.bitcast %sub3A_572 : vector<16xi32> to vector<16xf32>
      %mul3A_574 = arith.constant 5.000000e-01 : f32
      %mul3A_575 = vector.broadcast %mul3A_574 : f32 to vector<16xf32>
      %mul3A_576 = arith.mulf %mul3A_575, %max3A_568 : vector<16xf32>
      %mul3A_577 = arith.mulf %mul3A_576, %bitcast3A_573 : vector<16xf32>
      %mul3A_578 = arith.mulf %mul3A_577, %bitcast3A_573 : vector<16xf32>
      %sub3A_579 = arith.constant 1.500000e+00 : f32
      %sub3A_580 = vector.broadcast %sub3A_579 : f32 to vector<16xf32>
      %sub3A_581 = arith.subf %sub3A_580, %mul3A_578 : vector<16xf32>
      %mul3A_582 = arith.mulf %bitcast3A_573, %sub3A_581 : vector<16xf32>
      %mul3A_583 = arith.constant 5.000000e-01 : f32
      %mul3A_584 = vector.broadcast %mul3A_583 : f32 to vector<16xf32>
      %mul3A_585 = arith.mulf %mul3A_584, %max3A_568 : vector<16xf32>
      %mul3A_586 = arith.mulf %mul3A_585, %mul3A_582 : vector<16xf32>
      %mul3A_587 = arith.mulf %mul3A_586, %mul3A_582 : vector<16xf32>
      %sub3A_588 = arith.constant 1.500000e+00 : f32
      %sub3A_589 = vector.broadcast %sub3A_588 : f32 to vector<16xf32>
      %sub3A_590 = arith.subf %sub3A_589, %mul3A_587 : vector<16xf32>
      %mul3A_591 = arith.mulf %mul3A_582, %sub3A_590 : vector<16xf32>
      %mul3A_592 = arith.constant 5.000000e-01 : f32
      %mul3A_593 = vector.broadcast %mul3A_592 : f32 to vector<16xf32>
      %mul3A_594 = arith.mulf %mul3A_593, %max3A_568 : vector<16xf32>
      %mul3A_595 = arith.mulf %mul3A_594, %mul3A_591 : vector<16xf32>
      %mul3A_596 = arith.mulf %mul3A_595, %mul3A_591 : vector<16xf32>
      %sub3A_597 = arith.constant 1.500000e+00 : f32
      %sub3A_598 = vector.broadcast %sub3A_597 : f32 to vector<16xf32>
      %sub3A_599 = arith.subf %sub3A_598, %mul3A_596 : vector<16xf32>
      %mul3A_600 = arith.mulf %mul3A_591, %sub3A_599 : vector<16xf32>
      %mul3A_601 = arith.mulf %scan3A_564#2, %mul3A_600 : vector<16xf32>
      %sub3A_602 = arith.constant 1.000000e+00 : f32
      %sub3A_603 = vector.broadcast %sub3A_602 : f32 to vector<16xf32>
      %sub3A_604 = arith.subf %sub3A_603, %mul3A_601 : vector<16xf32>
      %mul3A_605 = arith.constant 16 : i32
      %mul3A_606 = arith.muli %scan3A_543, %mul3A_605 : i32
      %add3A_607 = arith.constant 128 : i32
      %add3A_608 = arith.addi %add3A_607, %mul3A_606 : i32
      %swap3A = arith.index_cast %add3A_608 : i32 to index
      %swap3A_609 = tpu.vector_load %arg26[%swap3A] {strides = array<i32>} : memref<512xf32, #tpu.memory_space<vmem>>, vector<16xf32>,
      tpu.vector_store %arg26[%swap3A], %scan3A_564#0 {strides = array<i32>} : memref<512xf32, #tpu.memory_space<vmem>>, vector<16xf32>,
      %swap3A_610 = arith.index_cast %add3A_608 : i32 to index
      %swap3A_611 = tpu.vector_load %arg27[%swap3A_610] {strides = array<i32>} : memref<512xf32, #tpu.memory_space<vmem>>, vector<16xf32>,
      tpu.vector_store %arg27[%swap3A_610], %scan3A_564#1 {strides = array<i32>} : memref<512xf32, #tpu.memory_space<vmem>>, vector<16xf32>,
      %swap3A_612 = arith.index_cast %add3A_608 : i32 to index
      %swap3A_613 = tpu.vector_load %arg28[%swap3A_612] {strides = array<i32>} : memref<512xf32, #tpu.memory_space<vmem>>, vector<16xf32>,
      tpu.vector_store %arg28[%swap3A_612], %sub3A_604 {strides = array<i32>} : memref<512xf32, #tpu.memory_space<vmem>>, vector<16xf32>,
      %scan3A_614 = arith.constant 0 : i32
      scf.yield %scan3A_614 : i32
    }
    %scan3A_238 = arith.constant 4 : i32
    %add3A_239 = arith.constant 256 : i32
    %add3A_240 = arith.addi %mul3A_2, %add3A_239 : i32
    %dma_start3A_241 = arith.constant 0 : i32
    %dma_start3A_242 = tpu.memref_slice %arg2[%add3A_240, %dma_start3A_241] : memref<16384x128xf32, #tpu.memory_space<hbm>> -> memref<64x128xf32, #tpu.memory_space<hbm>>
    %dma_start3A_243 = arith.constant 0 : i32
    %dma_start3A_244 = tpu.memref_slice %arg2[%add3A_240, %dma_start3A_243] : memref<16384x128xf32, #tpu.memory_space<hbm>> -> memref<64x128xf32, #tpu.memory_space<hbm>>
    tpu.enqueue_dma source(%dma_start3A_244 : memref<64x128xf32, #tpu.memory_space<hbm>>) target(%arg14 : memref<64x128xf32, #tpu.memory_space<vmem>>) target_semaphore(%arg29 : memref<!tpu.dma_semaphore, #tpu.memory_space<semaphore_mem>>)
    %dma_start3A_245 = arith.constant 256 : i32
    %dma_start3A_246 = tpu.memref_slice %arg13[%dma_start3A_245] : memref<512xi32, #tpu.memory_space<vmem>> -> memref<64xi32, #tpu.memory_space<vmem>>
    %dma_start3A_247 = arith.constant 0 : i32
    %dma_start3A_248 = arith.constant 0 : i32
    %dma_start3A_249 = tpu.memref_slice %arg4[%dma_start3A_247, %dma_start3A_248] : memref<50000x128xf32, #tpu.memory_space<hbm>> -> memref<50000x128xf32, #tpu.memory_space<hbm>>
    tpu.enqueue_indirect_dma source(%dma_start3A_249 : memref<50000x128xf32, #tpu.memory_space<hbm>>) target(%arg15 : memref<64x128xf32, #tpu.memory_space<vmem>>) offsets(%dma_start3A_246 : memref<64xi32, #tpu.memory_space<vmem>>) semaphore(%arg29 : memref<!tpu.dma_semaphore, #tpu.memory_space<semaphore_mem>>)
    %dma_start3A_250 = arith.constant 256 : i32
    %dma_start3A_251 = tpu.memref_slice %arg13[%dma_start3A_250] : memref<512xi32, #tpu.memory_space<vmem>> -> memref<64xi32, #tpu.memory_space<vmem>>
    %dma_start3A_252 = arith.constant 0 : i32
    %dma_start3A_253 = arith.constant 0 : i32
    %dma_start3A_254 = tpu.memref_slice %arg5[%dma_start3A_252, %dma_start3A_253] : memref<50000x128xf32, #tpu.memory_space<hbm>> -> memref<50000x128xf32, #tpu.memory_space<hbm>>
    tpu.enqueue_indirect_dma source(%dma_start3A_254 : memref<50000x128xf32, #tpu.memory_space<hbm>>) target(%arg16 : memref<64x128xf32, #tpu.memory_space<vmem>>) offsets(%dma_start3A_251 : memref<64xi32, #tpu.memory_space<vmem>>) semaphore(%arg29 : memref<!tpu.dma_semaphore, #tpu.memory_space<semaphore_mem>>)
    %dma_start3A_255 = arith.constant 256 : i32
    %dma_start3A_256 = tpu.memref_slice %arg13[%dma_start3A_255] : memref<512xi32, #tpu.memory_space<vmem>> -> memref<64xi32, #tpu.memory_space<vmem>>
    %dma_start3A_257 = arith.constant 0 : i32
    %dma_start3A_258 = arith.constant 0 : i32
    %dma_start3A_259 = tpu.memref_slice %arg6[%dma_start3A_257, %dma_start3A_258] : memref<50000x128xf32, #tpu.memory_space<hbm>> -> memref<50000x128xf32, #tpu.memory_space<hbm>>
    tpu.enqueue_indirect_dma source(%dma_start3A_259 : memref<50000x128xf32, #tpu.memory_space<hbm>>) target(%arg17 : memref<64x128xf32, #tpu.memory_space<vmem>>) offsets(%dma_start3A_256 : memref<64xi32, #tpu.memory_space<vmem>>) semaphore(%arg29 : memref<!tpu.dma_semaphore, #tpu.memory_space<semaphore_mem>>)
    %dma_start3A_260 = arith.constant 256 : i32
    %dma_start3A_261 = tpu.memref_slice %arg13[%dma_start3A_260] : memref<512xi32, #tpu.memory_space<vmem>> -> memref<64xi32, #tpu.memory_space<vmem>>
    %dma_start3A_262 = arith.constant 0 : i32
    %dma_start3A_263 = arith.constant 0 : i32
    %dma_start3A_264 = tpu.memref_slice %arg7[%dma_start3A_262, %dma_start3A_263] : memref<50000x128xf32, #tpu.memory_space<hbm>> -> memref<50000x128xf32, #tpu.memory_space<hbm>>
    tpu.enqueue_indirect_dma source(%dma_start3A_264 : memref<50000x128xf32, #tpu.memory_space<hbm>>) target(%arg18 : memref<64x128xf32, #tpu.memory_space<vmem>>) offsets(%dma_start3A_261 : memref<64xi32, #tpu.memory_space<vmem>>) semaphore(%arg29 : memref<!tpu.dma_semaphore, #tpu.memory_space<semaphore_mem>>)
    %dma_start3A_265 = arith.constant 256 : i32
    %dma_start3A_266 = tpu.memref_slice %arg12[%dma_start3A_265] : memref<512xi32, #tpu.memory_space<vmem>> -> memref<64xi32, #tpu.memory_space<vmem>>
    %dma_start3A_267 = arith.constant 0 : i32
    %dma_start3A_268 = arith.constant 0 : i32
    %dma_start3A_269 = tpu.memref_slice %arg8[%dma_start3A_267, %dma_start3A_268] : memref<100000x128xf32, #tpu.memory_space<hbm>> -> memref<100000x128xf32, #tpu.memory_space<hbm>>
    tpu.enqueue_indirect_dma source(%dma_start3A_269 : memref<100000x128xf32, #tpu.memory_space<hbm>>) target(%arg19 : memref<64x128xf32, #tpu.memory_space<vmem>>) offsets(%dma_start3A_266 : memref<64xi32, #tpu.memory_space<vmem>>) semaphore(%arg29 : memref<!tpu.dma_semaphore, #tpu.memory_space<semaphore_mem>>)
    %dma_wait3A_270 = arith.constant 0 : i32
    %dma_wait3A_271 = tpu.memref_slice %arg2[%add3A_173, %dma_wait3A_270] : memref<16384x128xf32, #tpu.memory_space<hbm>> -> memref<64x128xf32, #tpu.memory_space<hbm>>
    %dma_wait3A_272 = arith.constant 0 : i32
    %dma_wait3A_273 = tpu.memref_slice %arg2[%add3A_173, %dma_wait3A_272] : memref<16384x128xf32, #tpu.memory_space<hbm>> -> memref<64x128xf32, #tpu.memory_space<hbm>>
    tpu.wait_dma2 semaphore(%arg30 : memref<!tpu.dma_semaphore, #tpu.memory_space<semaphore_mem>>) src(%dma_wait3A_273 : memref<64x128xf32, #tpu.memory_space<hbm>>) dst(%arg20 : memref<64x128xf32, #tpu.memory_space<vmem>>)
    %dma_wait3A_274 = arith.constant 192 : i32
    %dma_wait3A_275 = tpu.memref_slice %arg13[%dma_wait3A_274] : memref<512xi32, #tpu.memory_space<vmem>> -> memref<64xi32, #tpu.memory_space<vmem>>
    %dma_wait3A_276 = arith.constant 0 : i32
    %dma_wait3A_277 = arith.constant 0 : i32
    %dma_wait3A_278 = tpu.memref_slice %arg4[%dma_wait3A_276, %dma_wait3A_277] : memref<50000x128xf32, #tpu.memory_space<hbm>> -> memref<50000x128xf32, #tpu.memory_space<hbm>>
    tpu.wait_indirect_dma semaphore(%arg30 : memref<!tpu.dma_semaphore, #tpu.memory_space<semaphore_mem>>) src(%dma_wait3A_278 : memref<50000x128xf32, #tpu.memory_space<hbm>>) dst(%arg21 : memref<64x128xf32, #tpu.memory_space<vmem>>)
    %dma_wait3A_279 = arith.constant 192 : i32
    %dma_wait3A_280 = tpu.memref_slice %arg13[%dma_wait3A_279] : memref<512xi32, #tpu.memory_space<vmem>> -> memref<64xi32, #tpu.memory_space<vmem>>
    %dma_wait3A_281 = arith.constant 0 : i32
    %dma_wait3A_282 = arith.constant 0 : i32
    %dma_wait3A_283 = tpu.memref_slice %arg5[%dma_wait3A_281, %dma_wait3A_282] : memref<50000x128xf32, #tpu.memory_space<hbm>> -> memref<50000x128xf32, #tpu.memory_space<hbm>>
    tpu.wait_indirect_dma semaphore(%arg30 : memref<!tpu.dma_semaphore, #tpu.memory_space<semaphore_mem>>) src(%dma_wait3A_283 : memref<50000x128xf32, #tpu.memory_space<hbm>>) dst(%arg22 : memref<64x128xf32, #tpu.memory_space<vmem>>)
    %dma_wait3A_284 = arith.constant 192 : i32
    %dma_wait3A_285 = tpu.memref_slice %arg13[%dma_wait3A_284] : memref<512xi32, #tpu.memory_space<vmem>> -> memref<64xi32, #tpu.memory_space<vmem>>
    %dma_wait3A_286 = arith.constant 0 : i32
    %dma_wait3A_287 = arith.constant 0 : i32
    %dma_wait3A_288 = tpu.memref_slice %arg6[%dma_wait3A_286, %dma_wait3A_287] : memref<50000x128xf32, #tpu.memory_space<hbm>> -> memref<50000x128xf32, #tpu.memory_space<hbm>>
    tpu.wait_indirect_dma semaphore(%arg30 : memref<!tpu.dma_semaphore, #tpu.memory_space<semaphore_mem>>) src(%dma_wait3A_288 : memref<50000x128xf32, #tpu.memory_space<hbm>>) dst(%arg23 : memref<64x128xf32, #tpu.memory_space<vmem>>)
    %dma_wait3A_289 = arith.constant 192 : i32
    %dma_wait3A_290 = tpu.memref_slice %arg13[%dma_wait3A_289] : memref<512xi32, #tpu.memory_space<vmem>> -> memref<64xi32, #tpu.memory_space<vmem>>
    %dma_wait3A_291 = arith.constant 0 : i32
    %dma_wait3A_292 = arith.constant 0 : i32
    %dma_wait3A_293 = tpu.memref_slice %arg7[%dma_wait3A_291, %dma_wait3A_292] : memref<50000x128xf32, #tpu.memory_space<hbm>> -> memref<50000x128xf32, #tpu.memory_space<hbm>>
    tpu.wait_indirect_dma semaphore(%arg30 : memref<!tpu.dma_semaphore, #tpu.memory_space<semaphore_mem>>) src(%dma_wait3A_293 : memref<50000x128xf32, #tpu.memory_space<hbm>>) dst(%arg24 : memref<64x128xf32, #tpu.memory_space<vmem>>)
    %dma_wait3A_294 = arith.constant 192 : i32
    %dma_wait3A_295 = tpu.memref_slice %arg12[%dma_wait3A_294] : memref<512xi32, #tpu.memory_space<vmem>> -> memref<64xi32, #tpu.memory_space<vmem>>
    %dma_wait3A_296 = arith.constant 0 : i32
    %dma_wait3A_297 = arith.constant 0 : i32
    %dma_wait3A_298 = tpu.memref_slice %arg8[%dma_wait3A_296, %dma_wait3A_297] : memref<100000x128xf32, #tpu.memory_space<hbm>> -> memref<100000x128xf32, #tpu.memory_space<hbm>>
    tpu.wait_indirect_dma semaphore(%arg30 : memref<!tpu.dma_semaphore, #tpu.memory_space<semaphore_mem>>) src(%dma_wait3A_298 : memref<100000x128xf32, #tpu.memory_space<hbm>>) dst(%arg25 : memref<64x128xf32, #tpu.memory_space<vmem>>)
    %scan3A_299 = arith.constant 0 : i32
    %scan3A_300 = arith.constant 0 : i32
    %scan3A_301 = arith.constant 4 : i32
    %scan3A_302 = arith.addi %scan3A_300, %scan3A_301 : i32
    %scan3A_303 = arith.constant 1 : i32
    %scan3A_304 = scf.for %scan3A_543 = %scan3A_300 to %scan3A_302 step %scan3A_303 iter_args(%scan3A_544 = %scan3A_299) -> (i32)  : i32 {
      %iota3A = tpu.iota {dimensions = array<i32: 0>} : vector<16xi32>
      %mul3A_545 = arith.constant 16 : i32
      %mul3A_546 = arith.muli %scan3A_543, %mul3A_545 : i32
      %add3A_547 = vector.broadcast %mul3A_546 : i32 to vector<16xi32>
      %add3A_548 = arith.addi %iota3A, %add3A_547 : vector<16xi32>
      %mul3A_549 = arith.constant 16 : i32
      %mul3A_550 = arith.muli %scan3A_543, %mul3A_549 : i32
      %add3A_551 = arith.constant 192 : i32
      %add3A_552 = arith.addi %add3A_551, %mul3A_550 : i32
      %get3A = arith.index_cast %add3A_552 : i32 to index
      %get3A_553 = tpu.vector_load %arg12[%get3A] {strides = array<i32>} : memref<512xi32, #tpu.memory_space<vmem>>, vector<16xi32>,
      %and3A = arith.constant 1 : i32
      %and3A_554 = vector.broadcast %and3A : i32 to vector<16xi32>
      %and3A_555 = arith.andi %get3A_553, %and3A_554 : vector<16xi32>
      %mul3A_556 = arith.constant 64 : i32
      %mul3A_557 = vector.broadcast %mul3A_556 : i32 to vector<16xi32>
      %mul3A_558 = arith.muli %and3A_555, %mul3A_557 : vector<16xi32>
      %broadcast_in_dim3A = arith.constant 0.000000e+00 : f32
      %broadcast_in_dim3A_559 = vector.broadcast %broadcast_in_dim3A : f32 to vector<16xf32>
      %scan3A_560 = arith.constant 0 : i32
      %scan3A_561 = arith.constant 32 : i32
      %scan3A_562 = arith.addi %scan3A_560, %scan3A_561 : i32
      %scan3A_563 = arith.constant 1 : i32
      %scan3A_564:5 = scf.for %scan3A_615 = %scan3A_560 to %scan3A_562 step %scan3A_563 iter_args(%scan3A_616 = %broadcast_in_dim3A_559, %scan3A_617 = %broadcast_in_dim3A_559, %scan3A_618 = %broadcast_in_dim3A_559, %scan3A_619 = %broadcast_in_dim3A_559, %scan3A_620 = %broadcast_in_dim3A_559) -> (vector<16xf32>, vector<16xf32>, vector<16xf32>, vector<16xf32>, vector<16xf32>)  : i32 {
        %mul3A_621 = arith.constant 2 : i32
        %mul3A_622 = arith.muli %mul3A_621, %scan3A_615 : i32
        %add3A_623 = arith.constant 0 : i32
        %add3A_624 = arith.addi %mul3A_622, %add3A_623 : i32
        %broadcast_in_dim3A_625 = vector.broadcast %add3A_624 : i32 to vector<16xi32>
        %add3A_626 = vector.broadcast %add3A_624 : i32 to vector<16xi32>
        %add3A_627 = arith.addi %mul3A_558, %add3A_626 : vector<16xi32>
        %gather3A = tpu.vector_load_idx %arg20[%add3A_548, %broadcast_in_dim3A_625] : memref<64x128xf32, #tpu.memory_space<vmem>>[vector<16xi32>, vector<16xi32>], vector<16xf32>,
        %add3A_628 = arith.constant 64 : i32
        %add3A_629 = vector.broadcast %add3A_628 : i32 to vector<16xi32>
        %add3A_630 = arith.addi %broadcast_in_dim3A_625, %add3A_629 : vector<16xi32>
        %gather3A_631 = tpu.vector_load_idx %arg20[%add3A_548, %add3A_630] : memref<64x128xf32, #tpu.memory_space<vmem>>[vector<16xi32>, vector<16xi32>], vector<16xf32>,
        %gather3A_632 = tpu.vector_load_idx %arg21[%add3A_548, %add3A_627] : memref<64x128xf32, #tpu.memory_space<vmem>>[vector<16xi32>, vector<16xi32>], vector<16xf32>,
        %gather3A_633 = tpu.vector_load_idx %arg23[%add3A_548, %add3A_627] : memref<64x128xf32, #tpu.memory_space<vmem>>[vector<16xi32>, vector<16xi32>], vector<16xf32>,
        %gather3A_634 = tpu.vector_load_idx %arg22[%add3A_548, %add3A_627] : memref<64x128xf32, #tpu.memory_space<vmem>>[vector<16xi32>, vector<16xi32>], vector<16xf32>,
        %gather3A_635 = tpu.vector_load_idx %arg24[%add3A_548, %add3A_627] : memref<64x128xf32, #tpu.memory_space<vmem>>[vector<16xi32>, vector<16xi32>], vector<16xf32>,
        %gather3A_636 = tpu.vector_load_idx %arg25[%add3A_548, %broadcast_in_dim3A_625] : memref<64x128xf32, #tpu.memory_space<vmem>>[vector<16xi32>, vector<16xi32>], vector<16xf32>,
        %add3A_637 = arith.constant 64 : i32
        %add3A_638 = vector.broadcast %add3A_637 : i32 to vector<16xi32>
        %add3A_639 = arith.addi %broadcast_in_dim3A_625, %add3A_638 : vector<16xi32>
        %gather3A_640 = tpu.vector_load_idx %arg25[%add3A_548, %add3A_639] : memref<64x128xf32, #tpu.memory_space<vmem>>[vector<16xi32>, vector<16xi32>], vector<16xf32>,
        %sub3A_641 = arith.subf %gather3A, %gather3A_632 : vector<16xf32>
        %sub3A_642 = arith.subf %gather3A_631, %gather3A_634 : vector<16xf32>
        %mul3A_643 = arith.mulf %sub3A_641, %sub3A_641 : vector<16xf32>
        %add3A_644 = arith.constant 9.99999974E-6 : f32
        %add3A_645 = vector.broadcast %add3A_644 : f32 to vector<16xf32>
        %add3A_646 = arith.addf %gather3A_633, %add3A_645 : vector<16xf32>
        %div3A = arith.divf %mul3A_643, %add3A_646 : vector<16xf32>
        %add3A_647 = arith.addf %scan3A_616, %div3A : vector<16xf32>
        %mul3A_648 = arith.mulf %sub3A_642, %sub3A_642 : vector<16xf32>
        %add3A_649 = arith.constant 9.99999974E-6 : f32
        %add3A_650 = vector.broadcast %add3A_649 : f32 to vector<16xf32>
        %add3A_651 = arith.addf %gather3A_635, %add3A_650 : vector<16xf32>
        %div3A_652 = arith.divf %mul3A_648, %add3A_651 : vector<16xf32>
        %add3A_653 = arith.addf %scan3A_617, %div3A_652 : vector<16xf32>
        %mul3A_654 = arith.mulf %gather3A, %gather3A_636 : vector<16xf32>
        %add3A_655 = arith.addf %scan3A_618, %mul3A_654 : vector<16xf32>
        %mul3A_656 = arith.mulf %gather3A_631, %gather3A_640 : vector<16xf32>
        %add3A_657 = arith.addf %add3A_655, %mul3A_656 : vector<16xf32>
        %mul3A_658 = arith.mulf %gather3A, %gather3A : vector<16xf32>
        %add3A_659 = arith.addf %scan3A_619, %mul3A_658 : vector<16xf32>
        %mul3A_660 = arith.mulf %gather3A_631, %gather3A_631 : vector<16xf32>
        %add3A_661 = arith.addf %add3A_659, %mul3A_660 : vector<16xf32>
        %mul3A_662 = arith.mulf %gather3A_636, %gather3A_636 : vector<16xf32>
        %add3A_663 = arith.addf %scan3A_620, %mul3A_662 : vector<16xf32>
        %mul3A_664 = arith.mulf %gather3A_640, %gather3A_640 : vector<16xf32>
        %add3A_665 = arith.addf %add3A_663, %mul3A_664 : vector<16xf32>
        %mul3A_666 = arith.constant 2 : i32
        %mul3A_667 = arith.muli %mul3A_666, %scan3A_615 : i32
        %add3A_668 = arith.constant 1 : i32
        %add3A_669 = arith.addi %mul3A_667, %add3A_668 : i32
        %broadcast_in_dim3A_670 = vector.broadcast %add3A_669 : i32 to vector<16xi32>
        %add3A_671 = vector.broadcast %add3A_669 : i32 to vector<16xi32>
        %add3A_672 = arith.addi %mul3A_558, %add3A_671 : vector<16xi32>
        %gather3A_673 = tpu.vector_load_idx %arg20[%add3A_548, %broadcast_in_dim3A_670] : memref<64x128xf32, #tpu.memory_space<vmem>>[vector<16xi32>, vector<16xi32>], vector<16xf32>,
        %add3A_674 = arith.constant 64 : i32
        %add3A_675 = vector.broadcast %add3A_674 : i32 to vector<16xi32>
        %add3A_676 = arith.addi %broadcast_in_dim3A_670, %add3A_675 : vector<16xi32>
        %gather3A_677 = tpu.vector_load_idx %arg20[%add3A_548, %add3A_676] : memref<64x128xf32, #tpu.memory_space<vmem>>[vector<16xi32>, vector<16xi32>], vector<16xf32>,
        %gather3A_678 = tpu.vector_load_idx %arg21[%add3A_548, %add3A_672] : memref<64x128xf32, #tpu.memory_space<vmem>>[vector<16xi32>, vector<16xi32>], vector<16xf32>,
        %gather3A_679 = tpu.vector_load_idx %arg23[%add3A_548, %add3A_672] : memref<64x128xf32, #tpu.memory_space<vmem>>[vector<16xi32>, vector<16xi32>], vector<16xf32>,
        %gather3A_680 = tpu.vector_load_idx %arg22[%add3A_548, %add3A_672] : memref<64x128xf32, #tpu.memory_space<vmem>>[vector<16xi32>, vector<16xi32>], vector<16xf32>,
        %gather3A_681 = tpu.vector_load_idx %arg24[%add3A_548, %add3A_672] : memref<64x128xf32, #tpu.memory_space<vmem>>[vector<16xi32>, vector<16xi32>], vector<16xf32>,
        %gather3A_682 = tpu.vector_load_idx %arg25[%add3A_548, %broadcast_in_dim3A_670] : memref<64x128xf32, #tpu.memory_space<vmem>>[vector<16xi32>, vector<16xi32>], vector<16xf32>,
        %add3A_683 = arith.constant 64 : i32
        %add3A_684 = vector.broadcast %add3A_683 : i32 to vector<16xi32>
        %add3A_685 = arith.addi %broadcast_in_dim3A_670, %add3A_684 : vector<16xi32>
        %gather3A_686 = tpu.vector_load_idx %arg25[%add3A_548, %add3A_685] : memref<64x128xf32, #tpu.memory_space<vmem>>[vector<16xi32>, vector<16xi32>], vector<16xf32>,
        %sub3A_687 = arith.subf %gather3A_673, %gather3A_678 : vector<16xf32>
        %sub3A_688 = arith.subf %gather3A_677, %gather3A_680 : vector<16xf32>
        %mul3A_689 = arith.mulf %sub3A_687, %sub3A_687 : vector<16xf32>
        %add3A_690 = arith.constant 9.99999974E-6 : f32
        %add3A_691 = vector.broadcast %add3A_690 : f32 to vector<16xf32>
        %add3A_692 = arith.addf %gather3A_679, %add3A_691 : vector<16xf32>
        %div3A_693 = arith.divf %mul3A_689, %add3A_692 : vector<16xf32>
        %add3A_694 = arith.addf %add3A_647, %div3A_693 : vector<16xf32>
        %mul3A_695 = arith.mulf %sub3A_688, %sub3A_688 : vector<16xf32>
        %add3A_696 = arith.constant 9.99999974E-6 : f32
        %add3A_697 = vector.broadcast %add3A_696 : f32 to vector<16xf32>
        %add3A_698 = arith.addf %gather3A_681, %add3A_697 : vector<16xf32>
        %div3A_699 = arith.divf %mul3A_695, %add3A_698 : vector<16xf32>
        %add3A_700 = arith.addf %add3A_653, %div3A_699 : vector<16xf32>
        %mul3A_701 = arith.mulf %gather3A_673, %gather3A_682 : vector<16xf32>
        %add3A_702 = arith.addf %add3A_657, %mul3A_701 : vector<16xf32>
        %mul3A_703 = arith.mulf %gather3A_677, %gather3A_686 : vector<16xf32>
        %add3A_704 = arith.addf %add3A_702, %mul3A_703 : vector<16xf32>
        %mul3A_705 = arith.mulf %gather3A_673, %gather3A_673 : vector<16xf32>
        %add3A_706 = arith.addf %add3A_661, %mul3A_705 : vector<16xf32>
        %mul3A_707 = arith.mulf %gather3A_677, %gather3A_677 : vector<16xf32>
        %add3A_708 = arith.addf %add3A_706, %mul3A_707 : vector<16xf32>
        %mul3A_709 = arith.mulf %gather3A_682, %gather3A_682 : vector<16xf32>
        %add3A_710 = arith.addf %add3A_665, %mul3A_709 : vector<16xf32>
        %mul3A_711 = arith.mulf %gather3A_686, %gather3A_686 : vector<16xf32>
        %add3A_712 = arith.addf %add3A_710, %mul3A_711 : vector<16xf32>
        scf.yield %add3A_694, %add3A_700, %add3A_704, %add3A_708, %add3A_712 : vector<16xf32>, vector<16xf32>, vector<16xf32>, vector<16xf32>, vector<16xf32>
      }
      %scan3A_565 = arith.constant 32 : i32
      %mul3A_566 = arith.mulf %scan3A_564#3, %scan3A_564#4 : vector<16xf32>
      %max3A = arith.constant 1.000000e-24 : f32
      %max3A_567 = vector.broadcast %max3A : f32 to vector<16xf32>
      %max3A_568 = arith.maximumf %mul3A_566, %max3A_567 : vector<16xf32>
      %bitcast3A = vector.bitcast %max3A_568 : vector<16xf32> to vector<16xi32>
      %shift_right_arithmetic3A = arith.constant 1 : i32
      %shift_right_arithmetic3A_569 = vector.broadcast %shift_right_arithmetic3A : i32 to vector<16xi32>
      %shift_right_arithmetic3A_570 = arith.shrsi %bitcast3A, %shift_right_arithmetic3A_569 : vector<16xi32>
      %sub3A = arith.constant 1597463007 : i32
      %sub3A_571 = vector.broadcast %sub3A : i32 to vector<16xi32>
      %sub3A_572 = arith.subi %sub3A_571, %shift_right_arithmetic3A_570 : vector<16xi32>
      %bitcast3A_573 = vector.bitcast %sub3A_572 : vector<16xi32> to vector<16xf32>
      %mul3A_574 = arith.constant 5.000000e-01 : f32
      %mul3A_575 = vector.broadcast %mul3A_574 : f32 to vector<16xf32>
      %mul3A_576 = arith.mulf %mul3A_575, %max3A_568 : vector<16xf32>
      %mul3A_577 = arith.mulf %mul3A_576, %bitcast3A_573 : vector<16xf32>
      %mul3A_578 = arith.mulf %mul3A_577, %bitcast3A_573 : vector<16xf32>
      %sub3A_579 = arith.constant 1.500000e+00 : f32
      %sub3A_580 = vector.broadcast %sub3A_579 : f32 to vector<16xf32>
      %sub3A_581 = arith.subf %sub3A_580, %mul3A_578 : vector<16xf32>
      %mul3A_582 = arith.mulf %bitcast3A_573, %sub3A_581 : vector<16xf32>
      %mul3A_583 = arith.constant 5.000000e-01 : f32
      %mul3A_584 = vector.broadcast %mul3A_583 : f32 to vector<16xf32>
      %mul3A_585 = arith.mulf %mul3A_584, %max3A_568 : vector<16xf32>
      %mul3A_586 = arith.mulf %mul3A_585, %mul3A_582 : vector<16xf32>
      %mul3A_587 = arith.mulf %mul3A_586, %mul3A_582 : vector<16xf32>
      %sub3A_588 = arith.constant 1.500000e+00 : f32
      %sub3A_589 = vector.broadcast %sub3A_588 : f32 to vector<16xf32>
      %sub3A_590 = arith.subf %sub3A_589, %mul3A_587 : vector<16xf32>
      %mul3A_591 = arith.mulf %mul3A_582, %sub3A_590 : vector<16xf32>
      %mul3A_592 = arith.constant 5.000000e-01 : f32
      %mul3A_593 = vector.broadcast %mul3A_592 : f32 to vector<16xf32>
      %mul3A_594 = arith.mulf %mul3A_593, %max3A_568 : vector<16xf32>
      %mul3A_595 = arith.mulf %mul3A_594, %mul3A_591 : vector<16xf32>
      %mul3A_596 = arith.mulf %mul3A_595, %mul3A_591 : vector<16xf32>
      %sub3A_597 = arith.constant 1.500000e+00 : f32
      %sub3A_598 = vector.broadcast %sub3A_597 : f32 to vector<16xf32>
      %sub3A_599 = arith.subf %sub3A_598, %mul3A_596 : vector<16xf32>
      %mul3A_600 = arith.mulf %mul3A_591, %sub3A_599 : vector<16xf32>
      %mul3A_601 = arith.mulf %scan3A_564#2, %mul3A_600 : vector<16xf32>
      %sub3A_602 = arith.constant 1.000000e+00 : f32
      %sub3A_603 = vector.broadcast %sub3A_602 : f32 to vector<16xf32>
      %sub3A_604 = arith.subf %sub3A_603, %mul3A_601 : vector<16xf32>
      %mul3A_605 = arith.constant 16 : i32
      %mul3A_606 = arith.muli %scan3A_543, %mul3A_605 : i32
      %add3A_607 = arith.constant 192 : i32
      %add3A_608 = arith.addi %add3A_607, %mul3A_606 : i32
      %swap3A = arith.index_cast %add3A_608 : i32 to index
      %swap3A_609 = tpu.vector_load %arg26[%swap3A] {strides = array<i32>} : memref<512xf32, #tpu.memory_space<vmem>>, vector<16xf32>,
      tpu.vector_store %arg26[%swap3A], %scan3A_564#0 {strides = array<i32>} : memref<512xf32, #tpu.memory_space<vmem>>, vector<16xf32>,
      %swap3A_610 = arith.index_cast %add3A_608 : i32 to index
      %swap3A_611 = tpu.vector_load %arg27[%swap3A_610] {strides = array<i32>} : memref<512xf32, #tpu.memory_space<vmem>>, vector<16xf32>,
      tpu.vector_store %arg27[%swap3A_610], %scan3A_564#1 {strides = array<i32>} : memref<512xf32, #tpu.memory_space<vmem>>, vector<16xf32>,
      %swap3A_612 = arith.index_cast %add3A_608 : i32 to index
      %swap3A_613 = tpu.vector_load %arg28[%swap3A_612] {strides = array<i32>} : memref<512xf32, #tpu.memory_space<vmem>>, vector<16xf32>,
      tpu.vector_store %arg28[%swap3A_612], %sub3A_604 {strides = array<i32>} : memref<512xf32, #tpu.memory_space<vmem>>, vector<16xf32>,
      %scan3A_614 = arith.constant 0 : i32
      scf.yield %scan3A_614 : i32
    }
    %scan3A_305 = arith.constant 4 : i32
    %add3A_306 = arith.constant 320 : i32
    %add3A_307 = arith.addi %mul3A_2, %add3A_306 : i32
    %dma_start3A_308 = arith.constant 0 : i32
    %dma_start3A_309 = tpu.memref_slice %arg2[%add3A_307, %dma_start3A_308] : memref<16384x128xf32, #tpu.memory_space<hbm>> -> memref<64x128xf32, #tpu.memory_space<hbm>>
    %dma_start3A_310 = arith.constant 0 : i32
    %dma_start3A_311 = tpu.memref_slice %arg2[%add3A_307, %dma_start3A_310] : memref<16384x128xf32, #tpu.memory_space<hbm>> -> memref<64x128xf32, #tpu.memory_space<hbm>>
    tpu.enqueue_dma source(%dma_start3A_311 : memref<64x128xf32, #tpu.memory_space<hbm>>) target(%arg20 : memref<64x128xf32, #tpu.memory_space<vmem>>) target_semaphore(%arg30 : memref<!tpu.dma_semaphore, #tpu.memory_space<semaphore_mem>>)
    %dma_start3A_312 = arith.constant 320 : i32
    %dma_start3A_313 = tpu.memref_slice %arg13[%dma_start3A_312] : memref<512xi32, #tpu.memory_space<vmem>> -> memref<64xi32, #tpu.memory_space<vmem>>
    %dma_start3A_314 = arith.constant 0 : i32
    %dma_start3A_315 = arith.constant 0 : i32
    %dma_start3A_316 = tpu.memref_slice %arg4[%dma_start3A_314, %dma_start3A_315] : memref<50000x128xf32, #tpu.memory_space<hbm>> -> memref<50000x128xf32, #tpu.memory_space<hbm>>
    tpu.enqueue_indirect_dma source(%dma_start3A_316 : memref<50000x128xf32, #tpu.memory_space<hbm>>) target(%arg21 : memref<64x128xf32, #tpu.memory_space<vmem>>) offsets(%dma_start3A_313 : memref<64xi32, #tpu.memory_space<vmem>>) semaphore(%arg30 : memref<!tpu.dma_semaphore, #tpu.memory_space<semaphore_mem>>)
    %dma_start3A_317 = arith.constant 320 : i32
    %dma_start3A_318 = tpu.memref_slice %arg13[%dma_start3A_317] : memref<512xi32, #tpu.memory_space<vmem>> -> memref<64xi32, #tpu.memory_space<vmem>>
    %dma_start3A_319 = arith.constant 0 : i32
    %dma_start3A_320 = arith.constant 0 : i32
    %dma_start3A_321 = tpu.memref_slice %arg5[%dma_start3A_319, %dma_start3A_320] : memref<50000x128xf32, #tpu.memory_space<hbm>> -> memref<50000x128xf32, #tpu.memory_space<hbm>>
    tpu.enqueue_indirect_dma source(%dma_start3A_321 : memref<50000x128xf32, #tpu.memory_space<hbm>>) target(%arg22 : memref<64x128xf32, #tpu.memory_space<vmem>>) offsets(%dma_start3A_318 : memref<64xi32, #tpu.memory_space<vmem>>) semaphore(%arg30 : memref<!tpu.dma_semaphore, #tpu.memory_space<semaphore_mem>>)
    %dma_start3A_322 = arith.constant 320 : i32
    %dma_start3A_323 = tpu.memref_slice %arg13[%dma_start3A_322] : memref<512xi32, #tpu.memory_space<vmem>> -> memref<64xi32, #tpu.memory_space<vmem>>
    %dma_start3A_324 = arith.constant 0 : i32
    %dma_start3A_325 = arith.constant 0 : i32
    %dma_start3A_326 = tpu.memref_slice %arg6[%dma_start3A_324, %dma_start3A_325] : memref<50000x128xf32, #tpu.memory_space<hbm>> -> memref<50000x128xf32, #tpu.memory_space<hbm>>
    tpu.enqueue_indirect_dma source(%dma_start3A_326 : memref<50000x128xf32, #tpu.memory_space<hbm>>) target(%arg23 : memref<64x128xf32, #tpu.memory_space<vmem>>) offsets(%dma_start3A_323 : memref<64xi32, #tpu.memory_space<vmem>>) semaphore(%arg30 : memref<!tpu.dma_semaphore, #tpu.memory_space<semaphore_mem>>)
    %dma_start3A_327 = arith.constant 320 : i32
    %dma_start3A_328 = tpu.memref_slice %arg13[%dma_start3A_327] : memref<512xi32, #tpu.memory_space<vmem>> -> memref<64xi32, #tpu.memory_space<vmem>>
    %dma_start3A_329 = arith.constant 0 : i32
    %dma_start3A_330 = arith.constant 0 : i32
    %dma_start3A_331 = tpu.memref_slice %arg7[%dma_start3A_329, %dma_start3A_330] : memref<50000x128xf32, #tpu.memory_space<hbm>> -> memref<50000x128xf32, #tpu.memory_space<hbm>>
    tpu.enqueue_indirect_dma source(%dma_start3A_331 : memref<50000x128xf32, #tpu.memory_space<hbm>>) target(%arg24 : memref<64x128xf32, #tpu.memory_space<vmem>>) offsets(%dma_start3A_328 : memref<64xi32, #tpu.memory_space<vmem>>) semaphore(%arg30 : memref<!tpu.dma_semaphore, #tpu.memory_space<semaphore_mem>>)
    %dma_start3A_332 = arith.constant 320 : i32
    %dma_start3A_333 = tpu.memref_slice %arg12[%dma_start3A_332] : memref<512xi32, #tpu.memory_space<vmem>> -> memref<64xi32, #tpu.memory_space<vmem>>
    %dma_start3A_334 = arith.constant 0 : i32
    %dma_start3A_335 = arith.constant 0 : i32
    %dma_start3A_336 = tpu.memref_slice %arg8[%dma_start3A_334, %dma_start3A_335] : memref<100000x128xf32, #tpu.memory_space<hbm>> -> memref<100000x128xf32, #tpu.memory_space<hbm>>
    tpu.enqueue_indirect_dma source(%dma_start3A_336 : memref<100000x128xf32, #tpu.memory_space<hbm>>) target(%arg25 : memref<64x128xf32, #tpu.memory_space<vmem>>) offsets(%dma_start3A_333 : memref<64xi32, #tpu.memory_space<vmem>>) semaphore(%arg30 : memref<!tpu.dma_semaphore, #tpu.memory_space<semaphore_mem>>)
    %dma_wait3A_337 = arith.constant 0 : i32
    %dma_wait3A_338 = tpu.memref_slice %arg2[%add3A_240, %dma_wait3A_337] : memref<16384x128xf32, #tpu.memory_space<hbm>> -> memref<64x128xf32, #tpu.memory_space<hbm>>
    %dma_wait3A_339 = arith.constant 0 : i32
    %dma_wait3A_340 = tpu.memref_slice %arg2[%add3A_240, %dma_wait3A_339] : memref<16384x128xf32, #tpu.memory_space<hbm>> -> memref<64x128xf32, #tpu.memory_space<hbm>>
    tpu.wait_dma2 semaphore(%arg29 : memref<!tpu.dma_semaphore, #tpu.memory_space<semaphore_mem>>) src(%dma_wait3A_340 : memref<64x128xf32, #tpu.memory_space<hbm>>) dst(%arg14 : memref<64x128xf32, #tpu.memory_space<vmem>>)
    %dma_wait3A_341 = arith.constant 256 : i32
    %dma_wait3A_342 = tpu.memref_slice %arg13[%dma_wait3A_341] : memref<512xi32, #tpu.memory_space<vmem>> -> memref<64xi32, #tpu.memory_space<vmem>>
    %dma_wait3A_343 = arith.constant 0 : i32
    %dma_wait3A_344 = arith.constant 0 : i32
    %dma_wait3A_345 = tpu.memref_slice %arg4[%dma_wait3A_343, %dma_wait3A_344] : memref<50000x128xf32, #tpu.memory_space<hbm>> -> memref<50000x128xf32, #tpu.memory_space<hbm>>
    tpu.wait_indirect_dma semaphore(%arg29 : memref<!tpu.dma_semaphore, #tpu.memory_space<semaphore_mem>>) src(%dma_wait3A_345 : memref<50000x128xf32, #tpu.memory_space<hbm>>) dst(%arg15 : memref<64x128xf32, #tpu.memory_space<vmem>>)
    %dma_wait3A_346 = arith.constant 256 : i32
    %dma_wait3A_347 = tpu.memref_slice %arg13[%dma_wait3A_346] : memref<512xi32, #tpu.memory_space<vmem>> -> memref<64xi32, #tpu.memory_space<vmem>>
    %dma_wait3A_348 = arith.constant 0 : i32
    %dma_wait3A_349 = arith.constant 0 : i32
    %dma_wait3A_350 = tpu.memref_slice %arg5[%dma_wait3A_348, %dma_wait3A_349] : memref<50000x128xf32, #tpu.memory_space<hbm>> -> memref<50000x128xf32, #tpu.memory_space<hbm>>
    tpu.wait_indirect_dma semaphore(%arg29 : memref<!tpu.dma_semaphore, #tpu.memory_space<semaphore_mem>>) src(%dma_wait3A_350 : memref<50000x128xf32, #tpu.memory_space<hbm>>) dst(%arg16 : memref<64x128xf32, #tpu.memory_space<vmem>>)
    %dma_wait3A_351 = arith.constant 256 : i32
    %dma_wait3A_352 = tpu.memref_slice %arg13[%dma_wait3A_351] : memref<512xi32, #tpu.memory_space<vmem>> -> memref<64xi32, #tpu.memory_space<vmem>>
    %dma_wait3A_353 = arith.constant 0 : i32
    %dma_wait3A_354 = arith.constant 0 : i32
    %dma_wait3A_355 = tpu.memref_slice %arg6[%dma_wait3A_353, %dma_wait3A_354] : memref<50000x128xf32, #tpu.memory_space<hbm>> -> memref<50000x128xf32, #tpu.memory_space<hbm>>
    tpu.wait_indirect_dma semaphore(%arg29 : memref<!tpu.dma_semaphore, #tpu.memory_space<semaphore_mem>>) src(%dma_wait3A_355 : memref<50000x128xf32, #tpu.memory_space<hbm>>) dst(%arg17 : memref<64x128xf32, #tpu.memory_space<vmem>>)
    %dma_wait3A_356 = arith.constant 256 : i32
    %dma_wait3A_357 = tpu.memref_slice %arg13[%dma_wait3A_356] : memref<512xi32, #tpu.memory_space<vmem>> -> memref<64xi32, #tpu.memory_space<vmem>>
    %dma_wait3A_358 = arith.constant 0 : i32
    %dma_wait3A_359 = arith.constant 0 : i32
    %dma_wait3A_360 = tpu.memref_slice %arg7[%dma_wait3A_358, %dma_wait3A_359] : memref<50000x128xf32, #tpu.memory_space<hbm>> -> memref<50000x128xf32, #tpu.memory_space<hbm>>
    tpu.wait_indirect_dma semaphore(%arg29 : memref<!tpu.dma_semaphore, #tpu.memory_space<semaphore_mem>>) src(%dma_wait3A_360 : memref<50000x128xf32, #tpu.memory_space<hbm>>) dst(%arg18 : memref<64x128xf32, #tpu.memory_space<vmem>>)
    %dma_wait3A_361 = arith.constant 256 : i32
    %dma_wait3A_362 = tpu.memref_slice %arg12[%dma_wait3A_361] : memref<512xi32, #tpu.memory_space<vmem>> -> memref<64xi32, #tpu.memory_space<vmem>>
    %dma_wait3A_363 = arith.constant 0 : i32
    %dma_wait3A_364 = arith.constant 0 : i32
    %dma_wait3A_365 = tpu.memref_slice %arg8[%dma_wait3A_363, %dma_wait3A_364] : memref<100000x128xf32, #tpu.memory_space<hbm>> -> memref<100000x128xf32, #tpu.memory_space<hbm>>
    tpu.wait_indirect_dma semaphore(%arg29 : memref<!tpu.dma_semaphore, #tpu.memory_space<semaphore_mem>>) src(%dma_wait3A_365 : memref<100000x128xf32, #tpu.memory_space<hbm>>) dst(%arg19 : memref<64x128xf32, #tpu.memory_space<vmem>>)
    %scan3A_366 = arith.constant 0 : i32
    %scan3A_367 = arith.constant 0 : i32
    %scan3A_368 = arith.constant 4 : i32
    %scan3A_369 = arith.addi %scan3A_367, %scan3A_368 : i32
    %scan3A_370 = arith.constant 1 : i32
    %scan3A_371 = scf.for %scan3A_543 = %scan3A_367 to %scan3A_369 step %scan3A_370 iter_args(%scan3A_544 = %scan3A_366) -> (i32)  : i32 {
      %iota3A = tpu.iota {dimensions = array<i32: 0>} : vector<16xi32>
      %mul3A_545 = arith.constant 16 : i32
      %mul3A_546 = arith.muli %scan3A_543, %mul3A_545 : i32
      %add3A_547 = vector.broadcast %mul3A_546 : i32 to vector<16xi32>
      %add3A_548 = arith.addi %iota3A, %add3A_547 : vector<16xi32>
      %mul3A_549 = arith.constant 16 : i32
      %mul3A_550 = arith.muli %scan3A_543, %mul3A_549 : i32
      %add3A_551 = arith.constant 256 : i32
      %add3A_552 = arith.addi %add3A_551, %mul3A_550 : i32
      %get3A = arith.index_cast %add3A_552 : i32 to index
      %get3A_553 = tpu.vector_load %arg12[%get3A] {strides = array<i32>} : memref<512xi32, #tpu.memory_space<vmem>>, vector<16xi32>,
      %and3A = arith.constant 1 : i32
      %and3A_554 = vector.broadcast %and3A : i32 to vector<16xi32>
      %and3A_555 = arith.andi %get3A_553, %and3A_554 : vector<16xi32>
      %mul3A_556 = arith.constant 64 : i32
      %mul3A_557 = vector.broadcast %mul3A_556 : i32 to vector<16xi32>
      %mul3A_558 = arith.muli %and3A_555, %mul3A_557 : vector<16xi32>
      %broadcast_in_dim3A = arith.constant 0.000000e+00 : f32
      %broadcast_in_dim3A_559 = vector.broadcast %broadcast_in_dim3A : f32 to vector<16xf32>
      %scan3A_560 = arith.constant 0 : i32
      %scan3A_561 = arith.constant 32 : i32
      %scan3A_562 = arith.addi %scan3A_560, %scan3A_561 : i32
      %scan3A_563 = arith.constant 1 : i32
      %scan3A_564:5 = scf.for %scan3A_615 = %scan3A_560 to %scan3A_562 step %scan3A_563 iter_args(%scan3A_616 = %broadcast_in_dim3A_559, %scan3A_617 = %broadcast_in_dim3A_559, %scan3A_618 = %broadcast_in_dim3A_559, %scan3A_619 = %broadcast_in_dim3A_559, %scan3A_620 = %broadcast_in_dim3A_559) -> (vector<16xf32>, vector<16xf32>, vector<16xf32>, vector<16xf32>, vector<16xf32>)  : i32 {
        %mul3A_621 = arith.constant 2 : i32
        %mul3A_622 = arith.muli %mul3A_621, %scan3A_615 : i32
        %add3A_623 = arith.constant 0 : i32
        %add3A_624 = arith.addi %mul3A_622, %add3A_623 : i32
        %broadcast_in_dim3A_625 = vector.broadcast %add3A_624 : i32 to vector<16xi32>
        %add3A_626 = vector.broadcast %add3A_624 : i32 to vector<16xi32>
        %add3A_627 = arith.addi %mul3A_558, %add3A_626 : vector<16xi32>
        %gather3A = tpu.vector_load_idx %arg14[%add3A_548, %broadcast_in_dim3A_625] : memref<64x128xf32, #tpu.memory_space<vmem>>[vector<16xi32>, vector<16xi32>], vector<16xf32>,
        %add3A_628 = arith.constant 64 : i32
        %add3A_629 = vector.broadcast %add3A_628 : i32 to vector<16xi32>
        %add3A_630 = arith.addi %broadcast_in_dim3A_625, %add3A_629 : vector<16xi32>
        %gather3A_631 = tpu.vector_load_idx %arg14[%add3A_548, %add3A_630] : memref<64x128xf32, #tpu.memory_space<vmem>>[vector<16xi32>, vector<16xi32>], vector<16xf32>,
        %gather3A_632 = tpu.vector_load_idx %arg15[%add3A_548, %add3A_627] : memref<64x128xf32, #tpu.memory_space<vmem>>[vector<16xi32>, vector<16xi32>], vector<16xf32>,
        %gather3A_633 = tpu.vector_load_idx %arg17[%add3A_548, %add3A_627] : memref<64x128xf32, #tpu.memory_space<vmem>>[vector<16xi32>, vector<16xi32>], vector<16xf32>,
        %gather3A_634 = tpu.vector_load_idx %arg16[%add3A_548, %add3A_627] : memref<64x128xf32, #tpu.memory_space<vmem>>[vector<16xi32>, vector<16xi32>], vector<16xf32>,
        %gather3A_635 = tpu.vector_load_idx %arg18[%add3A_548, %add3A_627] : memref<64x128xf32, #tpu.memory_space<vmem>>[vector<16xi32>, vector<16xi32>], vector<16xf32>,
        %gather3A_636 = tpu.vector_load_idx %arg19[%add3A_548, %broadcast_in_dim3A_625] : memref<64x128xf32, #tpu.memory_space<vmem>>[vector<16xi32>, vector<16xi32>], vector<16xf32>,
        %add3A_637 = arith.constant 64 : i32
        %add3A_638 = vector.broadcast %add3A_637 : i32 to vector<16xi32>
        %add3A_639 = arith.addi %broadcast_in_dim3A_625, %add3A_638 : vector<16xi32>
        %gather3A_640 = tpu.vector_load_idx %arg19[%add3A_548, %add3A_639] : memref<64x128xf32, #tpu.memory_space<vmem>>[vector<16xi32>, vector<16xi32>], vector<16xf32>,
        %sub3A_641 = arith.subf %gather3A, %gather3A_632 : vector<16xf32>
        %sub3A_642 = arith.subf %gather3A_631, %gather3A_634 : vector<16xf32>
        %mul3A_643 = arith.mulf %sub3A_641, %sub3A_641 : vector<16xf32>
        %add3A_644 = arith.constant 9.99999974E-6 : f32
        %add3A_645 = vector.broadcast %add3A_644 : f32 to vector<16xf32>
        %add3A_646 = arith.addf %gather3A_633, %add3A_645 : vector<16xf32>
        %div3A = arith.divf %mul3A_643, %add3A_646 : vector<16xf32>
        %add3A_647 = arith.addf %scan3A_616, %div3A : vector<16xf32>
        %mul3A_648 = arith.mulf %sub3A_642, %sub3A_642 : vector<16xf32>
        %add3A_649 = arith.constant 9.99999974E-6 : f32
        %add3A_650 = vector.broadcast %add3A_649 : f32 to vector<16xf32>
        %add3A_651 = arith.addf %gather3A_635, %add3A_650 : vector<16xf32>
        %div3A_652 = arith.divf %mul3A_648, %add3A_651 : vector<16xf32>
        %add3A_653 = arith.addf %scan3A_617, %div3A_652 : vector<16xf32>
        %mul3A_654 = arith.mulf %gather3A, %gather3A_636 : vector<16xf32>
        %add3A_655 = arith.addf %scan3A_618, %mul3A_654 : vector<16xf32>
        %mul3A_656 = arith.mulf %gather3A_631, %gather3A_640 : vector<16xf32>
        %add3A_657 = arith.addf %add3A_655, %mul3A_656 : vector<16xf32>
        %mul3A_658 = arith.mulf %gather3A, %gather3A : vector<16xf32>
        %add3A_659 = arith.addf %scan3A_619, %mul3A_658 : vector<16xf32>
        %mul3A_660 = arith.mulf %gather3A_631, %gather3A_631 : vector<16xf32>
        %add3A_661 = arith.addf %add3A_659, %mul3A_660 : vector<16xf32>
        %mul3A_662 = arith.mulf %gather3A_636, %gather3A_636 : vector<16xf32>
        %add3A_663 = arith.addf %scan3A_620, %mul3A_662 : vector<16xf32>
        %mul3A_664 = arith.mulf %gather3A_640, %gather3A_640 : vector<16xf32>
        %add3A_665 = arith.addf %add3A_663, %mul3A_664 : vector<16xf32>
        %mul3A_666 = arith.constant 2 : i32
        %mul3A_667 = arith.muli %mul3A_666, %scan3A_615 : i32
        %add3A_668 = arith.constant 1 : i32
        %add3A_669 = arith.addi %mul3A_667, %add3A_668 : i32
        %broadcast_in_dim3A_670 = vector.broadcast %add3A_669 : i32 to vector<16xi32>
        %add3A_671 = vector.broadcast %add3A_669 : i32 to vector<16xi32>
        %add3A_672 = arith.addi %mul3A_558, %add3A_671 : vector<16xi32>
        %gather3A_673 = tpu.vector_load_idx %arg14[%add3A_548, %broadcast_in_dim3A_670] : memref<64x128xf32, #tpu.memory_space<vmem>>[vector<16xi32>, vector<16xi32>], vector<16xf32>,
        %add3A_674 = arith.constant 64 : i32
        %add3A_675 = vector.broadcast %add3A_674 : i32 to vector<16xi32>
        %add3A_676 = arith.addi %broadcast_in_dim3A_670, %add3A_675 : vector<16xi32>
        %gather3A_677 = tpu.vector_load_idx %arg14[%add3A_548, %add3A_676] : memref<64x128xf32, #tpu.memory_space<vmem>>[vector<16xi32>, vector<16xi32>], vector<16xf32>,
        %gather3A_678 = tpu.vector_load_idx %arg15[%add3A_548, %add3A_672] : memref<64x128xf32, #tpu.memory_space<vmem>>[vector<16xi32>, vector<16xi32>], vector<16xf32>,
        %gather3A_679 = tpu.vector_load_idx %arg17[%add3A_548, %add3A_672] : memref<64x128xf32, #tpu.memory_space<vmem>>[vector<16xi32>, vector<16xi32>], vector<16xf32>,
        %gather3A_680 = tpu.vector_load_idx %arg16[%add3A_548, %add3A_672] : memref<64x128xf32, #tpu.memory_space<vmem>>[vector<16xi32>, vector<16xi32>], vector<16xf32>,
        %gather3A_681 = tpu.vector_load_idx %arg18[%add3A_548, %add3A_672] : memref<64x128xf32, #tpu.memory_space<vmem>>[vector<16xi32>, vector<16xi32>], vector<16xf32>,
        %gather3A_682 = tpu.vector_load_idx %arg19[%add3A_548, %broadcast_in_dim3A_670] : memref<64x128xf32, #tpu.memory_space<vmem>>[vector<16xi32>, vector<16xi32>], vector<16xf32>,
        %add3A_683 = arith.constant 64 : i32
        %add3A_684 = vector.broadcast %add3A_683 : i32 to vector<16xi32>
        %add3A_685 = arith.addi %broadcast_in_dim3A_670, %add3A_684 : vector<16xi32>
        %gather3A_686 = tpu.vector_load_idx %arg19[%add3A_548, %add3A_685] : memref<64x128xf32, #tpu.memory_space<vmem>>[vector<16xi32>, vector<16xi32>], vector<16xf32>,
        %sub3A_687 = arith.subf %gather3A_673, %gather3A_678 : vector<16xf32>
        %sub3A_688 = arith.subf %gather3A_677, %gather3A_680 : vector<16xf32>
        %mul3A_689 = arith.mulf %sub3A_687, %sub3A_687 : vector<16xf32>
        %add3A_690 = arith.constant 9.99999974E-6 : f32
        %add3A_691 = vector.broadcast %add3A_690 : f32 to vector<16xf32>
        %add3A_692 = arith.addf %gather3A_679, %add3A_691 : vector<16xf32>
        %div3A_693 = arith.divf %mul3A_689, %add3A_692 : vector<16xf32>
        %add3A_694 = arith.addf %add3A_647, %div3A_693 : vector<16xf32>
        %mul3A_695 = arith.mulf %sub3A_688, %sub3A_688 : vector<16xf32>
        %add3A_696 = arith.constant 9.99999974E-6 : f32
        %add3A_697 = vector.broadcast %add3A_696 : f32 to vector<16xf32>
        %add3A_698 = arith.addf %gather3A_681, %add3A_697 : vector<16xf32>
        %div3A_699 = arith.divf %mul3A_695, %add3A_698 : vector<16xf32>
        %add3A_700 = arith.addf %add3A_653, %div3A_699 : vector<16xf32>
        %mul3A_701 = arith.mulf %gather3A_673, %gather3A_682 : vector<16xf32>
        %add3A_702 = arith.addf %add3A_657, %mul3A_701 : vector<16xf32>
        %mul3A_703 = arith.mulf %gather3A_677, %gather3A_686 : vector<16xf32>
        %add3A_704 = arith.addf %add3A_702, %mul3A_703 : vector<16xf32>
        %mul3A_705 = arith.mulf %gather3A_673, %gather3A_673 : vector<16xf32>
        %add3A_706 = arith.addf %add3A_661, %mul3A_705 : vector<16xf32>
        %mul3A_707 = arith.mulf %gather3A_677, %gather3A_677 : vector<16xf32>
        %add3A_708 = arith.addf %add3A_706, %mul3A_707 : vector<16xf32>
        %mul3A_709 = arith.mulf %gather3A_682, %gather3A_682 : vector<16xf32>
        %add3A_710 = arith.addf %add3A_665, %mul3A_709 : vector<16xf32>
        %mul3A_711 = arith.mulf %gather3A_686, %gather3A_686 : vector<16xf32>
        %add3A_712 = arith.addf %add3A_710, %mul3A_711 : vector<16xf32>
        scf.yield %add3A_694, %add3A_700, %add3A_704, %add3A_708, %add3A_712 : vector<16xf32>, vector<16xf32>, vector<16xf32>, vector<16xf32>, vector<16xf32>
      }
      %scan3A_565 = arith.constant 32 : i32
      %mul3A_566 = arith.mulf %scan3A_564#3, %scan3A_564#4 : vector<16xf32>
      %max3A = arith.constant 1.000000e-24 : f32
      %max3A_567 = vector.broadcast %max3A : f32 to vector<16xf32>
      %max3A_568 = arith.maximumf %mul3A_566, %max3A_567 : vector<16xf32>
      %bitcast3A = vector.bitcast %max3A_568 : vector<16xf32> to vector<16xi32>
      %shift_right_arithmetic3A = arith.constant 1 : i32
      %shift_right_arithmetic3A_569 = vector.broadcast %shift_right_arithmetic3A : i32 to vector<16xi32>
      %shift_right_arithmetic3A_570 = arith.shrsi %bitcast3A, %shift_right_arithmetic3A_569 : vector<16xi32>
      %sub3A = arith.constant 1597463007 : i32
      %sub3A_571 = vector.broadcast %sub3A : i32 to vector<16xi32>
      %sub3A_572 = arith.subi %sub3A_571, %shift_right_arithmetic3A_570 : vector<16xi32>
      %bitcast3A_573 = vector.bitcast %sub3A_572 : vector<16xi32> to vector<16xf32>
      %mul3A_574 = arith.constant 5.000000e-01 : f32
      %mul3A_575 = vector.broadcast %mul3A_574 : f32 to vector<16xf32>
      %mul3A_576 = arith.mulf %mul3A_575, %max3A_568 : vector<16xf32>
      %mul3A_577 = arith.mulf %mul3A_576, %bitcast3A_573 : vector<16xf32>
      %mul3A_578 = arith.mulf %mul3A_577, %bitcast3A_573 : vector<16xf32>
      %sub3A_579 = arith.constant 1.500000e+00 : f32
      %sub3A_580 = vector.broadcast %sub3A_579 : f32 to vector<16xf32>
      %sub3A_581 = arith.subf %sub3A_580, %mul3A_578 : vector<16xf32>
      %mul3A_582 = arith.mulf %bitcast3A_573, %sub3A_581 : vector<16xf32>
      %mul3A_583 = arith.constant 5.000000e-01 : f32
      %mul3A_584 = vector.broadcast %mul3A_583 : f32 to vector<16xf32>
      %mul3A_585 = arith.mulf %mul3A_584, %max3A_568 : vector<16xf32>
      %mul3A_586 = arith.mulf %mul3A_585, %mul3A_582 : vector<16xf32>
      %mul3A_587 = arith.mulf %mul3A_586, %mul3A_582 : vector<16xf32>
      %sub3A_588 = arith.constant 1.500000e+00 : f32
      %sub3A_589 = vector.broadcast %sub3A_588 : f32 to vector<16xf32>
      %sub3A_590 = arith.subf %sub3A_589, %mul3A_587 : vector<16xf32>
      %mul3A_591 = arith.mulf %mul3A_582, %sub3A_590 : vector<16xf32>
      %mul3A_592 = arith.constant 5.000000e-01 : f32
      %mul3A_593 = vector.broadcast %mul3A_592 : f32 to vector<16xf32>
      %mul3A_594 = arith.mulf %mul3A_593, %max3A_568 : vector<16xf32>
      %mul3A_595 = arith.mulf %mul3A_594, %mul3A_591 : vector<16xf32>
      %mul3A_596 = arith.mulf %mul3A_595, %mul3A_591 : vector<16xf32>
      %sub3A_597 = arith.constant 1.500000e+00 : f32
      %sub3A_598 = vector.broadcast %sub3A_597 : f32 to vector<16xf32>
      %sub3A_599 = arith.subf %sub3A_598, %mul3A_596 : vector<16xf32>
      %mul3A_600 = arith.mulf %mul3A_591, %sub3A_599 : vector<16xf32>
      %mul3A_601 = arith.mulf %scan3A_564#2, %mul3A_600 : vector<16xf32>
      %sub3A_602 = arith.constant 1.000000e+00 : f32
      %sub3A_603 = vector.broadcast %sub3A_602 : f32 to vector<16xf32>
      %sub3A_604 = arith.subf %sub3A_603, %mul3A_601 : vector<16xf32>
      %mul3A_605 = arith.constant 16 : i32
      %mul3A_606 = arith.muli %scan3A_543, %mul3A_605 : i32
      %add3A_607 = arith.constant 256 : i32
      %add3A_608 = arith.addi %add3A_607, %mul3A_606 : i32
      %swap3A = arith.index_cast %add3A_608 : i32 to index
      %swap3A_609 = tpu.vector_load %arg26[%swap3A] {strides = array<i32>} : memref<512xf32, #tpu.memory_space<vmem>>, vector<16xf32>,
      tpu.vector_store %arg26[%swap3A], %scan3A_564#0 {strides = array<i32>} : memref<512xf32, #tpu.memory_space<vmem>>, vector<16xf32>,
      %swap3A_610 = arith.index_cast %add3A_608 : i32 to index
      %swap3A_611 = tpu.vector_load %arg27[%swap3A_610] {strides = array<i32>} : memref<512xf32, #tpu.memory_space<vmem>>, vector<16xf32>,
      tpu.vector_store %arg27[%swap3A_610], %scan3A_564#1 {strides = array<i32>} : memref<512xf32, #tpu.memory_space<vmem>>, vector<16xf32>,
      %swap3A_612 = arith.index_cast %add3A_608 : i32 to index
      %swap3A_613 = tpu.vector_load %arg28[%swap3A_612] {strides = array<i32>} : memref<512xf32, #tpu.memory_space<vmem>>, vector<16xf32>,
      tpu.vector_store %arg28[%swap3A_612], %sub3A_604 {strides = array<i32>} : memref<512xf32, #tpu.memory_space<vmem>>, vector<16xf32>,
      %scan3A_614 = arith.constant 0 : i32
      scf.yield %scan3A_614 : i32
    }
    %scan3A_372 = arith.constant 4 : i32
    %add3A_373 = arith.constant 384 : i32
    %add3A_374 = arith.addi %mul3A_2, %add3A_373 : i32
    %dma_start3A_375 = arith.constant 0 : i32
    %dma_start3A_376 = tpu.memref_slice %arg2[%add3A_374, %dma_start3A_375] : memref<16384x128xf32, #tpu.memory_space<hbm>> -> memref<64x128xf32, #tpu.memory_space<hbm>>
    %dma_start3A_377 = arith.constant 0 : i32
    %dma_start3A_378 = tpu.memref_slice %arg2[%add3A_374, %dma_start3A_377] : memref<16384x128xf32, #tpu.memory_space<hbm>> -> memref<64x128xf32, #tpu.memory_space<hbm>>
    tpu.enqueue_dma source(%dma_start3A_378 : memref<64x128xf32, #tpu.memory_space<hbm>>) target(%arg14 : memref<64x128xf32, #tpu.memory_space<vmem>>) target_semaphore(%arg29 : memref<!tpu.dma_semaphore, #tpu.memory_space<semaphore_mem>>)
    %dma_start3A_379 = arith.constant 384 : i32
    %dma_start3A_380 = tpu.memref_slice %arg13[%dma_start3A_379] : memref<512xi32, #tpu.memory_space<vmem>> -> memref<64xi32, #tpu.memory_space<vmem>>
    %dma_start3A_381 = arith.constant 0 : i32
    %dma_start3A_382 = arith.constant 0 : i32
    %dma_start3A_383 = tpu.memref_slice %arg4[%dma_start3A_381, %dma_start3A_382] : memref<50000x128xf32, #tpu.memory_space<hbm>> -> memref<50000x128xf32, #tpu.memory_space<hbm>>
    tpu.enqueue_indirect_dma source(%dma_start3A_383 : memref<50000x128xf32, #tpu.memory_space<hbm>>) target(%arg15 : memref<64x128xf32, #tpu.memory_space<vmem>>) offsets(%dma_start3A_380 : memref<64xi32, #tpu.memory_space<vmem>>) semaphore(%arg29 : memref<!tpu.dma_semaphore, #tpu.memory_space<semaphore_mem>>)
    %dma_start3A_384 = arith.constant 384 : i32
    %dma_start3A_385 = tpu.memref_slice %arg13[%dma_start3A_384] : memref<512xi32, #tpu.memory_space<vmem>> -> memref<64xi32, #tpu.memory_space<vmem>>
    %dma_start3A_386 = arith.constant 0 : i32
    %dma_start3A_387 = arith.constant 0 : i32
    %dma_start3A_388 = tpu.memref_slice %arg5[%dma_start3A_386, %dma_start3A_387] : memref<50000x128xf32, #tpu.memory_space<hbm>> -> memref<50000x128xf32, #tpu.memory_space<hbm>>
    tpu.enqueue_indirect_dma source(%dma_start3A_388 : memref<50000x128xf32, #tpu.memory_space<hbm>>) target(%arg16 : memref<64x128xf32, #tpu.memory_space<vmem>>) offsets(%dma_start3A_385 : memref<64xi32, #tpu.memory_space<vmem>>) semaphore(%arg29 : memref<!tpu.dma_semaphore, #tpu.memory_space<semaphore_mem>>)
    %dma_start3A_389 = arith.constant 384 : i32
    %dma_start3A_390 = tpu.memref_slice %arg13[%dma_start3A_389] : memref<512xi32, #tpu.memory_space<vmem>> -> memref<64xi32, #tpu.memory_space<vmem>>
    %dma_start3A_391 = arith.constant 0 : i32
    %dma_start3A_392 = arith.constant 0 : i32
    %dma_start3A_393 = tpu.memref_slice %arg6[%dma_start3A_391, %dma_start3A_392] : memref<50000x128xf32, #tpu.memory_space<hbm>> -> memref<50000x128xf32, #tpu.memory_space<hbm>>
    tpu.enqueue_indirect_dma source(%dma_start3A_393 : memref<50000x128xf32, #tpu.memory_space<hbm>>) target(%arg17 : memref<64x128xf32, #tpu.memory_space<vmem>>) offsets(%dma_start3A_390 : memref<64xi32, #tpu.memory_space<vmem>>) semaphore(%arg29 : memref<!tpu.dma_semaphore, #tpu.memory_space<semaphore_mem>>)
    %dma_start3A_394 = arith.constant 384 : i32
    %dma_start3A_395 = tpu.memref_slice %arg13[%dma_start3A_394] : memref<512xi32, #tpu.memory_space<vmem>> -> memref<64xi32, #tpu.memory_space<vmem>>
    %dma_start3A_396 = arith.constant 0 : i32
    %dma_start3A_397 = arith.constant 0 : i32
    %dma_start3A_398 = tpu.memref_slice %arg7[%dma_start3A_396, %dma_start3A_397] : memref<50000x128xf32, #tpu.memory_space<hbm>> -> memref<50000x128xf32, #tpu.memory_space<hbm>>
    tpu.enqueue_indirect_dma source(%dma_start3A_398 : memref<50000x128xf32, #tpu.memory_space<hbm>>) target(%arg18 : memref<64x128xf32, #tpu.memory_space<vmem>>) offsets(%dma_start3A_395 : memref<64xi32, #tpu.memory_space<vmem>>) semaphore(%arg29 : memref<!tpu.dma_semaphore, #tpu.memory_space<semaphore_mem>>)
    %dma_start3A_399 = arith.constant 384 : i32
    %dma_start3A_400 = tpu.memref_slice %arg12[%dma_start3A_399] : memref<512xi32, #tpu.memory_space<vmem>> -> memref<64xi32, #tpu.memory_space<vmem>>
    %dma_start3A_401 = arith.constant 0 : i32
    %dma_start3A_402 = arith.constant 0 : i32
    %dma_start3A_403 = tpu.memref_slice %arg8[%dma_start3A_401, %dma_start3A_402] : memref<100000x128xf32, #tpu.memory_space<hbm>> -> memref<100000x128xf32, #tpu.memory_space<hbm>>
    tpu.enqueue_indirect_dma source(%dma_start3A_403 : memref<100000x128xf32, #tpu.memory_space<hbm>>) target(%arg19 : memref<64x128xf32, #tpu.memory_space<vmem>>) offsets(%dma_start3A_400 : memref<64xi32, #tpu.memory_space<vmem>>) semaphore(%arg29 : memref<!tpu.dma_semaphore, #tpu.memory_space<semaphore_mem>>)
    %dma_wait3A_404 = arith.constant 0 : i32
    %dma_wait3A_405 = tpu.memref_slice %arg2[%add3A_307, %dma_wait3A_404] : memref<16384x128xf32, #tpu.memory_space<hbm>> -> memref<64x128xf32, #tpu.memory_space<hbm>>
    %dma_wait3A_406 = arith.constant 0 : i32
    %dma_wait3A_407 = tpu.memref_slice %arg2[%add3A_307, %dma_wait3A_406] : memref<16384x128xf32, #tpu.memory_space<hbm>> -> memref<64x128xf32, #tpu.memory_space<hbm>>
    tpu.wait_dma2 semaphore(%arg30 : memref<!tpu.dma_semaphore, #tpu.memory_space<semaphore_mem>>) src(%dma_wait3A_407 : memref<64x128xf32, #tpu.memory_space<hbm>>) dst(%arg20 : memref<64x128xf32, #tpu.memory_space<vmem>>)
    %dma_wait3A_408 = arith.constant 320 : i32
    %dma_wait3A_409 = tpu.memref_slice %arg13[%dma_wait3A_408] : memref<512xi32, #tpu.memory_space<vmem>> -> memref<64xi32, #tpu.memory_space<vmem>>
    %dma_wait3A_410 = arith.constant 0 : i32
    %dma_wait3A_411 = arith.constant 0 : i32
    %dma_wait3A_412 = tpu.memref_slice %arg4[%dma_wait3A_410, %dma_wait3A_411] : memref<50000x128xf32, #tpu.memory_space<hbm>> -> memref<50000x128xf32, #tpu.memory_space<hbm>>
    tpu.wait_indirect_dma semaphore(%arg30 : memref<!tpu.dma_semaphore, #tpu.memory_space<semaphore_mem>>) src(%dma_wait3A_412 : memref<50000x128xf32, #tpu.memory_space<hbm>>) dst(%arg21 : memref<64x128xf32, #tpu.memory_space<vmem>>)
    %dma_wait3A_413 = arith.constant 320 : i32
    %dma_wait3A_414 = tpu.memref_slice %arg13[%dma_wait3A_413] : memref<512xi32, #tpu.memory_space<vmem>> -> memref<64xi32, #tpu.memory_space<vmem>>
    %dma_wait3A_415 = arith.constant 0 : i32
    %dma_wait3A_416 = arith.constant 0 : i32
    %dma_wait3A_417 = tpu.memref_slice %arg5[%dma_wait3A_415, %dma_wait3A_416] : memref<50000x128xf32, #tpu.memory_space<hbm>> -> memref<50000x128xf32, #tpu.memory_space<hbm>>
    tpu.wait_indirect_dma semaphore(%arg30 : memref<!tpu.dma_semaphore, #tpu.memory_space<semaphore_mem>>) src(%dma_wait3A_417 : memref<50000x128xf32, #tpu.memory_space<hbm>>) dst(%arg22 : memref<64x128xf32, #tpu.memory_space<vmem>>)
    %dma_wait3A_418 = arith.constant 320 : i32
    %dma_wait3A_419 = tpu.memref_slice %arg13[%dma_wait3A_418] : memref<512xi32, #tpu.memory_space<vmem>> -> memref<64xi32, #tpu.memory_space<vmem>>
    %dma_wait3A_420 = arith.constant 0 : i32
    %dma_wait3A_421 = arith.constant 0 : i32
    %dma_wait3A_422 = tpu.memref_slice %arg6[%dma_wait3A_420, %dma_wait3A_421] : memref<50000x128xf32, #tpu.memory_space<hbm>> -> memref<50000x128xf32, #tpu.memory_space<hbm>>
    tpu.wait_indirect_dma semaphore(%arg30 : memref<!tpu.dma_semaphore, #tpu.memory_space<semaphore_mem>>) src(%dma_wait3A_422 : memref<50000x128xf32, #tpu.memory_space<hbm>>) dst(%arg23 : memref<64x128xf32, #tpu.memory_space<vmem>>)
    %dma_wait3A_423 = arith.constant 320 : i32
    %dma_wait3A_424 = tpu.memref_slice %arg13[%dma_wait3A_423] : memref<512xi32, #tpu.memory_space<vmem>> -> memref<64xi32, #tpu.memory_space<vmem>>
    %dma_wait3A_425 = arith.constant 0 : i32
    %dma_wait3A_426 = arith.constant 0 : i32
    %dma_wait3A_427 = tpu.memref_slice %arg7[%dma_wait3A_425, %dma_wait3A_426] : memref<50000x128xf32, #tpu.memory_space<hbm>> -> memref<50000x128xf32, #tpu.memory_space<hbm>>
    tpu.wait_indirect_dma semaphore(%arg30 : memref<!tpu.dma_semaphore, #tpu.memory_space<semaphore_mem>>) src(%dma_wait3A_427 : memref<50000x128xf32, #tpu.memory_space<hbm>>) dst(%arg24 : memref<64x128xf32, #tpu.memory_space<vmem>>)
    %dma_wait3A_428 = arith.constant 320 : i32
    %dma_wait3A_429 = tpu.memref_slice %arg12[%dma_wait3A_428] : memref<512xi32, #tpu.memory_space<vmem>> -> memref<64xi32, #tpu.memory_space<vmem>>
    %dma_wait3A_430 = arith.constant 0 : i32
    %dma_wait3A_431 = arith.constant 0 : i32
    %dma_wait3A_432 = tpu.memref_slice %arg8[%dma_wait3A_430, %dma_wait3A_431] : memref<100000x128xf32, #tpu.memory_space<hbm>> -> memref<100000x128xf32, #tpu.memory_space<hbm>>
    tpu.wait_indirect_dma semaphore(%arg30 : memref<!tpu.dma_semaphore, #tpu.memory_space<semaphore_mem>>) src(%dma_wait3A_432 : memref<100000x128xf32, #tpu.memory_space<hbm>>) dst(%arg25 : memref<64x128xf32, #tpu.memory_space<vmem>>)
    %scan3A_433 = arith.constant 0 : i32
    %scan3A_434 = arith.constant 0 : i32
    %scan3A_435 = arith.constant 4 : i32
    %scan3A_436 = arith.addi %scan3A_434, %scan3A_435 : i32
    %scan3A_437 = arith.constant 1 : i32
    %scan3A_438 = scf.for %scan3A_543 = %scan3A_434 to %scan3A_436 step %scan3A_437 iter_args(%scan3A_544 = %scan3A_433) -> (i32)  : i32 {
      %iota3A = tpu.iota {dimensions = array<i32: 0>} : vector<16xi32>
      %mul3A_545 = arith.constant 16 : i32
      %mul3A_546 = arith.muli %scan3A_543, %mul3A_545 : i32
      %add3A_547 = vector.broadcast %mul3A_546 : i32 to vector<16xi32>
      %add3A_548 = arith.addi %iota3A, %add3A_547 : vector<16xi32>
      %mul3A_549 = arith.constant 16 : i32
      %mul3A_550 = arith.muli %scan3A_543, %mul3A_549 : i32
      %add3A_551 = arith.constant 320 : i32
      %add3A_552 = arith.addi %add3A_551, %mul3A_550 : i32
      %get3A = arith.index_cast %add3A_552 : i32 to index
      %get3A_553 = tpu.vector_load %arg12[%get3A] {strides = array<i32>} : memref<512xi32, #tpu.memory_space<vmem>>, vector<16xi32>,
      %and3A = arith.constant 1 : i32
      %and3A_554 = vector.broadcast %and3A : i32 to vector<16xi32>
      %and3A_555 = arith.andi %get3A_553, %and3A_554 : vector<16xi32>
      %mul3A_556 = arith.constant 64 : i32
      %mul3A_557 = vector.broadcast %mul3A_556 : i32 to vector<16xi32>
      %mul3A_558 = arith.muli %and3A_555, %mul3A_557 : vector<16xi32>
      %broadcast_in_dim3A = arith.constant 0.000000e+00 : f32
      %broadcast_in_dim3A_559 = vector.broadcast %broadcast_in_dim3A : f32 to vector<16xf32>
      %scan3A_560 = arith.constant 0 : i32
      %scan3A_561 = arith.constant 32 : i32
      %scan3A_562 = arith.addi %scan3A_560, %scan3A_561 : i32
      %scan3A_563 = arith.constant 1 : i32
      %scan3A_564:5 = scf.for %scan3A_615 = %scan3A_560 to %scan3A_562 step %scan3A_563 iter_args(%scan3A_616 = %broadcast_in_dim3A_559, %scan3A_617 = %broadcast_in_dim3A_559, %scan3A_618 = %broadcast_in_dim3A_559, %scan3A_619 = %broadcast_in_dim3A_559, %scan3A_620 = %broadcast_in_dim3A_559) -> (vector<16xf32>, vector<16xf32>, vector<16xf32>, vector<16xf32>, vector<16xf32>)  : i32 {
        %mul3A_621 = arith.constant 2 : i32
        %mul3A_622 = arith.muli %mul3A_621, %scan3A_615 : i32
        %add3A_623 = arith.constant 0 : i32
        %add3A_624 = arith.addi %mul3A_622, %add3A_623 : i32
        %broadcast_in_dim3A_625 = vector.broadcast %add3A_624 : i32 to vector<16xi32>
        %add3A_626 = vector.broadcast %add3A_624 : i32 to vector<16xi32>
        %add3A_627 = arith.addi %mul3A_558, %add3A_626 : vector<16xi32>
        %gather3A = tpu.vector_load_idx %arg20[%add3A_548, %broadcast_in_dim3A_625] : memref<64x128xf32, #tpu.memory_space<vmem>>[vector<16xi32>, vector<16xi32>], vector<16xf32>,
        %add3A_628 = arith.constant 64 : i32
        %add3A_629 = vector.broadcast %add3A_628 : i32 to vector<16xi32>
        %add3A_630 = arith.addi %broadcast_in_dim3A_625, %add3A_629 : vector<16xi32>
        %gather3A_631 = tpu.vector_load_idx %arg20[%add3A_548, %add3A_630] : memref<64x128xf32, #tpu.memory_space<vmem>>[vector<16xi32>, vector<16xi32>], vector<16xf32>,
        %gather3A_632 = tpu.vector_load_idx %arg21[%add3A_548, %add3A_627] : memref<64x128xf32, #tpu.memory_space<vmem>>[vector<16xi32>, vector<16xi32>], vector<16xf32>,
        %gather3A_633 = tpu.vector_load_idx %arg23[%add3A_548, %add3A_627] : memref<64x128xf32, #tpu.memory_space<vmem>>[vector<16xi32>, vector<16xi32>], vector<16xf32>,
        %gather3A_634 = tpu.vector_load_idx %arg22[%add3A_548, %add3A_627] : memref<64x128xf32, #tpu.memory_space<vmem>>[vector<16xi32>, vector<16xi32>], vector<16xf32>,
        %gather3A_635 = tpu.vector_load_idx %arg24[%add3A_548, %add3A_627] : memref<64x128xf32, #tpu.memory_space<vmem>>[vector<16xi32>, vector<16xi32>], vector<16xf32>,
        %gather3A_636 = tpu.vector_load_idx %arg25[%add3A_548, %broadcast_in_dim3A_625] : memref<64x128xf32, #tpu.memory_space<vmem>>[vector<16xi32>, vector<16xi32>], vector<16xf32>,
        %add3A_637 = arith.constant 64 : i32
        %add3A_638 = vector.broadcast %add3A_637 : i32 to vector<16xi32>
        %add3A_639 = arith.addi %broadcast_in_dim3A_625, %add3A_638 : vector<16xi32>
        %gather3A_640 = tpu.vector_load_idx %arg25[%add3A_548, %add3A_639] : memref<64x128xf32, #tpu.memory_space<vmem>>[vector<16xi32>, vector<16xi32>], vector<16xf32>,
        %sub3A_641 = arith.subf %gather3A, %gather3A_632 : vector<16xf32>
        %sub3A_642 = arith.subf %gather3A_631, %gather3A_634 : vector<16xf32>
        %mul3A_643 = arith.mulf %sub3A_641, %sub3A_641 : vector<16xf32>
        %add3A_644 = arith.constant 9.99999974E-6 : f32
        %add3A_645 = vector.broadcast %add3A_644 : f32 to vector<16xf32>
        %add3A_646 = arith.addf %gather3A_633, %add3A_645 : vector<16xf32>
        %div3A = arith.divf %mul3A_643, %add3A_646 : vector<16xf32>
        %add3A_647 = arith.addf %scan3A_616, %div3A : vector<16xf32>
        %mul3A_648 = arith.mulf %sub3A_642, %sub3A_642 : vector<16xf32>
        %add3A_649 = arith.constant 9.99999974E-6 : f32
        %add3A_650 = vector.broadcast %add3A_649 : f32 to vector<16xf32>
        %add3A_651 = arith.addf %gather3A_635, %add3A_650 : vector<16xf32>
        %div3A_652 = arith.divf %mul3A_648, %add3A_651 : vector<16xf32>
        %add3A_653 = arith.addf %scan3A_617, %div3A_652 : vector<16xf32>
        %mul3A_654 = arith.mulf %gather3A, %gather3A_636 : vector<16xf32>
        %add3A_655 = arith.addf %scan3A_618, %mul3A_654 : vector<16xf32>
        %mul3A_656 = arith.mulf %gather3A_631, %gather3A_640 : vector<16xf32>
        %add3A_657 = arith.addf %add3A_655, %mul3A_656 : vector<16xf32>
        %mul3A_658 = arith.mulf %gather3A, %gather3A : vector<16xf32>
        %add3A_659 = arith.addf %scan3A_619, %mul3A_658 : vector<16xf32>
        %mul3A_660 = arith.mulf %gather3A_631, %gather3A_631 : vector<16xf32>
        %add3A_661 = arith.addf %add3A_659, %mul3A_660 : vector<16xf32>
        %mul3A_662 = arith.mulf %gather3A_636, %gather3A_636 : vector<16xf32>
        %add3A_663 = arith.addf %scan3A_620, %mul3A_662 : vector<16xf32>
        %mul3A_664 = arith.mulf %gather3A_640, %gather3A_640 : vector<16xf32>
        %add3A_665 = arith.addf %add3A_663, %mul3A_664 : vector<16xf32>
        %mul3A_666 = arith.constant 2 : i32
        %mul3A_667 = arith.muli %mul3A_666, %scan3A_615 : i32
        %add3A_668 = arith.constant 1 : i32
        %add3A_669 = arith.addi %mul3A_667, %add3A_668 : i32
        %broadcast_in_dim3A_670 = vector.broadcast %add3A_669 : i32 to vector<16xi32>
        %add3A_671 = vector.broadcast %add3A_669 : i32 to vector<16xi32>
        %add3A_672 = arith.addi %mul3A_558, %add3A_671 : vector<16xi32>
        %gather3A_673 = tpu.vector_load_idx %arg20[%add3A_548, %broadcast_in_dim3A_670] : memref<64x128xf32, #tpu.memory_space<vmem>>[vector<16xi32>, vector<16xi32>], vector<16xf32>,
        %add3A_674 = arith.constant 64 : i32
        %add3A_675 = vector.broadcast %add3A_674 : i32 to vector<16xi32>
        %add3A_676 = arith.addi %broadcast_in_dim3A_670, %add3A_675 : vector<16xi32>
        %gather3A_677 = tpu.vector_load_idx %arg20[%add3A_548, %add3A_676] : memref<64x128xf32, #tpu.memory_space<vmem>>[vector<16xi32>, vector<16xi32>], vector<16xf32>,
        %gather3A_678 = tpu.vector_load_idx %arg21[%add3A_548, %add3A_672] : memref<64x128xf32, #tpu.memory_space<vmem>>[vector<16xi32>, vector<16xi32>], vector<16xf32>,
        %gather3A_679 = tpu.vector_load_idx %arg23[%add3A_548, %add3A_672] : memref<64x128xf32, #tpu.memory_space<vmem>>[vector<16xi32>, vector<16xi32>], vector<16xf32>,
        %gather3A_680 = tpu.vector_load_idx %arg22[%add3A_548, %add3A_672] : memref<64x128xf32, #tpu.memory_space<vmem>>[vector<16xi32>, vector<16xi32>], vector<16xf32>,
        %gather3A_681 = tpu.vector_load_idx %arg24[%add3A_548, %add3A_672] : memref<64x128xf32, #tpu.memory_space<vmem>>[vector<16xi32>, vector<16xi32>], vector<16xf32>,
        %gather3A_682 = tpu.vector_load_idx %arg25[%add3A_548, %broadcast_in_dim3A_670] : memref<64x128xf32, #tpu.memory_space<vmem>>[vector<16xi32>, vector<16xi32>], vector<16xf32>,
        %add3A_683 = arith.constant 64 : i32
        %add3A_684 = vector.broadcast %add3A_683 : i32 to vector<16xi32>
        %add3A_685 = arith.addi %broadcast_in_dim3A_670, %add3A_684 : vector<16xi32>
        %gather3A_686 = tpu.vector_load_idx %arg25[%add3A_548, %add3A_685] : memref<64x128xf32, #tpu.memory_space<vmem>>[vector<16xi32>, vector<16xi32>], vector<16xf32>,
        %sub3A_687 = arith.subf %gather3A_673, %gather3A_678 : vector<16xf32>
        %sub3A_688 = arith.subf %gather3A_677, %gather3A_680 : vector<16xf32>
        %mul3A_689 = arith.mulf %sub3A_687, %sub3A_687 : vector<16xf32>
        %add3A_690 = arith.constant 9.99999974E-6 : f32
        %add3A_691 = vector.broadcast %add3A_690 : f32 to vector<16xf32>
        %add3A_692 = arith.addf %gather3A_679, %add3A_691 : vector<16xf32>
        %div3A_693 = arith.divf %mul3A_689, %add3A_692 : vector<16xf32>
        %add3A_694 = arith.addf %add3A_647, %div3A_693 : vector<16xf32>
        %mul3A_695 = arith.mulf %sub3A_688, %sub3A_688 : vector<16xf32>
        %add3A_696 = arith.constant 9.99999974E-6 : f32
        %add3A_697 = vector.broadcast %add3A_696 : f32 to vector<16xf32>
        %add3A_698 = arith.addf %gather3A_681, %add3A_697 : vector<16xf32>
        %div3A_699 = arith.divf %mul3A_695, %add3A_698 : vector<16xf32>
        %add3A_700 = arith.addf %add3A_653, %div3A_699 : vector<16xf32>
        %mul3A_701 = arith.mulf %gather3A_673, %gather3A_682 : vector<16xf32>
        %add3A_702 = arith.addf %add3A_657, %mul3A_701 : vector<16xf32>
        %mul3A_703 = arith.mulf %gather3A_677, %gather3A_686 : vector<16xf32>
        %add3A_704 = arith.addf %add3A_702, %mul3A_703 : vector<16xf32>
        %mul3A_705 = arith.mulf %gather3A_673, %gather3A_673 : vector<16xf32>
        %add3A_706 = arith.addf %add3A_661, %mul3A_705 : vector<16xf32>
        %mul3A_707 = arith.mulf %gather3A_677, %gather3A_677 : vector<16xf32>
        %add3A_708 = arith.addf %add3A_706, %mul3A_707 : vector<16xf32>
        %mul3A_709 = arith.mulf %gather3A_682, %gather3A_682 : vector<16xf32>
        %add3A_710 = arith.addf %add3A_665, %mul3A_709 : vector<16xf32>
        %mul3A_711 = arith.mulf %gather3A_686, %gather3A_686 : vector<16xf32>
        %add3A_712 = arith.addf %add3A_710, %mul3A_711 : vector<16xf32>
        scf.yield %add3A_694, %add3A_700, %add3A_704, %add3A_708, %add3A_712 : vector<16xf32>, vector<16xf32>, vector<16xf32>, vector<16xf32>, vector<16xf32>
      }
      %scan3A_565 = arith.constant 32 : i32
      %mul3A_566 = arith.mulf %scan3A_564#3, %scan3A_564#4 : vector<16xf32>
      %max3A = arith.constant 1.000000e-24 : f32
      %max3A_567 = vector.broadcast %max3A : f32 to vector<16xf32>
      %max3A_568 = arith.maximumf %mul3A_566, %max3A_567 : vector<16xf32>
      %bitcast3A = vector.bitcast %max3A_568 : vector<16xf32> to vector<16xi32>
      %shift_right_arithmetic3A = arith.constant 1 : i32
      %shift_right_arithmetic3A_569 = vector.broadcast %shift_right_arithmetic3A : i32 to vector<16xi32>
      %shift_right_arithmetic3A_570 = arith.shrsi %bitcast3A, %shift_right_arithmetic3A_569 : vector<16xi32>
      %sub3A = arith.constant 1597463007 : i32
      %sub3A_571 = vector.broadcast %sub3A : i32 to vector<16xi32>
      %sub3A_572 = arith.subi %sub3A_571, %shift_right_arithmetic3A_570 : vector<16xi32>
      %bitcast3A_573 = vector.bitcast %sub3A_572 : vector<16xi32> to vector<16xf32>
      %mul3A_574 = arith.constant 5.000000e-01 : f32
      %mul3A_575 = vector.broadcast %mul3A_574 : f32 to vector<16xf32>
      %mul3A_576 = arith.mulf %mul3A_575, %max3A_568 : vector<16xf32>
      %mul3A_577 = arith.mulf %mul3A_576, %bitcast3A_573 : vector<16xf32>
      %mul3A_578 = arith.mulf %mul3A_577, %bitcast3A_573 : vector<16xf32>
      %sub3A_579 = arith.constant 1.500000e+00 : f32
      %sub3A_580 = vector.broadcast %sub3A_579 : f32 to vector<16xf32>
      %sub3A_581 = arith.subf %sub3A_580, %mul3A_578 : vector<16xf32>
      %mul3A_582 = arith.mulf %bitcast3A_573, %sub3A_581 : vector<16xf32>
      %mul3A_583 = arith.constant 5.000000e-01 : f32
      %mul3A_584 = vector.broadcast %mul3A_583 : f32 to vector<16xf32>
      %mul3A_585 = arith.mulf %mul3A_584, %max3A_568 : vector<16xf32>
      %mul3A_586 = arith.mulf %mul3A_585, %mul3A_582 : vector<16xf32>
      %mul3A_587 = arith.mulf %mul3A_586, %mul3A_582 : vector<16xf32>
      %sub3A_588 = arith.constant 1.500000e+00 : f32
      %sub3A_589 = vector.broadcast %sub3A_588 : f32 to vector<16xf32>
      %sub3A_590 = arith.subf %sub3A_589, %mul3A_587 : vector<16xf32>
      %mul3A_591 = arith.mulf %mul3A_582, %sub3A_590 : vector<16xf32>
      %mul3A_592 = arith.constant 5.000000e-01 : f32
      %mul3A_593 = vector.broadcast %mul3A_592 : f32 to vector<16xf32>
      %mul3A_594 = arith.mulf %mul3A_593, %max3A_568 : vector<16xf32>
      %mul3A_595 = arith.mulf %mul3A_594, %mul3A_591 : vector<16xf32>
      %mul3A_596 = arith.mulf %mul3A_595, %mul3A_591 : vector<16xf32>
      %sub3A_597 = arith.constant 1.500000e+00 : f32
      %sub3A_598 = vector.broadcast %sub3A_597 : f32 to vector<16xf32>
      %sub3A_599 = arith.subf %sub3A_598, %mul3A_596 : vector<16xf32>
      %mul3A_600 = arith.mulf %mul3A_591, %sub3A_599 : vector<16xf32>
      %mul3A_601 = arith.mulf %scan3A_564#2, %mul3A_600 : vector<16xf32>
      %sub3A_602 = arith.constant 1.000000e+00 : f32
      %sub3A_603 = vector.broadcast %sub3A_602 : f32 to vector<16xf32>
      %sub3A_604 = arith.subf %sub3A_603, %mul3A_601 : vector<16xf32>
      %mul3A_605 = arith.constant 16 : i32
      %mul3A_606 = arith.muli %scan3A_543, %mul3A_605 : i32
      %add3A_607 = arith.constant 320 : i32
      %add3A_608 = arith.addi %add3A_607, %mul3A_606 : i32
      %swap3A = arith.index_cast %add3A_608 : i32 to index
      %swap3A_609 = tpu.vector_load %arg26[%swap3A] {strides = array<i32>} : memref<512xf32, #tpu.memory_space<vmem>>, vector<16xf32>,
      tpu.vector_store %arg26[%swap3A], %scan3A_564#0 {strides = array<i32>} : memref<512xf32, #tpu.memory_space<vmem>>, vector<16xf32>,
      %swap3A_610 = arith.index_cast %add3A_608 : i32 to index
      %swap3A_611 = tpu.vector_load %arg27[%swap3A_610] {strides = array<i32>} : memref<512xf32, #tpu.memory_space<vmem>>, vector<16xf32>,
      tpu.vector_store %arg27[%swap3A_610], %scan3A_564#1 {strides = array<i32>} : memref<512xf32, #tpu.memory_space<vmem>>, vector<16xf32>,
      %swap3A_612 = arith.index_cast %add3A_608 : i32 to index
      %swap3A_613 = tpu.vector_load %arg28[%swap3A_612] {strides = array<i32>} : memref<512xf32, #tpu.memory_space<vmem>>, vector<16xf32>,
      tpu.vector_store %arg28[%swap3A_612], %sub3A_604 {strides = array<i32>} : memref<512xf32, #tpu.memory_space<vmem>>, vector<16xf32>,
      %scan3A_614 = arith.constant 0 : i32
      scf.yield %scan3A_614 : i32
    }
    %scan3A_439 = arith.constant 4 : i32
    %add3A_440 = arith.constant 448 : i32
    %add3A_441 = arith.addi %mul3A_2, %add3A_440 : i32
    %dma_start3A_442 = arith.constant 0 : i32
    %dma_start3A_443 = tpu.memref_slice %arg2[%add3A_441, %dma_start3A_442] : memref<16384x128xf32, #tpu.memory_space<hbm>> -> memref<64x128xf32, #tpu.memory_space<hbm>>
    %dma_start3A_444 = arith.constant 0 : i32
    %dma_start3A_445 = tpu.memref_slice %arg2[%add3A_441, %dma_start3A_444] : memref<16384x128xf32, #tpu.memory_space<hbm>> -> memref<64x128xf32, #tpu.memory_space<hbm>>
    tpu.enqueue_dma source(%dma_start3A_445 : memref<64x128xf32, #tpu.memory_space<hbm>>) target(%arg20 : memref<64x128xf32, #tpu.memory_space<vmem>>) target_semaphore(%arg30 : memref<!tpu.dma_semaphore, #tpu.memory_space<semaphore_mem>>)
    %dma_start3A_446 = arith.constant 448 : i32
    %dma_start3A_447 = tpu.memref_slice %arg13[%dma_start3A_446] : memref<512xi32, #tpu.memory_space<vmem>> -> memref<64xi32, #tpu.memory_space<vmem>>
    %dma_start3A_448 = arith.constant 0 : i32
    %dma_start3A_449 = arith.constant 0 : i32
    %dma_start3A_450 = tpu.memref_slice %arg4[%dma_start3A_448, %dma_start3A_449] : memref<50000x128xf32, #tpu.memory_space<hbm>> -> memref<50000x128xf32, #tpu.memory_space<hbm>>
    tpu.enqueue_indirect_dma source(%dma_start3A_450 : memref<50000x128xf32, #tpu.memory_space<hbm>>) target(%arg21 : memref<64x128xf32, #tpu.memory_space<vmem>>) offsets(%dma_start3A_447 : memref<64xi32, #tpu.memory_space<vmem>>) semaphore(%arg30 : memref<!tpu.dma_semaphore, #tpu.memory_space<semaphore_mem>>)
    %dma_start3A_451 = arith.constant 448 : i32
    %dma_start3A_452 = tpu.memref_slice %arg13[%dma_start3A_451] : memref<512xi32, #tpu.memory_space<vmem>> -> memref<64xi32, #tpu.memory_space<vmem>>
    %dma_start3A_453 = arith.constant 0 : i32
    %dma_start3A_454 = arith.constant 0 : i32
    %dma_start3A_455 = tpu.memref_slice %arg5[%dma_start3A_453, %dma_start3A_454] : memref<50000x128xf32, #tpu.memory_space<hbm>> -> memref<50000x128xf32, #tpu.memory_space<hbm>>
    tpu.enqueue_indirect_dma source(%dma_start3A_455 : memref<50000x128xf32, #tpu.memory_space<hbm>>) target(%arg22 : memref<64x128xf32, #tpu.memory_space<vmem>>) offsets(%dma_start3A_452 : memref<64xi32, #tpu.memory_space<vmem>>) semaphore(%arg30 : memref<!tpu.dma_semaphore, #tpu.memory_space<semaphore_mem>>)
    %dma_start3A_456 = arith.constant 448 : i32
    %dma_start3A_457 = tpu.memref_slice %arg13[%dma_start3A_456] : memref<512xi32, #tpu.memory_space<vmem>> -> memref<64xi32, #tpu.memory_space<vmem>>
    %dma_start3A_458 = arith.constant 0 : i32
    %dma_start3A_459 = arith.constant 0 : i32
    %dma_start3A_460 = tpu.memref_slice %arg6[%dma_start3A_458, %dma_start3A_459] : memref<50000x128xf32, #tpu.memory_space<hbm>> -> memref<50000x128xf32, #tpu.memory_space<hbm>>
    tpu.enqueue_indirect_dma source(%dma_start3A_460 : memref<50000x128xf32, #tpu.memory_space<hbm>>) target(%arg23 : memref<64x128xf32, #tpu.memory_space<vmem>>) offsets(%dma_start3A_457 : memref<64xi32, #tpu.memory_space<vmem>>) semaphore(%arg30 : memref<!tpu.dma_semaphore, #tpu.memory_space<semaphore_mem>>)
    %dma_start3A_461 = arith.constant 448 : i32
    %dma_start3A_462 = tpu.memref_slice %arg13[%dma_start3A_461] : memref<512xi32, #tpu.memory_space<vmem>> -> memref<64xi32, #tpu.memory_space<vmem>>
    %dma_start3A_463 = arith.constant 0 : i32
    %dma_start3A_464 = arith.constant 0 : i32
    %dma_start3A_465 = tpu.memref_slice %arg7[%dma_start3A_463, %dma_start3A_464] : memref<50000x128xf32, #tpu.memory_space<hbm>> -> memref<50000x128xf32, #tpu.memory_space<hbm>>
    tpu.enqueue_indirect_dma source(%dma_start3A_465 : memref<50000x128xf32, #tpu.memory_space<hbm>>) target(%arg24 : memref<64x128xf32, #tpu.memory_space<vmem>>) offsets(%dma_start3A_462 : memref<64xi32, #tpu.memory_space<vmem>>) semaphore(%arg30 : memref<!tpu.dma_semaphore, #tpu.memory_space<semaphore_mem>>)
    %dma_start3A_466 = arith.constant 448 : i32
    %dma_start3A_467 = tpu.memref_slice %arg12[%dma_start3A_466] : memref<512xi32, #tpu.memory_space<vmem>> -> memref<64xi32, #tpu.memory_space<vmem>>
    %dma_start3A_468 = arith.constant 0 : i32
    %dma_start3A_469 = arith.constant 0 : i32
    %dma_start3A_470 = tpu.memref_slice %arg8[%dma_start3A_468, %dma_start3A_469] : memref<100000x128xf32, #tpu.memory_space<hbm>> -> memref<100000x128xf32, #tpu.memory_space<hbm>>
    tpu.enqueue_indirect_dma source(%dma_start3A_470 : memref<100000x128xf32, #tpu.memory_space<hbm>>) target(%arg25 : memref<64x128xf32, #tpu.memory_space<vmem>>) offsets(%dma_start3A_467 : memref<64xi32, #tpu.memory_space<vmem>>) semaphore(%arg30 : memref<!tpu.dma_semaphore, #tpu.memory_space<semaphore_mem>>)
    %dma_wait3A_471 = arith.constant 0 : i32
    %dma_wait3A_472 = tpu.memref_slice %arg2[%add3A_374, %dma_wait3A_471] : memref<16384x128xf32, #tpu.memory_space<hbm>> -> memref<64x128xf32, #tpu.memory_space<hbm>>
    %dma_wait3A_473 = arith.constant 0 : i32
    %dma_wait3A_474 = tpu.memref_slice %arg2[%add3A_374, %dma_wait3A_473] : memref<16384x128xf32, #tpu.memory_space<hbm>> -> memref<64x128xf32, #tpu.memory_space<hbm>>
    tpu.wait_dma2 semaphore(%arg29 : memref<!tpu.dma_semaphore, #tpu.memory_space<semaphore_mem>>) src(%dma_wait3A_474 : memref<64x128xf32, #tpu.memory_space<hbm>>) dst(%arg14 : memref<64x128xf32, #tpu.memory_space<vmem>>)
    %dma_wait3A_475 = arith.constant 384 : i32
    %dma_wait3A_476 = tpu.memref_slice %arg13[%dma_wait3A_475] : memref<512xi32, #tpu.memory_space<vmem>> -> memref<64xi32, #tpu.memory_space<vmem>>
    %dma_wait3A_477 = arith.constant 0 : i32
    %dma_wait3A_478 = arith.constant 0 : i32
    %dma_wait3A_479 = tpu.memref_slice %arg4[%dma_wait3A_477, %dma_wait3A_478] : memref<50000x128xf32, #tpu.memory_space<hbm>> -> memref<50000x128xf32, #tpu.memory_space<hbm>>
    tpu.wait_indirect_dma semaphore(%arg29 : memref<!tpu.dma_semaphore, #tpu.memory_space<semaphore_mem>>) src(%dma_wait3A_479 : memref<50000x128xf32, #tpu.memory_space<hbm>>) dst(%arg15 : memref<64x128xf32, #tpu.memory_space<vmem>>)
    %dma_wait3A_480 = arith.constant 384 : i32
    %dma_wait3A_481 = tpu.memref_slice %arg13[%dma_wait3A_480] : memref<512xi32, #tpu.memory_space<vmem>> -> memref<64xi32, #tpu.memory_space<vmem>>
    %dma_wait3A_482 = arith.constant 0 : i32
    %dma_wait3A_483 = arith.constant 0 : i32
    %dma_wait3A_484 = tpu.memref_slice %arg5[%dma_wait3A_482, %dma_wait3A_483] : memref<50000x128xf32, #tpu.memory_space<hbm>> -> memref<50000x128xf32, #tpu.memory_space<hbm>>
    tpu.wait_indirect_dma semaphore(%arg29 : memref<!tpu.dma_semaphore, #tpu.memory_space<semaphore_mem>>) src(%dma_wait3A_484 : memref<50000x128xf32, #tpu.memory_space<hbm>>) dst(%arg16 : memref<64x128xf32, #tpu.memory_space<vmem>>)
    %dma_wait3A_485 = arith.constant 384 : i32
    %dma_wait3A_486 = tpu.memref_slice %arg13[%dma_wait3A_485] : memref<512xi32, #tpu.memory_space<vmem>> -> memref<64xi32, #tpu.memory_space<vmem>>
    %dma_wait3A_487 = arith.constant 0 : i32
    %dma_wait3A_488 = arith.constant 0 : i32
    %dma_wait3A_489 = tpu.memref_slice %arg6[%dma_wait3A_487, %dma_wait3A_488] : memref<50000x128xf32, #tpu.memory_space<hbm>> -> memref<50000x128xf32, #tpu.memory_space<hbm>>
    tpu.wait_indirect_dma semaphore(%arg29 : memref<!tpu.dma_semaphore, #tpu.memory_space<semaphore_mem>>) src(%dma_wait3A_489 : memref<50000x128xf32, #tpu.memory_space<hbm>>) dst(%arg17 : memref<64x128xf32, #tpu.memory_space<vmem>>)
    %dma_wait3A_490 = arith.constant 384 : i32
    %dma_wait3A_491 = tpu.memref_slice %arg13[%dma_wait3A_490] : memref<512xi32, #tpu.memory_space<vmem>> -> memref<64xi32, #tpu.memory_space<vmem>>
    %dma_wait3A_492 = arith.constant 0 : i32
    %dma_wait3A_493 = arith.constant 0 : i32
    %dma_wait3A_494 = tpu.memref_slice %arg7[%dma_wait3A_492, %dma_wait3A_493] : memref<50000x128xf32, #tpu.memory_space<hbm>> -> memref<50000x128xf32, #tpu.memory_space<hbm>>
    tpu.wait_indirect_dma semaphore(%arg29 : memref<!tpu.dma_semaphore, #tpu.memory_space<semaphore_mem>>) src(%dma_wait3A_494 : memref<50000x128xf32, #tpu.memory_space<hbm>>) dst(%arg18 : memref<64x128xf32, #tpu.memory_space<vmem>>)
    %dma_wait3A_495 = arith.constant 384 : i32
    %dma_wait3A_496 = tpu.memref_slice %arg12[%dma_wait3A_495] : memref<512xi32, #tpu.memory_space<vmem>> -> memref<64xi32, #tpu.memory_space<vmem>>
    %dma_wait3A_497 = arith.constant 0 : i32
    %dma_wait3A_498 = arith.constant 0 : i32
    %dma_wait3A_499 = tpu.memref_slice %arg8[%dma_wait3A_497, %dma_wait3A_498] : memref<100000x128xf32, #tpu.memory_space<hbm>> -> memref<100000x128xf32, #tpu.memory_space<hbm>>
    tpu.wait_indirect_dma semaphore(%arg29 : memref<!tpu.dma_semaphore, #tpu.memory_space<semaphore_mem>>) src(%dma_wait3A_499 : memref<100000x128xf32, #tpu.memory_space<hbm>>) dst(%arg19 : memref<64x128xf32, #tpu.memory_space<vmem>>)
    %scan3A_500 = arith.constant 0 : i32
    %scan3A_501 = arith.constant 0 : i32
    %scan3A_502 = arith.constant 4 : i32
    %scan3A_503 = arith.addi %scan3A_501, %scan3A_502 : i32
    %scan3A_504 = arith.constant 1 : i32
    %scan3A_505 = scf.for %scan3A_543 = %scan3A_501 to %scan3A_503 step %scan3A_504 iter_args(%scan3A_544 = %scan3A_500) -> (i32)  : i32 {
      %iota3A = tpu.iota {dimensions = array<i32: 0>} : vector<16xi32>
      %mul3A_545 = arith.constant 16 : i32
      %mul3A_546 = arith.muli %scan3A_543, %mul3A_545 : i32
      %add3A_547 = vector.broadcast %mul3A_546 : i32 to vector<16xi32>
      %add3A_548 = arith.addi %iota3A, %add3A_547 : vector<16xi32>
      %mul3A_549 = arith.constant 16 : i32
      %mul3A_550 = arith.muli %scan3A_543, %mul3A_549 : i32
      %add3A_551 = arith.constant 384 : i32
      %add3A_552 = arith.addi %add3A_551, %mul3A_550 : i32
      %get3A = arith.index_cast %add3A_552 : i32 to index
      %get3A_553 = tpu.vector_load %arg12[%get3A] {strides = array<i32>} : memref<512xi32, #tpu.memory_space<vmem>>, vector<16xi32>,
      %and3A = arith.constant 1 : i32
      %and3A_554 = vector.broadcast %and3A : i32 to vector<16xi32>
      %and3A_555 = arith.andi %get3A_553, %and3A_554 : vector<16xi32>
      %mul3A_556 = arith.constant 64 : i32
      %mul3A_557 = vector.broadcast %mul3A_556 : i32 to vector<16xi32>
      %mul3A_558 = arith.muli %and3A_555, %mul3A_557 : vector<16xi32>
      %broadcast_in_dim3A = arith.constant 0.000000e+00 : f32
      %broadcast_in_dim3A_559 = vector.broadcast %broadcast_in_dim3A : f32 to vector<16xf32>
      %scan3A_560 = arith.constant 0 : i32
      %scan3A_561 = arith.constant 32 : i32
      %scan3A_562 = arith.addi %scan3A_560, %scan3A_561 : i32
      %scan3A_563 = arith.constant 1 : i32
      %scan3A_564:5 = scf.for %scan3A_615 = %scan3A_560 to %scan3A_562 step %scan3A_563 iter_args(%scan3A_616 = %broadcast_in_dim3A_559, %scan3A_617 = %broadcast_in_dim3A_559, %scan3A_618 = %broadcast_in_dim3A_559, %scan3A_619 = %broadcast_in_dim3A_559, %scan3A_620 = %broadcast_in_dim3A_559) -> (vector<16xf32>, vector<16xf32>, vector<16xf32>, vector<16xf32>, vector<16xf32>)  : i32 {
        %mul3A_621 = arith.constant 2 : i32
        %mul3A_622 = arith.muli %mul3A_621, %scan3A_615 : i32
        %add3A_623 = arith.constant 0 : i32
        %add3A_624 = arith.addi %mul3A_622, %add3A_623 : i32
        %broadcast_in_dim3A_625 = vector.broadcast %add3A_624 : i32 to vector<16xi32>
        %add3A_626 = vector.broadcast %add3A_624 : i32 to vector<16xi32>
        %add3A_627 = arith.addi %mul3A_558, %add3A_626 : vector<16xi32>
        %gather3A = tpu.vector_load_idx %arg14[%add3A_548, %broadcast_in_dim3A_625] : memref<64x128xf32, #tpu.memory_space<vmem>>[vector<16xi32>, vector<16xi32>], vector<16xf32>,
        %add3A_628 = arith.constant 64 : i32
        %add3A_629 = vector.broadcast %add3A_628 : i32 to vector<16xi32>
        %add3A_630 = arith.addi %broadcast_in_dim3A_625, %add3A_629 : vector<16xi32>
        %gather3A_631 = tpu.vector_load_idx %arg14[%add3A_548, %add3A_630] : memref<64x128xf32, #tpu.memory_space<vmem>>[vector<16xi32>, vector<16xi32>], vector<16xf32>,
        %gather3A_632 = tpu.vector_load_idx %arg15[%add3A_548, %add3A_627] : memref<64x128xf32, #tpu.memory_space<vmem>>[vector<16xi32>, vector<16xi32>], vector<16xf32>,
        %gather3A_633 = tpu.vector_load_idx %arg17[%add3A_548, %add3A_627] : memref<64x128xf32, #tpu.memory_space<vmem>>[vector<16xi32>, vector<16xi32>], vector<16xf32>,
        %gather3A_634 = tpu.vector_load_idx %arg16[%add3A_548, %add3A_627] : memref<64x128xf32, #tpu.memory_space<vmem>>[vector<16xi32>, vector<16xi32>], vector<16xf32>,
        %gather3A_635 = tpu.vector_load_idx %arg18[%add3A_548, %add3A_627] : memref<64x128xf32, #tpu.memory_space<vmem>>[vector<16xi32>, vector<16xi32>], vector<16xf32>,
        %gather3A_636 = tpu.vector_load_idx %arg19[%add3A_548, %broadcast_in_dim3A_625] : memref<64x128xf32, #tpu.memory_space<vmem>>[vector<16xi32>, vector<16xi32>], vector<16xf32>,
        %add3A_637 = arith.constant 64 : i32
        %add3A_638 = vector.broadcast %add3A_637 : i32 to vector<16xi32>
        %add3A_639 = arith.addi %broadcast_in_dim3A_625, %add3A_638 : vector<16xi32>
        %gather3A_640 = tpu.vector_load_idx %arg19[%add3A_548, %add3A_639] : memref<64x128xf32, #tpu.memory_space<vmem>>[vector<16xi32>, vector<16xi32>], vector<16xf32>,
        %sub3A_641 = arith.subf %gather3A, %gather3A_632 : vector<16xf32>
        %sub3A_642 = arith.subf %gather3A_631, %gather3A_634 : vector<16xf32>
        %mul3A_643 = arith.mulf %sub3A_641, %sub3A_641 : vector<16xf32>
        %add3A_644 = arith.constant 9.99999974E-6 : f32
        %add3A_645 = vector.broadcast %add3A_644 : f32 to vector<16xf32>
        %add3A_646 = arith.addf %gather3A_633, %add3A_645 : vector<16xf32>
        %div3A = arith.divf %mul3A_643, %add3A_646 : vector<16xf32>
        %add3A_647 = arith.addf %scan3A_616, %div3A : vector<16xf32>
        %mul3A_648 = arith.mulf %sub3A_642, %sub3A_642 : vector<16xf32>
        %add3A_649 = arith.constant 9.99999974E-6 : f32
        %add3A_650 = vector.broadcast %add3A_649 : f32 to vector<16xf32>
        %add3A_651 = arith.addf %gather3A_635, %add3A_650 : vector<16xf32>
        %div3A_652 = arith.divf %mul3A_648, %add3A_651 : vector<16xf32>
        %add3A_653 = arith.addf %scan3A_617, %div3A_652 : vector<16xf32>
        %mul3A_654 = arith.mulf %gather3A, %gather3A_636 : vector<16xf32>
        %add3A_655 = arith.addf %scan3A_618, %mul3A_654 : vector<16xf32>
        %mul3A_656 = arith.mulf %gather3A_631, %gather3A_640 : vector<16xf32>
        %add3A_657 = arith.addf %add3A_655, %mul3A_656 : vector<16xf32>
        %mul3A_658 = arith.mulf %gather3A, %gather3A : vector<16xf32>
        %add3A_659 = arith.addf %scan3A_619, %mul3A_658 : vector<16xf32>
        %mul3A_660 = arith.mulf %gather3A_631, %gather3A_631 : vector<16xf32>
        %add3A_661 = arith.addf %add3A_659, %mul3A_660 : vector<16xf32>
        %mul3A_662 = arith.mulf %gather3A_636, %gather3A_636 : vector<16xf32>
        %add3A_663 = arith.addf %scan3A_620, %mul3A_662 : vector<16xf32>
        %mul3A_664 = arith.mulf %gather3A_640, %gather3A_640 : vector<16xf32>
        %add3A_665 = arith.addf %add3A_663, %mul3A_664 : vector<16xf32>
        %mul3A_666 = arith.constant 2 : i32
        %mul3A_667 = arith.muli %mul3A_666, %scan3A_615 : i32
        %add3A_668 = arith.constant 1 : i32
        %add3A_669 = arith.addi %mul3A_667, %add3A_668 : i32
        %broadcast_in_dim3A_670 = vector.broadcast %add3A_669 : i32 to vector<16xi32>
        %add3A_671 = vector.broadcast %add3A_669 : i32 to vector<16xi32>
        %add3A_672 = arith.addi %mul3A_558, %add3A_671 : vector<16xi32>
        %gather3A_673 = tpu.vector_load_idx %arg14[%add3A_548, %broadcast_in_dim3A_670] : memref<64x128xf32, #tpu.memory_space<vmem>>[vector<16xi32>, vector<16xi32>], vector<16xf32>,
        %add3A_674 = arith.constant 64 : i32
        %add3A_675 = vector.broadcast %add3A_674 : i32 to vector<16xi32>
        %add3A_676 = arith.addi %broadcast_in_dim3A_670, %add3A_675 : vector<16xi32>
        %gather3A_677 = tpu.vector_load_idx %arg14[%add3A_548, %add3A_676] : memref<64x128xf32, #tpu.memory_space<vmem>>[vector<16xi32>, vector<16xi32>], vector<16xf32>,
        %gather3A_678 = tpu.vector_load_idx %arg15[%add3A_548, %add3A_672] : memref<64x128xf32, #tpu.memory_space<vmem>>[vector<16xi32>, vector<16xi32>], vector<16xf32>,
        %gather3A_679 = tpu.vector_load_idx %arg17[%add3A_548, %add3A_672] : memref<64x128xf32, #tpu.memory_space<vmem>>[vector<16xi32>, vector<16xi32>], vector<16xf32>,
        %gather3A_680 = tpu.vector_load_idx %arg16[%add3A_548, %add3A_672] : memref<64x128xf32, #tpu.memory_space<vmem>>[vector<16xi32>, vector<16xi32>], vector<16xf32>,
        %gather3A_681 = tpu.vector_load_idx %arg18[%add3A_548, %add3A_672] : memref<64x128xf32, #tpu.memory_space<vmem>>[vector<16xi32>, vector<16xi32>], vector<16xf32>,
        %gather3A_682 = tpu.vector_load_idx %arg19[%add3A_548, %broadcast_in_dim3A_670] : memref<64x128xf32, #tpu.memory_space<vmem>>[vector<16xi32>, vector<16xi32>], vector<16xf32>,
        %add3A_683 = arith.constant 64 : i32
        %add3A_684 = vector.broadcast %add3A_683 : i32 to vector<16xi32>
        %add3A_685 = arith.addi %broadcast_in_dim3A_670, %add3A_684 : vector<16xi32>
        %gather3A_686 = tpu.vector_load_idx %arg19[%add3A_548, %add3A_685] : memref<64x128xf32, #tpu.memory_space<vmem>>[vector<16xi32>, vector<16xi32>], vector<16xf32>,
        %sub3A_687 = arith.subf %gather3A_673, %gather3A_678 : vector<16xf32>
        %sub3A_688 = arith.subf %gather3A_677, %gather3A_680 : vector<16xf32>
        %mul3A_689 = arith.mulf %sub3A_687, %sub3A_687 : vector<16xf32>
        %add3A_690 = arith.constant 9.99999974E-6 : f32
        %add3A_691 = vector.broadcast %add3A_690 : f32 to vector<16xf32>
        %add3A_692 = arith.addf %gather3A_679, %add3A_691 : vector<16xf32>
        %div3A_693 = arith.divf %mul3A_689, %add3A_692 : vector<16xf32>
        %add3A_694 = arith.addf %add3A_647, %div3A_693 : vector<16xf32>
        %mul3A_695 = arith.mulf %sub3A_688, %sub3A_688 : vector<16xf32>
        %add3A_696 = arith.constant 9.99999974E-6 : f32
        %add3A_697 = vector.broadcast %add3A_696 : f32 to vector<16xf32>
        %add3A_698 = arith.addf %gather3A_681, %add3A_697 : vector<16xf32>
        %div3A_699 = arith.divf %mul3A_695, %add3A_698 : vector<16xf32>
        %add3A_700 = arith.addf %add3A_653, %div3A_699 : vector<16xf32>
        %mul3A_701 = arith.mulf %gather3A_673, %gather3A_682 : vector<16xf32>
        %add3A_702 = arith.addf %add3A_657, %mul3A_701 : vector<16xf32>
        %mul3A_703 = arith.mulf %gather3A_677, %gather3A_686 : vector<16xf32>
        %add3A_704 = arith.addf %add3A_702, %mul3A_703 : vector<16xf32>
        %mul3A_705 = arith.mulf %gather3A_673, %gather3A_673 : vector<16xf32>
        %add3A_706 = arith.addf %add3A_661, %mul3A_705 : vector<16xf32>
        %mul3A_707 = arith.mulf %gather3A_677, %gather3A_677 : vector<16xf32>
        %add3A_708 = arith.addf %add3A_706, %mul3A_707 : vector<16xf32>
        %mul3A_709 = arith.mulf %gather3A_682, %gather3A_682 : vector<16xf32>
        %add3A_710 = arith.addf %add3A_665, %mul3A_709 : vector<16xf32>
        %mul3A_711 = arith.mulf %gather3A_686, %gather3A_686 : vector<16xf32>
        %add3A_712 = arith.addf %add3A_710, %mul3A_711 : vector<16xf32>
        scf.yield %add3A_694, %add3A_700, %add3A_704, %add3A_708, %add3A_712 : vector<16xf32>, vector<16xf32>, vector<16xf32>, vector<16xf32>, vector<16xf32>
      }
      %scan3A_565 = arith.constant 32 : i32
      %mul3A_566 = arith.mulf %scan3A_564#3, %scan3A_564#4 : vector<16xf32>
      %max3A = arith.constant 1.000000e-24 : f32
      %max3A_567 = vector.broadcast %max3A : f32 to vector<16xf32>
      %max3A_568 = arith.maximumf %mul3A_566, %max3A_567 : vector<16xf32>
      %bitcast3A = vector.bitcast %max3A_568 : vector<16xf32> to vector<16xi32>
      %shift_right_arithmetic3A = arith.constant 1 : i32
      %shift_right_arithmetic3A_569 = vector.broadcast %shift_right_arithmetic3A : i32 to vector<16xi32>
      %shift_right_arithmetic3A_570 = arith.shrsi %bitcast3A, %shift_right_arithmetic3A_569 : vector<16xi32>
      %sub3A = arith.constant 1597463007 : i32
      %sub3A_571 = vector.broadcast %sub3A : i32 to vector<16xi32>
      %sub3A_572 = arith.subi %sub3A_571, %shift_right_arithmetic3A_570 : vector<16xi32>
      %bitcast3A_573 = vector.bitcast %sub3A_572 : vector<16xi32> to vector<16xf32>
      %mul3A_574 = arith.constant 5.000000e-01 : f32
      %mul3A_575 = vector.broadcast %mul3A_574 : f32 to vector<16xf32>
      %mul3A_576 = arith.mulf %mul3A_575, %max3A_568 : vector<16xf32>
      %mul3A_577 = arith.mulf %mul3A_576, %bitcast3A_573 : vector<16xf32>
      %mul3A_578 = arith.mulf %mul3A_577, %bitcast3A_573 : vector<16xf32>
      %sub3A_579 = arith.constant 1.500000e+00 : f32
      %sub3A_580 = vector.broadcast %sub3A_579 : f32 to vector<16xf32>
      %sub3A_581 = arith.subf %sub3A_580, %mul3A_578 : vector<16xf32>
      %mul3A_582 = arith.mulf %bitcast3A_573, %sub3A_581 : vector<16xf32>
      %mul3A_583 = arith.constant 5.000000e-01 : f32
      %mul3A_584 = vector.broadcast %mul3A_583 : f32 to vector<16xf32>
      %mul3A_585 = arith.mulf %mul3A_584, %max3A_568 : vector<16xf32>
      %mul3A_586 = arith.mulf %mul3A_585, %mul3A_582 : vector<16xf32>
      %mul3A_587 = arith.mulf %mul3A_586, %mul3A_582 : vector<16xf32>
      %sub3A_588 = arith.constant 1.500000e+00 : f32
      %sub3A_589 = vector.broadcast %sub3A_588 : f32 to vector<16xf32>
      %sub3A_590 = arith.subf %sub3A_589, %mul3A_587 : vector<16xf32>
      %mul3A_591 = arith.mulf %mul3A_582, %sub3A_590 : vector<16xf32>
      %mul3A_592 = arith.constant 5.000000e-01 : f32
      %mul3A_593 = vector.broadcast %mul3A_592 : f32 to vector<16xf32>
      %mul3A_594 = arith.mulf %mul3A_593, %max3A_568 : vector<16xf32>
      %mul3A_595 = arith.mulf %mul3A_594, %mul3A_591 : vector<16xf32>
      %mul3A_596 = arith.mulf %mul3A_595, %mul3A_591 : vector<16xf32>
      %sub3A_597 = arith.constant 1.500000e+00 : f32
      %sub3A_598 = vector.broadcast %sub3A_597 : f32 to vector<16xf32>
      %sub3A_599 = arith.subf %sub3A_598, %mul3A_596 : vector<16xf32>
      %mul3A_600 = arith.mulf %mul3A_591, %sub3A_599 : vector<16xf32>
      %mul3A_601 = arith.mulf %scan3A_564#2, %mul3A_600 : vector<16xf32>
      %sub3A_602 = arith.constant 1.000000e+00 : f32
      %sub3A_603 = vector.broadcast %sub3A_602 : f32 to vector<16xf32>
      %sub3A_604 = arith.subf %sub3A_603, %mul3A_601 : vector<16xf32>
      %mul3A_605 = arith.constant 16 : i32
      %mul3A_606 = arith.muli %scan3A_543, %mul3A_605 : i32
      %add3A_607 = arith.constant 384 : i32
      %add3A_608 = arith.addi %add3A_607, %mul3A_606 : i32
      %swap3A = arith.index_cast %add3A_608 : i32 to index
      %swap3A_609 = tpu.vector_load %arg26[%swap3A] {strides = array<i32>} : memref<512xf32, #tpu.memory_space<vmem>>, vector<16xf32>,
      tpu.vector_store %arg26[%swap3A], %scan3A_564#0 {strides = array<i32>} : memref<512xf32, #tpu.memory_space<vmem>>, vector<16xf32>,
      %swap3A_610 = arith.index_cast %add3A_608 : i32 to index
      %swap3A_611 = tpu.vector_load %arg27[%swap3A_610] {strides = array<i32>} : memref<512xf32, #tpu.memory_space<vmem>>, vector<16xf32>,
      tpu.vector_store %arg27[%swap3A_610], %scan3A_564#1 {strides = array<i32>} : memref<512xf32, #tpu.memory_space<vmem>>, vector<16xf32>,
      %swap3A_612 = arith.index_cast %add3A_608 : i32 to index
      %swap3A_613 = tpu.vector_load %arg28[%swap3A_612] {strides = array<i32>} : memref<512xf32, #tpu.memory_space<vmem>>, vector<16xf32>,
      tpu.vector_store %arg28[%swap3A_612], %sub3A_604 {strides = array<i32>} : memref<512xf32, #tpu.memory_space<vmem>>, vector<16xf32>,
      %scan3A_614 = arith.constant 0 : i32
      scf.yield %scan3A_614 : i32
    }
    %scan3A_506 = arith.constant 4 : i32
    %dma_wait3A_507 = arith.constant 0 : i32
    %dma_wait3A_508 = tpu.memref_slice %arg2[%add3A_441, %dma_wait3A_507] : memref<16384x128xf32, #tpu.memory_space<hbm>> -> memref<64x128xf32, #tpu.memory_space<hbm>>
    %dma_wait3A_509 = arith.constant 0 : i32
    %dma_wait3A_510 = tpu.memref_slice %arg2[%add3A_441, %dma_wait3A_509] : memref<16384x128xf32, #tpu.memory_space<hbm>> -> memref<64x128xf32, #tpu.memory_space<hbm>>
    tpu.wait_dma2 semaphore(%arg30 : memref<!tpu.dma_semaphore, #tpu.memory_space<semaphore_mem>>) src(%dma_wait3A_510 : memref<64x128xf32, #tpu.memory_space<hbm>>) dst(%arg20 : memref<64x128xf32, #tpu.memory_space<vmem>>)
    %dma_wait3A_511 = arith.constant 448 : i32
    %dma_wait3A_512 = tpu.memref_slice %arg13[%dma_wait3A_511] : memref<512xi32, #tpu.memory_space<vmem>> -> memref<64xi32, #tpu.memory_space<vmem>>
    %dma_wait3A_513 = arith.constant 0 : i32
    %dma_wait3A_514 = arith.constant 0 : i32
    %dma_wait3A_515 = tpu.memref_slice %arg4[%dma_wait3A_513, %dma_wait3A_514] : memref<50000x128xf32, #tpu.memory_space<hbm>> -> memref<50000x128xf32, #tpu.memory_space<hbm>>
    tpu.wait_indirect_dma semaphore(%arg30 : memref<!tpu.dma_semaphore, #tpu.memory_space<semaphore_mem>>) src(%dma_wait3A_515 : memref<50000x128xf32, #tpu.memory_space<hbm>>) dst(%arg21 : memref<64x128xf32, #tpu.memory_space<vmem>>)
    %dma_wait3A_516 = arith.constant 448 : i32
    %dma_wait3A_517 = tpu.memref_slice %arg13[%dma_wait3A_516] : memref<512xi32, #tpu.memory_space<vmem>> -> memref<64xi32, #tpu.memory_space<vmem>>
    %dma_wait3A_518 = arith.constant 0 : i32
    %dma_wait3A_519 = arith.constant 0 : i32
    %dma_wait3A_520 = tpu.memref_slice %arg5[%dma_wait3A_518, %dma_wait3A_519] : memref<50000x128xf32, #tpu.memory_space<hbm>> -> memref<50000x128xf32, #tpu.memory_space<hbm>>
    tpu.wait_indirect_dma semaphore(%arg30 : memref<!tpu.dma_semaphore, #tpu.memory_space<semaphore_mem>>) src(%dma_wait3A_520 : memref<50000x128xf32, #tpu.memory_space<hbm>>) dst(%arg22 : memref<64x128xf32, #tpu.memory_space<vmem>>)
    %dma_wait3A_521 = arith.constant 448 : i32
    %dma_wait3A_522 = tpu.memref_slice %arg13[%dma_wait3A_521] : memref<512xi32, #tpu.memory_space<vmem>> -> memref<64xi32, #tpu.memory_space<vmem>>
    %dma_wait3A_523 = arith.constant 0 : i32
    %dma_wait3A_524 = arith.constant 0 : i32
    %dma_wait3A_525 = tpu.memref_slice %arg6[%dma_wait3A_523, %dma_wait3A_524] : memref<50000x128xf32, #tpu.memory_space<hbm>> -> memref<50000x128xf32, #tpu.memory_space<hbm>>
    tpu.wait_indirect_dma semaphore(%arg30 : memref<!tpu.dma_semaphore, #tpu.memory_space<semaphore_mem>>) src(%dma_wait3A_525 : memref<50000x128xf32, #tpu.memory_space<hbm>>) dst(%arg23 : memref<64x128xf32, #tpu.memory_space<vmem>>)
    %dma_wait3A_526 = arith.constant 448 : i32
    %dma_wait3A_527 = tpu.memref_slice %arg13[%dma_wait3A_526] : memref<512xi32, #tpu.memory_space<vmem>> -> memref<64xi32, #tpu.memory_space<vmem>>
    %dma_wait3A_528 = arith.constant 0 : i32
    %dma_wait3A_529 = arith.constant 0 : i32
    %dma_wait3A_530 = tpu.memref_slice %arg7[%dma_wait3A_528, %dma_wait3A_529] : memref<50000x128xf32, #tpu.memory_space<hbm>> -> memref<50000x128xf32, #tpu.memory_space<hbm>>
    tpu.wait_indirect_dma semaphore(%arg30 : memref<!tpu.dma_semaphore, #tpu.memory_space<semaphore_mem>>) src(%dma_wait3A_530 : memref<50000x128xf32, #tpu.memory_space<hbm>>) dst(%arg24 : memref<64x128xf32, #tpu.memory_space<vmem>>)
    %dma_wait3A_531 = arith.constant 448 : i32
    %dma_wait3A_532 = tpu.memref_slice %arg12[%dma_wait3A_531] : memref<512xi32, #tpu.memory_space<vmem>> -> memref<64xi32, #tpu.memory_space<vmem>>
    %dma_wait3A_533 = arith.constant 0 : i32
    %dma_wait3A_534 = arith.constant 0 : i32
    %dma_wait3A_535 = tpu.memref_slice %arg8[%dma_wait3A_533, %dma_wait3A_534] : memref<100000x128xf32, #tpu.memory_space<hbm>> -> memref<100000x128xf32, #tpu.memory_space<hbm>>
    tpu.wait_indirect_dma semaphore(%arg30 : memref<!tpu.dma_semaphore, #tpu.memory_space<semaphore_mem>>) src(%dma_wait3A_535 : memref<100000x128xf32, #tpu.memory_space<hbm>>) dst(%arg25 : memref<64x128xf32, #tpu.memory_space<vmem>>)
    %scan3A_536 = arith.constant 0 : i32
    %scan3A_537 = arith.constant 0 : i32
    %scan3A_538 = arith.constant 4 : i32
    %scan3A_539 = arith.addi %scan3A_537, %scan3A_538 : i32
    %scan3A_540 = arith.constant 1 : i32
    %scan3A_541 = scf.for %scan3A_543 = %scan3A_537 to %scan3A_539 step %scan3A_540 iter_args(%scan3A_544 = %scan3A_536) -> (i32)  : i32 {
      %iota3A = tpu.iota {dimensions = array<i32: 0>} : vector<16xi32>
      %mul3A_545 = arith.constant 16 : i32
      %mul3A_546 = arith.muli %scan3A_543, %mul3A_545 : i32
      %add3A_547 = vector.broadcast %mul3A_546 : i32 to vector<16xi32>
      %add3A_548 = arith.addi %iota3A, %add3A_547 : vector<16xi32>
      %mul3A_549 = arith.constant 16 : i32
      %mul3A_550 = arith.muli %scan3A_543, %mul3A_549 : i32
      %add3A_551 = arith.constant 448 : i32
      %add3A_552 = arith.addi %add3A_551, %mul3A_550 : i32
      %get3A = arith.index_cast %add3A_552 : i32 to index
      %get3A_553 = tpu.vector_load %arg12[%get3A] {strides = array<i32>} : memref<512xi32, #tpu.memory_space<vmem>>, vector<16xi32>,
      %and3A = arith.constant 1 : i32
      %and3A_554 = vector.broadcast %and3A : i32 to vector<16xi32>
      %and3A_555 = arith.andi %get3A_553, %and3A_554 : vector<16xi32>
      %mul3A_556 = arith.constant 64 : i32
      %mul3A_557 = vector.broadcast %mul3A_556 : i32 to vector<16xi32>
      %mul3A_558 = arith.muli %and3A_555, %mul3A_557 : vector<16xi32>
      %broadcast_in_dim3A = arith.constant 0.000000e+00 : f32
      %broadcast_in_dim3A_559 = vector.broadcast %broadcast_in_dim3A : f32 to vector<16xf32>
      %scan3A_560 = arith.constant 0 : i32
      %scan3A_561 = arith.constant 32 : i32
      %scan3A_562 = arith.addi %scan3A_560, %scan3A_561 : i32
      %scan3A_563 = arith.constant 1 : i32
      %scan3A_564:5 = scf.for %scan3A_615 = %scan3A_560 to %scan3A_562 step %scan3A_563 iter_args(%scan3A_616 = %broadcast_in_dim3A_559, %scan3A_617 = %broadcast_in_dim3A_559, %scan3A_618 = %broadcast_in_dim3A_559, %scan3A_619 = %broadcast_in_dim3A_559, %scan3A_620 = %broadcast_in_dim3A_559) -> (vector<16xf32>, vector<16xf32>, vector<16xf32>, vector<16xf32>, vector<16xf32>)  : i32 {
        %mul3A_621 = arith.constant 2 : i32
        %mul3A_622 = arith.muli %mul3A_621, %scan3A_615 : i32
        %add3A_623 = arith.constant 0 : i32
        %add3A_624 = arith.addi %mul3A_622, %add3A_623 : i32
        %broadcast_in_dim3A_625 = vector.broadcast %add3A_624 : i32 to vector<16xi32>
        %add3A_626 = vector.broadcast %add3A_624 : i32 to vector<16xi32>
        %add3A_627 = arith.addi %mul3A_558, %add3A_626 : vector<16xi32>
        %gather3A = tpu.vector_load_idx %arg20[%add3A_548, %broadcast_in_dim3A_625] : memref<64x128xf32, #tpu.memory_space<vmem>>[vector<16xi32>, vector<16xi32>], vector<16xf32>,
        %add3A_628 = arith.constant 64 : i32
        %add3A_629 = vector.broadcast %add3A_628 : i32 to vector<16xi32>
        %add3A_630 = arith.addi %broadcast_in_dim3A_625, %add3A_629 : vector<16xi32>
        %gather3A_631 = tpu.vector_load_idx %arg20[%add3A_548, %add3A_630] : memref<64x128xf32, #tpu.memory_space<vmem>>[vector<16xi32>, vector<16xi32>], vector<16xf32>,
        %gather3A_632 = tpu.vector_load_idx %arg21[%add3A_548, %add3A_627] : memref<64x128xf32, #tpu.memory_space<vmem>>[vector<16xi32>, vector<16xi32>], vector<16xf32>,
        %gather3A_633 = tpu.vector_load_idx %arg23[%add3A_548, %add3A_627] : memref<64x128xf32, #tpu.memory_space<vmem>>[vector<16xi32>, vector<16xi32>], vector<16xf32>,
        %gather3A_634 = tpu.vector_load_idx %arg22[%add3A_548, %add3A_627] : memref<64x128xf32, #tpu.memory_space<vmem>>[vector<16xi32>, vector<16xi32>], vector<16xf32>,
        %gather3A_635 = tpu.vector_load_idx %arg24[%add3A_548, %add3A_627] : memref<64x128xf32, #tpu.memory_space<vmem>>[vector<16xi32>, vector<16xi32>], vector<16xf32>,
        %gather3A_636 = tpu.vector_load_idx %arg25[%add3A_548, %broadcast_in_dim3A_625] : memref<64x128xf32, #tpu.memory_space<vmem>>[vector<16xi32>, vector<16xi32>], vector<16xf32>,
        %add3A_637 = arith.constant 64 : i32
        %add3A_638 = vector.broadcast %add3A_637 : i32 to vector<16xi32>
        %add3A_639 = arith.addi %broadcast_in_dim3A_625, %add3A_638 : vector<16xi32>
        %gather3A_640 = tpu.vector_load_idx %arg25[%add3A_548, %add3A_639] : memref<64x128xf32, #tpu.memory_space<vmem>>[vector<16xi32>, vector<16xi32>], vector<16xf32>,
        %sub3A_641 = arith.subf %gather3A, %gather3A_632 : vector<16xf32>
        %sub3A_642 = arith.subf %gather3A_631, %gather3A_634 : vector<16xf32>
        %mul3A_643 = arith.mulf %sub3A_641, %sub3A_641 : vector<16xf32>
        %add3A_644 = arith.constant 9.99999974E-6 : f32
        %add3A_645 = vector.broadcast %add3A_644 : f32 to vector<16xf32>
        %add3A_646 = arith.addf %gather3A_633, %add3A_645 : vector<16xf32>
        %div3A = arith.divf %mul3A_643, %add3A_646 : vector<16xf32>
        %add3A_647 = arith.addf %scan3A_616, %div3A : vector<16xf32>
        %mul3A_648 = arith.mulf %sub3A_642, %sub3A_642 : vector<16xf32>
        %add3A_649 = arith.constant 9.99999974E-6 : f32
        %add3A_650 = vector.broadcast %add3A_649 : f32 to vector<16xf32>
        %add3A_651 = arith.addf %gather3A_635, %add3A_650 : vector<16xf32>
        %div3A_652 = arith.divf %mul3A_648, %add3A_651 : vector<16xf32>
        %add3A_653 = arith.addf %scan3A_617, %div3A_652 : vector<16xf32>
        %mul3A_654 = arith.mulf %gather3A, %gather3A_636 : vector<16xf32>
        %add3A_655 = arith.addf %scan3A_618, %mul3A_654 : vector<16xf32>
        %mul3A_656 = arith.mulf %gather3A_631, %gather3A_640 : vector<16xf32>
        %add3A_657 = arith.addf %add3A_655, %mul3A_656 : vector<16xf32>
        %mul3A_658 = arith.mulf %gather3A, %gather3A : vector<16xf32>
        %add3A_659 = arith.addf %scan3A_619, %mul3A_658 : vector<16xf32>
        %mul3A_660 = arith.mulf %gather3A_631, %gather3A_631 : vector<16xf32>
        %add3A_661 = arith.addf %add3A_659, %mul3A_660 : vector<16xf32>
        %mul3A_662 = arith.mulf %gather3A_636, %gather3A_636 : vector<16xf32>
        %add3A_663 = arith.addf %scan3A_620, %mul3A_662 : vector<16xf32>
        %mul3A_664 = arith.mulf %gather3A_640, %gather3A_640 : vector<16xf32>
        %add3A_665 = arith.addf %add3A_663, %mul3A_664 : vector<16xf32>
        %mul3A_666 = arith.constant 2 : i32
        %mul3A_667 = arith.muli %mul3A_666, %scan3A_615 : i32
        %add3A_668 = arith.constant 1 : i32
        %add3A_669 = arith.addi %mul3A_667, %add3A_668 : i32
        %broadcast_in_dim3A_670 = vector.broadcast %add3A_669 : i32 to vector<16xi32>
        %add3A_671 = vector.broadcast %add3A_669 : i32 to vector<16xi32>
        %add3A_672 = arith.addi %mul3A_558, %add3A_671 : vector<16xi32>
        %gather3A_673 = tpu.vector_load_idx %arg20[%add3A_548, %broadcast_in_dim3A_670] : memref<64x128xf32, #tpu.memory_space<vmem>>[vector<16xi32>, vector<16xi32>], vector<16xf32>,
        %add3A_674 = arith.constant 64 : i32
        %add3A_675 = vector.broadcast %add3A_674 : i32 to vector<16xi32>
        %add3A_676 = arith.addi %broadcast_in_dim3A_670, %add3A_675 : vector<16xi32>
        %gather3A_677 = tpu.vector_load_idx %arg20[%add3A_548, %add3A_676] : memref<64x128xf32, #tpu.memory_space<vmem>>[vector<16xi32>, vector<16xi32>], vector<16xf32>,
        %gather3A_678 = tpu.vector_load_idx %arg21[%add3A_548, %add3A_672] : memref<64x128xf32, #tpu.memory_space<vmem>>[vector<16xi32>, vector<16xi32>], vector<16xf32>,
        %gather3A_679 = tpu.vector_load_idx %arg23[%add3A_548, %add3A_672] : memref<64x128xf32, #tpu.memory_space<vmem>>[vector<16xi32>, vector<16xi32>], vector<16xf32>,
        %gather3A_680 = tpu.vector_load_idx %arg22[%add3A_548, %add3A_672] : memref<64x128xf32, #tpu.memory_space<vmem>>[vector<16xi32>, vector<16xi32>], vector<16xf32>,
        %gather3A_681 = tpu.vector_load_idx %arg24[%add3A_548, %add3A_672] : memref<64x128xf32, #tpu.memory_space<vmem>>[vector<16xi32>, vector<16xi32>], vector<16xf32>,
        %gather3A_682 = tpu.vector_load_idx %arg25[%add3A_548, %broadcast_in_dim3A_670] : memref<64x128xf32, #tpu.memory_space<vmem>>[vector<16xi32>, vector<16xi32>], vector<16xf32>,
        %add3A_683 = arith.constant 64 : i32
        %add3A_684 = vector.broadcast %add3A_683 : i32 to vector<16xi32>
        %add3A_685 = arith.addi %broadcast_in_dim3A_670, %add3A_684 : vector<16xi32>
        %gather3A_686 = tpu.vector_load_idx %arg25[%add3A_548, %add3A_685] : memref<64x128xf32, #tpu.memory_space<vmem>>[vector<16xi32>, vector<16xi32>], vector<16xf32>,
        %sub3A_687 = arith.subf %gather3A_673, %gather3A_678 : vector<16xf32>
        %sub3A_688 = arith.subf %gather3A_677, %gather3A_680 : vector<16xf32>
        %mul3A_689 = arith.mulf %sub3A_687, %sub3A_687 : vector<16xf32>
        %add3A_690 = arith.constant 9.99999974E-6 : f32
        %add3A_691 = vector.broadcast %add3A_690 : f32 to vector<16xf32>
        %add3A_692 = arith.addf %gather3A_679, %add3A_691 : vector<16xf32>
        %div3A_693 = arith.divf %mul3A_689, %add3A_692 : vector<16xf32>
        %add3A_694 = arith.addf %add3A_647, %div3A_693 : vector<16xf32>
        %mul3A_695 = arith.mulf %sub3A_688, %sub3A_688 : vector<16xf32>
        %add3A_696 = arith.constant 9.99999974E-6 : f32
        %add3A_697 = vector.broadcast %add3A_696 : f32 to vector<16xf32>
        %add3A_698 = arith.addf %gather3A_681, %add3A_697 : vector<16xf32>
        %div3A_699 = arith.divf %mul3A_695, %add3A_698 : vector<16xf32>
        %add3A_700 = arith.addf %add3A_653, %div3A_699 : vector<16xf32>
        %mul3A_701 = arith.mulf %gather3A_673, %gather3A_682 : vector<16xf32>
        %add3A_702 = arith.addf %add3A_657, %mul3A_701 : vector<16xf32>
        %mul3A_703 = arith.mulf %gather3A_677, %gather3A_686 : vector<16xf32>
        %add3A_704 = arith.addf %add3A_702, %mul3A_703 : vector<16xf32>
        %mul3A_705 = arith.mulf %gather3A_673, %gather3A_673 : vector<16xf32>
        %add3A_706 = arith.addf %add3A_661, %mul3A_705 : vector<16xf32>
        %mul3A_707 = arith.mulf %gather3A_677, %gather3A_677 : vector<16xf32>
        %add3A_708 = arith.addf %add3A_706, %mul3A_707 : vector<16xf32>
        %mul3A_709 = arith.mulf %gather3A_682, %gather3A_682 : vector<16xf32>
        %add3A_710 = arith.addf %add3A_665, %mul3A_709 : vector<16xf32>
        %mul3A_711 = arith.mulf %gather3A_686, %gather3A_686 : vector<16xf32>
        %add3A_712 = arith.addf %add3A_710, %mul3A_711 : vector<16xf32>
        scf.yield %add3A_694, %add3A_700, %add3A_704, %add3A_708, %add3A_712 : vector<16xf32>, vector<16xf32>, vector<16xf32>, vector<16xf32>, vector<16xf32>
      }
      %scan3A_565 = arith.constant 32 : i32
      %mul3A_566 = arith.mulf %scan3A_564#3, %scan3A_564#4 : vector<16xf32>
      %max3A = arith.constant 1.000000e-24 : f32
      %max3A_567 = vector.broadcast %max3A : f32 to vector<16xf32>
      %max3A_568 = arith.maximumf %mul3A_566, %max3A_567 : vector<16xf32>
      %bitcast3A = vector.bitcast %max3A_568 : vector<16xf32> to vector<16xi32>
      %shift_right_arithmetic3A = arith.constant 1 : i32
      %shift_right_arithmetic3A_569 = vector.broadcast %shift_right_arithmetic3A : i32 to vector<16xi32>
      %shift_right_arithmetic3A_570 = arith.shrsi %bitcast3A, %shift_right_arithmetic3A_569 : vector<16xi32>
      %sub3A = arith.constant 1597463007 : i32
      %sub3A_571 = vector.broadcast %sub3A : i32 to vector<16xi32>
      %sub3A_572 = arith.subi %sub3A_571, %shift_right_arithmetic3A_570 : vector<16xi32>
      %bitcast3A_573 = vector.bitcast %sub3A_572 : vector<16xi32> to vector<16xf32>
      %mul3A_574 = arith.constant 5.000000e-01 : f32
      %mul3A_575 = vector.broadcast %mul3A_574 : f32 to vector<16xf32>
      %mul3A_576 = arith.mulf %mul3A_575, %max3A_568 : vector<16xf32>
      %mul3A_577 = arith.mulf %mul3A_576, %bitcast3A_573 : vector<16xf32>
      %mul3A_578 = arith.mulf %mul3A_577, %bitcast3A_573 : vector<16xf32>
      %sub3A_579 = arith.constant 1.500000e+00 : f32
      %sub3A_580 = vector.broadcast %sub3A_579 : f32 to vector<16xf32>
      %sub3A_581 = arith.subf %sub3A_580, %mul3A_578 : vector<16xf32>
      %mul3A_582 = arith.mulf %bitcast3A_573, %sub3A_581 : vector<16xf32>
      %mul3A_583 = arith.constant 5.000000e-01 : f32
      %mul3A_584 = vector.broadcast %mul3A_583 : f32 to vector<16xf32>
      %mul3A_585 = arith.mulf %mul3A_584, %max3A_568 : vector<16xf32>
      %mul3A_586 = arith.mulf %mul3A_585, %mul3A_582 : vector<16xf32>
      %mul3A_587 = arith.mulf %mul3A_586, %mul3A_582 : vector<16xf32>
      %sub3A_588 = arith.constant 1.500000e+00 : f32
      %sub3A_589 = vector.broadcast %sub3A_588 : f32 to vector<16xf32>
      %sub3A_590 = arith.subf %sub3A_589, %mul3A_587 : vector<16xf32>
      %mul3A_591 = arith.mulf %mul3A_582, %sub3A_590 : vector<16xf32>
      %mul3A_592 = arith.constant 5.000000e-01 : f32
      %mul3A_593 = vector.broadcast %mul3A_592 : f32 to vector<16xf32>
      %mul3A_594 = arith.mulf %mul3A_593, %max3A_568 : vector<16xf32>
      %mul3A_595 = arith.mulf %mul3A_594, %mul3A_591 : vector<16xf32>
      %mul3A_596 = arith.mulf %mul3A_595, %mul3A_591 : vector<16xf32>
      %sub3A_597 = arith.constant 1.500000e+00 : f32
      %sub3A_598 = vector.broadcast %sub3A_597 : f32 to vector<16xf32>
      %sub3A_599 = arith.subf %sub3A_598, %mul3A_596 : vector<16xf32>
      %mul3A_600 = arith.mulf %mul3A_591, %sub3A_599 : vector<16xf32>
      %mul3A_601 = arith.mulf %scan3A_564#2, %mul3A_600 : vector<16xf32>
      %sub3A_602 = arith.constant 1.000000e+00 : f32
      %sub3A_603 = vector.broadcast %sub3A_602 : f32 to vector<16xf32>
      %sub3A_604 = arith.subf %sub3A_603, %mul3A_601 : vector<16xf32>
      %mul3A_605 = arith.constant 16 : i32
      %mul3A_606 = arith.muli %scan3A_543, %mul3A_605 : i32
      %add3A_607 = arith.constant 448 : i32
      %add3A_608 = arith.addi %add3A_607, %mul3A_606 : i32
      %swap3A = arith.index_cast %add3A_608 : i32 to index
      %swap3A_609 = tpu.vector_load %arg26[%swap3A] {strides = array<i32>} : memref<512xf32, #tpu.memory_space<vmem>>, vector<16xf32>,
      tpu.vector_store %arg26[%swap3A], %scan3A_564#0 {strides = array<i32>} : memref<512xf32, #tpu.memory_space<vmem>>, vector<16xf32>,
      %swap3A_610 = arith.index_cast %add3A_608 : i32 to index
      %swap3A_611 = tpu.vector_load %arg27[%swap3A_610] {strides = array<i32>} : memref<512xf32, #tpu.memory_space<vmem>>, vector<16xf32>,
      tpu.vector_store %arg27[%swap3A_610], %scan3A_564#1 {strides = array<i32>} : memref<512xf32, #tpu.memory_space<vmem>>, vector<16xf32>,
      %swap3A_612 = arith.index_cast %add3A_608 : i32 to index
      %swap3A_613 = tpu.vector_load %arg28[%swap3A_612] {strides = array<i32>} : memref<512xf32, #tpu.memory_space<vmem>>, vector<16xf32>,
      tpu.vector_store %arg28[%swap3A_612], %sub3A_604 {strides = array<i32>} : memref<512xf32, #tpu.memory_space<vmem>>, vector<16xf32>,
      %scan3A_614 = arith.constant 0 : i32
      scf.yield %scan3A_614 : i32
    }
    %scan3A_542 = arith.constant 4 : i32
    "tpu.region"() ({
      %run_scoped3A = tpu.sem_alloc : memref<!tpu.dma_semaphore, #tpu.memory_space<semaphore_mem>>
      %dma_start3A_543 = tpu.memref_slice %arg9[%mul3A_2] : memref<16384xf32, #tpu.memory_space<hbm>> -> memref<512xf32, #tpu.memory_space<hbm>>
      %dma_start3A_544 = tpu.memref_slice %arg9[%mul3A_2] : memref<16384xf32, #tpu.memory_space<hbm>> -> memref<512xf32, #tpu.memory_space<hbm>>
      tpu.enqueue_dma source(%arg26 : memref<512xf32, #tpu.memory_space<vmem>>) target(%dma_start3A_544 : memref<512xf32, #tpu.memory_space<hbm>>) target_semaphore(%run_scoped3A : memref<!tpu.dma_semaphore, #tpu.memory_space<semaphore_mem>>)
      %dma_wait3A_545 = tpu.memref_slice %arg9[%mul3A_2] : memref<16384xf32, #tpu.memory_space<hbm>> -> memref<512xf32, #tpu.memory_space<hbm>>
      %dma_wait3A_546 = tpu.memref_slice %arg9[%mul3A_2] : memref<16384xf32, #tpu.memory_space<hbm>> -> memref<512xf32, #tpu.memory_space<hbm>>
      tpu.wait_dma2 semaphore(%run_scoped3A : memref<!tpu.dma_semaphore, #tpu.memory_space<semaphore_mem>>) src(%arg26 : memref<512xf32, #tpu.memory_space<vmem>>) dst(%dma_wait3A_546 : memref<512xf32, #tpu.memory_space<hbm>>)
      tpu.yield
    }) : () -> ()
    "tpu.region"() ({
      %run_scoped3A = tpu.sem_alloc : memref<!tpu.dma_semaphore, #tpu.memory_space<semaphore_mem>>
      %dma_start3A_543 = tpu.memref_slice %arg10[%mul3A_2] : memref<16384xf32, #tpu.memory_space<hbm>> -> memref<512xf32, #tpu.memory_space<hbm>>
      %dma_start3A_544 = tpu.memref_slice %arg10[%mul3A_2] : memref<16384xf32, #tpu.memory_space<hbm>> -> memref<512xf32, #tpu.memory_space<hbm>>
      tpu.enqueue_dma source(%arg27 : memref<512xf32, #tpu.memory_space<vmem>>) target(%dma_start3A_544 : memref<512xf32, #tpu.memory_space<hbm>>) target_semaphore(%run_scoped3A : memref<!tpu.dma_semaphore, #tpu.memory_space<semaphore_mem>>)
      %dma_wait3A_545 = tpu.memref_slice %arg10[%mul3A_2] : memref<16384xf32, #tpu.memory_space<hbm>> -> memref<512xf32, #tpu.memory_space<hbm>>
      %dma_wait3A_546 = tpu.memref_slice %arg10[%mul3A_2] : memref<16384xf32, #tpu.memory_space<hbm>> -> memref<512xf32, #tpu.memory_space<hbm>>
      tpu.wait_dma2 semaphore(%run_scoped3A : memref<!tpu.dma_semaphore, #tpu.memory_space<semaphore_mem>>) src(%arg27 : memref<512xf32, #tpu.memory_space<vmem>>) dst(%dma_wait3A_546 : memref<512xf32, #tpu.memory_space<hbm>>)
      tpu.yield
    }) : () -> ()
    "tpu.region"() ({
      %run_scoped3A = tpu.sem_alloc : memref<!tpu.dma_semaphore, #tpu.memory_space<semaphore_mem>>
      %dma_start3A_543 = tpu.memref_slice %arg11[%mul3A_2] : memref<16384xf32, #tpu.memory_space<hbm>> -> memref<512xf32, #tpu.memory_space<hbm>>
      %dma_start3A_544 = tpu.memref_slice %arg11[%mul3A_2] : memref<16384xf32, #tpu.memory_space<hbm>> -> memref<512xf32, #tpu.memory_space<hbm>>
      tpu.enqueue_dma source(%arg28 : memref<512xf32, #tpu.memory_space<vmem>>) target(%dma_start3A_544 : memref<512xf32, #tpu.memory_space<hbm>>) target_semaphore(%run_scoped3A : memref<!tpu.dma_semaphore, #tpu.memory_space<semaphore_mem>>)
      %dma_wait3A_545 = tpu.memref_slice %arg11[%mul3A_2] : memref<16384xf32, #tpu.memory_space<hbm>> -> memref<512xf32, #tpu.memory_space<hbm>>
      %dma_wait3A_546 = tpu.memref_slice %arg11[%mul3A_2] : memref<16384xf32, #tpu.memory_space<hbm>> -> memref<512xf32, #tpu.memory_space<hbm>>
      tpu.wait_dma2 semaphore(%run_scoped3A : memref<!tpu.dma_semaphore, #tpu.memory_space<semaphore_mem>>) src(%arg28 : memref<512xf32, #tpu.memory_space<vmem>>) dst(%dma_wait3A_546 : memref<512xf32, #tpu.memory_space<hbm>>)
      tpu.yield
    }) : () -> ()
    return
  }
}

</mosaic_0001>

<sc_bundles>
// kernel: _sc_call.3.cloned.1.call-start
scs
__scs_entry_jumppad:
0x0: {  	(pc) =	sbr.rel $0x88, $3  }
0x1: {  	(tag) =	ssettag $0x0;
	lr =	simm.s32 $0x1  }
0x2: {  	[smem:$0x3F9A] =	sst lr;
	_ =	strace $0xD0000000  }
0x3: {  	_ = 	snop  }
0x4: {  	_ = 	snop  }
0x5: {  	_ = 	snop  }
0x6: {  	_ = 	snop  }
0x7: {  	_ = 	snop  }
__scs_overlays_trampoline_lowered:
0x8: {  	[smem:$0x3FA9] =	sst s0  }
0x9: {  	[smem:$0x3FAA] =	sst s1  }
0xa: {  	[smem:$0x3FAB] =	sst s2  }
0xb: {  	[smem:$0x3FAC] =	sst s3  }
0xc: {  	[smem:$0x3FAD] =	sst s4  }
0xd: {  	[smem:$0x3FAE] =	sst s5  }
0xe: {  	[smem:$0x3FAF] =	sst s6  }
0xf: {  	[smem:$0x3FB0] =	sst s7  }
0x10: {  	[smem:$0x3FB1] =	sst s8  }
0x11: {  	[smem:$0x3FB2] =	sst s9;
	s0 =	simm.s32 @!p0 $0x0  }
0x12: {  	s1 =	sld [smem:$0x3F98];
	s0 =	simm.s32 @p0 $0x1  }
0x13: {  	[smem:$0x3FB3] =	sst s0;
	s0 =	simm.s32 @!p1 $0x0  }
0x14: {  	s2 =	sld [smem:$0x3F97];
	s0 =	simm.s32 @p1 $0x1  }
0x15: {  	[smem:$0x3FB4] =	sst s0;
	s0 =	simm.s32 @!p2 $0x0  }
0x16: {  	s3 =	sld [smem:$0x3FDB];
	s0 =	simm.s32 @p2 $0x1  }
0x17: {  	s4 =	simm.s32 $0x1BF5;
	[smem:$0x3FB6] =	sst s0  }
0x18: {  	s0 =	sld [smem:$0x3F99];
	_ =	swait.ge [sflag:s4], $0x0  }
0x19: {  	s7 =	sld [smem:$0x3F9A]  }
0x1a: {  	s8 =	sadd.s32 $0xFFFFE003, lr  }
0x1b: {  	s9 =	sadd.s32 $0xFFFFFEF7, lr;
	s5 =	simm.s32 $0xFFFFFFFF;
	p2 =	slt.u32 s8, $0xFFFFF086  }
0x1c: {  	p1 =	slt.u32 s9, $0xF7A;
	s5 =	simm.s32 @!p2 $0x0  }
0x1d: {  	s5 =	simm.s32 @p1 $0x1;
	p0 =	seq.s32 s7, s2  }
0x1e: {  	s7 =	smul.u32 @!p0 $0xF7A, s2;
	p2 =	seq.s32 @!p0 s5, $0x0  }
0x1f: {  	s9 =	smul.u32 $0xF7A, s1;
	s8 =	simm.s32 @!p0 $0x1BF5;
	p2 =	por !p2, p0  }
0x20: {  	[sflag:s8] =	ssyncset.s32 @!p0 $0xFFFFF086;
	s6 =	sadd.s32 @!p0 s3, s7;
	s7 =	simm.s32 @!p0 $0x108  }
0x21: {  	s3 =	sadd.s32 s3, s9;
	s6 =	sadd.s32 @!p0 $0x88, s6;
	s7 =	simm.s32 @p2 $0x1082  }
0x22: {  	[simem:s7], [sflag:s8] =	dma.local @!p0 [hbm:s6], $0xF7A  }
0x23: {  	s9 =	sor.u32 $0xD0000000, s2;
	s6 =	simm.s32 $0x108;
	_ =	swait.ge @!p0 [sflag:s8], $0x0  }
0x24: {  	s3 =	sadd.s32 $0x88, s3;
	s6 =	simm.s32 @!p1 $0x1082;
	[sflag:s4] =	ssyncset.s32 $0xFFFFF086  }
0x25: {  	[simem:s6], [sflag:s4] =	dma.local [hbm:s3], $0xF7A  }
0x26: {  	[smem:$0x3F9A] =	sst s1;
	(tag) =	ssettag s2;
	_ =	strace s9  }
0x27: {  	s1 =	sld [smem:$0x3FAA]  }
0x28: {  	s2 =	sld [smem:$0x3FAB]  }
0x29: {  	s4 =	sld [smem:$0x3FAD]  }
0x2a: {  	p0 =	seq.s32 s5, $0x0;
	s5 =	sld [smem:$0x3FAE]  }
0x2b: {  	s6 =	sld [smem:$0x3FAF]  }
0x2c: {  	s7 =	sld [smem:$0x3FB0]  }
0x2d: {  	s3 =	simm.s32 $0x108;
	s8 =	sld [smem:$0x3FB1]  }
0x2e: {  	s3 =	simm.s32 @!p0 $0x1082;
	s9 =	sld [smem:$0x3FB2]  }
0x2f: {  	lr =	sadd.s32 s0, s3;
	s0 =	sld [smem:$0x3FA9]  }
0x30: {  	s3 =	sld [smem:$0x3FAC]  }
0x31: {  	[smem:$0x3FB5] =	sst s10  }
0x32: {  	s10 =	sld [smem:$0x3FB3];
	_ =	sdelay $0x3  }
0x33: {  	p0 =	seq.s32 s10, $0x1;
	s10 =	sld [smem:$0x3FB5];
	_ =	sdelay $0x3  }
0x34: {  	[smem:$0x3FB5] =	sst s10  }
0x35: {  	s10 =	sld [smem:$0x3FB4];
	_ =	sdelay $0x3  }
0x36: {  	p1 =	seq.s32 s10, $0x1;
	s10 =	sld [smem:$0x3FB5];
	_ =	sdelay $0x3  }
0x37: {  	[smem:$0x3FB5] =	sst s10  }
0x38: {  	s10 =	sld [smem:$0x3FB6]  }
0x39: {  	_ = 	snop;
	(pc) =	sbr.ind lr, $3  }
0x3a: {  	_ = 	snop  }
0x3b: {  	_ = 	snop  }
0x3c: {  	p2 =	seq.s32 s10, $0x1;
	s10 =	sld [smem:$0x3FB5]  }
0x3d: {  	_ =	shalt  }
0x3e: {  	_ =	shalt  }
0x3f: {  	_ =	shalt  }
0x40: {  	_ =	shalt  }
0x41: {  	_ =	shalt  }
0x42: {  	_ =	shalt  }
0x43: {  	_ =	shalt  }
0x44: {  	_ =	shalt  }
0x45: {  	_ =	shalt  }
0x46: {  	_ =	shalt  }
0x47: {  	_ =	shalt  }
0x48: {  	_ =	shalt  }
0x49: {  	_ =	shalt  }
0x4a: {  	_ =	shalt  }
0x4b: {  	_ =	shalt  }
0x4c: {  	_ =	shalt  }
0x4d: {  	_ =	shalt  }
0x4e: {  	_ =	shalt  }
0x4f: {  	_ =	shalt  }
0x50: {  	_ =	shalt  }
0x51: {  	_ =	shalt  }
0x52: {  	_ =	shalt  }
0x53: {  	_ =	shalt  }
0x54: {  	_ =	shalt  }
0x55: {  	_ =	shalt  }
0x56: {  	_ =	shalt  }
0x57: {  	_ =	shalt  }
0x58: {  	_ =	shalt  }
0x59: {  	_ =	shalt  }
0x5a: {  	_ =	shalt  }
0x5b: {  	_ =	shalt  }
0x5c: {  	_ =	shalt  }
0x5d: {  	_ =	shalt  }
0x5e: {  	_ =	shalt  }
0x5f: {  	_ =	shalt  }
0x60: {  	_ =	shalt  }
0x61: {  	_ =	shalt  }
0x62: {  	_ =	shalt  }
0x63: {  	_ =	shalt  }
0x64: {  	_ =	shalt  }
0x65: {  	_ =	shalt  }
0x66: {  	_ =	shalt  }
0x67: {  	_ =	shalt  }
0x68: {  	_ =	shalt  }
0x69: {  	_ =	shalt  }
0x6a: {  	_ =	shalt  }
0x6b: {  	_ =	shalt  }
0x6c: {  	_ =	shalt  }
0x6d: {  	_ =	shalt  }
0x6e: {  	_ =	shalt  }
0x6f: {  	_ =	shalt  }
0x70: {  	_ =	shalt  }
0x71: {  	_ =	shalt  }
0x72: {  	_ =	shalt  }
0x73: {  	_ =	shalt  }
0x74: {  	_ =	shalt  }
0x75: {  	_ =	shalt  }
0x76: {  	_ =	shalt  }
0x77: {  	_ =	shalt  }
0x78: {  	_ =	shalt  }
0x79: {  	_ =	shalt  }
0x7a: {  	_ =	shalt  }
0x7b: {  	_ =	shalt  }
0x7c: {  	_ =	shalt  }
0x7d: {  	_ =	shalt  }
0x7e: {  	_ =	shalt  }
0x7f: {  	_ =	shalt  }
0x80: {  	_ =	shalt  }
0x81: {  	_ =	shalt  }
0x82: {  	_ =	shalt  }
0x83: {  	_ =	shalt  }
0x84: {  	_ =	shalt  }
0x85: {  	_ =	shalt  }
0x86: {  	_ =	shalt  }
0x87: {  	_ =	shalt  }
.Lfunc_end0:
.L_simem_size_0:
called_computation_lowered:
.L_overlay_start_0:
0x88: {  	s2 =	sld [smem:$0x3FD9]  }
0x89: {  	s3 =	sld [smem:$0x3FFE];
	_ =	sdelay $0x1  }
0x8a: {  	s1 =	srdreg.scid  }
0x8b: {  	s0 =	sand.u32 $0x1, s1  }
0x8c: {  	s30 =	sshll.u32 s0, $0xA;
	s2 =	sadd.s32 s3, s2  }
0x8d: {  	s2 =	sadd.s32 s2, s30  }
0x8e: {  	[smem:$0x3FC1] =	sst s2  }
0x8f: {  	_ = 	snop  }
0x90: {  	s2 =	sld [smem:$0x3FC9]  }
0x91: {  	s31 =	sld [smem:$0x3FC8]  }
0x92: {  	s4 =	sld [smem:$0x3FC7]  }
0x93: {  	s5 =	sld [smem:$0x3FC6]  }
0x94: {  	s6 =	sld [smem:$0x3FD0]  }
0x95: {  	s7 =	sld [smem:$0x3FC5]  }
0x96: {  	s8 =	sld [smem:$0x3FC4]  }
0x97: {  	s10 =	simm.s32 $0xA;
	s11 =	simm.s32 $0x10;
	s9 =	sld [smem:$0x3FC3]  }
0x98: {  	[smem:s11], [sflag:s10] =	dma.local [hbm:s6], $0x1  }
0x99: {  	_ =	swait.eq [sflag:s10], $0x1  }
0x9a: {  	s17 =	sld [smem:$0x10];
	[sflag:s10] =	ssyncset.done $0x0  }
0x9b: {  	s18 =	sld [smem:$0x11];
	[sflag:s10] =	ssyncadd.s32 $0xFFFFFFFF  }
0x9c: {  	s19 =	sld [smem:$0x12];
	(tm) =	ssettm $0x1  }
0x9d: {  	s12 =	sld [smem:$0x3FFB];
	_ =	sdelay $0x3  }
0x9e: {  	_ =	strace s12  }
0x9f: {  	s12 =	sld [smem:$0x3FFC];
	_ =	sdelay $0x3  }
0xa0: {  	_ =	strace s12  }
0xa1: {  	s12 =	sld [smem:$0x3FFD];
	_ =	sdelay $0x3  }
0xa2: {  	_ =	strace s12  }
0xa3: {  	_ =	strace $0x8FFFFFFF  }
0xa4: {  	s20 =	sld [smem:$0x3FDB];
	_ =	sdelay $0x1  }
0xa5: {  	s13 =	simm.s32 $_scs_section_size  }
0xa6: {  	s14 =	simm.s32 $_size__tile_overlayer_lowered;
	s15 =	simm.s32 $_tile_overlayer_lowered  }
0xa7: {  	s23 =	simm.s32 $0x1BFF;
	s22 =	sshll.u32 s15, $0x1;
	s12 =	sadd.s32 s13, s20  }
0xa8: {  	s16 =	simm.s32 $0x0;
	s21 =	sshll.u32 s14, $0x1;
	s14 =	sadd.s32 s22, s12  }
0xa9: {  	[timem:s16], [sflag:s23] =	dma.local [hbm:s14], s21  }
0xaa: {  	_ =	swait.ge [sflag:s23], s21  }
0xab: {  	s13 =	ssub.s32 $0x0, s21;
	[sflag:s23] =	ssyncset.done $0x0  }
0xac: {  	[sflag:s23] =	ssyncadd.s32 s13;
	_ =	sdelay $0x1  }
0xad: {  	s24 =	simm.s32 $0x1B8B  }
0xae: {  	_ =	swait.ge [sflag:s24], $0x1  }
0xaf: {  	[sflag:s24] =	ssyncset.done $0x0  }
0xb0: {  	s25 =	simm.s32 $0x1B8E;
	[sflag:s24] =	ssyncadd.s32 $0xFFFFFFFF  }
0xb1: {  	s26 =	simm.s32 $execute0_lowered;
	[smem:$0x3FD2] =	sst s25  }
0xb2: {  	s13 =	sshll.u32 s26, $0x1;
	_ =	strace $0x80000046;
	[dreg:$0x1] =	wrdreg $0xFFFFFFFF  }
0xb3: {  	s28 =	simm.s32 $_size_execute0_lowered;
	s12 =	sadd.s32 s12, s13;
	[dreg:$0x0] =	wrdreg $0x0  }
0xb4: {  	s13 =	sshll.u32 s28, $0x1;
	[dreg:$0x2] =	wrdreg s12  }
0xb5: {  	[dreg:$0x3] =	wrdreg s13  }
0xb6: {  	[dreg:$0x4] =	wrdreg $0xC0  }
0xb7: {  	_ =	task [dreg:s16], $0x5FFFF  }
0xb8: {  	[dreg:$0x1] =	wrdreg $0xFFFFFFFF  }
0xb9: {  	[dreg:$0x0] =	wrdreg $0x60  }
0xba: {  	[dreg:$0x2] =	wrdreg s2  }
0xbb: {  	[dreg:$0x3] =	wrdreg s31  }
0xbc: {  	[dreg:$0x4] =	wrdreg s4  }
0xbd: {  	[dreg:$0x5] =	wrdreg s5  }
0xbe: {  	[dreg:$0x6] =	wrdreg s7  }
0xbf: {  	[dreg:$0x7] =	wrdreg s8  }
0xc0: {  	[dreg:$0x8] =	wrdreg s9  }
0xc1: {  	[dreg:$0x9] =	wrdreg s17  }
0xc2: {  	[dreg:$0xa] =	wrdreg s18  }
0xc3: {  	[dreg:$0xb] =	wrdreg s19  }
0xc4: {  	[dreg:$0xc] =	wrdreg $0x9  }
0xc5: {  	_ =	task.clear_ibuf [dreg:s16], $0xDFFFF;
	_ =	strace $0x90000046  }
0xc6: {  	s29 =	simm.s32 $0x9;
	_ =	strace $0x80000048  }
0xc7: {  	_ =	swait.ge [sflag:s29], $0x1  }
0xc8: {  	[sflag:s29] =	ssyncadd.s32 $0xFFFFFFFF  }
0xc9: {  	_ =	strace $0x90000048  }
0xca: {  	_ =	sfence  }
0xcb: {  	s30 =	sld [smem:$0x0];
	_ =	sdelay $0x2  }
0xcc: {  	s31 =	sshll.u32 s1, $0xD;
	s1 =	sshrl.u32 s1, $0x2  }
0xcd: {  	s3 =	sand.u32 $0x4000, s31;
	s1 =	sadd.s32 s1, s30  }
0xce: {  	s0 =	sor.u32 s3, s0;
	s1 =	sshll.u32 s1, $0x11  }
0xcf: {  	s0 =	sor.u32 s1, s0  }
0xd0: {  	s0 =	sadd.s32 $0x8F2B, s0  }
0xd1: {  	[sflag:s0] =	ssyncadd.remote.s32 $0x1  }
0xd2: {  	_ =	sfence.sel $0xFFFF  }
0xd3: {  	[dreg:$0x0] =	wrdreg $0xFFFFFFFF;
	(pc) =	sbr.abs _section_cstart, $3  }
0xd4: {  	[dreg:$0x1] =	wrdreg $0xFFFFFFFF  }
0xd5: {  	_ =	task.clear_ibuf [dreg:s16], $0x2FFFF;
	_ =	strace $0x9FFFFFFF  }
0xd6: {  	(tm) =	ssettm $0x7FFFFFFF  }
0xd7: {  	_ =	shalt  }
tec
execute0_lowered:
.L_overlay_start_1:
0x0: {  	(tag) =	ssettag $0x1  }
0x1: {  	s2 =	rddreg [dreg:$0x0]  }
0x2: {  	s6 =	rddreg [dreg:$0x1]  }
0x3: {  	s0 =	rddreg [dreg:$0x2]  }
0x4: {  	s1 =	rddreg [dreg:$0x3]  }
0x5: {  	s3 =	rddreg [dreg:$0x4]  }
0x6: {  	s4 =	rddreg [dreg:$0x5]  }
0x7: {  	s5 =	rddreg [dreg:$0x6]  }
0x8: {  	s7 =	rddreg [dreg:$0x7]  }
0x9: {  	s8 =	rddreg [dreg:$0x8]  }
0xa: {  	s9 =	rddreg [dreg:$0x9]  }
0xb: {  	s10 =	srdreg.scid;
	s14 =	simm.s32 $0x0;
	s11 =	stileid.u32  }
0xc: {  	s28 =	simm.s32 $0x6400;
	s29 =	simm.s32 $0x8400;
	s10 =	sand.u32 $0x1, s10  }
0xd: {  	s30 =	simm.s32 $0xA400;
	s11 =	sshll.u32 s11, $0xA;
	s12 =	sshll.u32 s10, $0x9  }
0xe: {  	s31 =	simm.s32 $0xC400;
	[smem:$0x7FF] =	sst s14;
	s11 =	sor.u32 s12, s11  }
0xf: {  	s15 =	simm.s32 $0x2;
	_ =	strace $0x80000047;
	s13 =	sshrl.u32 s11, $0x3  }
0x10: {  	s10 =	ssub.s32 $0x2, s10;
	s11 =	sshll.u32 s11, $0x4;
	s6 =	sadd.s32 s6, s13  }
0x11: {  	s16 =	sshrl.u32 s10, $0x1;
	s2 =	sadd.s32 s2, s11;
	[dreg:$0xb] =	wrdreg s6  }
0x12: {  	s12 =	simm.s32 $0x16400;
	s23 =	sadd.s32 s7, s13;
	[dreg:$0xc] =	wrdreg s2  }
0x13: {  	s10 =	ssub.s32 s10, s16;
	s24 =	sadd.s32 s8, s13;
	[dreg:$0x14] =	wrdreg s23  }
0x14: {  	s25 =	sadd.s32 s9, s13;
	s26 =	smax.u32 s10, $0x1;
	[dreg:$0x15] =	wrdreg s24  }
0x15: {  	s8 =	simm.s32 $0x10400;
	s10 =	simm.s32 $0x12400;
	[dreg:$0x16] =	wrdreg s25  }
0x16: {  	s11 =	simm.s32 $0x14400;
	s17 =	sadd.s32 $0x400, s2;
	[dreg:$0x17] =	wrdreg s26  }
0x17: {  	s13 =	simm.s32 $0x1;
	s18 =	sadd.s32 $0x800, s2;
	[dreg:$0xd] =	wrdreg s17  }
0x18: {  	s9 =	simm.s32 $0x0;
	s19 =	sadd.s32 $0xC00, s2;
	[dreg:$0xe] =	wrdreg s18  }
0x19: {  	s20 =	sadd.s32 $0x1000, s2;
	s21 =	sadd.s32 $0x1400, s2;
	[dreg:$0xf] =	wrdreg s19  }
0x1a: {  	s22 =	sadd.s32 $0x1800, s2;
	s2 =	sadd.s32 $0x1C00, s2;
	[dreg:$0x10] =	wrdreg s20  }
0x1b: {  	s23 =	simm.s32 $0x40;
	s25 =	simm.s32 $0x2400;
	[dreg:$0x11] =	wrdreg s21  }
0x1c: {  	s26 =	simm.s32 $0x4400;
	s6 =	simm.s32 $0xE400;
	[dreg:$0x12] =	wrdreg s22  }
0x1d: {  	v0 =	vlaneseq.u32;
	[dreg:$0x13] =	wrdreg s2;
	s21 =	simm.s32 $0x3;
	s22 =	simm.s32 $0x400  }
0x1e: {  	v0 =	vmul.u32 $0x80, v0;
	s18 =	simm.s32 $0x340;
	s19 =	simm.s32 $0x380;
	s20 =	simm.s32 $0x3C0  }
.LBB2_1:
0x1f: {  	s2 =	rddreg [dreg:$0xb]  }
0x20: {  	[tilespmem:s14], [sflag:$0x3] =	stream.linear.gather [hbm4b:s2+s14], $0x200, $0x38;
	[tilespmem:$0x18A00] =	vst v63  }
0x21: {  	_ =	swait.ge [sflag:s21], $0x200  }
0x22: {  	[sflag:s21] =	ssyncset.done $0x0  }
0x23: {  	s2 =	simm.s32 $0x0;
	[sflag:s21] =	ssyncadd.s32 $0xFFFFFE00  }
0x24: {  	s7 =	simm.s32 $0x40;
	v1 =	vld [tilespmem:s2+$0x0]  }
.LBB2_2:
0x25: {  	p0 =	sne.s32 s7, $0x7C0  }
.Ltmp0:
0x26: {  	_ = 	snop;
	(pc) =	sbr.rel @p0 .LBB2_2-.Ltmp0, $3  }
0x27: {  	_ =	sdelay $0x1  }
0x28: {  	s14 =	sshra.s32 s7, $0x2;
	s7 =	sadd.s32 $0x40, s7;
	v2 =	vshra.s32 v1, $0x1  }
0x29: {  	v1 =	vld [tilespmem:s14+$0x0];
	[tilespmem:s2+$0x200] =	vst v2;
	s2 =	smov.u32 s14  }
0x2a: {  	_ =	sdelay $0x3  }
0x2b: {  	v1 =	vshra.s32 v1, $0x1  }
0x2c: {  	s7 =	simm.s32 $0x0;
	s14 =	rddreg [dreg:$0xc];
	[tilespmem:s2+$0x200] =	vst v1  }
0x2d: {  	[tilespmem:s22], [sflag:$0x1] =	stream.linear.gather [hbm4b:s14+s7], $0x2000, $0x38;
	[tilespmem:$0x18A00] =	vst v63  }
0x2e: {  	s16 =	simm.s32 $0x200  }
0x2f: {  	[tilespmem:s25], [sflag:$0x1] =	stream.indirect.gather [hbm4b:s0+s23], $0x80, s16, s23, $0xb8;
	[tilespmem:$0x18A00] =	vst v63  }
0x30: {  	_ = 	snop  }
0x31: {  	[tilespmem:s26], [sflag:$0x1] =	stream.indirect.gather [hbm4b:s1+s23], $0x80, s16, s23, $0xb8;
	[tilespmem:$0x18A00] =	vst v63  }
0x32: {  	_ = 	snop  }
0x33: {  	[tilespmem:s28], [sflag:$0x1] =	stream.indirect.gather [hbm4b:s3+s23], $0x80, s16, s23, $0xb8;
	[tilespmem:$0x18A00] =	vst v63  }
0x34: {  	_ = 	snop  }
0x35: {  	[tilespmem:s29], [sflag:$0x1] =	stream.indirect.gather [hbm4b:s4+s23], $0x80, s16, s23, $0xb8;
	[tilespmem:$0x18A00] =	vst v63  }
0x36: {  	_ = 	snop  }
0x37: {  	[tilespmem:s30], [sflag:$0x1] =	stream.indirect.gather [hbm4b:s5+s23], $0x80, s7, s23, $0xb8;
	[tilespmem:$0x18A00] =	vst v63  }
0x38: {  	s17 =	rddreg [dreg:$0xd]  }
0x39: {  	[tilespmem:s31], [sflag:$0x2] =	stream.linear.gather [hbm4b:s17+s7], $0x2000, $0x38;
	[tilespmem:$0x18A00] =	vst v63  }
0x3a: {  	s24 =	simm.s32 $0x240  }
0x3b: {  	[tilespmem:s6], [sflag:$0x2] =	stream.indirect.gather [hbm4b:s0+s23], $0x80, s24, s23, $0xb8;
	[tilespmem:$0x18A00] =	vst v63  }
0x3c: {  	_ = 	snop  }
0x3d: {  	[tilespmem:s8], [sflag:$0x2] =	stream.indirect.gather [hbm4b:s1+s23], $0x80, s24, s23, $0xb8;
	[tilespmem:$0x18A00] =	vst v63  }
0x3e: {  	_ = 	snop  }
0x3f: {  	[tilespmem:s10], [sflag:$0x2] =	stream.indirect.gather [hbm4b:s3+s23], $0x80, s24, s23, $0xb8;
	[tilespmem:$0x18A00] =	vst v63  }
0x40: {  	_ = 	snop  }
0x41: {  	[tilespmem:s11], [sflag:$0x2] =	stream.indirect.gather [hbm4b:s4+s23], $0x80, s24, s23, $0xb8;
	[tilespmem:$0x18A00] =	vst v63  }
0x42: {  	_ = 	snop  }
0x43: {  	[tilespmem:s12], [sflag:$0x2] =	stream.indirect.gather [hbm4b:s5+s23], $0x80, s23, s23, $0xb8;
	[tilespmem:$0x18A00] =	vst v63  }
0x44: {  	_ =	swait.ge [sflag:s13], $0x2000  }
0x45: {  	[sflag:s13] =	ssyncset.done $0x0  }
0x46: {  	[sflag:s13] =	ssyncadd.s32 $0xFFFFE000  }
0x47: {  	_ =	swait.ge [sflag:s13], $0x2000  }
0x48: {  	[sflag:s13] =	ssyncset.done $0x0  }
0x49: {  	[sflag:s13] =	ssyncadd.s32 $0xFFFFE000  }
0x4a: {  	_ =	swait.ge [sflag:s13], $0x2000  }
0x4b: {  	[sflag:s13] =	ssyncset.done $0x0  }
0x4c: {  	[sflag:s13] =	ssyncadd.s32 $0xFFFFE000  }
0x4d: {  	_ =	swait.ge [sflag:s13], $0x2000  }
0x4e: {  	[sflag:s13] =	ssyncset.done $0x0  }
0x4f: {  	[sflag:s13] =	ssyncadd.s32 $0xFFFFE000  }
0x50: {  	_ =	swait.ge [sflag:s13], $0x2000  }
0x51: {  	[sflag:s13] =	ssyncset.done $0x0  }
0x52: {  	[sflag:s13] =	ssyncadd.s32 $0xFFFFE000  }
0x53: {  	_ =	swait.ge [sflag:s13], $0x2000  }
0x54: {  	[sflag:s13] =	ssyncset.done $0x0  }
0x55: {  	s24 =	simm.s32 $0x0;
	[sflag:s13] =	ssyncadd.s32 $0xFFFFE000  }
.LBB2_4:
0x56: {  	s2 =	sshll.u32 s24, $0x4  }
0x57: {  	v1 =	vld [tilespmem:s2+$0x0];
	v2 =	vmov s2  }
0x58: {  	v2 =	vshll.u32 v2, $0x7  }
0x59: {  	v3 =	vor.u32 v0, v2  }
0x5a: {  	v2 =	vor.u32 s7, v3  }
0x5b: {  	v7 =	vor.u32 $0x40, v3  }
0x5c: {  	v10 =	vor.u32 s7, v7;
	v1 =	vshll.u32 v1, $0x6  }
0x5d: {  	s14 =	simm.s32 $0x1;
	v1 =	vand.u32 $0x40, v1  }
0x5e: {  	v4 =	vor.u32 v1, v3;
	v1 =	vor.u32 s14, v3  }
0x5f: {  	v6 =	vor.u32 s14, v4;
	v15 =	vld.idx.msk [tilespmem:v2+s30+$0x0], $0xffff  }
0x60: {  	v20 =	vld.idx.msk [tilespmem:v2+s22+$0x0], $0xffff  }
0x61: {  	v17 =	vld.idx.msk [tilespmem:v10+s30+$0x0], $0xffff  }
0x62: {  	v13 =	vor.u32 s7, v4;
	v26 =	vld.idx.msk [tilespmem:v10+s22+$0x0], $0xffff  }
0x63: {  	v11 =	vld.idx.msk [tilespmem:v1+s22+$0x0], $0xffff  }
0x64: {  	v8 =	vor.u32 s14, v7;
	v5 =	vld.idx.msk [tilespmem:v6+s29+$0x0], $0xffff  }
0x65: {  	v9 =	vld.idx.msk [tilespmem:v6+s28+$0x0], $0xffff  }
0x66: {  	v14 =	vld.idx.msk [tilespmem:v6+s25+$0x0], $0xffff  }
0x67: {  	s17 =	simm.s32 $0x3;
	v16 =	vld.idx.msk [tilespmem:v13+s29+$0x0], $0xffff;
	v22 =	vmul.f32 v15, v15  }
0x68: {  	v2 =	vimm.f32 $0.0e+00;
	v21 =	vld.idx.msk [tilespmem:v1+s30+$0x0], $0xffff;
	v1 =	vor.u32 s17, v4;
	v10 =	vmul.f32 v15, v20  }
0x69: {  	s16 =	simm.s32 $0x2;
	v19 =	vld.idx.msk [tilespmem:v8+s30+$0x0], $0xffff;
	v15 =	vadd.f32 v22, v2;
	v22 =	vmul.f32 v17, v17;
	v5 =	vadd.f32 $9.999999740e-06, v5  }
0x6a: {  	v33 =	vor.u32 s16, v3;
	v28 =	vld.idx.msk [tilespmem:v8+s22+$0x0], $0xffff  }
0x6b: {  	v18 =	vld.idx.msk [tilespmem:v13+s28+$0x0], $0xffff;
	v15 =	vadd.f32 v22, v15;
	(erf) = vrcp.f32 v5;
	v5 =	vadd.f32 $9.999999740e-06, v9  }
0x6c: {  	v27 =	vld.idx.msk [tilespmem:v13+s25+$0x0], $0xffff;
	v8 =	vmul.f32 v20, v20;
	v16 =	vadd.f32 $9.999999740e-06, v16;
	v30 =	vsub.f32 v11, v14  }
0x6d: {  	v13 =	vld.idx.msk [tilespmem:v13+s26+$0x0], $0xffff;
	v14 =	vmul.f32 v21, v21;
	v9 =	vor.u32 s17, v3;
	(erf) = vrcp.f32 v5  }
0x6e: {  	v24 =	vor.u32 s16, v7;
	v23 =	vmul.f32 v19, v19;
	v29 =	vld.idx.msk [tilespmem:v1+s29+$0x0], $0xffff;
	(erf) = vrcp.f32 v16  }
0x6f: {  	v63 =	vmul.f32 v26, v26;
	v31 =	vadd.f32 v8, v2;
	v8 =	vadd.f32 v14, v15;
	v15 =	vld.idx.msk [tilespmem:v6+s26+$0x0], $0xffff  }
0x70: {  	v19 =	vmul.f32 v19, v28;
	v25 =	vadd.f32 $9.999999740e-06, v18;
	v18 =	vor.u32 s17, v7;
	v14 =	vld.idx.msk [tilespmem:v1+s25+$0x0], $0xffff  }
0x71: {  	v32 =	vadd.f32 v10, v2;
	v10 =	vor.u32 s16, v4;
	v6 =	vmul.f32 v17, v26;
	v17 =	vld.idx.msk [tilespmem:v33+s30+$0x0], $0xffff  }
0x72: {  	v12 =	vmul.f32 v11, v11;
	v11 =	vmul.f32 v21, v11;
	v20 =	vsub.f32 v20, v27;
	v5 =	vld.idx.msk [tilespmem:v9+s22+$0x0], $0xffff  }
0x73: {  	v22 =	vadd.f32 v23, v8;
	(erf) = vrcp.f32 v25;
	v8 =	vld.idx.msk [tilespmem:v9+s30+$0x0], $0xffff;
	v9 =	vadd.f32 v6, v32  }
0x74: {  	v20 =	vmul.f32 v20, v20;
	v23 =	vsub.f32 v26, v13;
	v29 =	vadd.f32 $9.999999740e-06, v29;
	v16 =	vld.idx.msk [tilespmem:v1+s28+$0x0], $0xffff  }
0x75: {  	v26 =	vmul.f32 v30, v30;
	v30 =	vadd.f32 v63, v31;
	v6 =	vld.idx.msk [tilespmem:v18+s30+$0x0], $0xffff;
	v11 =	vadd.f32 v11, v9;
	v13 =	vpop (erf)  }
0x76: {  	v25 =	vmul.f32 v28, v28;
	v9 =	vld.idx.msk [tilespmem:v33+s22+$0x0], $0xffff;
	(erf) = vrcp.f32 v29;
	v29 =	vsub.f32 v28, v15;
	v27 =	vpop (erf)  }
0x77: {  	s14 =	simm.s32 $0x4;
	v15 =	vld.idx.msk [tilespmem:v24+s30+$0x0], $0xffff;
	v19 =	vadd.f32 v19, v11;
	v11 =	vimm.f32 $0.0e+00;
	v21 =	vmul.f32 v5, v5;
	v28 =	vpop (erf)  }
.LBB2_5:
0x78: {  	s16 =	sadd.s32 $0x1, s14  }
0x79: {  	p0 =	sne.s32 s14, $0x3E;
	v31 =	vld.idx.msk [tilespmem:v10+s29+$0x0], $0xffff;
	v32 =	vadd.f32 $9.999999740e-06, v16;
	v16 =	vmul.f32 v23, v23;
	v23 =	vmul.f32 v29, v29;
	s17 =	smov.u32 s14;
	s14 =	sadd.s32 $0x2, s14  }
0x7a: {  	v26 =	vmul.f32 v27, v26;
	v29 =	vor.u32 s16, v3;
	v33 =	vor.u32 s16, v4;
	v34 =	vld.idx.msk [tilespmem:v10+s28+$0x0], $0xffff  }
0x7b: {  	v12 =	vadd.f32 v12, v30;
	v27 =	vld.idx.msk [tilespmem:v24+s22+$0x0], $0xffff;
	v24 =	vmul.f32 v17, v17;
	v23 =	vmul.f32 v13, v23  }
0x7c: {  	v35 =	vsub.f32 v5, v14;
	v36 =	vmul.f32 v6, v6;
	v13 =	vmul.f32 v28, v16;
	v30 =	vld.idx.msk [tilespmem:v10+s25+$0x0], $0xffff;
	v14 =	vpop (erf)  }
0x7d: {  	v17 =	vmul.f32 v17, v9;
	v22 =	vadd.f32 v24, v22;
	v28 =	vld.idx.msk [tilespmem:v18+s22+$0x0], $0xffff;
	v18 =	vadd.f32 v25, v12  }
0x7e: {  	v24 =	vmul.f32 v8, v8;
	v2 =	vadd.f32 v13, v2;
	v25 =	vld.idx.msk [tilespmem:v10+s26+$0x0], $0xffff;
	v10 =	vmul.f32 v9, v9  }
0x7f: {  	v38 =	vmul.f32 v15, v15;
	v14 =	vmul.f32 v14, v20;
	v31 =	vadd.f32 $9.999999740e-06, v31;
	v12 =	vmovc v21;
	v37 =	vld.idx.msk [tilespmem:v33+s29+$0x0], $0xffff  }
0x80: {  	v20 =	vadd.f32 $9.999999740e-06, v34;
	v16 =	vld.idx.msk [tilespmem:v33+s28+$0x0], $0xffff;
	v34 =	vadd.f32 v10, v18;
	(erf) = vrcp.f32 v32;
	v13 =	vpop (erf)  }
0x81: {  	v17 =	vadd.f32 v17, v19;
	v19 =	vadd.f32 v38, v22;
	v32 =	vld.idx.msk [tilespmem:v29+s22+$0x0], $0xffff;
	(erf) = vrcp.f32 v31  }
0x82: {  	v11 =	vadd.f32 v14, v11;
	v10 =	vor.u32 s17, v4;
	v31 =	vor.u32 s17, v3  }
0x83: {  	v2 =	vadd.f32 v23, v2;
	v18 =	vor.u32 s16, v7;
	v19 =	vadd.f32 v24, v19;
	v38 =	vld.idx.msk [tilespmem:v1+s26+$0x0], $0xffff;
	v1 =	vmovc v33  }
0x84: {  	v15 =	vmul.f32 v15, v27;
	v24 =	vor.u32 s17, v7;
	v11 =	vadd.f32 v26, v11  }
0x85: {  	v26 =	vmul.f32 v8, v5;
	v22 =	vadd.f32 v36, v19;
	v14 =	vld.idx.msk [tilespmem:v33+s25+$0x0], $0xffff;
	(erf) = vrcp.f32 v20  }
.Ltmp1:
0x86: {  	v15 =	vadd.f32 v15, v17;
	v23 =	vsub.f32 v27, v25;
	v25 =	vmul.f32 v28, v28;
	v8 =	vld.idx.msk [tilespmem:v29+s30+$0x0], $0xffff;
	(pc) =	sbr.rel @p0 .LBB2_5-.Ltmp1, $4  }
0x87: {  	v19 =	vadd.f32 $9.999999740e-06, v37;
	v20 =	vsub.f32 v9, v30;
	v21 =	vmul.f32 v32, v32;
	v5 =	vmovc v32;
	v17 =	vld.idx.msk [tilespmem:v31+s30+$0x0], $0xffff  }
0x88: {  	v30 =	vmul.f32 v27, v27;
	v33 =	vmul.f32 v6, v28;
	v32 =	vadd.f32 v26, v15;
	v6 =	vld.idx.msk [tilespmem:v18+s30+$0x0], $0xffff  }
0x89: {  	v26 =	vmul.f32 v35, v35;
	v29 =	vsub.f32 v28, v38;
	v9 =	vld.idx.msk [tilespmem:v31+s22+$0x0], $0xffff;
	(erf) = vrcp.f32 v19;
	v27 =	vpop (erf)  }
0x8a: {  	v20 =	vmul.f32 v20, v20;
	v30 =	vadd.f32 v30, v34;
	v19 =	vadd.f32 v33, v32;
	v15 =	vld.idx.msk [tilespmem:v24+s30+$0x0], $0xffff;
	v28 =	vpop (erf)  }
0x8b: {  	_ =	sdelay $0x3  }
0x8c: {  	v3 =	vld.idx.msk [tilespmem:v24+s22+$0x0], $0xffff  }
0x8d: {  	v4 =	vadd.f32 v12, v30  }
0x8e: {  	v7 =	vmul.f32 v17, v17  }
0x8f: {  	v4 =	vadd.f32 v25, v4;
	v35 =	vmul.f32 v9, v9  }
0x90: {  	v18 =	vld.idx.msk [tilespmem:v18+s22+$0x0], $0xffff;
	v7 =	vadd.f32 v7, v22  }
0x91: {  	v36 =	vmul.f32 v15, v15;
	v4 =	vadd.f32 v35, v4;
	v37 =	vmul.f32 v3, v3;
	_ =	sdelay $0x1  }
0x92: {  	v38 =	vmul.f32 v8, v8;
	v7 =	vadd.f32 v36, v7;
	v4 =	vadd.f32 v37, v4  }
0x93: {  	v39 =	vmul.f32 v6, v6  }
0x94: {  	v40 =	vmul.f32 v18, v18;
	v7 =	vadd.f32 v38, v7;
	v4 =	vadd.f32 v21, v4;
	_ =	sdelay $0x1  }
0x95: {  	v7 =	vadd.f32 v39, v7;
	v4 =	vadd.f32 v40, v4;
	_ =	sdelay $0x1  }
0x96: {  	v4 =	vmul.f32 v7, v4;
	_ =	sdelay $0x1  }
0x97: {  	v4 =	vmax.f32 v4, $1.000000020e-24  }
0x98: {  	v41 =	vshra.s32 v4, $0x1;
	v4 =	vmul.f32 $5.000000000e-01, v4  }
0x99: {  	v7 =	vsub.s32 $0x5F3759DF, v41  }
0x9a: {  	v42 =	vmul.f32 v7, v4;
	_ =	sdelay $0x1  }
0x9b: {  	v43 =	vld.idx.msk [tilespmem:v10+s29+$0x0], $0xffff;
	v12 =	vmul.f32 v7, v42  }
0x9c: {  	v44 =	vld.idx.msk [tilespmem:v10+s28+$0x0], $0xffff  }
0x9d: {  	v12 =	vsub.f32 $1.500000000e+00, v12;
	_ =	sdelay $0x1  }
0x9e: {  	v16 =	vadd.f32 $9.999999740e-06, v16;
	v7 =	vmul.f32 v7, v12  }
0x9f: {  	v21 =	vadd.f32 $9.999999740e-06, v43  }
0xa0: {  	(erf) = vrcp.f32 v16;
	v22 =	vadd.f32 $9.999999740e-06, v44;
	v46 =	vmul.f32 v7, v4  }
0xa1: {  	v45 =	vmul.f32 v23, v23;
	v49 =	vld.idx.msk [tilespmem:v10+s25+$0x0], $0xffff;
	(erf) = vrcp.f32 v21  }
0xa2: {  	v52 =	vld.idx.msk [tilespmem:v10+s26+$0x0], $0xffff;
	(erf) = vrcp.f32 v22;
	v16 =	vmul.f32 v46, v7  }
0xa3: {  	v47 =	vmul.f32 v29, v29;
	v48 =	vmul.f32 v27, v26;
	v14 =	vsub.f32 v5, v14;
	v1 =	vld.idx.msk [tilespmem:v1+s26+$0x0], $0xffff  }
0xa4: {  	v55 =	vmul.f32 v8, v5;
	v51 =	vmul.f32 v17, v9;
	v16 =	vsub.f32 $1.500000000e+00, v16  }
0xa5: {  	v13 =	vmul.f32 v13, v47;
	v14 =	vmul.f32 v14, v14;
	v50 =	vpop (erf)  }
0xa6: {  	v53 =	vmul.f32 v50, v20;
	v17 =	vadd.f32 v51, v19;
	v7 =	vmul.f32 v16, v7  }
0xa7: {  	v54 =	vmul.f32 v15, v3;
	v58 =	vsub.f32 v9, v49;
	v3 =	vsub.f32 v3, v52  }
0xa8: {  	v61 =	vmul.f32 v6, v18;
	v1 =	vsub.f32 v18, v1;
	v56 =	vpop (erf);
	v4 =	vmul.f32 v7, v4  }
0xa9: {  	v57 =	vadd.f32 v54, v17;
	v9 =	vmul.f32 v58, v58;
	v59 =	vpop (erf);
	v12 =	vmul.f32 v28, v45  }
0xaa: {  	v11 =	vadd.f32 v53, v11;
	v3 =	vmul.f32 v3, v3;
	v60 =	vpop (erf);
	v4 =	vmul.f32 v4, v7  }
0xab: {  	v1 =	vmul.f32 v1, v1;
	v5 =	vadd.f32 v55, v57;
	v62 =	vpop (erf);
	v2 =	vadd.f32 v12, v2  }
0xac: {  	v11 =	vadd.f32 v48, v11;
	v9 =	vmul.f32 v62, v9;
	v4 =	vsub.f32 $1.500000000e+00, v4  }
0xad: {  	v5 =	vadd.f32 v61, v5;
	v3 =	vmul.f32 v60, v3;
	v2 =	vadd.f32 v13, v2  }
0xae: {  	s24 =	sadd.s32 $0x1, s24;
	v63 =	vmul.f32 v59, v14;
	v9 =	vadd.f32 v9, v11;
	v4 =	vmul.f32 v4, v7  }
0xaf: {  	p0 =	sne.s32 s24, $0x4;
	v1 =	vmul.f32 v56, v1;
	v2 =	vadd.f32 v3, v2  }
.Ltmp2:
0xb0: {  	v3 =	vadd.f32 v63, v9;
	v4 =	vmul.f32 v4, v5;
	(pc) =	sbr.rel @p0 .LBB2_4-.Ltmp2, $4  }
0xb1: {  	v1 =	vadd.f32 v1, v2  }
0xb2: {  	[tilespmem:s2+$0x18400] =	vst v3;
	v2 =	vsub.f32 $1.000000000e+00, v4  }
0xb3: {  	[tilespmem:s2+$0x18600] =	vst v1  }
0xb4: {  	[tilespmem:s2+$0x18800] =	vst v2  }
0xb5: {  	s7 =	simm.s32 $0x0;
	s2 =	rddreg [dreg:$0xe]  }
0xb6: {  	[tilespmem:s22], [sflag:$0x1] =	stream.linear.gather [hbm4b:s2+s7], $0x2000, $0x38;
	[tilespmem:$0x18A00] =	vst v63  }
0xb7: {  	s17 =	simm.s32 $0x280  }
0xb8: {  	[tilespmem:s25], [sflag:$0x1] =	stream.indirect.gather [hbm4b:s0+s23], $0x80, s17, s23, $0xb8;
	[tilespmem:$0x18A00] =	vst v63  }
0xb9: {  	_ = 	snop  }
0xba: {  	[tilespmem:s26], [sflag:$0x1] =	stream.indirect.gather [hbm4b:s1+s23], $0x80, s17, s23, $0xb8;
	[tilespmem:$0x18A00] =	vst v63  }
0xbb: {  	_ = 	snop  }
0xbc: {  	[tilespmem:s28], [sflag:$0x1] =	stream.indirect.gather [hbm4b:s3+s23], $0x80, s17, s23, $0xb8;
	[tilespmem:$0x18A00] =	vst v63  }
0xbd: {  	_ = 	snop  }
0xbe: {  	[tilespmem:s29], [sflag:$0x1] =	stream.indirect.gather [hbm4b:s4+s23], $0x80, s17, s23, $0xb8;
	[tilespmem:$0x18A00] =	vst v63  }
0xbf: {  	s24 =	simm.s32 $0x80  }
0xc0: {  	[tilespmem:s30], [sflag:$0x1] =	stream.indirect.gather [hbm4b:s5+s23], $0x80, s24, s23, $0xb8;
	[tilespmem:$0x18A00] =	vst v63  }
0xc1: {  	_ =	swait.ge [sflag:s15], $0x2000  }
0xc2: {  	[sflag:s15] =	ssyncset.done $0x0  }
0xc3: {  	[sflag:s15] =	ssyncadd.s32 $0xFFFFE000  }
0xc4: {  	_ =	swait.ge [sflag:s15], $0x2000  }
0xc5: {  	[sflag:s15] =	ssyncset.done $0x0  }
0xc6: {  	[sflag:s15] =	ssyncadd.s32 $0xFFFFE000  }
0xc7: {  	_ =	swait.ge [sflag:s15], $0x2000  }
0xc8: {  	[sflag:s15] =	ssyncset.done $0x0  }
0xc9: {  	[sflag:s15] =	ssyncadd.s32 $0xFFFFE000  }
0xca: {  	_ =	swait.ge [sflag:s15], $0x2000  }
0xcb: {  	[sflag:s15] =	ssyncset.done $0x0  }
0xcc: {  	[sflag:s15] =	ssyncadd.s32 $0xFFFFE000  }
0xcd: {  	_ =	swait.ge [sflag:s15], $0x2000  }
0xce: {  	[sflag:s15] =	ssyncset.done $0x0  }
0xcf: {  	[sflag:s15] =	ssyncadd.s32 $0xFFFFE000  }
0xd0: {  	_ =	swait.ge [sflag:s15], $0x2000  }
0xd1: {  	[sflag:s15] =	ssyncset.done $0x0  }
0xd2: {  	s24 =	simm.s32 $0x0;
	[sflag:s15] =	ssyncadd.s32 $0xFFFFE000  }
.LBB2_8:
0xd3: {  	s14 =	sshll.u32 s24, $0x4  }
0xd4: {  	s2 =	sor.u32 $0x40, s14  }
0xd5: {  	v2 =	vmov s14;
	v1 =	vld [tilespmem:s2+$0x0]  }
0xd6: {  	v2 =	vshll.u32 v2, $0x7  }
0xd7: {  	v3 =	vor.u32 v0, v2  }
0xd8: {  	v2 =	vor.u32 s7, v3  }
0xd9: {  	v7 =	vor.u32 $0x40, v3  }
0xda: {  	v10 =	vor.u32 s7, v7;
	v1 =	vshll.u32 v1, $0x6  }
0xdb: {  	s16 =	simm.s32 $0x1;
	v1 =	vand.u32 $0x40, v1  }
0xdc: {  	v4 =	vor.u32 v1, v3;
	v1 =	vor.u32 s16, v3  }
0xdd: {  	v15 =	vld.idx.msk [tilespmem:v2+s12+$0x0], $0xffff;
	v6 =	vor.u32 s16, v4  }
0xde: {  	v20 =	vld.idx.msk [tilespmem:v2+s31+$0x0], $0xffff  }
0xdf: {  	v17 =	vld.idx.msk [tilespmem:v10+s12+$0x0], $0xffff  }
0xe0: {  	v13 =	vor.u32 s7, v4;
	v26 =	vld.idx.msk [tilespmem:v10+s31+$0x0], $0xffff  }
0xe1: {  	v11 =	vld.idx.msk [tilespmem:v1+s31+$0x0], $0xffff  }
0xe2: {  	v8 =	vor.u32 s16, v7;
	v5 =	vld.idx.msk [tilespmem:v6+s11+$0x0], $0xffff  }
0xe3: {  	v9 =	vld.idx.msk [tilespmem:v6+s10+$0x0], $0xffff  }
0xe4: {  	v14 =	vld.idx.msk [tilespmem:v6+s6+$0x0], $0xffff  }
0xe5: {  	s17 =	simm.s32 $0x3;
	v22 =	vmul.f32 v15, v15;
	v16 =	vld.idx.msk [tilespmem:v13+s11+$0x0], $0xffff  }
0xe6: {  	v2 =	vimm.f32 $0.0e+00;
	v21 =	vld.idx.msk [tilespmem:v1+s12+$0x0], $0xffff;
	v1 =	vor.u32 s17, v4;
	v10 =	vmul.f32 v15, v20  }
0xe7: {  	v19 =	vld.idx.msk [tilespmem:v8+s12+$0x0], $0xffff;
	s16 =	simm.s32 $0x2;
	v15 =	vadd.f32 v22, v2;
	v22 =	vmul.f32 v17, v17;
	v5 =	vadd.f32 $9.999999740e-06, v5  }
0xe8: {  	v28 =	vld.idx.msk [tilespmem:v8+s31+$0x0], $0xffff;
	v33 =	vor.u32 s16, v3  }
0xe9: {  	v18 =	vld.idx.msk [tilespmem:v13+s10+$0x0], $0xffff;
	v15 =	vadd.f32 v22, v15;
	(erf) = vrcp.f32 v5;
	v5 =	vadd.f32 $9.999999740e-06, v9  }
0xea: {  	v8 =	vmul.f32 v20, v20;
	v27 =	vld.idx.msk [tilespmem:v13+s6+$0x0], $0xffff;
	v16 =	vadd.f32 $9.999999740e-06, v16;
	v30 =	vsub.f32 v11, v14  }
0xeb: {  	v13 =	vld.idx.msk [tilespmem:v13+s8+$0x0], $0xffff;
	v14 =	vmul.f32 v21, v21;
	v9 =	vor.u32 s17, v3;
	(erf) = vrcp.f32 v5  }
0xec: {  	v24 =	vor.u32 s16, v7;
	v23 =	vmul.f32 v19, v19;
	v29 =	vld.idx.msk [tilespmem:v1+s11+$0x0], $0xffff;
	(erf) = vrcp.f32 v16  }
0xed: {  	v63 =	vmul.f32 v26, v26;
	v31 =	vadd.f32 v8, v2;
	v8 =	vadd.f32 v14, v15;
	v15 =	vld.idx.msk [tilespmem:v6+s8+$0x0], $0xffff  }
0xee: {  	v19 =	vmul.f32 v19, v28;
	v25 =	vadd.f32 $9.999999740e-06, v18;
	v18 =	vor.u32 s17, v7;
	v14 =	vld.idx.msk [tilespmem:v1+s6+$0x0], $0xffff  }
0xef: {  	v32 =	vadd.f32 v10, v2;
	v10 =	vor.u32 s16, v4;
	v6 =	vmul.f32 v17, v26;
	v17 =	vld.idx.msk [tilespmem:v33+s12+$0x0], $0xffff  }
0xf0: {  	v12 =	vmul.f32 v11, v11;
	v11 =	vmul.f32 v21, v11;
	v20 =	vsub.f32 v20, v27;
	v5 =	vld.idx.msk [tilespmem:v9+s31+$0x0], $0xffff  }
0xf1: {  	v22 =	vadd.f32 v23, v8;
	(erf) = vrcp.f32 v25;
	v8 =	vld.idx.msk [tilespmem:v9+s12+$0x0], $0xffff;
	v9 =	vadd.f32 v6, v32  }
0xf2: {  	v20 =	vmul.f32 v20, v20;
	v23 =	vsub.f32 v26, v13;
	v29 =	vadd.f32 $9.999999740e-06, v29;
	v16 =	vld.idx.msk [tilespmem:v1+s10+$0x0], $0xffff  }
0xf3: {  	v26 =	vmul.f32 v30, v30;
	v30 =	vadd.f32 v63, v31;
	v6 =	vld.idx.msk [tilespmem:v18+s12+$0x0], $0xffff;
	v11 =	vadd.f32 v11, v9;
	v13 =	vpop (erf)  }
0xf4: {  	v25 =	vmul.f32 v28, v28;
	v9 =	vld.idx.msk [tilespmem:v33+s31+$0x0], $0xffff;
	(erf) = vrcp.f32 v29;
	v29 =	vsub.f32 v28, v15;
	v27 =	vpop (erf)  }
0xf5: {  	s14 =	simm.s32 $0x4;
	v15 =	vld.idx.msk [tilespmem:v24+s12+$0x0], $0xffff;
	v19 =	vadd.f32 v19, v11;
	v11 =	vimm.f32 $0.0e+00;
	v21 =	vmul.f32 v5, v5;
	v28 =	vpop (erf)  }
.LBB2_9:
0xf6: {  	s16 =	sadd.s32 $0x1, s14  }
0xf7: {  	p0 =	sne.s32 s14, $0x3E;
	v31 =	vld.idx.msk [tilespmem:v10+s11+$0x0], $0xffff;
	v32 =	vadd.f32 $9.999999740e-06, v16;
	v16 =	vmul.f32 v23, v23;
	v23 =	vmul.f32 v29, v29;
	s17 =	smov.u32 s14;
	s14 =	sadd.s32 $0x2, s14  }
0xf8: {  	v26 =	vmul.f32 v27, v26;
	v29 =	vor.u32 s16, v3;
	v33 =	vor.u32 s16, v4;
	v34 =	vld.idx.msk [tilespmem:v10+s10+$0x0], $0xffff  }
0xf9: {  	v12 =	vadd.f32 v12, v30;
	v27 =	vld.idx.msk [tilespmem:v24+s31+$0x0], $0xffff;
	v24 =	vmul.f32 v17, v17;
	v23 =	vmul.f32 v13, v23  }
0xfa: {  	v35 =	vsub.f32 v5, v14;
	v36 =	vmul.f32 v6, v6;
	v13 =	vmul.f32 v28, v16;
	v30 =	vld.idx.msk [tilespmem:v10+s6+$0x0], $0xffff;
	v14 =	vpop (erf)  }
0xfb: {  	v17 =	vmul.f32 v17, v9;
	v22 =	vadd.f32 v24, v22;
	v28 =	vld.idx.msk [tilespmem:v18+s31+$0x0], $0xffff;
	v18 =	vadd.f32 v25, v12  }
0xfc: {  	v24 =	vmul.f32 v8, v8;
	v2 =	vadd.f32 v13, v2;
	v25 =	vld.idx.msk [tilespmem:v10+s8+$0x0], $0xffff;
	v10 =	vmul.f32 v9, v9  }
0xfd: {  	v38 =	vmul.f32 v15, v15;
	v14 =	vmul.f32 v14, v20;
	v31 =	vadd.f32 $9.999999740e-06, v31;
	v12 =	vmovc v21;
	v37 =	vld.idx.msk [tilespmem:v33+s11+$0x0], $0xffff  }
0xfe: {  	v20 =	vadd.f32 $9.999999740e-06, v34;
	v16 =	vld.idx.msk [tilespmem:v33+s10+$0x0], $0xffff;
	v34 =	vadd.f32 v10, v18;
	(erf) = vrcp.f32 v32;
	v13 =	vpop (erf)  }
0xff: {  	v17 =	vadd.f32 v17, v19;
	v19 =	vadd.f32 v38, v22;
	v32 =	vld.idx.msk [tilespmem:v29+s31+$0x0], $0xffff;
	(erf) = vrcp.f32 v31  }
0x100: {  	v11 =	vadd.f32 v14, v11;
	v10 =	vor.u32 s17, v4;
	v31 =	vor.u32 s17, v3  }
0x101: {  	v2 =	vadd.f32 v23, v2;
	v18 =	vor.u32 s16, v7;
	v19 =	vadd.f32 v24, v19;
	v38 =	vld.idx.msk [tilespmem:v1+s8+$0x0], $0xffff;
	v1 =	vmovc v33  }
0x102: {  	v15 =	vmul.f32 v15, v27;
	v24 =	vor.u32 s17, v7;
	v11 =	vadd.f32 v26, v11  }
0x103: {  	v26 =	vmul.f32 v8, v5;
	v22 =	vadd.f32 v36, v19;
	v14 =	vld.idx.msk [tilespmem:v33+s6+$0x0], $0xffff;
	(erf) = vrcp.f32 v20  }
.Ltmp3:
0x104: {  	v15 =	vadd.f32 v15, v17;
	v23 =	vsub.f32 v27, v25;
	v25 =	vmul.f32 v28, v28;
	v8 =	vld.idx.msk [tilespmem:v29+s12+$0x0], $0xffff;
	(pc) =	sbr.rel @p0 .LBB2_9-.Ltmp3, $4  }
0x105: {  	v19 =	vadd.f32 $9.999999740e-06, v37;
	v20 =	vsub.f32 v9, v30;
	v21 =	vmul.f32 v32, v32;
	v5 =	vmovc v32;
	v17 =	vld.idx.msk [tilespmem:v31+s12+$0x0], $0xffff  }
0x106: {  	v30 =	vmul.f32 v27, v27;
	v33 =	vmul.f32 v6, v28;
	v32 =	vadd.f32 v26, v15;
	v6 =	vld.idx.msk [tilespmem:v18+s12+$0x0], $0xffff  }
0x107: {  	v26 =	vmul.f32 v35, v35;
	v29 =	vsub.f32 v28, v38;
	v9 =	vld.idx.msk [tilespmem:v31+s31+$0x0], $0xffff;
	(erf) = vrcp.f32 v19;
	v27 =	vpop (erf)  }
0x108: {  	v20 =	vmul.f32 v20, v20;
	v30 =	vadd.f32 v30, v34;
	v19 =	vadd.f32 v33, v32;
	v15 =	vld.idx.msk [tilespmem:v24+s12+$0x0], $0xffff;
	v28 =	vpop (erf)  }
0x109: {  	_ =	sdelay $0x3  }
0x10a: {  	v3 =	vld.idx.msk [tilespmem:v24+s31+$0x0], $0xffff  }
0x10b: {  	v4 =	vadd.f32 v12, v30  }
0x10c: {  	v7 =	vmul.f32 v17, v17  }
0x10d: {  	v4 =	vadd.f32 v25, v4;
	v35 =	vmul.f32 v9, v9  }
0x10e: {  	v18 =	vld.idx.msk [tilespmem:v18+s31+$0x0], $0xffff;
	v7 =	vadd.f32 v7, v22  }
0x10f: {  	v36 =	vmul.f32 v15, v15;
	v4 =	vadd.f32 v35, v4;
	v37 =	vmul.f32 v3, v3;
	_ =	sdelay $0x1  }
0x110: {  	v38 =	vmul.f32 v8, v8;
	v7 =	vadd.f32 v36, v7;
	v4 =	vadd.f32 v37, v4  }
0x111: {  	v39 =	vmul.f32 v6, v6  }
0x112: {  	v40 =	vmul.f32 v18, v18;
	v7 =	vadd.f32 v38, v7;
	v4 =	vadd.f32 v21, v4;
	_ =	sdelay $0x1  }
0x113: {  	v7 =	vadd.f32 v39, v7;
	v4 =	vadd.f32 v40, v4;
	_ =	sdelay $0x1  }
0x114: {  	v4 =	vmul.f32 v7, v4;
	_ =	sdelay $0x1  }
0x115: {  	v4 =	vmax.f32 v4, $1.000000020e-24  }
0x116: {  	v41 =	vshra.s32 v4, $0x1;
	v4 =	vmul.f32 $5.000000000e-01, v4  }
0x117: {  	v7 =	vsub.s32 $0x5F3759DF, v41  }
0x118: {  	v42 =	vmul.f32 v7, v4;
	_ =	sdelay $0x1  }
0x119: {  	v43 =	vld.idx.msk [tilespmem:v10+s11+$0x0], $0xffff;
	v12 =	vmul.f32 v7, v42  }
0x11a: {  	v44 =	vld.idx.msk [tilespmem:v10+s10+$0x0], $0xffff  }
0x11b: {  	v12 =	vsub.f32 $1.500000000e+00, v12;
	_ =	sdelay $0x1  }
0x11c: {  	v16 =	vadd.f32 $9.999999740e-06, v16;
	v7 =	vmul.f32 v7, v12  }
0x11d: {  	v21 =	vadd.f32 $9.999999740e-06, v43  }
0x11e: {  	(erf) = vrcp.f32 v16;
	v22 =	vadd.f32 $9.999999740e-06, v44;
	v46 =	vmul.f32 v7, v4  }
0x11f: {  	v45 =	vmul.f32 v23, v23;
	v49 =	vld.idx.msk [tilespmem:v10+s6+$0x0], $0xffff;
	(erf) = vrcp.f32 v21  }
0x120: {  	v52 =	vld.idx.msk [tilespmem:v10+s8+$0x0], $0xffff;
	(erf) = vrcp.f32 v22;
	v16 =	vmul.f32 v46, v7  }
0x121: {  	v47 =	vmul.f32 v29, v29;
	v48 =	vmul.f32 v27, v26;
	v14 =	vsub.f32 v5, v14;
	v1 =	vld.idx.msk [tilespmem:v1+s8+$0x0], $0xffff  }
0x122: {  	v55 =	vmul.f32 v8, v5;
	v51 =	vmul.f32 v17, v9;
	v16 =	vsub.f32 $1.500000000e+00, v16  }
0x123: {  	v13 =	vmul.f32 v13, v47;
	v14 =	vmul.f32 v14, v14;
	v50 =	vpop (erf)  }
0x124: {  	v53 =	vmul.f32 v50, v20;
	v17 =	vadd.f32 v51, v19;
	v7 =	vmul.f32 v16, v7  }
0x125: {  	v54 =	vmul.f32 v15, v3;
	v58 =	vsub.f32 v9, v49;
	v3 =	vsub.f32 v3, v52  }
0x126: {  	v61 =	vmul.f32 v6, v18;
	v1 =	vsub.f32 v18, v1;
	v56 =	vpop (erf);
	v4 =	vmul.f32 v7, v4  }
0x127: {  	v57 =	vadd.f32 v54, v17;
	v9 =	vmul.f32 v58, v58;
	v59 =	vpop (erf);
	v12 =	vmul.f32 v28, v45  }
0x128: {  	v11 =	vadd.f32 v53, v11;
	v3 =	vmul.f32 v3, v3;
	v60 =	vpop (erf);
	v4 =	vmul.f32 v4, v7  }
0x129: {  	v1 =	vmul.f32 v1, v1;
	v5 =	vadd.f32 v55, v57;
	v62 =	vpop (erf);
	v2 =	vadd.f32 v12, v2  }
0x12a: {  	v11 =	vadd.f32 v48, v11;
	v9 =	vmul.f32 v62, v9;
	v4 =	vsub.f32 $1.500000000e+00, v4  }
0x12b: {  	v5 =	vadd.f32 v61, v5;
	v3 =	vmul.f32 v60, v3;
	v2 =	vadd.f32 v13, v2  }
0x12c: {  	s24 =	sadd.s32 $0x1, s24;
	v63 =	vmul.f32 v59, v14;
	v9 =	vadd.f32 v9, v11;
	v4 =	vmul.f32 v4, v7  }
0x12d: {  	p0 =	sne.s32 s24, $0x4;
	v1 =	vmul.f32 v56, v1;
	v2 =	vadd.f32 v3, v2  }
.Ltmp4:
0x12e: {  	v3 =	vadd.f32 v63, v9;
	v4 =	vmul.f32 v4, v5;
	(pc) =	sbr.rel @p0 .LBB2_8-.Ltmp4, $4  }
0x12f: {  	v1 =	vadd.f32 v1, v2  }
0x130: {  	[tilespmem:s2+$0x18400] =	vst v3;
	v2 =	vsub.f32 $1.000000000e+00, v4  }
0x131: {  	[tilespmem:s2+$0x18600] =	vst v1  }
0x132: {  	[tilespmem:s2+$0x18800] =	vst v2  }
0x133: {  	s7 =	simm.s32 $0x0;
	s2 =	rddreg [dreg:$0xf]  }
0x134: {  	[tilespmem:s31], [sflag:$0x2] =	stream.linear.gather [hbm4b:s2+s7], $0x2000, $0x38;
	[tilespmem:$0x18A00] =	vst v63  }
0x135: {  	s17 =	simm.s32 $0x2C0  }
0x136: {  	[tilespmem:s6], [sflag:$0x2] =	stream.indirect.gather [hbm4b:s0+s23], $0x80, s17, s23, $0xb8;
	[tilespmem:$0x18A00] =	vst v63  }
0x137: {  	_ = 	snop  }
0x138: {  	[tilespmem:s8], [sflag:$0x2] =	stream.indirect.gather [hbm4b:s1+s23], $0x80, s17, s23, $0xb8;
	[tilespmem:$0x18A00] =	vst v63  }
0x139: {  	_ = 	snop  }
0x13a: {  	[tilespmem:s10], [sflag:$0x2] =	stream.indirect.gather [hbm4b:s3+s23], $0x80, s17, s23, $0xb8;
	[tilespmem:$0x18A00] =	vst v63  }
0x13b: {  	_ = 	snop  }
0x13c: {  	[tilespmem:s11], [sflag:$0x2] =	stream.indirect.gather [hbm4b:s4+s23], $0x80, s17, s23, $0xb8;
	[tilespmem:$0x18A00] =	vst v63  }
0x13d: {  	s24 =	simm.s32 $0xC0  }
0x13e: {  	[tilespmem:s12], [sflag:$0x2] =	stream.indirect.gather [hbm4b:s5+s23], $0x80, s24, s23, $0xb8;
	[tilespmem:$0x18A00] =	vst v63  }
0x13f: {  	_ =	swait.ge [sflag:s13], $0x2000  }
0x140: {  	[sflag:s13] =	ssyncset.done $0x0  }
0x141: {  	[sflag:s13] =	ssyncadd.s32 $0xFFFFE000  }
0x142: {  	_ =	swait.ge [sflag:s13], $0x2000  }
0x143: {  	[sflag:s13] =	ssyncset.done $0x0  }
0x144: {  	[sflag:s13] =	ssyncadd.s32 $0xFFFFE000  }
0x145: {  	_ =	swait.ge [sflag:s13], $0x2000  }
0x146: {  	[sflag:s13] =	ssyncset.done $0x0  }
0x147: {  	[sflag:s13] =	ssyncadd.s32 $0xFFFFE000  }
0x148: {  	_ =	swait.ge [sflag:s13], $0x2000  }
0x149: {  	[sflag:s13] =	ssyncset.done $0x0  }
0x14a: {  	[sflag:s13] =	ssyncadd.s32 $0xFFFFE000  }
0x14b: {  	_ =	swait.ge [sflag:s13], $0x2000  }
0x14c: {  	[sflag:s13] =	ssyncset.done $0x0  }
0x14d: {  	[sflag:s13] =	ssyncadd.s32 $0xFFFFE000  }
0x14e: {  	_ =	swait.ge [sflag:s13], $0x2000  }
0x14f: {  	[sflag:s13] =	ssyncset.done $0x0  }
0x150: {  	s24 =	simm.s32 $0x0;
	[sflag:s13] =	ssyncadd.s32 $0xFFFFE000  }
.LBB2_12:
0x151: {  	s14 =	sshll.u32 s24, $0x4  }
0x152: {  	s2 =	sor.u32 $0x80, s14  }
0x153: {  	v2 =	vmov s14;
	v1 =	vld [tilespmem:s2+$0x0]  }
0x154: {  	v2 =	vshll.u32 v2, $0x7  }
0x155: {  	v3 =	vor.u32 v0, v2  }
0x156: {  	v2 =	vor.u32 s7, v3  }
0x157: {  	v7 =	vor.u32 $0x40, v3  }
0x158: {  	v10 =	vor.u32 s7, v7;
	v1 =	vshll.u32 v1, $0x6  }
0x159: {  	s16 =	simm.s32 $0x1;
	v1 =	vand.u32 $0x40, v1  }
0x15a: {  	v4 =	vor.u32 v1, v3;
	v1 =	vor.u32 s16, v3  }
0x15b: {  	v15 =	vld.idx.msk [tilespmem:v2+s30+$0x0], $0xffff;
	v6 =	vor.u32 s16, v4  }
0x15c: {  	v20 =	vld.idx.msk [tilespmem:v2+s22+$0x0], $0xffff  }
0x15d: {  	v17 =	vld.idx.msk [tilespmem:v10+s30+$0x0], $0xffff  }
0x15e: {  	v13 =	vor.u32 s7, v4;
	v26 =	vld.idx.msk [tilespmem:v10+s22+$0x0], $0xffff  }
0x15f: {  	v11 =	vld.idx.msk [tilespmem:v1+s22+$0x0], $0xffff  }
0x160: {  	v8 =	vor.u32 s16, v7;
	v5 =	vld.idx.msk [tilespmem:v6+s29+$0x0], $0xffff  }
0x161: {  	v9 =	vld.idx.msk [tilespmem:v6+s28+$0x0], $0xffff  }
0x162: {  	v14 =	vld.idx.msk [tilespmem:v6+s25+$0x0], $0xffff  }
0x163: {  	s17 =	simm.s32 $0x3;
	v22 =	vmul.f32 v15, v15;
	v16 =	vld.idx.msk [tilespmem:v13+s29+$0x0], $0xffff  }
0x164: {  	v2 =	vimm.f32 $0.0e+00;
	v21 =	vld.idx.msk [tilespmem:v1+s30+$0x0], $0xffff;
	v1 =	vor.u32 s17, v4;
	v10 =	vmul.f32 v15, v20  }
0x165: {  	v19 =	vld.idx.msk [tilespmem:v8+s30+$0x0], $0xffff;
	s16 =	simm.s32 $0x2;
	v15 =	vadd.f32 v22, v2;
	v22 =	vmul.f32 v17, v17;
	v5 =	vadd.f32 $9.999999740e-06, v5  }
0x166: {  	v28 =	vld.idx.msk [tilespmem:v8+s22+$0x0], $0xffff;
	v33 =	vor.u32 s16, v3  }
0x167: {  	v18 =	vld.idx.msk [tilespmem:v13+s28+$0x0], $0xffff;
	v15 =	vadd.f32 v22, v15;
	(erf) = vrcp.f32 v5;
	v5 =	vadd.f32 $9.999999740e-06, v9  }
0x168: {  	v8 =	vmul.f32 v20, v20;
	v27 =	vld.idx.msk [tilespmem:v13+s25+$0x0], $0xffff;
	v16 =	vadd.f32 $9.999999740e-06, v16;
	v30 =	vsub.f32 v11, v14  }
0x169: {  	v13 =	vld.idx.msk [tilespmem:v13+s26+$0x0], $0xffff;
	v14 =	vmul.f32 v21, v21;
	v9 =	vor.u32 s17, v3;
	(erf) = vrcp.f32 v5  }
0x16a: {  	v24 =	vor.u32 s16, v7;
	v23 =	vmul.f32 v19, v19;
	v29 =	vld.idx.msk [tilespmem:v1+s29+$0x0], $0xffff;
	(erf) = vrcp.f32 v16  }
0x16b: {  	v63 =	vmul.f32 v26, v26;
	v31 =	vadd.f32 v8, v2;
	v8 =	vadd.f32 v14, v15;
	v15 =	vld.idx.msk [tilespmem:v6+s26+$0x0], $0xffff  }
0x16c: {  	v19 =	vmul.f32 v19, v28;
	v25 =	vadd.f32 $9.999999740e-06, v18;
	v18 =	vor.u32 s17, v7;
	v14 =	vld.idx.msk [tilespmem:v1+s25+$0x0], $0xffff  }
0x16d: {  	v32 =	vadd.f32 v10, v2;
	v10 =	vor.u32 s16, v4;
	v6 =	vmul.f32 v17, v26;
	v17 =	vld.idx.msk [tilespmem:v33+s30+$0x0], $0xffff  }
0x16e: {  	v12 =	vmul.f32 v11, v11;
	v11 =	vmul.f32 v21, v11;
	v20 =	vsub.f32 v20, v27;
	v5 =	vld.idx.msk [tilespmem:v9+s22+$0x0], $0xffff  }
0x16f: {  	v22 =	vadd.f32 v23, v8;
	(erf) = vrcp.f32 v25;
	v8 =	vld.idx.msk [tilespmem:v9+s30+$0x0], $0xffff;
	v9 =	vadd.f32 v6, v32  }
0x170: {  	v20 =	vmul.f32 v20, v20;
	v23 =	vsub.f32 v26, v13;
	v29 =	vadd.f32 $9.999999740e-06, v29;
	v16 =	vld.idx.msk [tilespmem:v1+s28+$0x0], $0xffff  }
0x171: {  	v26 =	vmul.f32 v30, v30;
	v30 =	vadd.f32 v63, v31;
	v6 =	vld.idx.msk [tilespmem:v18+s30+$0x0], $0xffff;
	v11 =	vadd.f32 v11, v9;
	v13 =	vpop (erf)  }
0x172: {  	v25 =	vmul.f32 v28, v28;
	v9 =	vld.idx.msk [tilespmem:v33+s22+$0x0], $0xffff;
	(erf) = vrcp.f32 v29;
	v29 =	vsub.f32 v28, v15;
	v27 =	vpop (erf)  }
0x173: {  	s14 =	simm.s32 $0x4;
	v15 =	vld.idx.msk [tilespmem:v24+s30+$0x0], $0xffff;
	v19 =	vadd.f32 v19, v11;
	v11 =	vimm.f32 $0.0e+00;
	v21 =	vmul.f32 v5, v5;
	v28 =	vpop (erf)  }
.LBB2_13:
0x174: {  	s16 =	sadd.s32 $0x1, s14  }
0x175: {  	p0 =	sne.s32 s14, $0x3E;
	v31 =	vld.idx.msk [tilespmem:v10+s29+$0x0], $0xffff;
	v32 =	vadd.f32 $9.999999740e-06, v16;
	v16 =	vmul.f32 v23, v23;
	v23 =	vmul.f32 v29, v29;
	s17 =	smov.u32 s14;
	s14 =	sadd.s32 $0x2, s14  }
0x176: {  	v26 =	vmul.f32 v27, v26;
	v29 =	vor.u32 s16, v3;
	v33 =	vor.u32 s16, v4;
	v34 =	vld.idx.msk [tilespmem:v10+s28+$0x0], $0xffff  }
0x177: {  	v12 =	vadd.f32 v12, v30;
	v27 =	vld.idx.msk [tilespmem:v24+s22+$0x0], $0xffff;
	v24 =	vmul.f32 v17, v17;
	v23 =	vmul.f32 v13, v23  }
0x178: {  	v35 =	vsub.f32 v5, v14;
	v36 =	vmul.f32 v6, v6;
	v13 =	vmul.f32 v28, v16;
	v30 =	vld.idx.msk [tilespmem:v10+s25+$0x0], $0xffff;
	v14 =	vpop (erf)  }
0x179: {  	v17 =	vmul.f32 v17, v9;
	v22 =	vadd.f32 v24, v22;
	v28 =	vld.idx.msk [tilespmem:v18+s22+$0x0], $0xffff;
	v18 =	vadd.f32 v25, v12  }
0x17a: {  	v24 =	vmul.f32 v8, v8;
	v2 =	vadd.f32 v13, v2;
	v25 =	vld.idx.msk [tilespmem:v10+s26+$0x0], $0xffff;
	v10 =	vmul.f32 v9, v9  }
0x17b: {  	v38 =	vmul.f32 v15, v15;
	v14 =	vmul.f32 v14, v20;
	v31 =	vadd.f32 $9.999999740e-06, v31;
	v12 =	vmovc v21;
	v37 =	vld.idx.msk [tilespmem:v33+s29+$0x0], $0xffff  }
0x17c: {  	v20 =	vadd.f32 $9.999999740e-06, v34;
	v16 =	vld.idx.msk [tilespmem:v33+s28+$0x0], $0xffff;
	v34 =	vadd.f32 v10, v18;
	(erf) = vrcp.f32 v32;
	v13 =	vpop (erf)  }
0x17d: {  	v17 =	vadd.f32 v17, v19;
	v19 =	vadd.f32 v38, v22;
	v32 =	vld.idx.msk [tilespmem:v29+s22+$0x0], $0xffff;
	(erf) = vrcp.f32 v31  }
0x17e: {  	v11 =	vadd.f32 v14, v11;
	v10 =	vor.u32 s17, v4;
	v31 =	vor.u32 s17, v3  }
0x17f: {  	v2 =	vadd.f32 v23, v2;
	v18 =	vor.u32 s16, v7;
	v19 =	vadd.f32 v24, v19;
	v38 =	vld.idx.msk [tilespmem:v1+s26+$0x0], $0xffff;
	v1 =	vmovc v33  }
0x180: {  	v15 =	vmul.f32 v15, v27;
	v24 =	vor.u32 s17, v7;
	v11 =	vadd.f32 v26, v11  }
0x181: {  	v26 =	vmul.f32 v8, v5;
	v22 =	vadd.f32 v36, v19;
	v14 =	vld.idx.msk [tilespmem:v33+s25+$0x0], $0xffff;
	(erf) = vrcp.f32 v20  }
.Ltmp5:
0x182: {  	v15 =	vadd.f32 v15, v17;
	v23 =	vsub.f32 v27, v25;
	v25 =	vmul.f32 v28, v28;
	v8 =	vld.idx.msk [tilespmem:v29+s30+$0x0], $0xffff;
	(pc) =	sbr.rel @p0 .LBB2_13-.Ltmp5, $4  }
0x183: {  	v19 =	vadd.f32 $9.999999740e-06, v37;
	v20 =	vsub.f32 v9, v30;
	v21 =	vmul.f32 v32, v32;
	v5 =	vmovc v32;
	v17 =	vld.idx.msk [tilespmem:v31+s30+$0x0], $0xffff  }
0x184: {  	v30 =	vmul.f32 v27, v27;
	v33 =	vmul.f32 v6, v28;
	v32 =	vadd.f32 v26, v15;
	v6 =	vld.idx.msk [tilespmem:v18+s30+$0x0], $0xffff  }
0x185: {  	v26 =	vmul.f32 v35, v35;
	v29 =	vsub.f32 v28, v38;
	v9 =	vld.idx.msk [tilespmem:v31+s22+$0x0], $0xffff;
	(erf) = vrcp.f32 v19;
	v27 =	vpop (erf)  }
0x186: {  	v20 =	vmul.f32 v20, v20;
	v30 =	vadd.f32 v30, v34;
	v19 =	vadd.f32 v33, v32;
	v15 =	vld.idx.msk [tilespmem:v24+s30+$0x0], $0xffff;
	v28 =	vpop (erf)  }
0x187: {  	_ =	sdelay $0x3  }
0x188: {  	v3 =	vld.idx.msk [tilespmem:v24+s22+$0x0], $0xffff  }
0x189: {  	v4 =	vadd.f32 v12, v30  }
0x18a: {  	v7 =	vmul.f32 v17, v17  }
0x18b: {  	v4 =	vadd.f32 v25, v4;
	v35 =	vmul.f32 v9, v9  }
0x18c: {  	v18 =	vld.idx.msk [tilespmem:v18+s22+$0x0], $0xffff;
	v7 =	vadd.f32 v7, v22  }
0x18d: {  	v36 =	vmul.f32 v15, v15;
	v4 =	vadd.f32 v35, v4;
	v37 =	vmul.f32 v3, v3;
	_ =	sdelay $0x1  }
0x18e: {  	v38 =	vmul.f32 v8, v8;
	v7 =	vadd.f32 v36, v7;
	v4 =	vadd.f32 v37, v4  }
0x18f: {  	v39 =	vmul.f32 v6, v6  }
0x190: {  	v40 =	vmul.f32 v18, v18;
	v7 =	vadd.f32 v38, v7;
	v4 =	vadd.f32 v21, v4;
	_ =	sdelay $0x1  }
0x191: {  	v7 =	vadd.f32 v39, v7;
	v4 =	vadd.f32 v40, v4;
	_ =	sdelay $0x1  }
0x192: {  	v4 =	vmul.f32 v7, v4;
	_ =	sdelay $0x1  }
0x193: {  	v4 =	vmax.f32 v4, $1.000000020e-24  }
0x194: {  	v41 =	vshra.s32 v4, $0x1;
	v4 =	vmul.f32 $5.000000000e-01, v4  }
0x195: {  	v7 =	vsub.s32 $0x5F3759DF, v41  }
0x196: {  	v42 =	vmul.f32 v7, v4;
	_ =	sdelay $0x1  }
0x197: {  	v43 =	vld.idx.msk [tilespmem:v10+s29+$0x0], $0xffff;
	v12 =	vmul.f32 v7, v42  }
0x198: {  	v44 =	vld.idx.msk [tilespmem:v10+s28+$0x0], $0xffff  }
0x199: {  	v12 =	vsub.f32 $1.500000000e+00, v12;
	_ =	sdelay $0x1  }
0x19a: {  	v16 =	vadd.f32 $9.999999740e-06, v16;
	v7 =	vmul.f32 v7, v12  }
0x19b: {  	v21 =	vadd.f32 $9.999999740e-06, v43  }
0x19c: {  	(erf) = vrcp.f32 v16;
	v22 =	vadd.f32 $9.999999740e-06, v44;
	v46 =	vmul.f32 v7, v4  }
0x19d: {  	v45 =	vmul.f32 v23, v23;
	v49 =	vld.idx.msk [tilespmem:v10+s25+$0x0], $0xffff;
	(erf) = vrcp.f32 v21  }
0x19e: {  	v52 =	vld.idx.msk [tilespmem:v10+s26+$0x0], $0xffff;
	(erf) = vrcp.f32 v22;
	v16 =	vmul.f32 v46, v7  }
0x19f: {  	v47 =	vmul.f32 v29, v29;
	v48 =	vmul.f32 v27, v26;
	v14 =	vsub.f32 v5, v14;
	v1 =	vld.idx.msk [tilespmem:v1+s26+$0x0], $0xffff  }
0x1a0: {  	v55 =	vmul.f32 v8, v5;
	v51 =	vmul.f32 v17, v9;
	v16 =	vsub.f32 $1.500000000e+00, v16  }
0x1a1: {  	v13 =	vmul.f32 v13, v47;
	v14 =	vmul.f32 v14, v14;
	v50 =	vpop (erf)  }
0x1a2: {  	v53 =	vmul.f32 v50, v20;
	v17 =	vadd.f32 v51, v19;
	v7 =	vmul.f32 v16, v7  }
0x1a3: {  	v54 =	vmul.f32 v15, v3;
	v58 =	vsub.f32 v9, v49;
	v3 =	vsub.f32 v3, v52  }
0x1a4: {  	v61 =	vmul.f32 v6, v18;
	v1 =	vsub.f32 v18, v1;
	v56 =	vpop (erf);
	v4 =	vmul.f32 v7, v4  }
0x1a5: {  	v57 =	vadd.f32 v54, v17;
	v9 =	vmul.f32 v58, v58;
	v59 =	vpop (erf);
	v12 =	vmul.f32 v28, v45  }
0x1a6: {  	v11 =	vadd.f32 v53, v11;
	v3 =	vmul.f32 v3, v3;
	v60 =	vpop (erf);
	v4 =	vmul.f32 v4, v7  }
0x1a7: {  	v1 =	vmul.f32 v1, v1;
	v5 =	vadd.f32 v55, v57;
	v62 =	vpop (erf);
	v2 =	vadd.f32 v12, v2  }
0x1a8: {  	v11 =	vadd.f32 v48, v11;
	v9 =	vmul.f32 v62, v9;
	v4 =	vsub.f32 $1.500000000e+00, v4  }
0x1a9: {  	v5 =	vadd.f32 v61, v5;
	v3 =	vmul.f32 v60, v3;
	v2 =	vadd.f32 v13, v2  }
0x1aa: {  	s24 =	sadd.s32 $0x1, s24;
	v63 =	vmul.f32 v59, v14;
	v9 =	vadd.f32 v9, v11;
	v4 =	vmul.f32 v4, v7  }
0x1ab: {  	p0 =	sne.s32 s24, $0x4;
	v1 =	vmul.f32 v56, v1;
	v2 =	vadd.f32 v3, v2  }
.Ltmp6:
0x1ac: {  	v3 =	vadd.f32 v63, v9;
	v4 =	vmul.f32 v4, v5;
	(pc) =	sbr.rel @p0 .LBB2_12-.Ltmp6, $4  }
0x1ad: {  	v1 =	vadd.f32 v1, v2  }
0x1ae: {  	[tilespmem:s2+$0x18400] =	vst v3;
	v2 =	vsub.f32 $1.000000000e+00, v4  }
0x1af: {  	[tilespmem:s2+$0x18600] =	vst v1  }
0x1b0: {  	[tilespmem:s2+$0x18800] =	vst v2  }
0x1b1: {  	s7 =	simm.s32 $0x0;
	s2 =	rddreg [dreg:$0x10]  }
0x1b2: {  	[tilespmem:s22], [sflag:$0x1] =	stream.linear.gather [hbm4b:s2+s7], $0x2000, $0x38;
	[tilespmem:$0x18A00] =	vst v63  }
0x1b3: {  	s17 =	simm.s32 $0x300  }
0x1b4: {  	[tilespmem:s25], [sflag:$0x1] =	stream.indirect.gather [hbm4b:s0+s23], $0x80, s17, s23, $0xb8;
	[tilespmem:$0x18A00] =	vst v63  }
0x1b5: {  	_ = 	snop  }
0x1b6: {  	[tilespmem:s26], [sflag:$0x1] =	stream.indirect.gather [hbm4b:s1+s23], $0x80, s17, s23, $0xb8;
	[tilespmem:$0x18A00] =	vst v63  }
0x1b7: {  	_ = 	snop  }
0x1b8: {  	[tilespmem:s28], [sflag:$0x1] =	stream.indirect.gather [hbm4b:s3+s23], $0x80, s17, s23, $0xb8;
	[tilespmem:$0x18A00] =	vst v63  }
0x1b9: {  	_ = 	snop  }
0x1ba: {  	[tilespmem:s29], [sflag:$0x1] =	stream.indirect.gather [hbm4b:s4+s23], $0x80, s17, s23, $0xb8;
	[tilespmem:$0x18A00] =	vst v63  }
0x1bb: {  	s24 =	simm.s32 $0x100  }
0x1bc: {  	[tilespmem:s30], [sflag:$0x1] =	stream.indirect.gather [hbm4b:s5+s23], $0x80, s24, s23, $0xb8;
	[tilespmem:$0x18A00] =	vst v63  }
0x1bd: {  	_ =	swait.ge [sflag:s15], $0x2000  }
0x1be: {  	[sflag:s15] =	ssyncset.done $0x0  }
0x1bf: {  	[sflag:s15] =	ssyncadd.s32 $0xFFFFE000  }
0x1c0: {  	_ =	swait.ge [sflag:s15], $0x2000  }
0x1c1: {  	[sflag:s15] =	ssyncset.done $0x0  }
0x1c2: {  	[sflag:s15] =	ssyncadd.s32 $0xFFFFE000  }
0x1c3: {  	_ =	swait.ge [sflag:s15], $0x2000  }
0x1c4: {  	[sflag:s15] =	ssyncset.done $0x0  }
0x1c5: {  	[sflag:s15] =	ssyncadd.s32 $0xFFFFE000  }
0x1c6: {  	_ =	swait.ge [sflag:s15], $0x2000  }
0x1c7: {  	[sflag:s15] =	ssyncset.done $0x0  }
0x1c8: {  	[sflag:s15] =	ssyncadd.s32 $0xFFFFE000  }
0x1c9: {  	_ =	swait.ge [sflag:s15], $0x2000  }
0x1ca: {  	[sflag:s15] =	ssyncset.done $0x0  }
0x1cb: {  	[sflag:s15] =	ssyncadd.s32 $0xFFFFE000  }
0x1cc: {  	_ =	swait.ge [sflag:s15], $0x2000  }
0x1cd: {  	[sflag:s15] =	ssyncset.done $0x0  }
0x1ce: {  	s24 =	simm.s32 $0x0;
	[sflag:s15] =	ssyncadd.s32 $0xFFFFE000  }
.LBB2_16:
0x1cf: {  	s14 =	sshll.u32 s24, $0x4  }
0x1d0: {  	s2 =	sor.u32 $0xC0, s14  }
0x1d1: {  	v2 =	vmov s14;
	v1 =	vld [tilespmem:s2+$0x0]  }
0x1d2: {  	v2 =	vshll.u32 v2, $0x7  }
0x1d3: {  	v3 =	vor.u32 v0, v2  }
0x1d4: {  	v2 =	vor.u32 s7, v3  }
0x1d5: {  	v7 =	vor.u32 $0x40, v3  }
0x1d6: {  	v10 =	vor.u32 s7, v7;
	v1 =	vshll.u32 v1, $0x6  }
0x1d7: {  	s16 =	simm.s32 $0x1;
	v1 =	vand.u32 $0x40, v1  }
0x1d8: {  	v4 =	vor.u32 v1, v3;
	v1 =	vor.u32 s16, v3  }
0x1d9: {  	v15 =	vld.idx.msk [tilespmem:v2+s12+$0x0], $0xffff;
	v6 =	vor.u32 s16, v4  }
0x1da: {  	v20 =	vld.idx.msk [tilespmem:v2+s31+$0x0], $0xffff  }
0x1db: {  	v17 =	vld.idx.msk [tilespmem:v10+s12+$0x0], $0xffff  }
0x1dc: {  	v13 =	vor.u32 s7, v4;
	v26 =	vld.idx.msk [tilespmem:v10+s31+$0x0], $0xffff  }
0x1dd: {  	v11 =	vld.idx.msk [tilespmem:v1+s31+$0x0], $0xffff  }
0x1de: {  	v8 =	vor.u32 s16, v7;
	v5 =	vld.idx.msk [tilespmem:v6+s11+$0x0], $0xffff  }
0x1df: {  	v9 =	vld.idx.msk [tilespmem:v6+s10+$0x0], $0xffff  }
0x1e0: {  	v14 =	vld.idx.msk [tilespmem:v6+s6+$0x0], $0xffff  }
0x1e1: {  	s17 =	simm.s32 $0x3;
	v22 =	vmul.f32 v15, v15;
	v16 =	vld.idx.msk [tilespmem:v13+s11+$0x0], $0xffff  }
0x1e2: {  	v2 =	vimm.f32 $0.0e+00;
	v21 =	vld.idx.msk [tilespmem:v1+s12+$0x0], $0xffff;
	v1 =	vor.u32 s17, v4;
	v10 =	vmul.f32 v15, v20  }
0x1e3: {  	v19 =	vld.idx.msk [tilespmem:v8+s12+$0x0], $0xffff;
	s16 =	simm.s32 $0x2;
	v15 =	vadd.f32 v22, v2;
	v22 =	vmul.f32 v17, v17;
	v5 =	vadd.f32 $9.999999740e-06, v5  }
0x1e4: {  	v28 =	vld.idx.msk [tilespmem:v8+s31+$0x0], $0xffff;
	v33 =	vor.u32 s16, v3  }
0x1e5: {  	v18 =	vld.idx.msk [tilespmem:v13+s10+$0x0], $0xffff;
	v15 =	vadd.f32 v22, v15;
	(erf) = vrcp.f32 v5;
	v5 =	vadd.f32 $9.999999740e-06, v9  }
0x1e6: {  	v8 =	vmul.f32 v20, v20;
	v27 =	vld.idx.msk [tilespmem:v13+s6+$0x0], $0xffff;
	v16 =	vadd.f32 $9.999999740e-06, v16;
	v30 =	vsub.f32 v11, v14  }
0x1e7: {  	v13 =	vld.idx.msk [tilespmem:v13+s8+$0x0], $0xffff;
	v14 =	vmul.f32 v21, v21;
	v9 =	vor.u32 s17, v3;
	(erf) = vrcp.f32 v5  }
0x1e8: {  	v24 =	vor.u32 s16, v7;
	v23 =	vmul.f32 v19, v19;
	v29 =	vld.idx.msk [tilespmem:v1+s11+$0x0], $0xffff;
	(erf) = vrcp.f32 v16  }
0x1e9: {  	v63 =	vmul.f32 v26, v26;
	v31 =	vadd.f32 v8, v2;
	v8 =	vadd.f32 v14, v15;
	v15 =	vld.idx.msk [tilespmem:v6+s8+$0x0], $0xffff  }
0x1ea: {  	v19 =	vmul.f32 v19, v28;
	v25 =	vadd.f32 $9.999999740e-06, v18;
	v18 =	vor.u32 s17, v7;
	v14 =	vld.idx.msk [tilespmem:v1+s6+$0x0], $0xffff  }
0x1eb: {  	v32 =	vadd.f32 v10, v2;
	v10 =	vor.u32 s16, v4;
	v6 =	vmul.f32 v17, v26;
	v17 =	vld.idx.msk [tilespmem:v33+s12+$0x0], $0xffff  }
0x1ec: {  	v12 =	vmul.f32 v11, v11;
	v11 =	vmul.f32 v21, v11;
	v20 =	vsub.f32 v20, v27;
	v5 =	vld.idx.msk [tilespmem:v9+s31+$0x0], $0xffff  }
0x1ed: {  	v22 =	vadd.f32 v23, v8;
	(erf) = vrcp.f32 v25;
	v8 =	vld.idx.msk [tilespmem:v9+s12+$0x0], $0xffff;
	v9 =	vadd.f32 v6, v32  }
0x1ee: {  	v20 =	vmul.f32 v20, v20;
	v23 =	vsub.f32 v26, v13;
	v29 =	vadd.f32 $9.999999740e-06, v29;
	v16 =	vld.idx.msk [tilespmem:v1+s10+$0x0], $0xffff  }
0x1ef: {  	v26 =	vmul.f32 v30, v30;
	v30 =	vadd.f32 v63, v31;
	v6 =	vld.idx.msk [tilespmem:v18+s12+$0x0], $0xffff;
	v11 =	vadd.f32 v11, v9;
	v13 =	vpop (erf)  }
0x1f0: {  	v25 =	vmul.f32 v28, v28;
	v9 =	vld.idx.msk [tilespmem:v33+s31+$0x0], $0xffff;
	(erf) = vrcp.f32 v29;
	v29 =	vsub.f32 v28, v15;
	v27 =	vpop (erf)  }
0x1f1: {  	s14 =	simm.s32 $0x4;
	v15 =	vld.idx.msk [tilespmem:v24+s12+$0x0], $0xffff;
	v19 =	vadd.f32 v19, v11;
	v11 =	vimm.f32 $0.0e+00;
	v21 =	vmul.f32 v5, v5;
	v28 =	vpop (erf)  }
.LBB2_17:
0x1f2: {  	s16 =	sadd.s32 $0x1, s14  }
0x1f3: {  	p0 =	sne.s32 s14, $0x3E;
	v31 =	vld.idx.msk [tilespmem:v10+s11+$0x0], $0xffff;
	v32 =	vadd.f32 $9.999999740e-06, v16;
	v16 =	vmul.f32 v23, v23;
	v23 =	vmul.f32 v29, v29;
	s17 =	smov.u32 s14;
	s14 =	sadd.s32 $0x2, s14  }
0x1f4: {  	v26 =	vmul.f32 v27, v26;
	v29 =	vor.u32 s16, v3;
	v33 =	vor.u32 s16, v4;
	v34 =	vld.idx.msk [tilespmem:v10+s10+$0x0], $0xffff  }
0x1f5: {  	v12 =	vadd.f32 v12, v30;
	v27 =	vld.idx.msk [tilespmem:v24+s31+$0x0], $0xffff;
	v24 =	vmul.f32 v17, v17;
	v23 =	vmul.f32 v13, v23  }
0x1f6: {  	v35 =	vsub.f32 v5, v14;
	v36 =	vmul.f32 v6, v6;
	v13 =	vmul.f32 v28, v16;
	v30 =	vld.idx.msk [tilespmem:v10+s6+$0x0], $0xffff;
	v14 =	vpop (erf)  }
0x1f7: {  	v17 =	vmul.f32 v17, v9;
	v22 =	vadd.f32 v24, v22;
	v28 =	vld.idx.msk [tilespmem:v18+s31+$0x0], $0xffff;
	v18 =	vadd.f32 v25, v12  }
0x1f8: {  	v24 =	vmul.f32 v8, v8;
	v2 =	vadd.f32 v13, v2;
	v25 =	vld.idx.msk [tilespmem:v10+s8+$0x0], $0xffff;
	v10 =	vmul.f32 v9, v9  }
0x1f9: {  	v38 =	vmul.f32 v15, v15;
	v14 =	vmul.f32 v14, v20;
	v31 =	vadd.f32 $9.999999740e-06, v31;
	v12 =	vmovc v21;
	v37 =	vld.idx.msk [tilespmem:v33+s11+$0x0], $0xffff  }
0x1fa: {  	v20 =	vadd.f32 $9.999999740e-06, v34;
	v16 =	vld.idx.msk [tilespmem:v33+s10+$0x0], $0xffff;
	v34 =	vadd.f32 v10, v18;
	(erf) = vrcp.f32 v32;
	v13 =	vpop (erf)  }
0x1fb: {  	v17 =	vadd.f32 v17, v19;
	v19 =	vadd.f32 v38, v22;
	v32 =	vld.idx.msk [tilespmem:v29+s31+$0x0], $0xffff;
	(erf) = vrcp.f32 v31  }
0x1fc: {  	v11 =	vadd.f32 v14, v11;
	v10 =	vor.u32 s17, v4;
	v31 =	vor.u32 s17, v3  }
0x1fd: {  	v2 =	vadd.f32 v23, v2;
	v18 =	vor.u32 s16, v7;
	v19 =	vadd.f32 v24, v19;
	v38 =	vld.idx.msk [tilespmem:v1+s8+$0x0], $0xffff;
	v1 =	vmovc v33  }
0x1fe: {  	v15 =	vmul.f32 v15, v27;
	v24 =	vor.u32 s17, v7;
	v11 =	vadd.f32 v26, v11  }
0x1ff: {  	v26 =	vmul.f32 v8, v5;
	v22 =	vadd.f32 v36, v19;
	v14 =	vld.idx.msk [tilespmem:v33+s6+$0x0], $0xffff;
	(erf) = vrcp.f32 v20  }
.Ltmp7:
0x200: {  	v15 =	vadd.f32 v15, v17;
	v23 =	vsub.f32 v27, v25;
	v25 =	vmul.f32 v28, v28;
	v8 =	vld.idx.msk [tilespmem:v29+s12+$0x0], $0xffff;
	(pc) =	sbr.rel @p0 .LBB2_17-.Ltmp7, $4  }
0x201: {  	v19 =	vadd.f32 $9.999999740e-06, v37;
	v20 =	vsub.f32 v9, v30;
	v21 =	vmul.f32 v32, v32;
	v5 =	vmovc v32;
	v17 =	vld.idx.msk [tilespmem:v31+s12+$0x0], $0xffff  }
0x202: {  	v30 =	vmul.f32 v27, v27;
	v33 =	vmul.f32 v6, v28;
	v32 =	vadd.f32 v26, v15;
	v6 =	vld.idx.msk [tilespmem:v18+s12+$0x0], $0xffff  }
0x203: {  	v26 =	vmul.f32 v35, v35;
	v29 =	vsub.f32 v28, v38;
	v9 =	vld.idx.msk [tilespmem:v31+s31+$0x0], $0xffff;
	(erf) = vrcp.f32 v19;
	v27 =	vpop (erf)  }
0x204: {  	v20 =	vmul.f32 v20, v20;
	v30 =	vadd.f32 v30, v34;
	v19 =	vadd.f32 v33, v32;
	v15 =	vld.idx.msk [tilespmem:v24+s12+$0x0], $0xffff;
	v28 =	vpop (erf)  }
0x205: {  	_ =	sdelay $0x3  }
0x206: {  	v3 =	vld.idx.msk [tilespmem:v24+s31+$0x0], $0xffff  }
0x207: {  	v4 =	vadd.f32 v12, v30  }
0x208: {  	v7 =	vmul.f32 v17, v17  }
0x209: {  	v4 =	vadd.f32 v25, v4;
	v35 =	vmul.f32 v9, v9  }
0x20a: {  	v18 =	vld.idx.msk [tilespmem:v18+s31+$0x0], $0xffff;
	v7 =	vadd.f32 v7, v22  }
0x20b: {  	v36 =	vmul.f32 v15, v15;
	v4 =	vadd.f32 v35, v4;
	v37 =	vmul.f32 v3, v3;
	_ =	sdelay $0x1  }
0x20c: {  	v38 =	vmul.f32 v8, v8;
	v7 =	vadd.f32 v36, v7;
	v4 =	vadd.f32 v37, v4  }
0x20d: {  	v39 =	vmul.f32 v6, v6  }
0x20e: {  	v40 =	vmul.f32 v18, v18;
	v7 =	vadd.f32 v38, v7;
	v4 =	vadd.f32 v21, v4;
	_ =	sdelay $0x1  }
0x20f: {  	v7 =	vadd.f32 v39, v7;
	v4 =	vadd.f32 v40, v4;
	_ =	sdelay $0x1  }
0x210: {  	v4 =	vmul.f32 v7, v4;
	_ =	sdelay $0x1  }
0x211: {  	v4 =	vmax.f32 v4, $1.000000020e-24  }
0x212: {  	v41 =	vshra.s32 v4, $0x1;
	v4 =	vmul.f32 $5.000000000e-01, v4  }
0x213: {  	v7 =	vsub.s32 $0x5F3759DF, v41  }
0x214: {  	v42 =	vmul.f32 v7, v4;
	_ =	sdelay $0x1  }
0x215: {  	v43 =	vld.idx.msk [tilespmem:v10+s11+$0x0], $0xffff;
	v12 =	vmul.f32 v7, v42  }
0x216: {  	v44 =	vld.idx.msk [tilespmem:v10+s10+$0x0], $0xffff  }
0x217: {  	v12 =	vsub.f32 $1.500000000e+00, v12;
	_ =	sdelay $0x1  }
0x218: {  	v16 =	vadd.f32 $9.999999740e-06, v16;
	v7 =	vmul.f32 v7, v12  }
0x219: {  	v21 =	vadd.f32 $9.999999740e-06, v43  }
0x21a: {  	(erf) = vrcp.f32 v16;
	v22 =	vadd.f32 $9.999999740e-06, v44;
	v46 =	vmul.f32 v7, v4  }
0x21b: {  	v45 =	vmul.f32 v23, v23;
	v49 =	vld.idx.msk [tilespmem:v10+s6+$0x0], $0xffff;
	(erf) = vrcp.f32 v21  }
0x21c: {  	v52 =	vld.idx.msk [tilespmem:v10+s8+$0x0], $0xffff;
	(erf) = vrcp.f32 v22;
	v16 =	vmul.f32 v46, v7  }
0x21d: {  	v47 =	vmul.f32 v29, v29;
	v48 =	vmul.f32 v27, v26;
	v14 =	vsub.f32 v5, v14;
	v1 =	vld.idx.msk [tilespmem:v1+s8+$0x0], $0xffff  }
0x21e: {  	v55 =	vmul.f32 v8, v5;
	v51 =	vmul.f32 v17, v9;
	v16 =	vsub.f32 $1.500000000e+00, v16  }
0x21f: {  	v13 =	vmul.f32 v13, v47;
	v14 =	vmul.f32 v14, v14;
	v50 =	vpop (erf)  }
0x220: {  	v53 =	vmul.f32 v50, v20;
	v17 =	vadd.f32 v51, v19;
	v7 =	vmul.f32 v16, v7  }
0x221: {  	v54 =	vmul.f32 v15, v3;
	v58 =	vsub.f32 v9, v49;
	v3 =	vsub.f32 v3, v52  }
0x222: {  	v61 =	vmul.f32 v6, v18;
	v1 =	vsub.f32 v18, v1;
	v56 =	vpop (erf);
	v4 =	vmul.f32 v7, v4  }
0x223: {  	v57 =	vadd.f32 v54, v17;
	v9 =	vmul.f32 v58, v58;
	v59 =	vpop (erf);
	v12 =	vmul.f32 v28, v45  }
0x224: {  	v11 =	vadd.f32 v53, v11;
	v3 =	vmul.f32 v3, v3;
	v60 =	vpop (erf);
	v4 =	vmul.f32 v4, v7  }
0x225: {  	v1 =	vmul.f32 v1, v1;
	v5 =	vadd.f32 v55, v57;
	v62 =	vpop (erf);
	v2 =	vadd.f32 v12, v2  }
0x226: {  	v11 =	vadd.f32 v48, v11;
	v9 =	vmul.f32 v62, v9;
	v4 =	vsub.f32 $1.500000000e+00, v4  }
0x227: {  	v5 =	vadd.f32 v61, v5;
	v3 =	vmul.f32 v60, v3;
	v2 =	vadd.f32 v13, v2  }
0x228: {  	s24 =	sadd.s32 $0x1, s24;
	v63 =	vmul.f32 v59, v14;
	v9 =	vadd.f32 v9, v11;
	v4 =	vmul.f32 v4, v7  }
0x229: {  	p0 =	sne.s32 s24, $0x4;
	v1 =	vmul.f32 v56, v1;
	v2 =	vadd.f32 v3, v2  }
.Ltmp8:
0x22a: {  	v3 =	vadd.f32 v63, v9;
	v4 =	vmul.f32 v4, v5;
	(pc) =	sbr.rel @p0 .LBB2_16-.Ltmp8, $4  }
0x22b: {  	v1 =	vadd.f32 v1, v2  }
0x22c: {  	[tilespmem:s2+$0x18400] =	vst v3;
	v2 =	vsub.f32 $1.000000000e+00, v4  }
0x22d: {  	[tilespmem:s2+$0x18600] =	vst v1  }
0x22e: {  	[tilespmem:s2+$0x18800] =	vst v2  }
0x22f: {  	s7 =	simm.s32 $0x0;
	s2 =	rddreg [dreg:$0x11]  }
0x230: {  	[tilespmem:s31], [sflag:$0x2] =	stream.linear.gather [hbm4b:s2+s7], $0x2000, $0x38;
	[tilespmem:$0x18A00] =	vst v63  }
0x231: {  	_ = 	snop  }
0x232: {  	[tilespmem:s6], [sflag:$0x2] =	stream.indirect.gather [hbm4b:s0+s23], $0x80, s18, s23, $0xb8;
	[tilespmem:$0x18A00] =	vst v63  }
0x233: {  	_ = 	snop  }
0x234: {  	[tilespmem:s8], [sflag:$0x2] =	stream.indirect.gather [hbm4b:s1+s23], $0x80, s18, s23, $0xb8;
	[tilespmem:$0x18A00] =	vst v63  }
0x235: {  	_ = 	snop  }
0x236: {  	[tilespmem:s10], [sflag:$0x2] =	stream.indirect.gather [hbm4b:s3+s23], $0x80, s18, s23, $0xb8;
	[tilespmem:$0x18A00] =	vst v63  }
0x237: {  	_ = 	snop  }
0x238: {  	[tilespmem:s11], [sflag:$0x2] =	stream.indirect.gather [hbm4b:s4+s23], $0x80, s18, s23, $0xb8;
	[tilespmem:$0x18A00] =	vst v63  }
0x239: {  	s24 =	simm.s32 $0x140  }
0x23a: {  	[tilespmem:s12], [sflag:$0x2] =	stream.indirect.gather [hbm4b:s5+s23], $0x80, s24, s23, $0xb8;
	[tilespmem:$0x18A00] =	vst v63  }
0x23b: {  	_ =	swait.ge [sflag:s13], $0x2000  }
0x23c: {  	[sflag:s13] =	ssyncset.done $0x0  }
0x23d: {  	[sflag:s13] =	ssyncadd.s32 $0xFFFFE000  }
0x23e: {  	_ =	swait.ge [sflag:s13], $0x2000  }
0x23f: {  	[sflag:s13] =	ssyncset.done $0x0  }
0x240: {  	[sflag:s13] =	ssyncadd.s32 $0xFFFFE000  }
0x241: {  	_ =	swait.ge [sflag:s13], $0x2000  }
0x242: {  	[sflag:s13] =	ssyncset.done $0x0  }
0x243: {  	[sflag:s13] =	ssyncadd.s32 $0xFFFFE000  }
0x244: {  	_ =	swait.ge [sflag:s13], $0x2000  }
0x245: {  	[sflag:s13] =	ssyncset.done $0x0  }
0x246: {  	[sflag:s13] =	ssyncadd.s32 $0xFFFFE000  }
0x247: {  	_ =	swait.ge [sflag:s13], $0x2000  }
0x248: {  	[sflag:s13] =	ssyncset.done $0x0  }
0x249: {  	[sflag:s13] =	ssyncadd.s32 $0xFFFFE000  }
0x24a: {  	_ =	swait.ge [sflag:s13], $0x2000  }
0x24b: {  	[sflag:s13] =	ssyncset.done $0x0  }
0x24c: {  	s24 =	simm.s32 $0x0;
	[sflag:s13] =	ssyncadd.s32 $0xFFFFE000  }
.LBB2_20:
0x24d: {  	s14 =	sshll.u32 s24, $0x4  }
0x24e: {  	s2 =	sor.u32 $0x100, s14  }
0x24f: {  	v2 =	vmov s14;
	v1 =	vld [tilespmem:s2+$0x0]  }
0x250: {  	v2 =	vshll.u32 v2, $0x7  }
0x251: {  	v3 =	vor.u32 v0, v2  }
0x252: {  	v2 =	vor.u32 s7, v3  }
0x253: {  	v7 =	vor.u32 $0x40, v3  }
0x254: {  	v10 =	vor.u32 s7, v7;
	v1 =	vshll.u32 v1, $0x6  }
0x255: {  	s16 =	simm.s32 $0x1;
	v1 =	vand.u32 $0x40, v1  }
0x256: {  	v4 =	vor.u32 v1, v3;
	v1 =	vor.u32 s16, v3  }
0x257: {  	v15 =	vld.idx.msk [tilespmem:v2+s30+$0x0], $0xffff;
	v6 =	vor.u32 s16, v4  }
0x258: {  	v20 =	vld.idx.msk [tilespmem:v2+s22+$0x0], $0xffff  }
0x259: {  	v17 =	vld.idx.msk [tilespmem:v10+s30+$0x0], $0xffff  }
0x25a: {  	v13 =	vor.u32 s7, v4;
	v26 =	vld.idx.msk [tilespmem:v10+s22+$0x0], $0xffff  }
0x25b: {  	v11 =	vld.idx.msk [tilespmem:v1+s22+$0x0], $0xffff  }
0x25c: {  	v8 =	vor.u32 s16, v7;
	v5 =	vld.idx.msk [tilespmem:v6+s29+$0x0], $0xffff  }
0x25d: {  	v9 =	vld.idx.msk [tilespmem:v6+s28+$0x0], $0xffff  }
0x25e: {  	v14 =	vld.idx.msk [tilespmem:v6+s25+$0x0], $0xffff  }
0x25f: {  	s17 =	simm.s32 $0x3;
	v22 =	vmul.f32 v15, v15;
	v16 =	vld.idx.msk [tilespmem:v13+s29+$0x0], $0xffff  }
0x260: {  	v2 =	vimm.f32 $0.0e+00;
	v21 =	vld.idx.msk [tilespmem:v1+s30+$0x0], $0xffff;
	v1 =	vor.u32 s17, v4;
	v10 =	vmul.f32 v15, v20  }
0x261: {  	v19 =	vld.idx.msk [tilespmem:v8+s30+$0x0], $0xffff;
	s16 =	simm.s32 $0x2;
	v15 =	vadd.f32 v22, v2;
	v22 =	vmul.f32 v17, v17;
	v5 =	vadd.f32 $9.999999740e-06, v5  }
0x262: {  	v28 =	vld.idx.msk [tilespmem:v8+s22+$0x0], $0xffff;
	v33 =	vor.u32 s16, v3  }
0x263: {  	v18 =	vld.idx.msk [tilespmem:v13+s28+$0x0], $0xffff;
	v15 =	vadd.f32 v22, v15;
	(erf) = vrcp.f32 v5;
	v5 =	vadd.f32 $9.999999740e-06, v9  }
0x264: {  	v8 =	vmul.f32 v20, v20;
	v27 =	vld.idx.msk [tilespmem:v13+s25+$0x0], $0xffff;
	v16 =	vadd.f32 $9.999999740e-06, v16;
	v30 =	vsub.f32 v11, v14  }
0x265: {  	v13 =	vld.idx.msk [tilespmem:v13+s26+$0x0], $0xffff;
	v14 =	vmul.f32 v21, v21;
	v9 =	vor.u32 s17, v3;
	(erf) = vrcp.f32 v5  }
0x266: {  	v24 =	vor.u32 s16, v7;
	v23 =	vmul.f32 v19, v19;
	v29 =	vld.idx.msk [tilespmem:v1+s29+$0x0], $0xffff;
	(erf) = vrcp.f32 v16  }
0x267: {  	v63 =	vmul.f32 v26, v26;
	v31 =	vadd.f32 v8, v2;
	v8 =	vadd.f32 v14, v15;
	v15 =	vld.idx.msk [tilespmem:v6+s26+$0x0], $0xffff  }
0x268: {  	v19 =	vmul.f32 v19, v28;
	v25 =	vadd.f32 $9.999999740e-06, v18;
	v18 =	vor.u32 s17, v7;
	v14 =	vld.idx.msk [tilespmem:v1+s25+$0x0], $0xffff  }
0x269: {  	v32 =	vadd.f32 v10, v2;
	v10 =	vor.u32 s16, v4;
	v6 =	vmul.f32 v17, v26;
	v17 =	vld.idx.msk [tilespmem:v33+s30+$0x0], $0xffff  }
0x26a: {  	v12 =	vmul.f32 v11, v11;
	v11 =	vmul.f32 v21, v11;
	v20 =	vsub.f32 v20, v27;
	v5 =	vld.idx.msk [tilespmem:v9+s22+$0x0], $0xffff  }
0x26b: {  	v22 =	vadd.f32 v23, v8;
	(erf) = vrcp.f32 v25;
	v8 =	vld.idx.msk [tilespmem:v9+s30+$0x0], $0xffff;
	v9 =	vadd.f32 v6, v32  }
0x26c: {  	v20 =	vmul.f32 v20, v20;
	v23 =	vsub.f32 v26, v13;
	v29 =	vadd.f32 $9.999999740e-06, v29;
	v16 =	vld.idx.msk [tilespmem:v1+s28+$0x0], $0xffff  }
0x26d: {  	v26 =	vmul.f32 v30, v30;
	v30 =	vadd.f32 v63, v31;
	v6 =	vld.idx.msk [tilespmem:v18+s30+$0x0], $0xffff;
	v11 =	vadd.f32 v11, v9;
	v13 =	vpop (erf)  }
0x26e: {  	v25 =	vmul.f32 v28, v28;
	v9 =	vld.idx.msk [tilespmem:v33+s22+$0x0], $0xffff;
	(erf) = vrcp.f32 v29;
	v29 =	vsub.f32 v28, v15;
	v27 =	vpop (erf)  }
0x26f: {  	s14 =	simm.s32 $0x4;
	v15 =	vld.idx.msk [tilespmem:v24+s30+$0x0], $0xffff;
	v19 =	vadd.f32 v19, v11;
	v11 =	vimm.f32 $0.0e+00;
	v21 =	vmul.f32 v5, v5;
	v28 =	vpop (erf)  }
.LBB2_21:
0x270: {  	s16 =	sadd.s32 $0x1, s14  }
0x271: {  	p0 =	sne.s32 s14, $0x3E;
	v31 =	vld.idx.msk [tilespmem:v10+s29+$0x0], $0xffff;
	v32 =	vadd.f32 $9.999999740e-06, v16;
	v16 =	vmul.f32 v23, v23;
	v23 =	vmul.f32 v29, v29;
	s17 =	smov.u32 s14;
	s14 =	sadd.s32 $0x2, s14  }
0x272: {  	v26 =	vmul.f32 v27, v26;
	v29 =	vor.u32 s16, v3;
	v33 =	vor.u32 s16, v4;
	v34 =	vld.idx.msk [tilespmem:v10+s28+$0x0], $0xffff  }
0x273: {  	v12 =	vadd.f32 v12, v30;
	v27 =	vld.idx.msk [tilespmem:v24+s22+$0x0], $0xffff;
	v24 =	vmul.f32 v17, v17;
	v23 =	vmul.f32 v13, v23  }
0x274: {  	v35 =	vsub.f32 v5, v14;
	v36 =	vmul.f32 v6, v6;
	v13 =	vmul.f32 v28, v16;
	v30 =	vld.idx.msk [tilespmem:v10+s25+$0x0], $0xffff;
	v14 =	vpop (erf)  }
0x275: {  	v17 =	vmul.f32 v17, v9;
	v22 =	vadd.f32 v24, v22;
	v28 =	vld.idx.msk [tilespmem:v18+s22+$0x0], $0xffff;
	v18 =	vadd.f32 v25, v12  }
0x276: {  	v24 =	vmul.f32 v8, v8;
	v2 =	vadd.f32 v13, v2;
	v25 =	vld.idx.msk [tilespmem:v10+s26+$0x0], $0xffff;
	v10 =	vmul.f32 v9, v9  }
0x277: {  	v38 =	vmul.f32 v15, v15;
	v14 =	vmul.f32 v14, v20;
	v31 =	vadd.f32 $9.999999740e-06, v31;
	v12 =	vmovc v21;
	v37 =	vld.idx.msk [tilespmem:v33+s29+$0x0], $0xffff  }
0x278: {  	v20 =	vadd.f32 $9.999999740e-06, v34;
	v16 =	vld.idx.msk [tilespmem:v33+s28+$0x0], $0xffff;
	v34 =	vadd.f32 v10, v18;
	(erf) = vrcp.f32 v32;
	v13 =	vpop (erf)  }
0x279: {  	v17 =	vadd.f32 v17, v19;
	v19 =	vadd.f32 v38, v22;
	v32 =	vld.idx.msk [tilespmem:v29+s22+$0x0], $0xffff;
	(erf) = vrcp.f32 v31  }
0x27a: {  	v11 =	vadd.f32 v14, v11;
	v10 =	vor.u32 s17, v4;
	v31 =	vor.u32 s17, v3  }
0x27b: {  	v2 =	vadd.f32 v23, v2;
	v18 =	vor.u32 s16, v7;
	v19 =	vadd.f32 v24, v19;
	v38 =	vld.idx.msk [tilespmem:v1+s26+$0x0], $0xffff;
	v1 =	vmovc v33  }
0x27c: {  	v15 =	vmul.f32 v15, v27;
	v24 =	vor.u32 s17, v7;
	v11 =	vadd.f32 v26, v11  }
0x27d: {  	v26 =	vmul.f32 v8, v5;
	v22 =	vadd.f32 v36, v19;
	v14 =	vld.idx.msk [tilespmem:v33+s25+$0x0], $0xffff;
	(erf) = vrcp.f32 v20  }
.Ltmp9:
0x27e: {  	v15 =	vadd.f32 v15, v17;
	v23 =	vsub.f32 v27, v25;
	v25 =	vmul.f32 v28, v28;
	v8 =	vld.idx.msk [tilespmem:v29+s30+$0x0], $0xffff;
	(pc) =	sbr.rel @p0 .LBB2_21-.Ltmp9, $4  }
0x27f: {  	v19 =	vadd.f32 $9.999999740e-06, v37;
	v20 =	vsub.f32 v9, v30;
	v21 =	vmul.f32 v32, v32;
	v5 =	vmovc v32;
	v17 =	vld.idx.msk [tilespmem:v31+s30+$0x0], $0xffff  }
0x280: {  	v30 =	vmul.f32 v27, v27;
	v33 =	vmul.f32 v6, v28;
	v32 =	vadd.f32 v26, v15;
	v6 =	vld.idx.msk [tilespmem:v18+s30+$0x0], $0xffff  }
0x281: {  	v26 =	vmul.f32 v35, v35;
	v29 =	vsub.f32 v28, v38;
	v9 =	vld.idx.msk [tilespmem:v31+s22+$0x0], $0xffff;
	(erf) = vrcp.f32 v19;
	v27 =	vpop (erf)  }
0x282: {  	v20 =	vmul.f32 v20, v20;
	v30 =	vadd.f32 v30, v34;
	v19 =	vadd.f32 v33, v32;
	v15 =	vld.idx.msk [tilespmem:v24+s30+$0x0], $0xffff;
	v28 =	vpop (erf)  }
0x283: {  	_ =	sdelay $0x3  }
0x284: {  	v3 =	vld.idx.msk [tilespmem:v24+s22+$0x0], $0xffff  }
0x285: {  	v4 =	vadd.f32 v12, v30  }
0x286: {  	v7 =	vmul.f32 v17, v17  }
0x287: {  	v4 =	vadd.f32 v25, v4;
	v35 =	vmul.f32 v9, v9  }
0x288: {  	v18 =	vld.idx.msk [tilespmem:v18+s22+$0x0], $0xffff;
	v7 =	vadd.f32 v7, v22  }
0x289: {  	v36 =	vmul.f32 v15, v15;
	v4 =	vadd.f32 v35, v4;
	v37 =	vmul.f32 v3, v3;
	_ =	sdelay $0x1  }
0x28a: {  	v38 =	vmul.f32 v8, v8;
	v7 =	vadd.f32 v36, v7;
	v4 =	vadd.f32 v37, v4  }
0x28b: {  	v39 =	vmul.f32 v6, v6  }
0x28c: {  	v40 =	vmul.f32 v18, v18;
	v7 =	vadd.f32 v38, v7;
	v4 =	vadd.f32 v21, v4;
	_ =	sdelay $0x1  }
0x28d: {  	v7 =	vadd.f32 v39, v7;
	v4 =	vadd.f32 v40, v4;
	_ =	sdelay $0x1  }
0x28e: {  	v4 =	vmul.f32 v7, v4;
	_ =	sdelay $0x1  }
0x28f: {  	v4 =	vmax.f32 v4, $1.000000020e-24  }
0x290: {  	v41 =	vshra.s32 v4, $0x1;
	v4 =	vmul.f32 $5.000000000e-01, v4  }
0x291: {  	v7 =	vsub.s32 $0x5F3759DF, v41  }
0x292: {  	v42 =	vmul.f32 v7, v4;
	_ =	sdelay $0x1  }
0x293: {  	v43 =	vld.idx.msk [tilespmem:v10+s29+$0x0], $0xffff;
	v12 =	vmul.f32 v7, v42  }
0x294: {  	v44 =	vld.idx.msk [tilespmem:v10+s28+$0x0], $0xffff  }
0x295: {  	v12 =	vsub.f32 $1.500000000e+00, v12;
	_ =	sdelay $0x1  }
0x296: {  	v16 =	vadd.f32 $9.999999740e-06, v16;
	v7 =	vmul.f32 v7, v12  }
0x297: {  	v21 =	vadd.f32 $9.999999740e-06, v43  }
0x298: {  	(erf) = vrcp.f32 v16;
	v22 =	vadd.f32 $9.999999740e-06, v44;
	v46 =	vmul.f32 v7, v4  }
0x299: {  	v45 =	vmul.f32 v23, v23;
	v49 =	vld.idx.msk [tilespmem:v10+s25+$0x0], $0xffff;
	(erf) = vrcp.f32 v21  }
0x29a: {  	v52 =	vld.idx.msk [tilespmem:v10+s26+$0x0], $0xffff;
	(erf) = vrcp.f32 v22;
	v16 =	vmul.f32 v46, v7  }
0x29b: {  	v47 =	vmul.f32 v29, v29;
	v48 =	vmul.f32 v27, v26;
	v14 =	vsub.f32 v5, v14;
	v1 =	vld.idx.msk [tilespmem:v1+s26+$0x0], $0xffff  }
0x29c: {  	v55 =	vmul.f32 v8, v5;
	v51 =	vmul.f32 v17, v9;
	v16 =	vsub.f32 $1.500000000e+00, v16  }
0x29d: {  	v13 =	vmul.f32 v13, v47;
	v14 =	vmul.f32 v14, v14;
	v50 =	vpop (erf)  }
0x29e: {  	v53 =	vmul.f32 v50, v20;
	v17 =	vadd.f32 v51, v19;
	v7 =	vmul.f32 v16, v7  }
0x29f: {  	v54 =	vmul.f32 v15, v3;
	v58 =	vsub.f32 v9, v49;
	v3 =	vsub.f32 v3, v52  }
0x2a0: {  	v61 =	vmul.f32 v6, v18;
	v1 =	vsub.f32 v18, v1;
	v56 =	vpop (erf);
	v4 =	vmul.f32 v7, v4  }
0x2a1: {  	v57 =	vadd.f32 v54, v17;
	v9 =	vmul.f32 v58, v58;
	v59 =	vpop (erf);
	v12 =	vmul.f32 v28, v45  }
0x2a2: {  	v11 =	vadd.f32 v53, v11;
	v3 =	vmul.f32 v3, v3;
	v60 =	vpop (erf);
	v4 =	vmul.f32 v4, v7  }
0x2a3: {  	v1 =	vmul.f32 v1, v1;
	v5 =	vadd.f32 v55, v57;
	v62 =	vpop (erf);
	v2 =	vadd.f32 v12, v2  }
0x2a4: {  	v11 =	vadd.f32 v48, v11;
	v9 =	vmul.f32 v62, v9;
	v4 =	vsub.f32 $1.500000000e+00, v4  }
0x2a5: {  	v5 =	vadd.f32 v61, v5;
	v3 =	vmul.f32 v60, v3;
	v2 =	vadd.f32 v13, v2  }
0x2a6: {  	s24 =	sadd.s32 $0x1, s24;
	v63 =	vmul.f32 v59, v14;
	v9 =	vadd.f32 v9, v11;
	v4 =	vmul.f32 v4, v7  }
0x2a7: {  	p0 =	sne.s32 s24, $0x4;
	v1 =	vmul.f32 v56, v1;
	v2 =	vadd.f32 v3, v2  }
.Ltmp10:
0x2a8: {  	v3 =	vadd.f32 v63, v9;
	v4 =	vmul.f32 v4, v5;
	(pc) =	sbr.rel @p0 .LBB2_20-.Ltmp10, $4  }
0x2a9: {  	v1 =	vadd.f32 v1, v2  }
0x2aa: {  	[tilespmem:s2+$0x18400] =	vst v3;
	v2 =	vsub.f32 $1.000000000e+00, v4  }
0x2ab: {  	[tilespmem:s2+$0x18600] =	vst v1  }
0x2ac: {  	[tilespmem:s2+$0x18800] =	vst v2  }
0x2ad: {  	s7 =	simm.s32 $0x0;
	s2 =	rddreg [dreg:$0x12]  }
0x2ae: {  	[tilespmem:s22], [sflag:$0x1] =	stream.linear.gather [hbm4b:s2+s7], $0x2000, $0x38;
	[tilespmem:$0x18A00] =	vst v63  }
0x2af: {  	_ = 	snop  }
0x2b0: {  	[tilespmem:s25], [sflag:$0x1] =	stream.indirect.gather [hbm4b:s0+s23], $0x80, s19, s23, $0xb8;
	[tilespmem:$0x18A00] =	vst v63  }
0x2b1: {  	_ = 	snop  }
0x2b2: {  	[tilespmem:s26], [sflag:$0x1] =	stream.indirect.gather [hbm4b:s1+s23], $0x80, s19, s23, $0xb8;
	[tilespmem:$0x18A00] =	vst v63  }
0x2b3: {  	_ = 	snop  }
0x2b4: {  	[tilespmem:s28], [sflag:$0x1] =	stream.indirect.gather [hbm4b:s3+s23], $0x80, s19, s23, $0xb8;
	[tilespmem:$0x18A00] =	vst v63  }
0x2b5: {  	_ = 	snop  }
0x2b6: {  	[tilespmem:s29], [sflag:$0x1] =	stream.indirect.gather [hbm4b:s4+s23], $0x80, s19, s23, $0xb8;
	[tilespmem:$0x18A00] =	vst v63  }
0x2b7: {  	s24 =	simm.s32 $0x180  }
0x2b8: {  	[tilespmem:s30], [sflag:$0x1] =	stream.indirect.gather [hbm4b:s5+s23], $0x80, s24, s23, $0xb8;
	[tilespmem:$0x18A00] =	vst v63  }
0x2b9: {  	_ =	swait.ge [sflag:s15], $0x2000  }
0x2ba: {  	[sflag:s15] =	ssyncset.done $0x0  }
0x2bb: {  	[sflag:s15] =	ssyncadd.s32 $0xFFFFE000  }
0x2bc: {  	_ =	swait.ge [sflag:s15], $0x2000  }
0x2bd: {  	[sflag:s15] =	ssyncset.done $0x0  }
0x2be: {  	[sflag:s15] =	ssyncadd.s32 $0xFFFFE000  }
0x2bf: {  	_ =	swait.ge [sflag:s15], $0x2000  }
0x2c0: {  	[sflag:s15] =	ssyncset.done $0x0  }
0x2c1: {  	[sflag:s15] =	ssyncadd.s32 $0xFFFFE000  }
0x2c2: {  	_ =	swait.ge [sflag:s15], $0x2000  }
0x2c3: {  	[sflag:s15] =	ssyncset.done $0x0  }
0x2c4: {  	[sflag:s15] =	ssyncadd.s32 $0xFFFFE000  }
0x2c5: {  	_ =	swait.ge [sflag:s15], $0x2000  }
0x2c6: {  	[sflag:s15] =	ssyncset.done $0x0  }
0x2c7: {  	[sflag:s15] =	ssyncadd.s32 $0xFFFFE000  }
0x2c8: {  	_ =	swait.ge [sflag:s15], $0x2000  }
0x2c9: {  	[sflag:s15] =	ssyncset.done $0x0  }
0x2ca: {  	s24 =	simm.s32 $0x0;
	[sflag:s15] =	ssyncadd.s32 $0xFFFFE000  }
.LBB2_24:
0x2cb: {  	s14 =	sshll.u32 s24, $0x4  }
0x2cc: {  	s2 =	sor.u32 $0x140, s14  }
0x2cd: {  	v2 =	vmov s14;
	v1 =	vld [tilespmem:s2+$0x0]  }
0x2ce: {  	v2 =	vshll.u32 v2, $0x7  }
0x2cf: {  	v3 =	vor.u32 v0, v2  }
0x2d0: {  	v2 =	vor.u32 s7, v3  }
0x2d1: {  	v7 =	vor.u32 $0x40, v3  }
0x2d2: {  	v10 =	vor.u32 s7, v7;
	v1 =	vshll.u32 v1, $0x6  }
0x2d3: {  	s16 =	simm.s32 $0x1;
	v1 =	vand.u32 $0x40, v1  }
0x2d4: {  	v4 =	vor.u32 v1, v3;
	v1 =	vor.u32 s16, v3  }
0x2d5: {  	v15 =	vld.idx.msk [tilespmem:v2+s12+$0x0], $0xffff;
	v6 =	vor.u32 s16, v4  }
0x2d6: {  	v20 =	vld.idx.msk [tilespmem:v2+s31+$0x0], $0xffff  }
0x2d7: {  	v17 =	vld.idx.msk [tilespmem:v10+s12+$0x0], $0xffff  }
0x2d8: {  	v13 =	vor.u32 s7, v4;
	v26 =	vld.idx.msk [tilespmem:v10+s31+$0x0], $0xffff  }
0x2d9: {  	v11 =	vld.idx.msk [tilespmem:v1+s31+$0x0], $0xffff  }
0x2da: {  	v8 =	vor.u32 s16, v7;
	v5 =	vld.idx.msk [tilespmem:v6+s11+$0x0], $0xffff  }
0x2db: {  	v9 =	vld.idx.msk [tilespmem:v6+s10+$0x0], $0xffff  }
0x2dc: {  	v14 =	vld.idx.msk [tilespmem:v6+s6+$0x0], $0xffff  }
0x2dd: {  	s17 =	simm.s32 $0x3;
	v22 =	vmul.f32 v15, v15;
	v16 =	vld.idx.msk [tilespmem:v13+s11+$0x0], $0xffff  }
0x2de: {  	v2 =	vimm.f32 $0.0e+00;
	v21 =	vld.idx.msk [tilespmem:v1+s12+$0x0], $0xffff;
	v1 =	vor.u32 s17, v4;
	v10 =	vmul.f32 v15, v20  }
0x2df: {  	v19 =	vld.idx.msk [tilespmem:v8+s12+$0x0], $0xffff;
	s16 =	simm.s32 $0x2;
	v15 =	vadd.f32 v22, v2;
	v22 =	vmul.f32 v17, v17;
	v5 =	vadd.f32 $9.999999740e-06, v5  }
0x2e0: {  	v28 =	vld.idx.msk [tilespmem:v8+s31+$0x0], $0xffff;
	v33 =	vor.u32 s16, v3  }
0x2e1: {  	v18 =	vld.idx.msk [tilespmem:v13+s10+$0x0], $0xffff;
	v15 =	vadd.f32 v22, v15;
	(erf) = vrcp.f32 v5;
	v5 =	vadd.f32 $9.999999740e-06, v9  }
0x2e2: {  	v8 =	vmul.f32 v20, v20;
	v27 =	vld.idx.msk [tilespmem:v13+s6+$0x0], $0xffff;
	v16 =	vadd.f32 $9.999999740e-06, v16;
	v30 =	vsub.f32 v11, v14  }
0x2e3: {  	v13 =	vld.idx.msk [tilespmem:v13+s8+$0x0], $0xffff;
	v14 =	vmul.f32 v21, v21;
	v9 =	vor.u32 s17, v3;
	(erf) = vrcp.f32 v5  }
0x2e4: {  	v24 =	vor.u32 s16, v7;
	v23 =	vmul.f32 v19, v19;
	v29 =	vld.idx.msk [tilespmem:v1+s11+$0x0], $0xffff;
	(erf) = vrcp.f32 v16  }
0x2e5: {  	v63 =	vmul.f32 v26, v26;
	v31 =	vadd.f32 v8, v2;
	v8 =	vadd.f32 v14, v15;
	v15 =	vld.idx.msk [tilespmem:v6+s8+$0x0], $0xffff  }
0x2e6: {  	v19 =	vmul.f32 v19, v28;
	v25 =	vadd.f32 $9.999999740e-06, v18;
	v18 =	vor.u32 s17, v7;
	v14 =	vld.idx.msk [tilespmem:v1+s6+$0x0], $0xffff  }
0x2e7: {  	v32 =	vadd.f32 v10, v2;
	v10 =	vor.u32 s16, v4;
	v6 =	vmul.f32 v17, v26;
	v17 =	vld.idx.msk [tilespmem:v33+s12+$0x0], $0xffff  }
0x2e8: {  	v12 =	vmul.f32 v11, v11;
	v11 =	vmul.f32 v21, v11;
	v20 =	vsub.f32 v20, v27;
	v5 =	vld.idx.msk [tilespmem:v9+s31+$0x0], $0xffff  }
0x2e9: {  	v22 =	vadd.f32 v23, v8;
	(erf) = vrcp.f32 v25;
	v8 =	vld.idx.msk [tilespmem:v9+s12+$0x0], $0xffff;
	v9 =	vadd.f32 v6, v32  }
0x2ea: {  	v20 =	vmul.f32 v20, v20;
	v23 =	vsub.f32 v26, v13;
	v29 =	vadd.f32 $9.999999740e-06, v29;
	v16 =	vld.idx.msk [tilespmem:v1+s10+$0x0], $0xffff  }
0x2eb: {  	v26 =	vmul.f32 v30, v30;
	v30 =	vadd.f32 v63, v31;
	v6 =	vld.idx.msk [tilespmem:v18+s12+$0x0], $0xffff;
	v11 =	vadd.f32 v11, v9;
	v13 =	vpop (erf)  }
0x2ec: {  	v25 =	vmul.f32 v28, v28;
	v9 =	vld.idx.msk [tilespmem:v33+s31+$0x0], $0xffff;
	(erf) = vrcp.f32 v29;
	v29 =	vsub.f32 v28, v15;
	v27 =	vpop (erf)  }
0x2ed: {  	s14 =	simm.s32 $0x4;
	v15 =	vld.idx.msk [tilespmem:v24+s12+$0x0], $0xffff;
	v19 =	vadd.f32 v19, v11;
	v11 =	vimm.f32 $0.0e+00;
	v21 =	vmul.f32 v5, v5;
	v28 =	vpop (erf)  }
.LBB2_25:
0x2ee: {  	s16 =	sadd.s32 $0x1, s14  }
0x2ef: {  	p0 =	sne.s32 s14, $0x3E;
	v31 =	vld.idx.msk [tilespmem:v10+s11+$0x0], $0xffff;
	v32 =	vadd.f32 $9.999999740e-06, v16;
	v16 =	vmul.f32 v23, v23;
	v23 =	vmul.f32 v29, v29;
	s17 =	smov.u32 s14;
	s14 =	sadd.s32 $0x2, s14  }
0x2f0: {  	v26 =	vmul.f32 v27, v26;
	v29 =	vor.u32 s16, v3;
	v33 =	vor.u32 s16, v4;
	v34 =	vld.idx.msk [tilespmem:v10+s10+$0x0], $0xffff  }
0x2f1: {  	v12 =	vadd.f32 v12, v30;
	v27 =	vld.idx.msk [tilespmem:v24+s31+$0x0], $0xffff;
	v24 =	vmul.f32 v17, v17;
	v23 =	vmul.f32 v13, v23  }
0x2f2: {  	v35 =	vsub.f32 v5, v14;
	v36 =	vmul.f32 v6, v6;
	v13 =	vmul.f32 v28, v16;
	v30 =	vld.idx.msk [tilespmem:v10+s6+$0x0], $0xffff;
	v14 =	vpop (erf)  }
0x2f3: {  	v17 =	vmul.f32 v17, v9;
	v22 =	vadd.f32 v24, v22;
	v28 =	vld.idx.msk [tilespmem:v18+s31+$0x0], $0xffff;
	v18 =	vadd.f32 v25, v12  }
0x2f4: {  	v24 =	vmul.f32 v8, v8;
	v2 =	vadd.f32 v13, v2;
	v25 =	vld.idx.msk [tilespmem:v10+s8+$0x0], $0xffff;
	v10 =	vmul.f32 v9, v9  }
0x2f5: {  	v38 =	vmul.f32 v15, v15;
	v14 =	vmul.f32 v14, v20;
	v31 =	vadd.f32 $9.999999740e-06, v31;
	v12 =	vmovc v21;
	v37 =	vld.idx.msk [tilespmem:v33+s11+$0x0], $0xffff  }
0x2f6: {  	v20 =	vadd.f32 $9.999999740e-06, v34;
	v16 =	vld.idx.msk [tilespmem:v33+s10+$0x0], $0xffff;
	v34 =	vadd.f32 v10, v18;
	(erf) = vrcp.f32 v32;
	v13 =	vpop (erf)  }
0x2f7: {  	v17 =	vadd.f32 v17, v19;
	v19 =	vadd.f32 v38, v22;
	v32 =	vld.idx.msk [tilespmem:v29+s31+$0x0], $0xffff;
	(erf) = vrcp.f32 v31  }
0x2f8: {  	v11 =	vadd.f32 v14, v11;
	v10 =	vor.u32 s17, v4;
	v31 =	vor.u32 s17, v3  }
0x2f9: {  	v2 =	vadd.f32 v23, v2;
	v18 =	vor.u32 s16, v7;
	v19 =	vadd.f32 v24, v19;
	v38 =	vld.idx.msk [tilespmem:v1+s8+$0x0], $0xffff;
	v1 =	vmovc v33  }
0x2fa: {  	v15 =	vmul.f32 v15, v27;
	v24 =	vor.u32 s17, v7;
	v11 =	vadd.f32 v26, v11  }
0x2fb: {  	v26 =	vmul.f32 v8, v5;
	v22 =	vadd.f32 v36, v19;
	v14 =	vld.idx.msk [tilespmem:v33+s6+$0x0], $0xffff;
	(erf) = vrcp.f32 v20  }
.Ltmp11:
0x2fc: {  	v15 =	vadd.f32 v15, v17;
	v23 =	vsub.f32 v27, v25;
	v25 =	vmul.f32 v28, v28;
	v8 =	vld.idx.msk [tilespmem:v29+s12+$0x0], $0xffff;
	(pc) =	sbr.rel @p0 .LBB2_25-.Ltmp11, $4  }
0x2fd: {  	v19 =	vadd.f32 $9.999999740e-06, v37;
	v20 =	vsub.f32 v9, v30;
	v21 =	vmul.f32 v32, v32;
	v5 =	vmovc v32;
	v17 =	vld.idx.msk [tilespmem:v31+s12+$0x0], $0xffff  }
0x2fe: {  	v30 =	vmul.f32 v27, v27;
	v33 =	vmul.f32 v6, v28;
	v32 =	vadd.f32 v26, v15;
	v6 =	vld.idx.msk [tilespmem:v18+s12+$0x0], $0xffff  }
0x2ff: {  	v26 =	vmul.f32 v35, v35;
	v29 =	vsub.f32 v28, v38;
	v9 =	vld.idx.msk [tilespmem:v31+s31+$0x0], $0xffff;
	(erf) = vrcp.f32 v19;
	v27 =	vpop (erf)  }
0x300: {  	v20 =	vmul.f32 v20, v20;
	v30 =	vadd.f32 v30, v34;
	v19 =	vadd.f32 v33, v32;
	v15 =	vld.idx.msk [tilespmem:v24+s12+$0x0], $0xffff;
	v28 =	vpop (erf)  }
0x301: {  	_ =	sdelay $0x3  }
0x302: {  	v3 =	vld.idx.msk [tilespmem:v24+s31+$0x0], $0xffff  }
0x303: {  	v4 =	vadd.f32 v12, v30  }
0x304: {  	v7 =	vmul.f32 v17, v17  }
0x305: {  	v4 =	vadd.f32 v25, v4;
	v35 =	vmul.f32 v9, v9  }
0x306: {  	v18 =	vld.idx.msk [tilespmem:v18+s31+$0x0], $0xffff;
	v7 =	vadd.f32 v7, v22  }
0x307: {  	v36 =	vmul.f32 v15, v15;
	v4 =	vadd.f32 v35, v4;
	v37 =	vmul.f32 v3, v3;
	_ =	sdelay $0x1  }
0x308: {  	v38 =	vmul.f32 v8, v8;
	v7 =	vadd.f32 v36, v7;
	v4 =	vadd.f32 v37, v4  }
0x309: {  	v39 =	vmul.f32 v6, v6  }
0x30a: {  	v40 =	vmul.f32 v18, v18;
	v7 =	vadd.f32 v38, v7;
	v4 =	vadd.f32 v21, v4;
	_ =	sdelay $0x1  }
0x30b: {  	v7 =	vadd.f32 v39, v7;
	v4 =	vadd.f32 v40, v4;
	_ =	sdelay $0x1  }
0x30c: {  	v4 =	vmul.f32 v7, v4;
	_ =	sdelay $0x1  }
0x30d: {  	v4 =	vmax.f32 v4, $1.000000020e-24  }
0x30e: {  	v41 =	vshra.s32 v4, $0x1;
	v4 =	vmul.f32 $5.000000000e-01, v4  }
0x30f: {  	v7 =	vsub.s32 $0x5F3759DF, v41  }
0x310: {  	v42 =	vmul.f32 v7, v4;
	_ =	sdelay $0x1  }
0x311: {  	v43 =	vld.idx.msk [tilespmem:v10+s11+$0x0], $0xffff;
	v12 =	vmul.f32 v7, v42  }
0x312: {  	v44 =	vld.idx.msk [tilespmem:v10+s10+$0x0], $0xffff  }
0x313: {  	v12 =	vsub.f32 $1.500000000e+00, v12;
	_ =	sdelay $0x1  }
0x314: {  	v16 =	vadd.f32 $9.999999740e-06, v16;
	v7 =	vmul.f32 v7, v12  }
0x315: {  	v21 =	vadd.f32 $9.999999740e-06, v43  }
0x316: {  	(erf) = vrcp.f32 v16;
	v22 =	vadd.f32 $9.999999740e-06, v44;
	v46 =	vmul.f32 v7, v4  }
0x317: {  	v45 =	vmul.f32 v23, v23;
	v49 =	vld.idx.msk [tilespmem:v10+s6+$0x0], $0xffff;
	(erf) = vrcp.f32 v21  }
0x318: {  	v52 =	vld.idx.msk [tilespmem:v10+s8+$0x0], $0xffff;
	(erf) = vrcp.f32 v22;
	v16 =	vmul.f32 v46, v7  }
0x319: {  	v47 =	vmul.f32 v29, v29;
	v48 =	vmul.f32 v27, v26;
	v14 =	vsub.f32 v5, v14;
	v1 =	vld.idx.msk [tilespmem:v1+s8+$0x0], $0xffff  }
0x31a: {  	v55 =	vmul.f32 v8, v5;
	v51 =	vmul.f32 v17, v9;
	v16 =	vsub.f32 $1.500000000e+00, v16  }
0x31b: {  	v13 =	vmul.f32 v13, v47;
	v14 =	vmul.f32 v14, v14;
	v50 =	vpop (erf)  }
0x31c: {  	v53 =	vmul.f32 v50, v20;
	v17 =	vadd.f32 v51, v19;
	v7 =	vmul.f32 v16, v7  }
0x31d: {  	v54 =	vmul.f32 v15, v3;
	v58 =	vsub.f32 v9, v49;
	v3 =	vsub.f32 v3, v52  }
0x31e: {  	v61 =	vmul.f32 v6, v18;
	v1 =	vsub.f32 v18, v1;
	v56 =	vpop (erf);
	v4 =	vmul.f32 v7, v4  }
0x31f: {  	v57 =	vadd.f32 v54, v17;
	v9 =	vmul.f32 v58, v58;
	v59 =	vpop (erf);
	v12 =	vmul.f32 v28, v45  }
0x320: {  	v11 =	vadd.f32 v53, v11;
	v3 =	vmul.f32 v3, v3;
	v60 =	vpop (erf);
	v4 =	vmul.f32 v4, v7  }
0x321: {  	v1 =	vmul.f32 v1, v1;
	v5 =	vadd.f32 v55, v57;
	v62 =	vpop (erf);
	v2 =	vadd.f32 v12, v2  }
0x322: {  	v11 =	vadd.f32 v48, v11;
	v9 =	vmul.f32 v62, v9;
	v4 =	vsub.f32 $1.500000000e+00, v4  }
0x323: {  	v5 =	vadd.f32 v61, v5;
	v3 =	vmul.f32 v60, v3;
	v2 =	vadd.f32 v13, v2  }
0x324: {  	s24 =	sadd.s32 $0x1, s24;
	v63 =	vmul.f32 v59, v14;
	v9 =	vadd.f32 v9, v11;
	v4 =	vmul.f32 v4, v7  }
0x325: {  	p0 =	sne.s32 s24, $0x4;
	v1 =	vmul.f32 v56, v1;
	v2 =	vadd.f32 v3, v2  }
.Ltmp12:
0x326: {  	v3 =	vadd.f32 v63, v9;
	v4 =	vmul.f32 v4, v5;
	(pc) =	sbr.rel @p0 .LBB2_24-.Ltmp12, $4  }
0x327: {  	v1 =	vadd.f32 v1, v2  }
0x328: {  	[tilespmem:s2+$0x18400] =	vst v3;
	v2 =	vsub.f32 $1.000000000e+00, v4  }
0x329: {  	[tilespmem:s2+$0x18600] =	vst v1  }
0x32a: {  	[tilespmem:s2+$0x18800] =	vst v2  }
0x32b: {  	s7 =	simm.s32 $0x0;
	s2 =	rddreg [dreg:$0x13]  }
0x32c: {  	[tilespmem:s31], [sflag:$0x2] =	stream.linear.gather [hbm4b:s2+s7], $0x2000, $0x38;
	[tilespmem:$0x18A00] =	vst v63  }
0x32d: {  	_ = 	snop  }
0x32e: {  	[tilespmem:s6], [sflag:$0x2] =	stream.indirect.gather [hbm4b:s0+s23], $0x80, s20, s23, $0xb8;
	[tilespmem:$0x18A00] =	vst v63  }
0x32f: {  	_ = 	snop  }
0x330: {  	[tilespmem:s8], [sflag:$0x2] =	stream.indirect.gather [hbm4b:s1+s23], $0x80, s20, s23, $0xb8;
	[tilespmem:$0x18A00] =	vst v63  }
0x331: {  	_ = 	snop  }
0x332: {  	[tilespmem:s10], [sflag:$0x2] =	stream.indirect.gather [hbm4b:s3+s23], $0x80, s20, s23, $0xb8;
	[tilespmem:$0x18A00] =	vst v63  }
0x333: {  	_ = 	snop  }
0x334: {  	[tilespmem:s11], [sflag:$0x2] =	stream.indirect.gather [hbm4b:s4+s23], $0x80, s20, s23, $0xb8;
	[tilespmem:$0x18A00] =	vst v63  }
0x335: {  	s24 =	simm.s32 $0x1C0  }
0x336: {  	[tilespmem:s12], [sflag:$0x2] =	stream.indirect.gather [hbm4b:s5+s23], $0x80, s24, s23, $0xb8;
	[tilespmem:$0x18A00] =	vst v63  }
0x337: {  	_ =	swait.ge [sflag:s13], $0x2000  }
0x338: {  	[sflag:s13] =	ssyncset.done $0x0  }
0x339: {  	[sflag:s13] =	ssyncadd.s32 $0xFFFFE000  }
0x33a: {  	_ =	swait.ge [sflag:s13], $0x2000  }
0x33b: {  	[sflag:s13] =	ssyncset.done $0x0  }
0x33c: {  	[sflag:s13] =	ssyncadd.s32 $0xFFFFE000  }
0x33d: {  	_ =	swait.ge [sflag:s13], $0x2000  }
0x33e: {  	[sflag:s13] =	ssyncset.done $0x0  }
0x33f: {  	[sflag:s13] =	ssyncadd.s32 $0xFFFFE000  }
0x340: {  	_ =	swait.ge [sflag:s13], $0x2000  }
0x341: {  	[sflag:s13] =	ssyncset.done $0x0  }
0x342: {  	[sflag:s13] =	ssyncadd.s32 $0xFFFFE000  }
0x343: {  	_ =	swait.ge [sflag:s13], $0x2000  }
0x344: {  	[sflag:s13] =	ssyncset.done $0x0  }
0x345: {  	[sflag:s13] =	ssyncadd.s32 $0xFFFFE000  }
0x346: {  	_ =	swait.ge [sflag:s13], $0x2000  }
0x347: {  	[sflag:s13] =	ssyncset.done $0x0  }
0x348: {  	s24 =	simm.s32 $0x0;
	[sflag:s13] =	ssyncadd.s32 $0xFFFFE000  }
.LBB2_28:
0x349: {  	s14 =	sshll.u32 s24, $0x4  }
0x34a: {  	s2 =	sor.u32 $0x180, s14  }
0x34b: {  	v2 =	vmov s14;
	v1 =	vld [tilespmem:s2+$0x0]  }
0x34c: {  	v2 =	vshll.u32 v2, $0x7  }
0x34d: {  	v3 =	vor.u32 v0, v2  }
0x34e: {  	v2 =	vor.u32 s7, v3  }
0x34f: {  	v7 =	vor.u32 $0x40, v3  }
0x350: {  	v10 =	vor.u32 s7, v7;
	v1 =	vshll.u32 v1, $0x6  }
0x351: {  	s16 =	simm.s32 $0x1;
	v1 =	vand.u32 $0x40, v1  }
0x352: {  	v4 =	vor.u32 v1, v3;
	v1 =	vor.u32 s16, v3  }
0x353: {  	v15 =	vld.idx.msk [tilespmem:v2+s30+$0x0], $0xffff;
	v6 =	vor.u32 s16, v4  }
0x354: {  	v20 =	vld.idx.msk [tilespmem:v2+s22+$0x0], $0xffff  }
0x355: {  	v17 =	vld.idx.msk [tilespmem:v10+s30+$0x0], $0xffff  }
0x356: {  	v13 =	vor.u32 s7, v4;
	v26 =	vld.idx.msk [tilespmem:v10+s22+$0x0], $0xffff  }
0x357: {  	v11 =	vld.idx.msk [tilespmem:v1+s22+$0x0], $0xffff  }
0x358: {  	v8 =	vor.u32 s16, v7;
	v5 =	vld.idx.msk [tilespmem:v6+s29+$0x0], $0xffff  }
0x359: {  	v9 =	vld.idx.msk [tilespmem:v6+s28+$0x0], $0xffff  }
0x35a: {  	v14 =	vld.idx.msk [tilespmem:v6+s25+$0x0], $0xffff  }
0x35b: {  	s17 =	simm.s32 $0x3;
	v22 =	vmul.f32 v15, v15;
	v16 =	vld.idx.msk [tilespmem:v13+s29+$0x0], $0xffff  }
0x35c: {  	v2 =	vimm.f32 $0.0e+00;
	v21 =	vld.idx.msk [tilespmem:v1+s30+$0x0], $0xffff;
	v1 =	vor.u32 s17, v4;
	v10 =	vmul.f32 v15, v20  }
0x35d: {  	v19 =	vld.idx.msk [tilespmem:v8+s30+$0x0], $0xffff;
	s16 =	simm.s32 $0x2;
	v15 =	vadd.f32 v22, v2;
	v22 =	vmul.f32 v17, v17;
	v5 =	vadd.f32 $9.999999740e-06, v5  }
0x35e: {  	v28 =	vld.idx.msk [tilespmem:v8+s22+$0x0], $0xffff;
	v33 =	vor.u32 s16, v3  }
0x35f: {  	v18 =	vld.idx.msk [tilespmem:v13+s28+$0x0], $0xffff;
	v15 =	vadd.f32 v22, v15;
	(erf) = vrcp.f32 v5;
	v5 =	vadd.f32 $9.999999740e-06, v9  }
0x360: {  	v8 =	vmul.f32 v20, v20;
	v27 =	vld.idx.msk [tilespmem:v13+s25+$0x0], $0xffff;
	v16 =	vadd.f32 $9.999999740e-06, v16;
	v30 =	vsub.f32 v11, v14  }
0x361: {  	v13 =	vld.idx.msk [tilespmem:v13+s26+$0x0], $0xffff;
	v14 =	vmul.f32 v21, v21;
	v9 =	vor.u32 s17, v3;
	(erf) = vrcp.f32 v5  }
0x362: {  	v24 =	vor.u32 s16, v7;
	v23 =	vmul.f32 v19, v19;
	v29 =	vld.idx.msk [tilespmem:v1+s29+$0x0], $0xffff;
	(erf) = vrcp.f32 v16  }
0x363: {  	v63 =	vmul.f32 v26, v26;
	v31 =	vadd.f32 v8, v2;
	v8 =	vadd.f32 v14, v15;
	v15 =	vld.idx.msk [tilespmem:v6+s26+$0x0], $0xffff  }
0x364: {  	v19 =	vmul.f32 v19, v28;
	v25 =	vadd.f32 $9.999999740e-06, v18;
	v18 =	vor.u32 s17, v7;
	v14 =	vld.idx.msk [tilespmem:v1+s25+$0x0], $0xffff  }
0x365: {  	v32 =	vadd.f32 v10, v2;
	v10 =	vor.u32 s16, v4;
	v6 =	vmul.f32 v17, v26;
	v17 =	vld.idx.msk [tilespmem:v33+s30+$0x0], $0xffff  }
0x366: {  	v12 =	vmul.f32 v11, v11;
	v11 =	vmul.f32 v21, v11;
	v20 =	vsub.f32 v20, v27;
	v5 =	vld.idx.msk [tilespmem:v9+s22+$0x0], $0xffff  }
0x367: {  	v22 =	vadd.f32 v23, v8;
	(erf) = vrcp.f32 v25;
	v8 =	vld.idx.msk [tilespmem:v9+s30+$0x0], $0xffff;
	v9 =	vadd.f32 v6, v32  }
0x368: {  	v20 =	vmul.f32 v20, v20;
	v23 =	vsub.f32 v26, v13;
	v29 =	vadd.f32 $9.999999740e-06, v29;
	v16 =	vld.idx.msk [tilespmem:v1+s28+$0x0], $0xffff  }
0x369: {  	v26 =	vmul.f32 v30, v30;
	v30 =	vadd.f32 v63, v31;
	v6 =	vld.idx.msk [tilespmem:v18+s30+$0x0], $0xffff;
	v11 =	vadd.f32 v11, v9;
	v13 =	vpop (erf)  }
0x36a: {  	v25 =	vmul.f32 v28, v28;
	v9 =	vld.idx.msk [tilespmem:v33+s22+$0x0], $0xffff;
	(erf) = vrcp.f32 v29;
	v29 =	vsub.f32 v28, v15;
	v27 =	vpop (erf)  }
0x36b: {  	s14 =	simm.s32 $0x4;
	v15 =	vld.idx.msk [tilespmem:v24+s30+$0x0], $0xffff;
	v19 =	vadd.f32 v19, v11;
	v11 =	vimm.f32 $0.0e+00;
	v21 =	vmul.f32 v5, v5;
	v28 =	vpop (erf)  }
.LBB2_29:
0x36c: {  	s16 =	sadd.s32 $0x1, s14  }
0x36d: {  	p0 =	sne.s32 s14, $0x3E;
	v31 =	vld.idx.msk [tilespmem:v10+s29+$0x0], $0xffff;
	v32 =	vadd.f32 $9.999999740e-06, v16;
	v16 =	vmul.f32 v23, v23;
	v23 =	vmul.f32 v29, v29;
	s17 =	smov.u32 s14;
	s14 =	sadd.s32 $0x2, s14  }
0x36e: {  	v26 =	vmul.f32 v27, v26;
	v29 =	vor.u32 s16, v3;
	v33 =	vor.u32 s16, v4;
	v34 =	vld.idx.msk [tilespmem:v10+s28+$0x0], $0xffff  }
0x36f: {  	v12 =	vadd.f32 v12, v30;
	v27 =	vld.idx.msk [tilespmem:v24+s22+$0x0], $0xffff;
	v24 =	vmul.f32 v17, v17;
	v23 =	vmul.f32 v13, v23  }
0x370: {  	v35 =	vsub.f32 v5, v14;
	v36 =	vmul.f32 v6, v6;
	v13 =	vmul.f32 v28, v16;
	v30 =	vld.idx.msk [tilespmem:v10+s25+$0x0], $0xffff;
	v14 =	vpop (erf)  }
0x371: {  	v17 =	vmul.f32 v17, v9;
	v22 =	vadd.f32 v24, v22;
	v28 =	vld.idx.msk [tilespmem:v18+s22+$0x0], $0xffff;
	v18 =	vadd.f32 v25, v12  }
0x372: {  	v24 =	vmul.f32 v8, v8;
	v2 =	vadd.f32 v13, v2;
	v25 =	vld.idx.msk [tilespmem:v10+s26+$0x0], $0xffff;
	v10 =	vmul.f32 v9, v9  }
0x373: {  	v38 =	vmul.f32 v15, v15;
	v14 =	vmul.f32 v14, v20;
	v31 =	vadd.f32 $9.999999740e-06, v31;
	v12 =	vmovc v21;
	v37 =	vld.idx.msk [tilespmem:v33+s29+$0x0], $0xffff  }
0x374: {  	v20 =	vadd.f32 $9.999999740e-06, v34;
	v16 =	vld.idx.msk [tilespmem:v33+s28+$0x0], $0xffff;
	v34 =	vadd.f32 v10, v18;
	(erf) = vrcp.f32 v32;
	v13 =	vpop (erf)  }
0x375: {  	v17 =	vadd.f32 v17, v19;
	v19 =	vadd.f32 v38, v22;
	v32 =	vld.idx.msk [tilespmem:v29+s22+$0x0], $0xffff;
	(erf) = vrcp.f32 v31  }
0x376: {  	v11 =	vadd.f32 v14, v11;
	v10 =	vor.u32 s17, v4;
	v31 =	vor.u32 s17, v3  }
0x377: {  	v2 =	vadd.f32 v23, v2;
	v18 =	vor.u32 s16, v7;
	v19 =	vadd.f32 v24, v19;
	v38 =	vld.idx.msk [tilespmem:v1+s26+$0x0], $0xffff;
	v1 =	vmovc v33  }
0x378: {  	v15 =	vmul.f32 v15, v27;
	v24 =	vor.u32 s17, v7;
	v11 =	vadd.f32 v26, v11  }
0x379: {  	v26 =	vmul.f32 v8, v5;
	v22 =	vadd.f32 v36, v19;
	v14 =	vld.idx.msk [tilespmem:v33+s25+$0x0], $0xffff;
	(erf) = vrcp.f32 v20  }
.Ltmp13:
0x37a: {  	v15 =	vadd.f32 v15, v17;
	v23 =	vsub.f32 v27, v25;
	v25 =	vmul.f32 v28, v28;
	v8 =	vld.idx.msk [tilespmem:v29+s30+$0x0], $0xffff;
	(pc) =	sbr.rel @p0 .LBB2_29-.Ltmp13, $4  }
0x37b: {  	v19 =	vadd.f32 $9.999999740e-06, v37;
	v20 =	vsub.f32 v9, v30;
	v21 =	vmul.f32 v32, v32;
	v5 =	vmovc v32;
	v17 =	vld.idx.msk [tilespmem:v31+s30+$0x0], $0xffff  }
0x37c: {  	v30 =	vmul.f32 v27, v27;
	v33 =	vmul.f32 v6, v28;
	v32 =	vadd.f32 v26, v15;
	v6 =	vld.idx.msk [tilespmem:v18+s30+$0x0], $0xffff  }
0x37d: {  	v26 =	vmul.f32 v35, v35;
	v29 =	vsub.f32 v28, v38;
	v9 =	vld.idx.msk [tilespmem:v31+s22+$0x0], $0xffff;
	(erf) = vrcp.f32 v19;
	v27 =	vpop (erf)  }
0x37e: {  	v20 =	vmul.f32 v20, v20;
	v30 =	vadd.f32 v30, v34;
	v19 =	vadd.f32 v33, v32;
	v15 =	vld.idx.msk [tilespmem:v24+s30+$0x0], $0xffff;
	v28 =	vpop (erf)  }
0x37f: {  	_ =	sdelay $0x3  }
0x380: {  	v3 =	vld.idx.msk [tilespmem:v24+s22+$0x0], $0xffff  }
0x381: {  	v4 =	vadd.f32 v12, v30  }
0x382: {  	v7 =	vmul.f32 v17, v17  }
0x383: {  	v4 =	vadd.f32 v25, v4;
	v35 =	vmul.f32 v9, v9  }
0x384: {  	v18 =	vld.idx.msk [tilespmem:v18+s22+$0x0], $0xffff;
	v7 =	vadd.f32 v7, v22  }
0x385: {  	v36 =	vmul.f32 v15, v15;
	v4 =	vadd.f32 v35, v4;
	v37 =	vmul.f32 v3, v3;
	_ =	sdelay $0x1  }
0x386: {  	v38 =	vmul.f32 v8, v8;
	v7 =	vadd.f32 v36, v7;
	v4 =	vadd.f32 v37, v4  }
0x387: {  	v39 =	vmul.f32 v6, v6  }
0x388: {  	v40 =	vmul.f32 v18, v18;
	v7 =	vadd.f32 v38, v7;
	v4 =	vadd.f32 v21, v4;
	_ =	sdelay $0x1  }
0x389: {  	v7 =	vadd.f32 v39, v7;
	v4 =	vadd.f32 v40, v4;
	_ =	sdelay $0x1  }
0x38a: {  	v4 =	vmul.f32 v7, v4;
	_ =	sdelay $0x1  }
0x38b: {  	v4 =	vmax.f32 v4, $1.000000020e-24  }
0x38c: {  	v41 =	vshra.s32 v4, $0x1;
	v4 =	vmul.f32 $5.000000000e-01, v4  }
0x38d: {  	v7 =	vsub.s32 $0x5F3759DF, v41  }
0x38e: {  	v42 =	vmul.f32 v7, v4;
	_ =	sdelay $0x1  }
0x38f: {  	v43 =	vld.idx.msk [tilespmem:v10+s29+$0x0], $0xffff;
	v12 =	vmul.f32 v7, v42  }
0x390: {  	v44 =	vld.idx.msk [tilespmem:v10+s28+$0x0], $0xffff  }
0x391: {  	v12 =	vsub.f32 $1.500000000e+00, v12;
	_ =	sdelay $0x1  }
0x392: {  	v16 =	vadd.f32 $9.999999740e-06, v16;
	v7 =	vmul.f32 v7, v12  }
0x393: {  	v21 =	vadd.f32 $9.999999740e-06, v43  }
0x394: {  	(erf) = vrcp.f32 v16;
	v22 =	vadd.f32 $9.999999740e-06, v44;
	v46 =	vmul.f32 v7, v4  }
0x395: {  	v45 =	vmul.f32 v23, v23;
	v49 =	vld.idx.msk [tilespmem:v10+s25+$0x0], $0xffff;
	(erf) = vrcp.f32 v21  }
0x396: {  	v52 =	vld.idx.msk [tilespmem:v10+s26+$0x0], $0xffff;
	(erf) = vrcp.f32 v22;
	v16 =	vmul.f32 v46, v7  }
0x397: {  	v47 =	vmul.f32 v29, v29;
	v48 =	vmul.f32 v27, v26;
	v14 =	vsub.f32 v5, v14;
	v1 =	vld.idx.msk [tilespmem:v1+s26+$0x0], $0xffff  }
0x398: {  	v55 =	vmul.f32 v8, v5;
	v51 =	vmul.f32 v17, v9;
	v16 =	vsub.f32 $1.500000000e+00, v16  }
0x399: {  	v13 =	vmul.f32 v13, v47;
	v14 =	vmul.f32 v14, v14;
	v50 =	vpop (erf)  }
0x39a: {  	v53 =	vmul.f32 v50, v20;
	v17 =	vadd.f32 v51, v19;
	v7 =	vmul.f32 v16, v7  }
0x39b: {  	v54 =	vmul.f32 v15, v3;
	v58 =	vsub.f32 v9, v49;
	v3 =	vsub.f32 v3, v52  }
0x39c: {  	v61 =	vmul.f32 v6, v18;
	v1 =	vsub.f32 v18, v1;
	v56 =	vpop (erf);
	v4 =	vmul.f32 v7, v4  }
0x39d: {  	v57 =	vadd.f32 v54, v17;
	v9 =	vmul.f32 v58, v58;
	v59 =	vpop (erf);
	v12 =	vmul.f32 v28, v45  }
0x39e: {  	v11 =	vadd.f32 v53, v11;
	v3 =	vmul.f32 v3, v3;
	v60 =	vpop (erf);
	v4 =	vmul.f32 v4, v7  }
0x39f: {  	v1 =	vmul.f32 v1, v1;
	v5 =	vadd.f32 v55, v57;
	v62 =	vpop (erf);
	v2 =	vadd.f32 v12, v2  }
0x3a0: {  	v11 =	vadd.f32 v48, v11;
	v9 =	vmul.f32 v62, v9;
	v4 =	vsub.f32 $1.500000000e+00, v4  }
0x3a1: {  	v5 =	vadd.f32 v61, v5;
	v3 =	vmul.f32 v60, v3;
	v2 =	vadd.f32 v13, v2  }
0x3a2: {  	s24 =	sadd.s32 $0x1, s24;
	v63 =	vmul.f32 v59, v14;
	v9 =	vadd.f32 v9, v11;
	v4 =	vmul.f32 v4, v7  }
0x3a3: {  	p0 =	sne.s32 s24, $0x4;
	v1 =	vmul.f32 v56, v1;
	v2 =	vadd.f32 v3, v2  }
.Ltmp14:
0x3a4: {  	v3 =	vadd.f32 v63, v9;
	v4 =	vmul.f32 v4, v5;
	(pc) =	sbr.rel @p0 .LBB2_28-.Ltmp14, $4  }
0x3a5: {  	v1 =	vadd.f32 v1, v2  }
0x3a6: {  	[tilespmem:s2+$0x18400] =	vst v3;
	v2 =	vsub.f32 $1.000000000e+00, v4  }
0x3a7: {  	[tilespmem:s2+$0x18600] =	vst v1  }
0x3a8: {  	[tilespmem:s2+$0x18800] =	vst v2  }
0x3a9: {  	_ =	swait.ge [sflag:s15], $0x2000  }
0x3aa: {  	[sflag:s15] =	ssyncset.done $0x0  }
0x3ab: {  	[sflag:s15] =	ssyncadd.s32 $0xFFFFE000  }
0x3ac: {  	_ =	swait.ge [sflag:s15], $0x2000  }
0x3ad: {  	[sflag:s15] =	ssyncset.done $0x0  }
0x3ae: {  	[sflag:s15] =	ssyncadd.s32 $0xFFFFE000  }
0x3af: {  	_ =	swait.ge [sflag:s15], $0x2000  }
0x3b0: {  	[sflag:s15] =	ssyncset.done $0x0  }
0x3b1: {  	[sflag:s15] =	ssyncadd.s32 $0xFFFFE000  }
0x3b2: {  	_ =	swait.ge [sflag:s15], $0x2000  }
0x3b3: {  	[sflag:s15] =	ssyncset.done $0x0  }
0x3b4: {  	[sflag:s15] =	ssyncadd.s32 $0xFFFFE000  }
0x3b5: {  	_ =	swait.ge [sflag:s15], $0x2000  }
0x3b6: {  	[sflag:s15] =	ssyncset.done $0x0  }
0x3b7: {  	[sflag:s15] =	ssyncadd.s32 $0xFFFFE000  }
0x3b8: {  	_ =	swait.ge [sflag:s15], $0x2000  }
0x3b9: {  	[sflag:s15] =	ssyncset.done $0x0  }
0x3ba: {  	s7 =	simm.s32 $0x0;
	s24 =	simm.s32 $0x0;
	[sflag:s15] =	ssyncadd.s32 $0xFFFFE000  }
.LBB2_32:
0x3bb: {  	s14 =	sshll.u32 s24, $0x4  }
0x3bc: {  	s2 =	sor.u32 $0x1C0, s14  }
0x3bd: {  	v2 =	vmov s14;
	v1 =	vld [tilespmem:s2+$0x0]  }
0x3be: {  	v2 =	vshll.u32 v2, $0x7  }
0x3bf: {  	v3 =	vor.u32 v0, v2  }
0x3c0: {  	v2 =	vor.u32 s7, v3  }
0x3c1: {  	v7 =	vor.u32 $0x40, v3  }
0x3c2: {  	v10 =	vor.u32 s7, v7;
	v1 =	vshll.u32 v1, $0x6  }
0x3c3: {  	s16 =	simm.s32 $0x1;
	v1 =	vand.u32 $0x40, v1  }
0x3c4: {  	v4 =	vor.u32 v1, v3;
	v1 =	vor.u32 s16, v3  }
0x3c5: {  	v15 =	vld.idx.msk [tilespmem:v2+s12+$0x0], $0xffff;
	v6 =	vor.u32 s16, v4  }
0x3c6: {  	v20 =	vld.idx.msk [tilespmem:v2+s31+$0x0], $0xffff  }
0x3c7: {  	v17 =	vld.idx.msk [tilespmem:v10+s12+$0x0], $0xffff  }
0x3c8: {  	v13 =	vor.u32 s7, v4;
	v26 =	vld.idx.msk [tilespmem:v10+s31+$0x0], $0xffff  }
0x3c9: {  	v11 =	vld.idx.msk [tilespmem:v1+s31+$0x0], $0xffff  }
0x3ca: {  	v8 =	vor.u32 s16, v7;
	v5 =	vld.idx.msk [tilespmem:v6+s11+$0x0], $0xffff  }
0x3cb: {  	v9 =	vld.idx.msk [tilespmem:v6+s10+$0x0], $0xffff  }
0x3cc: {  	v14 =	vld.idx.msk [tilespmem:v6+s6+$0x0], $0xffff  }
0x3cd: {  	s17 =	simm.s32 $0x3;
	v22 =	vmul.f32 v15, v15;
	v16 =	vld.idx.msk [tilespmem:v13+s11+$0x0], $0xffff  }
0x3ce: {  	v2 =	vimm.f32 $0.0e+00;
	v21 =	vld.idx.msk [tilespmem:v1+s12+$0x0], $0xffff;
	v1 =	vor.u32 s17, v4;
	v10 =	vmul.f32 v15, v20  }
0x3cf: {  	v19 =	vld.idx.msk [tilespmem:v8+s12+$0x0], $0xffff;
	s16 =	simm.s32 $0x2;
	v15 =	vadd.f32 v22, v2;
	v22 =	vmul.f32 v17, v17;
	v5 =	vadd.f32 $9.999999740e-06, v5  }
0x3d0: {  	v28 =	vld.idx.msk [tilespmem:v8+s31+$0x0], $0xffff;
	v33 =	vor.u32 s16, v3  }
0x3d1: {  	v18 =	vld.idx.msk [tilespmem:v13+s10+$0x0], $0xffff;
	v15 =	vadd.f32 v22, v15;
	(erf) = vrcp.f32 v5;
	v5 =	vadd.f32 $9.999999740e-06, v9  }
0x3d2: {  	v8 =	vmul.f32 v20, v20;
	v27 =	vld.idx.msk [tilespmem:v13+s6+$0x0], $0xffff;
	v16 =	vadd.f32 $9.999999740e-06, v16;
	v30 =	vsub.f32 v11, v14  }
0x3d3: {  	v13 =	vld.idx.msk [tilespmem:v13+s8+$0x0], $0xffff;
	v14 =	vmul.f32 v21, v21;
	v9 =	vor.u32 s17, v3;
	(erf) = vrcp.f32 v5  }
0x3d4: {  	v24 =	vor.u32 s16, v7;
	v23 =	vmul.f32 v19, v19;
	v29 =	vld.idx.msk [tilespmem:v1+s11+$0x0], $0xffff;
	(erf) = vrcp.f32 v16  }
0x3d5: {  	v63 =	vmul.f32 v26, v26;
	v31 =	vadd.f32 v8, v2;
	v8 =	vadd.f32 v14, v15;
	v15 =	vld.idx.msk [tilespmem:v6+s8+$0x0], $0xffff  }
0x3d6: {  	v19 =	vmul.f32 v19, v28;
	v25 =	vadd.f32 $9.999999740e-06, v18;
	v18 =	vor.u32 s17, v7;
	v14 =	vld.idx.msk [tilespmem:v1+s6+$0x0], $0xffff  }
0x3d7: {  	v32 =	vadd.f32 v10, v2;
	v10 =	vor.u32 s16, v4;
	v6 =	vmul.f32 v17, v26;
	v17 =	vld.idx.msk [tilespmem:v33+s12+$0x0], $0xffff  }
0x3d8: {  	v12 =	vmul.f32 v11, v11;
	v11 =	vmul.f32 v21, v11;
	v20 =	vsub.f32 v20, v27;
	v5 =	vld.idx.msk [tilespmem:v9+s31+$0x0], $0xffff  }
0x3d9: {  	v22 =	vadd.f32 v23, v8;
	(erf) = vrcp.f32 v25;
	v8 =	vld.idx.msk [tilespmem:v9+s12+$0x0], $0xffff;
	v9 =	vadd.f32 v6, v32  }
0x3da: {  	v20 =	vmul.f32 v20, v20;
	v23 =	vsub.f32 v26, v13;
	v29 =	vadd.f32 $9.999999740e-06, v29;
	v16 =	vld.idx.msk [tilespmem:v1+s10+$0x0], $0xffff  }
0x3db: {  	v26 =	vmul.f32 v30, v30;
	v30 =	vadd.f32 v63, v31;
	v6 =	vld.idx.msk [tilespmem:v18+s12+$0x0], $0xffff;
	v11 =	vadd.f32 v11, v9;
	v13 =	vpop (erf)  }
0x3dc: {  	v25 =	vmul.f32 v28, v28;
	v9 =	vld.idx.msk [tilespmem:v33+s31+$0x0], $0xffff;
	(erf) = vrcp.f32 v29;
	v29 =	vsub.f32 v28, v15;
	v27 =	vpop (erf)  }
0x3dd: {  	s14 =	simm.s32 $0x4;
	v15 =	vld.idx.msk [tilespmem:v24+s12+$0x0], $0xffff;
	v19 =	vadd.f32 v19, v11;
	v11 =	vimm.f32 $0.0e+00;
	v21 =	vmul.f32 v5, v5;
	v28 =	vpop (erf)  }
.LBB2_33:
0x3de: {  	s16 =	sadd.s32 $0x1, s14  }
0x3df: {  	p0 =	sne.s32 s14, $0x3E;
	v31 =	vld.idx.msk [tilespmem:v10+s11+$0x0], $0xffff;
	v32 =	vadd.f32 $9.999999740e-06, v16;
	v16 =	vmul.f32 v23, v23;
	v23 =	vmul.f32 v29, v29;
	s17 =	smov.u32 s14;
	s14 =	sadd.s32 $0x2, s14  }
0x3e0: {  	v26 =	vmul.f32 v27, v26;
	v29 =	vor.u32 s16, v3;
	v33 =	vor.u32 s16, v4;
	v34 =	vld.idx.msk [tilespmem:v10+s10+$0x0], $0xffff  }
0x3e1: {  	v12 =	vadd.f32 v12, v30;
	v27 =	vld.idx.msk [tilespmem:v24+s31+$0x0], $0xffff;
	v24 =	vmul.f32 v17, v17;
	v23 =	vmul.f32 v13, v23  }
0x3e2: {  	v35 =	vsub.f32 v5, v14;
	v36 =	vmul.f32 v6, v6;
	v13 =	vmul.f32 v28, v16;
	v30 =	vld.idx.msk [tilespmem:v10+s6+$0x0], $0xffff;
	v14 =	vpop (erf)  }
0x3e3: {  	v17 =	vmul.f32 v17, v9;
	v22 =	vadd.f32 v24, v22;
	v28 =	vld.idx.msk [tilespmem:v18+s31+$0x0], $0xffff;
	v18 =	vadd.f32 v25, v12  }
0x3e4: {  	v24 =	vmul.f32 v8, v8;
	v2 =	vadd.f32 v13, v2;
	v25 =	vld.idx.msk [tilespmem:v10+s8+$0x0], $0xffff;
	v10 =	vmul.f32 v9, v9  }
0x3e5: {  	v38 =	vmul.f32 v15, v15;
	v14 =	vmul.f32 v14, v20;
	v31 =	vadd.f32 $9.999999740e-06, v31;
	v12 =	vmovc v21;
	v37 =	vld.idx.msk [tilespmem:v33+s11+$0x0], $0xffff  }
0x3e6: {  	v20 =	vadd.f32 $9.999999740e-06, v34;
	v16 =	vld.idx.msk [tilespmem:v33+s10+$0x0], $0xffff;
	v34 =	vadd.f32 v10, v18;
	(erf) = vrcp.f32 v32;
	v13 =	vpop (erf)  }
0x3e7: {  	v17 =	vadd.f32 v17, v19;
	v19 =	vadd.f32 v38, v22;
	v32 =	vld.idx.msk [tilespmem:v29+s31+$0x0], $0xffff;
	(erf) = vrcp.f32 v31  }
0x3e8: {  	v11 =	vadd.f32 v14, v11;
	v10 =	vor.u32 s17, v4;
	v31 =	vor.u32 s17, v3  }
0x3e9: {  	v2 =	vadd.f32 v23, v2;
	v18 =	vor.u32 s16, v7;
	v19 =	vadd.f32 v24, v19;
	v38 =	vld.idx.msk [tilespmem:v1+s8+$0x0], $0xffff;
	v1 =	vmovc v33  }
0x3ea: {  	v15 =	vmul.f32 v15, v27;
	v24 =	vor.u32 s17, v7;
	v11 =	vadd.f32 v26, v11  }
0x3eb: {  	v26 =	vmul.f32 v8, v5;
	v22 =	vadd.f32 v36, v19;
	v14 =	vld.idx.msk [tilespmem:v33+s6+$0x0], $0xffff;
	(erf) = vrcp.f32 v20  }
.Ltmp15:
0x3ec: {  	v15 =	vadd.f32 v15, v17;
	v23 =	vsub.f32 v27, v25;
	v25 =	vmul.f32 v28, v28;
	v8 =	vld.idx.msk [tilespmem:v29+s12+$0x0], $0xffff;
	(pc) =	sbr.rel @p0 .LBB2_33-.Ltmp15, $4  }
0x3ed: {  	v19 =	vadd.f32 $9.999999740e-06, v37;
	v20 =	vsub.f32 v9, v30;
	v21 =	vmul.f32 v32, v32;
	v5 =	vmovc v32;
	v17 =	vld.idx.msk [tilespmem:v31+s12+$0x0], $0xffff  }
0x3ee: {  	v30 =	vmul.f32 v27, v27;
	v33 =	vmul.f32 v6, v28;
	v32 =	vadd.f32 v26, v15;
	v6 =	vld.idx.msk [tilespmem:v18+s12+$0x0], $0xffff  }
0x3ef: {  	v26 =	vmul.f32 v35, v35;
	v29 =	vsub.f32 v28, v38;
	v9 =	vld.idx.msk [tilespmem:v31+s31+$0x0], $0xffff;
	(erf) = vrcp.f32 v19;
	v27 =	vpop (erf)  }
0x3f0: {  	v20 =	vmul.f32 v20, v20;
	v30 =	vadd.f32 v30, v34;
	v19 =	vadd.f32 v33, v32;
	v15 =	vld.idx.msk [tilespmem:v24+s12+$0x0], $0xffff;
	v28 =	vpop (erf)  }
0x3f1: {  	_ =	sdelay $0x3  }
0x3f2: {  	v3 =	vld.idx.msk [tilespmem:v24+s31+$0x0], $0xffff  }
0x3f3: {  	v4 =	vadd.f32 v12, v30  }
0x3f4: {  	v7 =	vmul.f32 v17, v17  }
0x3f5: {  	v4 =	vadd.f32 v25, v4;
	v35 =	vmul.f32 v9, v9  }
0x3f6: {  	v18 =	vld.idx.msk [tilespmem:v18+s31+$0x0], $0xffff;
	v7 =	vadd.f32 v7, v22  }
0x3f7: {  	v36 =	vmul.f32 v15, v15;
	v4 =	vadd.f32 v35, v4;
	v37 =	vmul.f32 v3, v3;
	_ =	sdelay $0x1  }
0x3f8: {  	v38 =	vmul.f32 v8, v8;
	v7 =	vadd.f32 v36, v7;
	v4 =	vadd.f32 v37, v4  }
0x3f9: {  	v39 =	vmul.f32 v6, v6  }
0x3fa: {  	v40 =	vmul.f32 v18, v18;
	v7 =	vadd.f32 v38, v7;
	v4 =	vadd.f32 v21, v4;
	_ =	sdelay $0x1  }
0x3fb: {  	v7 =	vadd.f32 v39, v7;
	v4 =	vadd.f32 v40, v4;
	_ =	sdelay $0x1  }
0x3fc: {  	v4 =	vmul.f32 v7, v4;
	_ =	sdelay $0x1  }
0x3fd: {  	v4 =	vmax.f32 v4, $1.000000020e-24  }
0x3fe: {  	v41 =	vshra.s32 v4, $0x1;
	v4 =	vmul.f32 $5.000000000e-01, v4  }
0x3ff: {  	v7 =	vsub.s32 $0x5F3759DF, v41  }
0x400: {  	v42 =	vmul.f32 v7, v4;
	_ =	sdelay $0x1  }
0x401: {  	v43 =	vld.idx.msk [tilespmem:v10+s11+$0x0], $0xffff;
	v12 =	vmul.f32 v7, v42  }
0x402: {  	v44 =	vld.idx.msk [tilespmem:v10+s10+$0x0], $0xffff  }
0x403: {  	v12 =	vsub.f32 $1.500000000e+00, v12;
	_ =	sdelay $0x1  }
0x404: {  	v16 =	vadd.f32 $9.999999740e-06, v16;
	v7 =	vmul.f32 v7, v12  }
0x405: {  	v21 =	vadd.f32 $9.999999740e-06, v43  }
0x406: {  	(erf) = vrcp.f32 v16;
	v22 =	vadd.f32 $9.999999740e-06, v44;
	v46 =	vmul.f32 v7, v4  }
0x407: {  	v45 =	vmul.f32 v23, v23;
	v49 =	vld.idx.msk [tilespmem:v10+s6+$0x0], $0xffff;
	(erf) = vrcp.f32 v21  }
0x408: {  	v52 =	vld.idx.msk [tilespmem:v10+s8+$0x0], $0xffff;
	(erf) = vrcp.f32 v22;
	v16 =	vmul.f32 v46, v7  }
0x409: {  	v47 =	vmul.f32 v29, v29;
	v48 =	vmul.f32 v27, v26;
	v14 =	vsub.f32 v5, v14;
	v1 =	vld.idx.msk [tilespmem:v1+s8+$0x0], $0xffff  }
0x40a: {  	v55 =	vmul.f32 v8, v5;
	v51 =	vmul.f32 v17, v9;
	v16 =	vsub.f32 $1.500000000e+00, v16  }
0x40b: {  	v13 =	vmul.f32 v13, v47;
	v14 =	vmul.f32 v14, v14;
	v50 =	vpop (erf)  }
0x40c: {  	v53 =	vmul.f32 v50, v20;
	v17 =	vadd.f32 v51, v19;
	v7 =	vmul.f32 v16, v7  }
0x40d: {  	v54 =	vmul.f32 v15, v3;
	v58 =	vsub.f32 v9, v49;
	v3 =	vsub.f32 v3, v52  }
0x40e: {  	v61 =	vmul.f32 v6, v18;
	v1 =	vsub.f32 v18, v1;
	v56 =	vpop (erf);
	v4 =	vmul.f32 v7, v4  }
0x40f: {  	v57 =	vadd.f32 v54, v17;
	v9 =	vmul.f32 v58, v58;
	v59 =	vpop (erf);
	v12 =	vmul.f32 v28, v45  }
0x410: {  	v11 =	vadd.f32 v53, v11;
	v3 =	vmul.f32 v3, v3;
	v60 =	vpop (erf);
	v4 =	vmul.f32 v4, v7  }
0x411: {  	v1 =	vmul.f32 v1, v1;
	v5 =	vadd.f32 v55, v57;
	v62 =	vpop (erf);
	v2 =	vadd.f32 v12, v2  }
0x412: {  	v11 =	vadd.f32 v48, v11;
	v9 =	vmul.f32 v62, v9;
	v4 =	vsub.f32 $1.500000000e+00, v4  }
0x413: {  	v5 =	vadd.f32 v61, v5;
	v3 =	vmul.f32 v60, v3;
	v2 =	vadd.f32 v13, v2  }
0x414: {  	s24 =	sadd.s32 $0x1, s24;
	v63 =	vmul.f32 v59, v14;
	v9 =	vadd.f32 v9, v11;
	v4 =	vmul.f32 v4, v7  }
0x415: {  	p0 =	sne.s32 s24, $0x4;
	v1 =	vmul.f32 v56, v1;
	v2 =	vadd.f32 v3, v2  }
.Ltmp16:
0x416: {  	v3 =	vadd.f32 v63, v9;
	v4 =	vmul.f32 v4, v5;
	(pc) =	sbr.rel @p0 .LBB2_32-.Ltmp16, $4  }
0x417: {  	v1 =	vadd.f32 v1, v2  }
0x418: {  	[tilespmem:s2+$0x18400] =	vst v3;
	v2 =	vsub.f32 $1.000000000e+00, v4  }
0x419: {  	[tilespmem:s2+$0x18600] =	vst v1  }
0x41a: {  	[tilespmem:s2+$0x18800] =	vst v2  }
0x41b: {  	s14 =	simm.s32 $0x0;
	s2 =	rddreg [dreg:$0x14];
	s7 =	simm.s32 $0x18400  }
0x41c: {  	[hbm4b:s2+s14] =	stream.linear.scatter [tilespmem:s7], [sflag:$0x3], $0x200, $0x38;
	[tilespmem:$0x18A00] =	vst v63  }
0x41d: {  	_ =	swait.ge [sflag:s21], $0x200  }
0x41e: {  	[sflag:s21] =	ssyncset.done $0x0  }
0x41f: {  	s24 =	simm.s32 $0x18600;
	s17 =	rddreg [dreg:$0x15];
	[sflag:s21] =	ssyncadd.s32 $0xFFFFFE00  }
0x420: {  	[hbm4b:s17+s14] =	stream.linear.scatter [tilespmem:s24], [sflag:$0x3], $0x200, $0x38;
	[tilespmem:$0x18A00] =	vst v63  }
0x421: {  	_ =	swait.ge [sflag:s21], $0x200  }
0x422: {  	[sflag:s21] =	ssyncset.done $0x0  }
0x423: {  	s17 =	simm.s32 $0x18800;
	s16 =	rddreg [dreg:$0x16];
	[sflag:s21] =	ssyncadd.s32 $0xFFFFFE00  }
0x424: {  	[hbm4b:s16+s14] =	stream.linear.scatter [tilespmem:s17], [sflag:$0x3], $0x200, $0x38;
	[tilespmem:$0x18A00] =	vst v63  }
0x425: {  	_ =	swait.ge [sflag:s21], $0x200  }
0x426: {  	s9 =	sadd.s32 $0x1, s9;
	s24 =	rddreg [dreg:$0x17]  }
0x427: {  	p0 =	sne.s32 s9, s24  }
.Ltmp17:
0x428: {  	_ = 	snop;
	(pc) =	sbr.rel @p0 .LBB2_1-.Ltmp17, $3  }
0x429: {  	_ =	sdelay $0x1  }
0x42a: {  	[sflag:s21] =	ssyncset.done $0x0  }
0x42b: {  	[sflag:s21] =	ssyncadd.s32 $0xFFFFFE00  }
0x42c: {  	_ =	sfence.sel $0x180000  }
0x42d: {  	[bflag:$0x0] =	sbarrier.arrive $0xFFFF  }
0x42e: {  	_ =	strace $0x90000047  }
0x42f: {  	s0 =	stileid.u32;
	[bflag:$0x2] =	sbarrier.arrive $0xFFFF  }
0x430: {  	p0 =	sne.s32 s0, $0x0;
	s0 =	rddreg [dreg:$0xa]  }
0x431: {  	s0 =	sadd.s32 @!p0 $0x100000, s0  }
0x432: {  	[sflag:s0] =	ssyncadd.tile.s32 @!p0 $0x1;
	_ =	shalt  }
.Lfunc_end2:
_tile_overlayer_lowered:
.L_overlay_start_2:
0x433: {  	(tag) =	ssettag $0x2  }
0x434: {  	s0 =	rddreg [dreg:$0x0];
	s2 =	stileid.u32  }
0x435: {  	s1 =	rddreg [dreg:$0x1];
	p0 =	sne.s32 s2, $0x0  }
0x436: {  	s3 =	rddreg [dreg:$0x2];
	[bflag:$0x3] =	sbarrier.arrive $0xFFFF;
	s2 =	simm.s32 @!p0 $0x1C03  }
0x437: {  	[timem:s3], [sflag:s2] =	dma.local @!p0 [hbm:s0], s1  }
0x438: {  	s0 =	simm.s32 @!p0 $0x3  }
0x439: {  	_ =	swait.ge @!p0 [sflag:s0], s1  }
0x43a: {  	s1 =	ssub.s32 @!p0 $0x0, s1;
	[sflag:s0] =	ssyncset.done @!p0 $0x0  }
0x43b: {  	[sflag:s0] =	ssyncadd.s32 @!p0 s1  }
0x43c: {  	[bflag:$0x3] =	sbarrier.arrive $0xFFFF  }
0x43d: {  	_ =	shalt  }

</sc_bundles>
